<compile_context>
chip_gen: v7x
topology: tpu7x:2x2x1
jax: 0.10.2.dev20260603
libtpu: 0.0.44.dev20260713+nightly
codegen_flags: <defaults>
</compile_context>

<pallas_src>
import functools

import jax
import jax.numpy as jnp
from jax import lax
from jax.experimental import pallas as pl
from jax.experimental.pallas import tpu as pltpu
from jax.experimental.pallas import tpu_sc as plsc

SEQ = 2048
EMB = 1024
BATCH = 4


def _sc_add(x, p):
    info = plsc.get_sparse_core_info()
    NC, NS, L = info.num_cores, info.num_subcores, info.num_lanes
    NW = NC * NS
    rows_per_w = SEQ // NW
    R = 16
    n_chunks = rows_per_w // R
    n_steps = n_chunks * BATCH
    NBUF = 3

    mesh = plsc.VectorSubcoreMesh(core_axis_name="c", subcore_axis_name="s")

    @functools.partial(
        pl.kernel,
        mesh=mesh,
        out_type=jax.ShapeDtypeStruct((BATCH, SEQ, EMB), jnp.float32),
        scratch_types=[
            pltpu.VMEM((NBUF, R, EMB), jnp.float32),
            pltpu.VMEM((2, R, EMB), jnp.float32),
            pltpu.VMEM((NBUF, R, EMB), jnp.float32),
            pltpu.SemaphoreType.DMA((NBUF,)),
            pltpu.SemaphoreType.DMA((NBUF,)),
            pltpu.SemaphoreType.DMA((2,)),
        ],
    )
    def k(x_hbm, p_hbm, o_hbm, x_v, pos_v, o_v, in_sem, out_sem, p_sem):
        wid = lax.axis_index("s") * NC + lax.axis_index("c")
        row0 = wid * rows_per_w

        def start_x_in(step):
            buf = step % NBUF
            c, b = divmod(step, BATCH)
            return pltpu.async_copy(
                x_hbm.at[b, pl.ds(row0 + c * R, R)], x_v.at[buf],
                in_sem.at[buf])

        def start_out(step):
            buf = step % NBUF
            c, b = divmod(step, BATCH)
            return pltpu.async_copy(
                o_v.at[buf], o_hbm.at[b, pl.ds(row0 + c * R, R)],
                out_sem.at[buf])

        def start_pos_in(c):
            buf = c % 2
            return pltpu.async_copy(
                p_hbm.at[pl.ds(row0 + c * R, R)], pos_v.at[buf],
                p_sem.at[buf])

        pos_h = {0: start_pos_in(0)}
        if n_chunks > 1:
            pos_h[1] = start_pos_in(1)
        x_h = {}
        for s in range(min(NBUF - 1, n_steps)):
            x_h[s] = start_x_in(s)
        out_h = {}
        for s in range(n_steps):
            buf = s % NBUF
            c, b = divmod(s, BATCH)
            if s + NBUF - 1 < n_steps:
                x_h[s + NBUF - 1] = start_x_in(s + NBUF - 1)
            if b == 0 and c >= 1 and c + 1 < n_chunks:
                pos_h[c + 1] = start_pos_in(c + 1)
            x_h.pop(s).wait()
            if b == 0 and c in pos_h:
                pos_h.pop(c).wait()
            if (s - NBUF) in out_h:
                out_h.pop(s - NBUF).wait()

            @plsc.parallel_loop(0, R)
            def row_body(r, _buf=buf, _pb=c % 2):
                @plsc.parallel_loop(0, EMB // L, unroll=8)
                def col_body(i, _r=r):
                    off = i * L
                    o_v[_buf, _r, pl.ds(off, L)] = (
                        x_v[_buf, _r, pl.ds(off, L)]
                        + pos_v[_pb, _r, pl.ds(off, L)])
            out_h[s] = start_out(s)
        for h in out_h.values():
            h.wait()

    return k(x, p)


def kernel(x, pos_table):
    return _sc_add(x, pos_table)

# --- scband reference (transcript-rebuilt; emitter-appended) ---
"""Pipeline reference for scband-positional-embedding-8684423872562 (READ-ONLY COPY).

The authoritative reference and input builder live on the scoring server;
editing this copy changes nothing except your own understanding.
"""

import jax, jax.numpy as jnp
import numpy as np

SEQ_LEN = 2048
EMBED_DIM = 1024
BATCH = 4

def setup_inputs(seed: int = 0) -> dict:
    key = jax.random.key(seed)
    k1, k2 = jax.random.split(key)
    x = jax.random.normal(k1, (BATCH, SEQ_LEN, EMBED_DIM), dtype=jnp.float32)
    # learned position embedding table, keras Embedding default init ~ uniform(-0.05, 0.05)
    pos_table = jax.random.uniform(k2, (SEQ_LEN, EMBED_DIM), dtype=jnp.float32, minval=-0.05, maxval=0.05)
    return {"x": x, "pos_table": pos_table}

def reference(x, pos_table):
    positions = jnp.arange(0, SEQ_LEN, 1)
    pos_emb = jnp.take(pos_table, positions, axis=0)  # embedding lookup -> [SEQ_LEN, EMBED_DIM]
    return x + pos_emb  # broadcast over batch

if __name__ == "__main__":
    import jax
    _d = setup_inputs()
    print(jax.jit(kernel)(*tuple(_d.values())))

</pallas_src>

<mosaic_0001>
#map = affine_map<(d0, d1) -> (0, 0, 0)>
#map1 = affine_map<(d0, d1) -> (0, 0)>
module attributes {stable_mosaic.version = 14 : i64} {
  func.func @k(%arg0: i32, %arg1: i32, %arg2: memref<4x2048x1024xf32, #tpu.memory_space<hbm>>, %arg3: memref<2048x1024xf32, #tpu.memory_space<hbm>>, %arg4: memref<4x2048x1024xf32, #tpu.memory_space<hbm>>, %arg5: memref<3x16x1024xf32, #tpu.memory_space<vmem>>, %arg6: memref<2x16x1024xf32, #tpu.memory_space<vmem>>, %arg7: memref<3x16x1024xf32, #tpu.memory_space<vmem>>, %arg8: memref<3x!tpu.dma_semaphore, #tpu.memory_space<semaphore_mem>>, %arg9: memref<3x!tpu.dma_semaphore, #tpu.memory_space<semaphore_mem>>, %arg10: memref<2x!tpu.dma_semaphore, #tpu.memory_space<semaphore_mem>>) attributes {dimension_semantics = [#tpu.dimension_semantics<core_parallel>, #tpu.dimension_semantics<subcore_parallel>], iteration_bounds = array<i64: 2, 16>, scalar_prefetch = 0 : i64, scratch_operands = 6 : i64, tpu.core_type = #tpu.core_type<sc_vector_subcore>, window_params = [{transform_indices = #map}, {transform_indices = #map1}, {transform_indices = #map}]} {
    %mul3A = arith.constant 2 : i32
    %mul3A_0 = arith.muli %arg1, %mul3A : i32
    %add3A = arith.addi %mul3A_0, %arg0 : i32
    %mul3A_1 = arith.constant 64 : i32
    %mul3A_2 = arith.muli %add3A, %mul3A_1 : i32
    %add3A_3 = arith.constant 0 : i32
    %add3A_4 = arith.addi %mul3A_2, %add3A_3 : i32
    %dma_start3A = arith.constant 0 : i32
    %dma_start3A_5 = arith.constant 0 : i32
    %dma_start3A_6 = arith.constant 0 : i32
    %dma_start3A_7 = arith.constant 0 : i32
    %dma_start3A_8 = tpu.memref_slice %arg6[%dma_start3A, %dma_start3A_6, %dma_start3A_7] : memref<2x16x1024xf32, #tpu.memory_space<vmem>> -> memref<1x16x1024xf32, #tpu.memory_space<vmem>>
    %dma_start3A_9 = tpu.memref_squeeze %dma_start3A_8 : memref<1x16x1024xf32, #tpu.memory_space<vmem>> -> memref<16x1024xf32, #tpu.memory_space<vmem>>
    %dma_start3A_10 = arith.constant 0 : i32
    %dma_start3A_11 = tpu.memref_slice %arg3[%add3A_4, %dma_start3A_10] : memref<2048x1024xf32, #tpu.memory_space<hbm>> -> memref<16x1024xf32, #tpu.memory_space<hbm>>
    %dma_start3A_12 = tpu.memref_slice %arg10[%dma_start3A_5] : memref<2x!tpu.dma_semaphore, #tpu.memory_space<semaphore_mem>> -> memref<1x!tpu.dma_semaphore, #tpu.memory_space<semaphore_mem>>
    %dma_start3A_13 = tpu.memref_squeeze %dma_start3A_12 : memref<1x!tpu.dma_semaphore, #tpu.memory_space<semaphore_mem>> -> memref<!tpu.dma_semaphore, #tpu.memory_space<semaphore_mem>>
    %dma_start3A_14 = arith.constant 0 : i32
    %dma_start3A_15 = arith.constant 0 : i32
    %dma_start3A_16 = tpu.memref_slice %arg6[%dma_start3A, %dma_start3A_14, %dma_start3A_15] : memref<2x16x1024xf32, #tpu.memory_space<vmem>> -> memref<1x16x1024xf32, #tpu.memory_space<vmem>>
    %dma_start3A_17 = tpu.memref_squeeze %dma_start3A_16 : memref<1x16x1024xf32, #tpu.memory_space<vmem>> -> memref<16x1024xf32, #tpu.memory_space<vmem>>
    %dma_start3A_18 = arith.constant 0 : i32
    %dma_start3A_19 = tpu.memref_slice %arg3[%add3A_4, %dma_start3A_18] : memref<2048x1024xf32, #tpu.memory_space<hbm>> -> memref<16x1024xf32, #tpu.memory_space<hbm>>
    tpu.enqueue_dma source(%dma_start3A_19 : memref<16x1024xf32, #tpu.memory_space<hbm>>) target(%dma_start3A_17 : memref<16x1024xf32, #tpu.memory_space<vmem>>) target_semaphore(%dma_start3A_13 : memref<!tpu.dma_semaphore, #tpu.memory_space<semaphore_mem>>)
    %add3A_20 = arith.constant 16 : i32
    %add3A_21 = arith.addi %mul3A_2, %add3A_20 : i32
    %dma_start3A_22 = arith.constant 1 : i32
    %dma_start3A_23 = arith.constant 1 : i32
    %dma_start3A_24 = arith.constant 0 : i32
    %dma_start3A_25 = arith.constant 0 : i32
    %dma_start3A_26 = tpu.memref_slice %arg6[%dma_start3A_22, %dma_start3A_24, %dma_start3A_25] : memref<2x16x1024xf32, #tpu.memory_space<vmem>> -> memref<1x16x1024xf32, #tpu.memory_space<vmem>>
    %dma_start3A_27 = tpu.memref_squeeze %dma_start3A_26 : memref<1x16x1024xf32, #tpu.memory_space<vmem>> -> memref<16x1024xf32, #tpu.memory_space<vmem>>
    %dma_start3A_28 = arith.constant 0 : i32
    %dma_start3A_29 = tpu.memref_slice %arg3[%add3A_21, %dma_start3A_28] : memref<2048x1024xf32, #tpu.memory_space<hbm>> -> memref<16x1024xf32, #tpu.memory_space<hbm>>
    %dma_start3A_30 = tpu.memref_slice %arg10[%dma_start3A_23] : memref<2x!tpu.dma_semaphore, #tpu.memory_space<semaphore_mem>> -> memref<1x!tpu.dma_semaphore, #tpu.memory_space<semaphore_mem>>
    %dma_start3A_31 = tpu.memref_squeeze %dma_start3A_30 : memref<1x!tpu.dma_semaphore, #tpu.memory_space<semaphore_mem>> -> memref<!tpu.dma_semaphore, #tpu.memory_space<semaphore_mem>>
    %dma_start3A_32 = arith.constant 0 : i32
    %dma_start3A_33 = arith.constant 0 : i32
    %dma_start3A_34 = tpu.memref_slice %arg6[%dma_start3A_22, %dma_start3A_32, %dma_start3A_33] : memref<2x16x1024xf32, #tpu.memory_space<vmem>> -> memref<1x16x1024xf32, #tpu.memory_space<vmem>>
    %dma_start3A_35 = tpu.memref_squeeze %dma_start3A_34 : memref<1x16x1024xf32, #tpu.memory_space<vmem>> -> memref<16x1024xf32, #tpu.memory_space<vmem>>
    %dma_start3A_36 = arith.constant 0 : i32
    %dma_start3A_37 = tpu.memref_slice %arg3[%add3A_21, %dma_start3A_36] : memref<2048x1024xf32, #tpu.memory_space<hbm>> -> memref<16x1024xf32, #tpu.memory_space<hbm>>
    tpu.enqueue_dma source(%dma_start3A_37 : memref<16x1024xf32, #tpu.memory_space<hbm>>) target(%dma_start3A_35 : memref<16x1024xf32, #tpu.memory_space<vmem>>) target_semaphore(%dma_start3A_31 : memref<!tpu.dma_semaphore, #tpu.memory_space<semaphore_mem>>)
    %add3A_38 = arith.constant 0 : i32
    %add3A_39 = arith.addi %mul3A_2, %add3A_38 : i32
    %dma_start3A_40 = arith.constant 0 : i32
    %dma_start3A_41 = arith.constant 0 : i32
    %dma_start3A_42 = arith.constant 0 : i32
    %dma_start3A_43 = arith.constant 0 : i32
    %dma_start3A_44 = arith.constant 0 : i32
    %dma_start3A_45 = tpu.memref_slice %arg5[%dma_start3A_41, %dma_start3A_43, %dma_start3A_44] : memref<3x16x1024xf32, #tpu.memory_space<vmem>> -> memref<1x16x1024xf32, #tpu.memory_space<vmem>>
    %dma_start3A_46 = tpu.memref_squeeze %dma_start3A_45 : memref<1x16x1024xf32, #tpu.memory_space<vmem>> -> memref<16x1024xf32, #tpu.memory_space<vmem>>
    %dma_start3A_47 = arith.constant 0 : i32
    %dma_start3A_48 = tpu.memref_slice %arg2[%dma_start3A_40, %add3A_39, %dma_start3A_47] : memref<4x2048x1024xf32, #tpu.memory_space<hbm>> -> memref<1x16x1024xf32, #tpu.memory_space<hbm>>
    %dma_start3A_49 = tpu.memref_squeeze %dma_start3A_48 : memref<1x16x1024xf32, #tpu.memory_space<hbm>> -> memref<16x1024xf32, #tpu.memory_space<hbm>>
    %dma_start3A_50 = tpu.memref_slice %arg8[%dma_start3A_42] : memref<3x!tpu.dma_semaphore, #tpu.memory_space<semaphore_mem>> -> memref<1x!tpu.dma_semaphore, #tpu.memory_space<semaphore_mem>>
    %dma_start3A_51 = tpu.memref_squeeze %dma_start3A_50 : memref<1x!tpu.dma_semaphore, #tpu.memory_space<semaphore_mem>> -> memref<!tpu.dma_semaphore, #tpu.memory_space<semaphore_mem>>
    %dma_start3A_52 = arith.constant 0 : i32
    %dma_start3A_53 = arith.constant 0 : i32
    %dma_start3A_54 = tpu.memref_slice %arg5[%dma_start3A_41, %dma_start3A_52, %dma_start3A_53] : memref<3x16x1024xf32, #tpu.memory_space<vmem>> -> memref<1x16x1024xf32, #tpu.memory_space<vmem>>
    %dma_start3A_55 = tpu.memref_squeeze %dma_start3A_54 : memref<1x16x1024xf32, #tpu.memory_space<vmem>> -> memref<16x1024xf32, #tpu.memory_space<vmem>>
    %dma_start3A_56 = arith.constant 0 : i32
    %dma_start3A_57 = tpu.memref_slice %arg2[%dma_start3A_40, %add3A_39, %dma_start3A_56] : memref<4x2048x1024xf32, #tpu.memory_space<hbm>> -> memref<1x16x1024xf32, #tpu.memory_space<hbm>>
    %dma_start3A_58 = tpu.memref_squeeze %dma_start3A_57 : memref<1x16x1024xf32, #tpu.memory_space<hbm>> -> memref<16x1024xf32, #tpu.memory_space<hbm>>
    tpu.enqueue_dma source(%dma_start3A_58 : memref<16x1024xf32, #tpu.memory_space<hbm>>) target(%dma_start3A_55 : memref<16x1024xf32, #tpu.memory_space<vmem>>) target_semaphore(%dma_start3A_51 : memref<!tpu.dma_semaphore, #tpu.memory_space<semaphore_mem>>)
    %add3A_59 = arith.constant 0 : i32
    %add3A_60 = arith.addi %mul3A_2, %add3A_59 : i32
    %dma_start3A_61 = arith.constant 1 : i32
    %dma_start3A_62 = arith.constant 1 : i32
    %dma_start3A_63 = arith.constant 1 : i32
    %dma_start3A_64 = arith.constant 0 : i32
    %dma_start3A_65 = arith.constant 0 : i32
    %dma_start3A_66 = tpu.memref_slice %arg5[%dma_start3A_62, %dma_start3A_64, %dma_start3A_65] : memref<3x16x1024xf32, #tpu.memory_space<vmem>> -> memref<1x16x1024xf32, #tpu.memory_space<vmem>>
    %dma_start3A_67 = tpu.memref_squeeze %dma_start3A_66 : memref<1x16x1024xf32, #tpu.memory_space<vmem>> -> memref<16x1024xf32, #tpu.memory_space<vmem>>
    %dma_start3A_68 = arith.constant 0 : i32
    %dma_start3A_69 = tpu.memref_slice %arg2[%dma_start3A_61, %add3A_60, %dma_start3A_68] : memref<4x2048x1024xf32, #tpu.memory_space<hbm>> -> memref<1x16x1024xf32, #tpu.memory_space<hbm>>
    %dma_start3A_70 = tpu.memref_squeeze %dma_start3A_69 : memref<1x16x1024xf32, #tpu.memory_space<hbm>> -> memref<16x1024xf32, #tpu.memory_space<hbm>>
    %dma_start3A_71 = tpu.memref_slice %arg8[%dma_start3A_63] : memref<3x!tpu.dma_semaphore, #tpu.memory_space<semaphore_mem>> -> memref<1x!tpu.dma_semaphore, #tpu.memory_space<semaphore_mem>>
    %dma_start3A_72 = tpu.memref_squeeze %dma_start3A_71 : memref<1x!tpu.dma_semaphore, #tpu.memory_space<semaphore_mem>> -> memref<!tpu.dma_semaphore, #tpu.memory_space<semaphore_mem>>
    %dma_start3A_73 = arith.constant 0 : i32
    %dma_start3A_74 = arith.constant 0 : i32
    %dma_start3A_75 = tpu.memref_slice %arg5[%dma_start3A_62, %dma_start3A_73, %dma_start3A_74] : memref<3x16x1024xf32, #tpu.memory_space<vmem>> -> memref<1x16x1024xf32, #tpu.memory_space<vmem>>
    %dma_start3A_76 = tpu.memref_squeeze %dma_start3A_75 : memref<1x16x1024xf32, #tpu.memory_space<vmem>> -> memref<16x1024xf32, #tpu.memory_space<vmem>>
    %dma_start3A_77 = arith.constant 0 : i32
    %dma_start3A_78 = tpu.memref_slice %arg2[%dma_start3A_61, %add3A_60, %dma_start3A_77] : memref<4x2048x1024xf32, #tpu.memory_space<hbm>> -> memref<1x16x1024xf32, #tpu.memory_space<hbm>>
    %dma_start3A_79 = tpu.memref_squeeze %dma_start3A_78 : memref<1x16x1024xf32, #tpu.memory_space<hbm>> -> memref<16x1024xf32, #tpu.memory_space<hbm>>
    tpu.enqueue_dma source(%dma_start3A_79 : memref<16x1024xf32, #tpu.memory_space<hbm>>) target(%dma_start3A_76 : memref<16x1024xf32, #tpu.memory_space<vmem>>) target_semaphore(%dma_start3A_72 : memref<!tpu.dma_semaphore, #tpu.memory_space<semaphore_mem>>)
    %add3A_80 = arith.constant 0 : i32
    %add3A_81 = arith.addi %mul3A_2, %add3A_80 : i32
    %dma_start3A_82 = arith.constant 2 : i32
    %dma_start3A_83 = arith.constant 2 : i32
    %dma_start3A_84 = arith.constant 2 : i32
    %dma_start3A_85 = arith.constant 0 : i32
    %dma_start3A_86 = arith.constant 0 : i32
    %dma_start3A_87 = tpu.memref_slice %arg5[%dma_start3A_83, %dma_start3A_85, %dma_start3A_86] : memref<3x16x1024xf32, #tpu.memory_space<vmem>> -> memref<1x16x1024xf32, #tpu.memory_space<vmem>>
    %dma_start3A_88 = tpu.memref_squeeze %dma_start3A_87 : memref<1x16x1024xf32, #tpu.memory_space<vmem>> -> memref<16x1024xf32, #tpu.memory_space<vmem>>
    %dma_start3A_89 = arith.constant 0 : i32
    %dma_start3A_90 = tpu.memref_slice %arg2[%dma_start3A_82, %add3A_81, %dma_start3A_89] : memref<4x2048x1024xf32, #tpu.memory_space<hbm>> -> memref<1x16x1024xf32, #tpu.memory_space<hbm>>
    %dma_start3A_91 = tpu.memref_squeeze %dma_start3A_90 : memref<1x16x1024xf32, #tpu.memory_space<hbm>> -> memref<16x1024xf32, #tpu.memory_space<hbm>>
    %dma_start3A_92 = tpu.memref_slice %arg8[%dma_start3A_84] : memref<3x!tpu.dma_semaphore, #tpu.memory_space<semaphore_mem>> -> memref<1x!tpu.dma_semaphore, #tpu.memory_space<semaphore_mem>>
    %dma_start3A_93 = tpu.memref_squeeze %dma_start3A_92 : memref<1x!tpu.dma_semaphore, #tpu.memory_space<semaphore_mem>> -> memref<!tpu.dma_semaphore, #tpu.memory_space<semaphore_mem>>
    %dma_start3A_94 = arith.constant 0 : i32
    %dma_start3A_95 = arith.constant 0 : i32
    %dma_start3A_96 = tpu.memref_slice %arg5[%dma_start3A_83, %dma_start3A_94, %dma_start3A_95] : memref<3x16x1024xf32, #tpu.memory_space<vmem>> -> memref<1x16x1024xf32, #tpu.memory_space<vmem>>
    %dma_start3A_97 = tpu.memref_squeeze %dma_start3A_96 : memref<1x16x1024xf32, #tpu.memory_space<vmem>> -> memref<16x1024xf32, #tpu.memory_space<vmem>>
    %dma_start3A_98 = arith.constant 0 : i32
    %dma_start3A_99 = tpu.memref_slice %arg2[%dma_start3A_82, %add3A_81, %dma_start3A_98] : memref<4x2048x1024xf32, #tpu.memory_space<hbm>> -> memref<1x16x1024xf32, #tpu.memory_space<hbm>>
    %dma_start3A_100 = tpu.memref_squeeze %dma_start3A_99 : memref<1x16x1024xf32, #tpu.memory_space<hbm>> -> memref<16x1024xf32, #tpu.memory_space<hbm>>
    tpu.enqueue_dma source(%dma_start3A_100 : memref<16x1024xf32, #tpu.memory_space<hbm>>) target(%dma_start3A_97 : memref<16x1024xf32, #tpu.memory_space<vmem>>) target_semaphore(%dma_start3A_93 : memref<!tpu.dma_semaphore, #tpu.memory_space<semaphore_mem>>)
    %dma_wait3A = arith.constant 0 : i32
    %dma_wait3A_101 = arith.constant 0 : i32
    %dma_wait3A_102 = arith.constant 0 : i32
    %dma_wait3A_103 = arith.constant 0 : i32
    %dma_wait3A_104 = arith.constant 0 : i32
    %dma_wait3A_105 = tpu.memref_slice %arg5[%dma_wait3A_101, %dma_wait3A_103, %dma_wait3A_104] : memref<3x16x1024xf32, #tpu.memory_space<vmem>> -> memref<1x16x1024xf32, #tpu.memory_space<vmem>>
    %dma_wait3A_106 = tpu.memref_squeeze %dma_wait3A_105 : memref<1x16x1024xf32, #tpu.memory_space<vmem>> -> memref<16x1024xf32, #tpu.memory_space<vmem>>
    %dma_wait3A_107 = arith.constant 0 : i32
    %dma_wait3A_108 = tpu.memref_slice %arg2[%dma_wait3A, %add3A_39, %dma_wait3A_107] : memref<4x2048x1024xf32, #tpu.memory_space<hbm>> -> memref<1x16x1024xf32, #tpu.memory_space<hbm>>
    %dma_wait3A_109 = tpu.memref_squeeze %dma_wait3A_108 : memref<1x16x1024xf32, #tpu.memory_space<hbm>> -> memref<16x1024xf32, #tpu.memory_space<hbm>>
    %dma_wait3A_110 = tpu.memref_slice %arg8[%dma_wait3A_102] : memref<3x!tpu.dma_semaphore, #tpu.memory_space<semaphore_mem>> -> memref<1x!tpu.dma_semaphore, #tpu.memory_space<semaphore_mem>>
    %dma_wait3A_111 = tpu.memref_squeeze %dma_wait3A_110 : memref<1x!tpu.dma_semaphore, #tpu.memory_space<semaphore_mem>> -> memref<!tpu.dma_semaphore, #tpu.memory_space<semaphore_mem>>
    %dma_wait3A_112 = arith.constant 0 : i32
    %dma_wait3A_113 = arith.constant 0 : i32
    %dma_wait3A_114 = tpu.memref_slice %arg5[%dma_wait3A_101, %dma_wait3A_112, %dma_wait3A_113] : memref<3x16x1024xf32, #tpu.memory_space<vmem>> -> memref<1x16x1024xf32, #tpu.memory_space<vmem>>
    %dma_wait3A_115 = tpu.memref_squeeze %dma_wait3A_114 : memref<1x16x1024xf32, #tpu.memory_space<vmem>> -> memref<16x1024xf32, #tpu.memory_space<vmem>>
    %dma_wait3A_116 = arith.constant 0 : i32
    %dma_wait3A_117 = tpu.memref_slice %arg2[%dma_wait3A, %add3A_39, %dma_wait3A_116] : memref<4x2048x1024xf32, #tpu.memory_space<hbm>> -> memref<1x16x1024xf32, #tpu.memory_space<hbm>>
    %dma_wait3A_118 = tpu.memref_squeeze %dma_wait3A_117 : memref<1x16x1024xf32, #tpu.memory_space<hbm>> -> memref<16x1024xf32, #tpu.memory_space<hbm>>
    tpu.wait_dma2 semaphore(%dma_wait3A_111 : memref<!tpu.dma_semaphore, #tpu.memory_space<semaphore_mem>>) src(%dma_wait3A_118 : memref<16x1024xf32, #tpu.memory_space<hbm>>) dst(%dma_wait3A_115 : memref<16x1024xf32, #tpu.memory_space<vmem>>)
    %dma_wait3A_119 = arith.constant 0 : i32
    %dma_wait3A_120 = arith.constant 0 : i32
    %dma_wait3A_121 = arith.constant 0 : i32
    %dma_wait3A_122 = arith.constant 0 : i32
    %dma_wait3A_123 = tpu.memref_slice %arg6[%dma_wait3A_119, %dma_wait3A_121, %dma_wait3A_122] : memref<2x16x1024xf32, #tpu.memory_space<vmem>> -> memref<1x16x1024xf32, #tpu.memory_space<vmem>>
    %dma_wait3A_124 = tpu.memref_squeeze %dma_wait3A_123 : memref<1x16x1024xf32, #tpu.memory_space<vmem>> -> memref<16x1024xf32, #tpu.memory_space<vmem>>
    %dma_wait3A_125 = arith.constant 0 : i32
    %dma_wait3A_126 = tpu.memref_slice %arg3[%add3A_4, %dma_wait3A_125] : memref<2048x1024xf32, #tpu.memory_space<hbm>> -> memref<16x1024xf32, #tpu.memory_space<hbm>>
    %dma_wait3A_127 = tpu.memref_slice %arg10[%dma_wait3A_120] : memref<2x!tpu.dma_semaphore, #tpu.memory_space<semaphore_mem>> -> memref<1x!tpu.dma_semaphore, #tpu.memory_space<semaphore_mem>>
    %dma_wait3A_128 = tpu.memref_squeeze %dma_wait3A_127 : memref<1x!tpu.dma_semaphore, #tpu.memory_space<semaphore_mem>> -> memref<!tpu.dma_semaphore, #tpu.memory_space<semaphore_mem>>
    %dma_wait3A_129 = arith.constant 0 : i32
    %dma_wait3A_130 = arith.constant 0 : i32
    %dma_wait3A_131 = tpu.memref_slice %arg6[%dma_wait3A_119, %dma_wait3A_129, %dma_wait3A_130] : memref<2x16x1024xf32, #tpu.memory_space<vmem>> -> memref<1x16x1024xf32, #tpu.memory_space<vmem>>
    %dma_wait3A_132 = tpu.memref_squeeze %dma_wait3A_131 : memref<1x16x1024xf32, #tpu.memory_space<vmem>> -> memref<16x1024xf32, #tpu.memory_space<vmem>>
    %dma_wait3A_133 = arith.constant 0 : i32
    %dma_wait3A_134 = tpu.memref_slice %arg3[%add3A_4, %dma_wait3A_133] : memref<2048x1024xf32, #tpu.memory_space<hbm>> -> memref<16x1024xf32, #tpu.memory_space<hbm>>
    tpu.wait_dma2 semaphore(%dma_wait3A_128 : memref<!tpu.dma_semaphore, #tpu.memory_space<semaphore_mem>>) src(%dma_wait3A_134 : memref<16x1024xf32, #tpu.memory_space<hbm>>) dst(%dma_wait3A_132 : memref<16x1024xf32, #tpu.memory_space<vmem>>)
    %parallel_loop3A = arith.constant 0 : i32
    %parallel_loop3A_135 = arith.constant 16 : i32
    %parallel_loop3A_136 = arith.constant 1 : i32
    scf.for %parallel_loop3A_1464 = %parallel_loop3A to %parallel_loop3A_135 step %parallel_loop3A_136  : i32 {
      %parallel_loop3A_1465 = arith.constant 0 : i32
      %parallel_loop3A_1466 = arith.constant 64 : i32
      %parallel_loop3A_1467 = arith.constant 1 : i32
      scf.for %parallel_loop3A_1468 = %parallel_loop3A_1465 to %parallel_loop3A_1466 step %parallel_loop3A_1467  : i32 {
        %parallel_loop3A_1469 = arith.constant 16 : i32
        %parallel_loop3A_1470 = arith.muli %parallel_loop3A_1468, %parallel_loop3A_1469 : i32
        %parallel_loop3A_1471 = arith.constant 0 : i32
        %parallel_loop3A_1472 = arith.index_cast %parallel_loop3A_1471 : i32 to index
        %parallel_loop3A_1473 = arith.index_cast %parallel_loop3A_1464 : i32 to index
        %parallel_loop3A_1474 = arith.index_cast %parallel_loop3A_1470 : i32 to index
        %parallel_loop3A_1475 = tpu.vector_load %arg5[%parallel_loop3A_1472, %parallel_loop3A_1473, %parallel_loop3A_1474] {strides = array<i32>} : memref<3x16x1024xf32, #tpu.memory_space<vmem>>, vector<1x1x16xf32>,
        %parallel_loop3A_1476 = vector.shape_cast %parallel_loop3A_1475 : vector<1x1x16xf32> to vector<16xf32>
        %parallel_loop3A_1477 = arith.constant 0 : i32
        %parallel_loop3A_1478 = arith.index_cast %parallel_loop3A_1477 : i32 to index
        %parallel_loop3A_1479 = arith.index_cast %parallel_loop3A_1464 : i32 to index
        %parallel_loop3A_1480 = arith.index_cast %parallel_loop3A_1470 : i32 to index
        %parallel_loop3A_1481 = tpu.vector_load %arg6[%parallel_loop3A_1478, %parallel_loop3A_1479, %parallel_loop3A_1480] {strides = array<i32>} : memref<2x16x1024xf32, #tpu.memory_space<vmem>>, vector<1x1x16xf32>,
        %parallel_loop3A_1482 = vector.shape_cast %parallel_loop3A_1481 : vector<1x1x16xf32> to vector<16xf32>
        %parallel_loop3A_1483 = arith.addf %parallel_loop3A_1476, %parallel_loop3A_1482 : vector<16xf32>
        %parallel_loop3A_1484 = arith.constant 0 : i32
        %parallel_loop3A_1485 = arith.index_cast %parallel_loop3A_1484 : i32 to index
        %parallel_loop3A_1486 = arith.index_cast %parallel_loop3A_1464 : i32 to index
        %parallel_loop3A_1487 = arith.index_cast %parallel_loop3A_1470 : i32 to index
        %parallel_loop3A_1488 = tpu.vector_load %arg7[%parallel_loop3A_1485, %parallel_loop3A_1486, %parallel_loop3A_1487] {strides = array<i32>} : memref<3x16x1024xf32, #tpu.memory_space<vmem>>, vector<1x1x16xf32>,
        %parallel_loop3A_1489 = vector.shape_cast %parallel_loop3A_1488 : vector<1x1x16xf32> to vector<16xf32>
        %parallel_loop3A_1490 = vector.shape_cast %parallel_loop3A_1483 : vector<16xf32> to vector<1x1x16xf32>
        tpu.vector_store %arg7[%parallel_loop3A_1485, %parallel_loop3A_1486, %parallel_loop3A_1487], %parallel_loop3A_1490 {strides = array<i32>} : memref<3x16x1024xf32, #tpu.memory_space<vmem>>, vector<1x1x16xf32>,
      } {sc.loop_unroll_factor = 8 : i64, sc.parallel_access}
    } {sc.loop_unroll_factor = 1 : i64, sc.parallel_access}
    %add3A_137 = arith.constant 0 : i32
    %add3A_138 = arith.addi %mul3A_2, %add3A_137 : i32
    %dma_start3A_139 = arith.constant 0 : i32
    %dma_start3A_140 = arith.constant 0 : i32
    %dma_start3A_141 = arith.constant 0 : i32
    %dma_start3A_142 = arith.constant 0 : i32
    %dma_start3A_143 = arith.constant 0 : i32
    %dma_start3A_144 = tpu.memref_slice %arg7[%dma_start3A_139, %dma_start3A_142, %dma_start3A_143] : memref<3x16x1024xf32, #tpu.memory_space<vmem>> -> memref<1x16x1024xf32, #tpu.memory_space<vmem>>
    %dma_start3A_145 = tpu.memref_squeeze %dma_start3A_144 : memref<1x16x1024xf32, #tpu.memory_space<vmem>> -> memref<16x1024xf32, #tpu.memory_space<vmem>>
    %dma_start3A_146 = arith.constant 0 : i32
    %dma_start3A_147 = tpu.memref_slice %arg4[%dma_start3A_140, %add3A_138, %dma_start3A_146] : memref<4x2048x1024xf32, #tpu.memory_space<hbm>> -> memref<1x16x1024xf32, #tpu.memory_space<hbm>>
    %dma_start3A_148 = tpu.memref_squeeze %dma_start3A_147 : memref<1x16x1024xf32, #tpu.memory_space<hbm>> -> memref<16x1024xf32, #tpu.memory_space<hbm>>
    %dma_start3A_149 = tpu.memref_slice %arg9[%dma_start3A_141] : memref<3x!tpu.dma_semaphore, #tpu.memory_space<semaphore_mem>> -> memref<1x!tpu.dma_semaphore, #tpu.memory_space<semaphore_mem>>
    %dma_start3A_150 = tpu.memref_squeeze %dma_start3A_149 : memref<1x!tpu.dma_semaphore, #tpu.memory_space<semaphore_mem>> -> memref<!tpu.dma_semaphore, #tpu.memory_space<semaphore_mem>>
    %dma_start3A_151 = arith.constant 0 : i32
    %dma_start3A_152 = tpu.memref_slice %arg4[%dma_start3A_140, %add3A_138, %dma_start3A_151] : memref<4x2048x1024xf32, #tpu.memory_space<hbm>> -> memref<1x16x1024xf32, #tpu.memory_space<hbm>>
    %dma_start3A_153 = tpu.memref_squeeze %dma_start3A_152 : memref<1x16x1024xf32, #tpu.memory_space<hbm>> -> memref<16x1024xf32, #tpu.memory_space<hbm>>
    %dma_start3A_154 = arith.constant 0 : i32
    %dma_start3A_155 = arith.constant 0 : i32
    %dma_start3A_156 = tpu.memref_slice %arg7[%dma_start3A_139, %dma_start3A_154, %dma_start3A_155] : memref<3x16x1024xf32, #tpu.memory_space<vmem>> -> memref<1x16x1024xf32, #tpu.memory_space<vmem>>
    %dma_start3A_157 = tpu.memref_squeeze %dma_start3A_156 : memref<1x16x1024xf32, #tpu.memory_space<vmem>> -> memref<16x1024xf32, #tpu.memory_space<vmem>>
    tpu.enqueue_dma source(%dma_start3A_157 : memref<16x1024xf32, #tpu.memory_space<vmem>>) target(%dma_start3A_153 : memref<16x1024xf32, #tpu.memory_space<hbm>>) target_semaphore(%dma_start3A_150 : memref<!tpu.dma_semaphore, #tpu.memory_space<semaphore_mem>>)
    %add3A_158 = arith.constant 0 : i32
    %add3A_159 = arith.addi %mul3A_2, %add3A_158 : i32
    %dma_start3A_160 = arith.constant 3 : i32
    %dma_start3A_161 = arith.constant 0 : i32
    %dma_start3A_162 = arith.constant 0 : i32
    %dma_start3A_163 = arith.constant 0 : i32
    %dma_start3A_164 = arith.constant 0 : i32
    %dma_start3A_165 = tpu.memref_slice %arg5[%dma_start3A_161, %dma_start3A_163, %dma_start3A_164] : memref<3x16x1024xf32, #tpu.memory_space<vmem>> -> memref<1x16x1024xf32, #tpu.memory_space<vmem>>
    %dma_start3A_166 = tpu.memref_squeeze %dma_start3A_165 : memref<1x16x1024xf32, #tpu.memory_space<vmem>> -> memref<16x1024xf32, #tpu.memory_space<vmem>>
    %dma_start3A_167 = arith.constant 0 : i32
    %dma_start3A_168 = tpu.memref_slice %arg2[%dma_start3A_160, %add3A_159, %dma_start3A_167] : memref<4x2048x1024xf32, #tpu.memory_space<hbm>> -> memref<1x16x1024xf32, #tpu.memory_space<hbm>>
    %dma_start3A_169 = tpu.memref_squeeze %dma_start3A_168 : memref<1x16x1024xf32, #tpu.memory_space<hbm>> -> memref<16x1024xf32, #tpu.memory_space<hbm>>
    %dma_start3A_170 = tpu.memref_slice %arg8[%dma_start3A_162] : memref<3x!tpu.dma_semaphore, #tpu.memory_space<semaphore_mem>> -> memref<1x!tpu.dma_semaphore, #tpu.memory_space<semaphore_mem>>
    %dma_start3A_171 = tpu.memref_squeeze %dma_start3A_170 : memref<1x!tpu.dma_semaphore, #tpu.memory_space<semaphore_mem>> -> memref<!tpu.dma_semaphore, #tpu.memory_space<semaphore_mem>>
    %dma_start3A_172 = arith.constant 0 : i32
    %dma_start3A_173 = arith.constant 0 : i32
    %dma_start3A_174 = tpu.memref_slice %arg5[%dma_start3A_161, %dma_start3A_172, %dma_start3A_173] : memref<3x16x1024xf32, #tpu.memory_space<vmem>> -> memref<1x16x1024xf32, #tpu.memory_space<vmem>>
    %dma_start3A_175 = tpu.memref_squeeze %dma_start3A_174 : memref<1x16x1024xf32, #tpu.memory_space<vmem>> -> memref<16x1024xf32, #tpu.memory_space<vmem>>
    %dma_start3A_176 = arith.constant 0 : i32
    %dma_start3A_177 = tpu.memref_slice %arg2[%dma_start3A_160, %add3A_159, %dma_start3A_176] : memref<4x2048x1024xf32, #tpu.memory_space<hbm>> -> memref<1x16x1024xf32, #tpu.memory_space<hbm>>
    %dma_start3A_178 = tpu.memref_squeeze %dma_start3A_177 : memref<1x16x1024xf32, #tpu.memory_space<hbm>> -> memref<16x1024xf32, #tpu.memory_space<hbm>>
    tpu.enqueue_dma source(%dma_start3A_178 : memref<16x1024xf32, #tpu.memory_space<hbm>>) target(%dma_start3A_175 : memref<16x1024xf32, #tpu.memory_space<vmem>>) target_semaphore(%dma_start3A_171 : memref<!tpu.dma_semaphore, #tpu.memory_space<semaphore_mem>>)
    %dma_wait3A_179 = arith.constant 1 : i32
    %dma_wait3A_180 = arith.constant 1 : i32
    %dma_wait3A_181 = arith.constant 1 : i32
    %dma_wait3A_182 = arith.constant 0 : i32
    %dma_wait3A_183 = arith.constant 0 : i32
    %dma_wait3A_184 = tpu.memref_slice %arg5[%dma_wait3A_180, %dma_wait3A_182, %dma_wait3A_183] : memref<3x16x1024xf32, #tpu.memory_space<vmem>> -> memref<1x16x1024xf32, #tpu.memory_space<vmem>>
    %dma_wait3A_185 = tpu.memref_squeeze %dma_wait3A_184 : memref<1x16x1024xf32, #tpu.memory_space<vmem>> -> memref<16x1024xf32, #tpu.memory_space<vmem>>
    %dma_wait3A_186 = arith.constant 0 : i32
    %dma_wait3A_187 = tpu.memref_slice %arg2[%dma_wait3A_179, %add3A_60, %dma_wait3A_186] : memref<4x2048x1024xf32, #tpu.memory_space<hbm>> -> memref<1x16x1024xf32, #tpu.memory_space<hbm>>
    %dma_wait3A_188 = tpu.memref_squeeze %dma_wait3A_187 : memref<1x16x1024xf32, #tpu.memory_space<hbm>> -> memref<16x1024xf32, #tpu.memory_space<hbm>>
    %dma_wait3A_189 = tpu.memref_slice %arg8[%dma_wait3A_181] : memref<3x!tpu.dma_semaphore, #tpu.memory_space<semaphore_mem>> -> memref<1x!tpu.dma_semaphore, #tpu.memory_space<semaphore_mem>>
    %dma_wait3A_190 = tpu.memref_squeeze %dma_wait3A_189 : memref<1x!tpu.dma_semaphore, #tpu.memory_space<semaphore_mem>> -> memref<!tpu.dma_semaphore, #tpu.memory_space<semaphore_mem>>
    %dma_wait3A_191 = arith.constant 0 : i32
    %dma_wait3A_192 = arith.constant 0 : i32
    %dma_wait3A_193 = tpu.memref_slice %arg5[%dma_wait3A_180, %dma_wait3A_191, %dma_wait3A_192] : memref<3x16x1024xf32, #tpu.memory_space<vmem>> -> memref<1x16x1024xf32, #tpu.memory_space<vmem>>
    %dma_wait3A_194 = tpu.memref_squeeze %dma_wait3A_193 : memref<1x16x1024xf32, #tpu.memory_space<vmem>> -> memref<16x1024xf32, #tpu.memory_space<vmem>>
    %dma_wait3A_195 = arith.constant 0 : i32
    %dma_wait3A_196 = tpu.memref_slice %arg2[%dma_wait3A_179, %add3A_60, %dma_wait3A_195] : memref<4x2048x1024xf32, #tpu.memory_space<hbm>> -> memref<1x16x1024xf32, #tpu.memory_space<hbm>>
    %dma_wait3A_197 = tpu.memref_squeeze %dma_wait3A_196 : memref<1x16x1024xf32, #tpu.memory_space<hbm>> -> memref<16x1024xf32, #tpu.memory_space<hbm>>
    tpu.wait_dma2 semaphore(%dma_wait3A_190 : memref<!tpu.dma_semaphore, #tpu.memory_space<semaphore_mem>>) src(%dma_wait3A_197 : memref<16x1024xf32, #tpu.memory_space<hbm>>) dst(%dma_wait3A_194 : memref<16x1024xf32, #tpu.memory_space<vmem>>)
    %parallel_loop3A_198 = arith.constant 0 : i32
    %parallel_loop3A_199 = arith.constant 16 : i32
    %parallel_loop3A_200 = arith.constant 1 : i32
    scf.for %parallel_loop3A_1464 = %parallel_loop3A_198 to %parallel_loop3A_199 step %parallel_loop3A_200  : i32 {
      %parallel_loop3A_1465 = arith.constant 0 : i32
      %parallel_loop3A_1466 = arith.constant 64 : i32
      %parallel_loop3A_1467 = arith.constant 1 : i32
      scf.for %parallel_loop3A_1468 = %parallel_loop3A_1465 to %parallel_loop3A_1466 step %parallel_loop3A_1467  : i32 {
        %parallel_loop3A_1469 = arith.constant 16 : i32
        %parallel_loop3A_1470 = arith.muli %parallel_loop3A_1468, %parallel_loop3A_1469 : i32
        %parallel_loop3A_1471 = arith.constant 1 : i32
        %parallel_loop3A_1472 = arith.index_cast %parallel_loop3A_1471 : i32 to index
        %parallel_loop3A_1473 = arith.index_cast %parallel_loop3A_1464 : i32 to index
        %parallel_loop3A_1474 = arith.index_cast %parallel_loop3A_1470 : i32 to index
        %parallel_loop3A_1475 = tpu.vector_load %arg5[%parallel_loop3A_1472, %parallel_loop3A_1473, %parallel_loop3A_1474] {strides = array<i32>} : memref<3x16x1024xf32, #tpu.memory_space<vmem>>, vector<1x1x16xf32>,
        %parallel_loop3A_1476 = vector.shape_cast %parallel_loop3A_1475 : vector<1x1x16xf32> to vector<16xf32>
        %parallel_loop3A_1477 = arith.constant 0 : i32
        %parallel_loop3A_1478 = arith.index_cast %parallel_loop3A_1477 : i32 to index
        %parallel_loop3A_1479 = arith.index_cast %parallel_loop3A_1464 : i32 to index
        %parallel_loop3A_1480 = arith.index_cast %parallel_loop3A_1470 : i32 to index
        %parallel_loop3A_1481 = tpu.vector_load %arg6[%parallel_loop3A_1478, %parallel_loop3A_1479, %parallel_loop3A_1480] {strides = array<i32>} : memref<2x16x1024xf32, #tpu.memory_space<vmem>>, vector<1x1x16xf32>,
        %parallel_loop3A_1482 = vector.shape_cast %parallel_loop3A_1481 : vector<1x1x16xf32> to vector<16xf32>
        %parallel_loop3A_1483 = arith.addf %parallel_loop3A_1476, %parallel_loop3A_1482 : vector<16xf32>
        %parallel_loop3A_1484 = arith.constant 1 : i32
        %parallel_loop3A_1485 = arith.index_cast %parallel_loop3A_1484 : i32 to index
        %parallel_loop3A_1486 = arith.index_cast %parallel_loop3A_1464 : i32 to index
        %parallel_loop3A_1487 = arith.index_cast %parallel_loop3A_1470 : i32 to index
        %parallel_loop3A_1488 = tpu.vector_load %arg7[%parallel_loop3A_1485, %parallel_loop3A_1486, %parallel_loop3A_1487] {strides = array<i32>} : memref<3x16x1024xf32, #tpu.memory_space<vmem>>, vector<1x1x16xf32>,
        %parallel_loop3A_1489 = vector.shape_cast %parallel_loop3A_1488 : vector<1x1x16xf32> to vector<16xf32>
        %parallel_loop3A_1490 = vector.shape_cast %parallel_loop3A_1483 : vector<16xf32> to vector<1x1x16xf32>
        tpu.vector_store %arg7[%parallel_loop3A_1485, %parallel_loop3A_1486, %parallel_loop3A_1487], %parallel_loop3A_1490 {strides = array<i32>} : memref<3x16x1024xf32, #tpu.memory_space<vmem>>, vector<1x1x16xf32>,
      } {sc.loop_unroll_factor = 8 : i64, sc.parallel_access}
    } {sc.loop_unroll_factor = 1 : i64, sc.parallel_access}
    %add3A_201 = arith.constant 0 : i32
    %add3A_202 = arith.addi %mul3A_2, %add3A_201 : i32
    %dma_start3A_203 = arith.constant 1 : i32
    %dma_start3A_204 = arith.constant 1 : i32
    %dma_start3A_205 = arith.constant 1 : i32
    %dma_start3A_206 = arith.constant 0 : i32
    %dma_start3A_207 = arith.constant 0 : i32
    %dma_start3A_208 = tpu.memref_slice %arg7[%dma_start3A_203, %dma_start3A_206, %dma_start3A_207] : memref<3x16x1024xf32, #tpu.memory_space<vmem>> -> memref<1x16x1024xf32, #tpu.memory_space<vmem>>
    %dma_start3A_209 = tpu.memref_squeeze %dma_start3A_208 : memref<1x16x1024xf32, #tpu.memory_space<vmem>> -> memref<16x1024xf32, #tpu.memory_space<vmem>>
    %dma_start3A_210 = arith.constant 0 : i32
    %dma_start3A_211 = tpu.memref_slice %arg4[%dma_start3A_204, %add3A_202, %dma_start3A_210] : memref<4x2048x1024xf32, #tpu.memory_space<hbm>> -> memref<1x16x1024xf32, #tpu.memory_space<hbm>>
    %dma_start3A_212 = tpu.memref_squeeze %dma_start3A_211 : memref<1x16x1024xf32, #tpu.memory_space<hbm>> -> memref<16x1024xf32, #tpu.memory_space<hbm>>
    %dma_start3A_213 = tpu.memref_slice %arg9[%dma_start3A_205] : memref<3x!tpu.dma_semaphore, #tpu.memory_space<semaphore_mem>> -> memref<1x!tpu.dma_semaphore, #tpu.memory_space<semaphore_mem>>
    %dma_start3A_214 = tpu.memref_squeeze %dma_start3A_213 : memref<1x!tpu.dma_semaphore, #tpu.memory_space<semaphore_mem>> -> memref<!tpu.dma_semaphore, #tpu.memory_space<semaphore_mem>>
    %dma_start3A_215 = arith.constant 0 : i32
    %dma_start3A_216 = tpu.memref_slice %arg4[%dma_start3A_204, %add3A_202, %dma_start3A_215] : memref<4x2048x1024xf32, #tpu.memory_space<hbm>> -> memref<1x16x1024xf32, #tpu.memory_space<hbm>>
    %dma_start3A_217 = tpu.memref_squeeze %dma_start3A_216 : memref<1x16x1024xf32, #tpu.memory_space<hbm>> -> memref<16x1024xf32, #tpu.memory_space<hbm>>
    %dma_start3A_218 = arith.constant 0 : i32
    %dma_start3A_219 = arith.constant 0 : i32
    %dma_start3A_220 = tpu.memref_slice %arg7[%dma_start3A_203, %dma_start3A_218, %dma_start3A_219] : memref<3x16x1024xf32, #tpu.memory_space<vmem>> -> memref<1x16x1024xf32, #tpu.memory_space<vmem>>
    %dma_start3A_221 = tpu.memref_squeeze %dma_start3A_220 : memref<1x16x1024xf32, #tpu.memory_space<vmem>> -> memref<16x1024xf32, #tpu.memory_space<vmem>>
    tpu.enqueue_dma source(%dma_start3A_221 : memref<16x1024xf32, #tpu.memory_space<vmem>>) target(%dma_start3A_217 : memref<16x1024xf32, #tpu.memory_space<hbm>>) target_semaphore(%dma_start3A_214 : memref<!tpu.dma_semaphore, #tpu.memory_space<semaphore_mem>>)
    %add3A_222 = arith.constant 16 : i32
    %add3A_223 = arith.addi %mul3A_2, %add3A_222 : i32
    %dma_start3A_224 = arith.constant 0 : i32
    %dma_start3A_225 = arith.constant 1 : i32
    %dma_start3A_226 = arith.constant 1 : i32
    %dma_start3A_227 = arith.constant 0 : i32
    %dma_start3A_228 = arith.constant 0 : i32
    %dma_start3A_229 = tpu.memref_slice %arg5[%dma_start3A_225, %dma_start3A_227, %dma_start3A_228] : memref<3x16x1024xf32, #tpu.memory_space<vmem>> -> memref<1x16x1024xf32, #tpu.memory_space<vmem>>
    %dma_start3A_230 = tpu.memref_squeeze %dma_start3A_229 : memref<1x16x1024xf32, #tpu.memory_space<vmem>> -> memref<16x1024xf32, #tpu.memory_space<vmem>>
    %dma_start3A_231 = arith.constant 0 : i32
    %dma_start3A_232 = tpu.memref_slice %arg2[%dma_start3A_224, %add3A_223, %dma_start3A_231] : memref<4x2048x1024xf32, #tpu.memory_space<hbm>> -> memref<1x16x1024xf32, #tpu.memory_space<hbm>>
    %dma_start3A_233 = tpu.memref_squeeze %dma_start3A_232 : memref<1x16x1024xf32, #tpu.memory_space<hbm>> -> memref<16x1024xf32, #tpu.memory_space<hbm>>
    %dma_start3A_234 = tpu.memref_slice %arg8[%dma_start3A_226] : memref<3x!tpu.dma_semaphore, #tpu.memory_space<semaphore_mem>> -> memref<1x!tpu.dma_semaphore, #tpu.memory_space<semaphore_mem>>
    %dma_start3A_235 = tpu.memref_squeeze %dma_start3A_234 : memref<1x!tpu.dma_semaphore, #tpu.memory_space<semaphore_mem>> -> memref<!tpu.dma_semaphore, #tpu.memory_space<semaphore_mem>>
    %dma_start3A_236 = arith.constant 0 : i32
    %dma_start3A_237 = arith.constant 0 : i32
    %dma_start3A_238 = tpu.memref_slice %arg5[%dma_start3A_225, %dma_start3A_236, %dma_start3A_237] : memref<3x16x1024xf32, #tpu.memory_space<vmem>> -> memref<1x16x1024xf32, #tpu.memory_space<vmem>>
    %dma_start3A_239 = tpu.memref_squeeze %dma_start3A_238 : memref<1x16x1024xf32, #tpu.memory_space<vmem>> -> memref<16x1024xf32, #tpu.memory_space<vmem>>
    %dma_start3A_240 = arith.constant 0 : i32
    %dma_start3A_241 = tpu.memref_slice %arg2[%dma_start3A_224, %add3A_223, %dma_start3A_240] : memref<4x2048x1024xf32, #tpu.memory_space<hbm>> -> memref<1x16x1024xf32, #tpu.memory_space<hbm>>
    %dma_start3A_242 = tpu.memref_squeeze %dma_start3A_241 : memref<1x16x1024xf32, #tpu.memory_space<hbm>> -> memref<16x1024xf32, #tpu.memory_space<hbm>>
    tpu.enqueue_dma source(%dma_start3A_242 : memref<16x1024xf32, #tpu.memory_space<hbm>>) target(%dma_start3A_239 : memref<16x1024xf32, #tpu.memory_space<vmem>>) target_semaphore(%dma_start3A_235 : memref<!tpu.dma_semaphore, #tpu.memory_space<semaphore_mem>>)
    %dma_wait3A_243 = arith.constant 2 : i32
    %dma_wait3A_244 = arith.constant 2 : i32
    %dma_wait3A_245 = arith.constant 2 : i32
    %dma_wait3A_246 = arith.constant 0 : i32
    %dma_wait3A_247 = arith.constant 0 : i32
    %dma_wait3A_248 = tpu.memref_slice %arg5[%dma_wait3A_244, %dma_wait3A_246, %dma_wait3A_247] : memref<3x16x1024xf32, #tpu.memory_space<vmem>> -> memref<1x16x1024xf32, #tpu.memory_space<vmem>>
    %dma_wait3A_249 = tpu.memref_squeeze %dma_wait3A_248 : memref<1x16x1024xf32, #tpu.memory_space<vmem>> -> memref<16x1024xf32, #tpu.memory_space<vmem>>
    %dma_wait3A_250 = arith.constant 0 : i32
    %dma_wait3A_251 = tpu.memref_slice %arg2[%dma_wait3A_243, %add3A_81, %dma_wait3A_250] : memref<4x2048x1024xf32, #tpu.memory_space<hbm>> -> memref<1x16x1024xf32, #tpu.memory_space<hbm>>
    %dma_wait3A_252 = tpu.memref_squeeze %dma_wait3A_251 : memref<1x16x1024xf32, #tpu.memory_space<hbm>> -> memref<16x1024xf32, #tpu.memory_space<hbm>>
    %dma_wait3A_253 = tpu.memref_slice %arg8[%dma_wait3A_245] : memref<3x!tpu.dma_semaphore, #tpu.memory_space<semaphore_mem>> -> memref<1x!tpu.dma_semaphore, #tpu.memory_space<semaphore_mem>>
    %dma_wait3A_254 = tpu.memref_squeeze %dma_wait3A_253 : memref<1x!tpu.dma_semaphore, #tpu.memory_space<semaphore_mem>> -> memref<!tpu.dma_semaphore, #tpu.memory_space<semaphore_mem>>
    %dma_wait3A_255 = arith.constant 0 : i32
    %dma_wait3A_256 = arith.constant 0 : i32
    %dma_wait3A_257 = tpu.memref_slice %arg5[%dma_wait3A_244, %dma_wait3A_255, %dma_wait3A_256] : memref<3x16x1024xf32, #tpu.memory_space<vmem>> -> memref<1x16x1024xf32, #tpu.memory_space<vmem>>
    %dma_wait3A_258 = tpu.memref_squeeze %dma_wait3A_257 : memref<1x16x1024xf32, #tpu.memory_space<vmem>> -> memref<16x1024xf32, #tpu.memory_space<vmem>>
    %dma_wait3A_259 = arith.constant 0 : i32
    %dma_wait3A_260 = tpu.memref_slice %arg2[%dma_wait3A_243, %add3A_81, %dma_wait3A_259] : memref<4x2048x1024xf32, #tpu.memory_space<hbm>> -> memref<1x16x1024xf32, #tpu.memory_space<hbm>>
    %dma_wait3A_261 = tpu.memref_squeeze %dma_wait3A_260 : memref<1x16x1024xf32, #tpu.memory_space<hbm>> -> memref<16x1024xf32, #tpu.memory_space<hbm>>
    tpu.wait_dma2 semaphore(%dma_wait3A_254 : memref<!tpu.dma_semaphore, #tpu.memory_space<semaphore_mem>>) src(%dma_wait3A_261 : memref<16x1024xf32, #tpu.memory_space<hbm>>) dst(%dma_wait3A_258 : memref<16x1024xf32, #tpu.memory_space<vmem>>)
    %parallel_loop3A_262 = arith.constant 0 : i32
    %parallel_loop3A_263 = arith.constant 16 : i32
    %parallel_loop3A_264 = arith.constant 1 : i32
    scf.for %parallel_loop3A_1464 = %parallel_loop3A_262 to %parallel_loop3A_263 step %parallel_loop3A_264  : i32 {
      %parallel_loop3A_1465 = arith.constant 0 : i32
      %parallel_loop3A_1466 = arith.constant 64 : i32
      %parallel_loop3A_1467 = arith.constant 1 : i32
      scf.for %parallel_loop3A_1468 = %parallel_loop3A_1465 to %parallel_loop3A_1466 step %parallel_loop3A_1467  : i32 {
        %parallel_loop3A_1469 = arith.constant 16 : i32
        %parallel_loop3A_1470 = arith.muli %parallel_loop3A_1468, %parallel_loop3A_1469 : i32
        %parallel_loop3A_1471 = arith.constant 2 : i32
        %parallel_loop3A_1472 = arith.index_cast %parallel_loop3A_1471 : i32 to index
        %parallel_loop3A_1473 = arith.index_cast %parallel_loop3A_1464 : i32 to index
        %parallel_loop3A_1474 = arith.index_cast %parallel_loop3A_1470 : i32 to index
        %parallel_loop3A_1475 = tpu.vector_load %arg5[%parallel_loop3A_1472, %parallel_loop3A_1473, %parallel_loop3A_1474] {strides = array<i32>} : memref<3x16x1024xf32, #tpu.memory_space<vmem>>, vector<1x1x16xf32>,
        %parallel_loop3A_1476 = vector.shape_cast %parallel_loop3A_1475 : vector<1x1x16xf32> to vector<16xf32>
        %parallel_loop3A_1477 = arith.constant 0 : i32
        %parallel_loop3A_1478 = arith.index_cast %parallel_loop3A_1477 : i32 to index
        %parallel_loop3A_1479 = arith.index_cast %parallel_loop3A_1464 : i32 to index
        %parallel_loop3A_1480 = arith.index_cast %parallel_loop3A_1470 : i32 to index
        %parallel_loop3A_1481 = tpu.vector_load %arg6[%parallel_loop3A_1478, %parallel_loop3A_1479, %parallel_loop3A_1480] {strides = array<i32>} : memref<2x16x1024xf32, #tpu.memory_space<vmem>>, vector<1x1x16xf32>,
        %parallel_loop3A_1482 = vector.shape_cast %parallel_loop3A_1481 : vector<1x1x16xf32> to vector<16xf32>
        %parallel_loop3A_1483 = arith.addf %parallel_loop3A_1476, %parallel_loop3A_1482 : vector<16xf32>
        %parallel_loop3A_1484 = arith.constant 2 : i32
        %parallel_loop3A_1485 = arith.index_cast %parallel_loop3A_1484 : i32 to index
        %parallel_loop3A_1486 = arith.index_cast %parallel_loop3A_1464 : i32 to index
        %parallel_loop3A_1487 = arith.index_cast %parallel_loop3A_1470 : i32 to index
        %parallel_loop3A_1488 = tpu.vector_load %arg7[%parallel_loop3A_1485, %parallel_loop3A_1486, %parallel_loop3A_1487] {strides = array<i32>} : memref<3x16x1024xf32, #tpu.memory_space<vmem>>, vector<1x1x16xf32>,
        %parallel_loop3A_1489 = vector.shape_cast %parallel_loop3A_1488 : vector<1x1x16xf32> to vector<16xf32>
        %parallel_loop3A_1490 = vector.shape_cast %parallel_loop3A_1483 : vector<16xf32> to vector<1x1x16xf32>
        tpu.vector_store %arg7[%parallel_loop3A_1485, %parallel_loop3A_1486, %parallel_loop3A_1487], %parallel_loop3A_1490 {strides = array<i32>} : memref<3x16x1024xf32, #tpu.memory_space<vmem>>, vector<1x1x16xf32>,
      } {sc.loop_unroll_factor = 8 : i64, sc.parallel_access}
    } {sc.loop_unroll_factor = 1 : i64, sc.parallel_access}
    %add3A_265 = arith.constant 0 : i32
    %add3A_266 = arith.addi %mul3A_2, %add3A_265 : i32
    %dma_start3A_267 = arith.constant 2 : i32
    %dma_start3A_268 = arith.constant 2 : i32
    %dma_start3A_269 = arith.constant 2 : i32
    %dma_start3A_270 = arith.constant 0 : i32
    %dma_start3A_271 = arith.constant 0 : i32
    %dma_start3A_272 = tpu.memref_slice %arg7[%dma_start3A_267, %dma_start3A_270, %dma_start3A_271] : memref<3x16x1024xf32, #tpu.memory_space<vmem>> -> memref<1x16x1024xf32, #tpu.memory_space<vmem>>
    %dma_start3A_273 = tpu.memref_squeeze %dma_start3A_272 : memref<1x16x1024xf32, #tpu.memory_space<vmem>> -> memref<16x1024xf32, #tpu.memory_space<vmem>>
    %dma_start3A_274 = arith.constant 0 : i32
    %dma_start3A_275 = tpu.memref_slice %arg4[%dma_start3A_268, %add3A_266, %dma_start3A_274] : memref<4x2048x1024xf32, #tpu.memory_space<hbm>> -> memref<1x16x1024xf32, #tpu.memory_space<hbm>>
    %dma_start3A_276 = tpu.memref_squeeze %dma_start3A_275 : memref<1x16x1024xf32, #tpu.memory_space<hbm>> -> memref<16x1024xf32, #tpu.memory_space<hbm>>
    %dma_start3A_277 = tpu.memref_slice %arg9[%dma_start3A_269] : memref<3x!tpu.dma_semaphore, #tpu.memory_space<semaphore_mem>> -> memref<1x!tpu.dma_semaphore, #tpu.memory_space<semaphore_mem>>
    %dma_start3A_278 = tpu.memref_squeeze %dma_start3A_277 : memref<1x!tpu.dma_semaphore, #tpu.memory_space<semaphore_mem>> -> memref<!tpu.dma_semaphore, #tpu.memory_space<semaphore_mem>>
    %dma_start3A_279 = arith.constant 0 : i32
    %dma_start3A_280 = tpu.memref_slice %arg4[%dma_start3A_268, %add3A_266, %dma_start3A_279] : memref<4x2048x1024xf32, #tpu.memory_space<hbm>> -> memref<1x16x1024xf32, #tpu.memory_space<hbm>>
    %dma_start3A_281 = tpu.memref_squeeze %dma_start3A_280 : memref<1x16x1024xf32, #tpu.memory_space<hbm>> -> memref<16x1024xf32, #tpu.memory_space<hbm>>
    %dma_start3A_282 = arith.constant 0 : i32
    %dma_start3A_283 = arith.constant 0 : i32
    %dma_start3A_284 = tpu.memref_slice %arg7[%dma_start3A_267, %dma_start3A_282, %dma_start3A_283] : memref<3x16x1024xf32, #tpu.memory_space<vmem>> -> memref<1x16x1024xf32, #tpu.memory_space<vmem>>
    %dma_start3A_285 = tpu.memref_squeeze %dma_start3A_284 : memref<1x16x1024xf32, #tpu.memory_space<vmem>> -> memref<16x1024xf32, #tpu.memory_space<vmem>>
    tpu.enqueue_dma source(%dma_start3A_285 : memref<16x1024xf32, #tpu.memory_space<vmem>>) target(%dma_start3A_281 : memref<16x1024xf32, #tpu.memory_space<hbm>>) target_semaphore(%dma_start3A_278 : memref<!tpu.dma_semaphore, #tpu.memory_space<semaphore_mem>>)
    %add3A_286 = arith.constant 16 : i32
    %add3A_287 = arith.addi %mul3A_2, %add3A_286 : i32
    %dma_start3A_288 = arith.constant 1 : i32
    %dma_start3A_289 = arith.constant 2 : i32
    %dma_start3A_290 = arith.constant 2 : i32
    %dma_start3A_291 = arith.constant 0 : i32
    %dma_start3A_292 = arith.constant 0 : i32
    %dma_start3A_293 = tpu.memref_slice %arg5[%dma_start3A_289, %dma_start3A_291, %dma_start3A_292] : memref<3x16x1024xf32, #tpu.memory_space<vmem>> -> memref<1x16x1024xf32, #tpu.memory_space<vmem>>
    %dma_start3A_294 = tpu.memref_squeeze %dma_start3A_293 : memref<1x16x1024xf32, #tpu.memory_space<vmem>> -> memref<16x1024xf32, #tpu.memory_space<vmem>>
    %dma_start3A_295 = arith.constant 0 : i32
    %dma_start3A_296 = tpu.memref_slice %arg2[%dma_start3A_288, %add3A_287, %dma_start3A_295] : memref<4x2048x1024xf32, #tpu.memory_space<hbm>> -> memref<1x16x1024xf32, #tpu.memory_space<hbm>>
    %dma_start3A_297 = tpu.memref_squeeze %dma_start3A_296 : memref<1x16x1024xf32, #tpu.memory_space<hbm>> -> memref<16x1024xf32, #tpu.memory_space<hbm>>
    %dma_start3A_298 = tpu.memref_slice %arg8[%dma_start3A_290] : memref<3x!tpu.dma_semaphore, #tpu.memory_space<semaphore_mem>> -> memref<1x!tpu.dma_semaphore, #tpu.memory_space<semaphore_mem>>
    %dma_start3A_299 = tpu.memref_squeeze %dma_start3A_298 : memref<1x!tpu.dma_semaphore, #tpu.memory_space<semaphore_mem>> -> memref<!tpu.dma_semaphore, #tpu.memory_space<semaphore_mem>>
    %dma_start3A_300 = arith.constant 0 : i32
    %dma_start3A_301 = arith.constant 0 : i32
    %dma_start3A_302 = tpu.memref_slice %arg5[%dma_start3A_289, %dma_start3A_300, %dma_start3A_301] : memref<3x16x1024xf32, #tpu.memory_space<vmem>> -> memref<1x16x1024xf32, #tpu.memory_space<vmem>>
    %dma_start3A_303 = tpu.memref_squeeze %dma_start3A_302 : memref<1x16x1024xf32, #tpu.memory_space<vmem>> -> memref<16x1024xf32, #tpu.memory_space<vmem>>
    %dma_start3A_304 = arith.constant 0 : i32
    %dma_start3A_305 = tpu.memref_slice %arg2[%dma_start3A_288, %add3A_287, %dma_start3A_304] : memref<4x2048x1024xf32, #tpu.memory_space<hbm>> -> memref<1x16x1024xf32, #tpu.memory_space<hbm>>
    %dma_start3A_306 = tpu.memref_squeeze %dma_start3A_305 : memref<1x16x1024xf32, #tpu.memory_space<hbm>> -> memref<16x1024xf32, #tpu.memory_space<hbm>>
    tpu.enqueue_dma source(%dma_start3A_306 : memref<16x1024xf32, #tpu.memory_space<hbm>>) target(%dma_start3A_303 : memref<16x1024xf32, #tpu.memory_space<vmem>>) target_semaphore(%dma_start3A_299 : memref<!tpu.dma_semaphore, #tpu.memory_space<semaphore_mem>>)
    %dma_wait3A_307 = arith.constant 3 : i32
    %dma_wait3A_308 = arith.constant 0 : i32
    %dma_wait3A_309 = arith.constant 0 : i32
    %dma_wait3A_310 = arith.constant 0 : i32
    %dma_wait3A_311 = arith.constant 0 : i32
    %dma_wait3A_312 = tpu.memref_slice %arg5[%dma_wait3A_308, %dma_wait3A_310, %dma_wait3A_311] : memref<3x16x1024xf32, #tpu.memory_space<vmem>> -> memref<1x16x1024xf32, #tpu.memory_space<vmem>>
    %dma_wait3A_313 = tpu.memref_squeeze %dma_wait3A_312 : memref<1x16x1024xf32, #tpu.memory_space<vmem>> -> memref<16x1024xf32, #tpu.memory_space<vmem>>
    %dma_wait3A_314 = arith.constant 0 : i32
    %dma_wait3A_315 = tpu.memref_slice %arg2[%dma_wait3A_307, %add3A_159, %dma_wait3A_314] : memref<4x2048x1024xf32, #tpu.memory_space<hbm>> -> memref<1x16x1024xf32, #tpu.memory_space<hbm>>
    %dma_wait3A_316 = tpu.memref_squeeze %dma_wait3A_315 : memref<1x16x1024xf32, #tpu.memory_space<hbm>> -> memref<16x1024xf32, #tpu.memory_space<hbm>>
    %dma_wait3A_317 = tpu.memref_slice %arg8[%dma_wait3A_309] : memref<3x!tpu.dma_semaphore, #tpu.memory_space<semaphore_mem>> -> memref<1x!tpu.dma_semaphore, #tpu.memory_space<semaphore_mem>>
    %dma_wait3A_318 = tpu.memref_squeeze %dma_wait3A_317 : memref<1x!tpu.dma_semaphore, #tpu.memory_space<semaphore_mem>> -> memref<!tpu.dma_semaphore, #tpu.memory_space<semaphore_mem>>
    %dma_wait3A_319 = arith.constant 0 : i32
    %dma_wait3A_320 = arith.constant 0 : i32
    %dma_wait3A_321 = tpu.memref_slice %arg5[%dma_wait3A_308, %dma_wait3A_319, %dma_wait3A_320] : memref<3x16x1024xf32, #tpu.memory_space<vmem>> -> memref<1x16x1024xf32, #tpu.memory_space<vmem>>
    %dma_wait3A_322 = tpu.memref_squeeze %dma_wait3A_321 : memref<1x16x1024xf32, #tpu.memory_space<vmem>> -> memref<16x1024xf32, #tpu.memory_space<vmem>>
    %dma_wait3A_323 = arith.constant 0 : i32
    %dma_wait3A_324 = tpu.memref_slice %arg2[%dma_wait3A_307, %add3A_159, %dma_wait3A_323] : memref<4x2048x1024xf32, #tpu.memory_space<hbm>> -> memref<1x16x1024xf32, #tpu.memory_space<hbm>>
    %dma_wait3A_325 = tpu.memref_squeeze %dma_wait3A_324 : memref<1x16x1024xf32, #tpu.memory_space<hbm>> -> memref<16x1024xf32, #tpu.memory_space<hbm>>
    tpu.wait_dma2 semaphore(%dma_wait3A_318 : memref<!tpu.dma_semaphore, #tpu.memory_space<semaphore_mem>>) src(%dma_wait3A_325 : memref<16x1024xf32, #tpu.memory_space<hbm>>) dst(%dma_wait3A_322 : memref<16x1024xf32, #tpu.memory_space<vmem>>)
    %dma_wait3A_326 = arith.constant 0 : i32
    %dma_wait3A_327 = arith.constant 0 : i32
    %dma_wait3A_328 = arith.constant 0 : i32
    %dma_wait3A_329 = arith.constant 0 : i32
    %dma_wait3A_330 = arith.constant 0 : i32
    %dma_wait3A_331 = tpu.memref_slice %arg7[%dma_wait3A_326, %dma_wait3A_329, %dma_wait3A_330] : memref<3x16x1024xf32, #tpu.memory_space<vmem>> -> memref<1x16x1024xf32, #tpu.memory_space<vmem>>
    %dma_wait3A_332 = tpu.memref_squeeze %dma_wait3A_331 : memref<1x16x1024xf32, #tpu.memory_space<vmem>> -> memref<16x1024xf32, #tpu.memory_space<vmem>>
    %dma_wait3A_333 = arith.constant 0 : i32
    %dma_wait3A_334 = tpu.memref_slice %arg4[%dma_wait3A_327, %add3A_138, %dma_wait3A_333] : memref<4x2048x1024xf32, #tpu.memory_space<hbm>> -> memref<1x16x1024xf32, #tpu.memory_space<hbm>>
    %dma_wait3A_335 = tpu.memref_squeeze %dma_wait3A_334 : memref<1x16x1024xf32, #tpu.memory_space<hbm>> -> memref<16x1024xf32, #tpu.memory_space<hbm>>
    %dma_wait3A_336 = tpu.memref_slice %arg9[%dma_wait3A_328] : memref<3x!tpu.dma_semaphore, #tpu.memory_space<semaphore_mem>> -> memref<1x!tpu.dma_semaphore, #tpu.memory_space<semaphore_mem>>
    %dma_wait3A_337 = tpu.memref_squeeze %dma_wait3A_336 : memref<1x!tpu.dma_semaphore, #tpu.memory_space<semaphore_mem>> -> memref<!tpu.dma_semaphore, #tpu.memory_space<semaphore_mem>>
    %dma_wait3A_338 = arith.constant 0 : i32
    %dma_wait3A_339 = tpu.memref_slice %arg4[%dma_wait3A_327, %add3A_138, %dma_wait3A_338] : memref<4x2048x1024xf32, #tpu.memory_space<hbm>> -> memref<1x16x1024xf32, #tpu.memory_space<hbm>>
    %dma_wait3A_340 = tpu.memref_squeeze %dma_wait3A_339 : memref<1x16x1024xf32, #tpu.memory_space<hbm>> -> memref<16x1024xf32, #tpu.memory_space<hbm>>
    %dma_wait3A_341 = arith.constant 0 : i32
    %dma_wait3A_342 = arith.constant 0 : i32
    %dma_wait3A_343 = tpu.memref_slice %arg7[%dma_wait3A_326, %dma_wait3A_341, %dma_wait3A_342] : memref<3x16x1024xf32, #tpu.memory_space<vmem>> -> memref<1x16x1024xf32, #tpu.memory_space<vmem>>
    %dma_wait3A_344 = tpu.memref_squeeze %dma_wait3A_343 : memref<1x16x1024xf32, #tpu.memory_space<vmem>> -> memref<16x1024xf32, #tpu.memory_space<vmem>>
    tpu.wait_dma2 semaphore(%dma_wait3A_337 : memref<!tpu.dma_semaphore, #tpu.memory_space<semaphore_mem>>) src(%dma_wait3A_344 : memref<16x1024xf32, #tpu.memory_space<vmem>>) dst(%dma_wait3A_340 : memref<16x1024xf32, #tpu.memory_space<hbm>>)
    %parallel_loop3A_345 = arith.constant 0 : i32
    %parallel_loop3A_346 = arith.constant 16 : i32
    %parallel_loop3A_347 = arith.constant 1 : i32
    scf.for %parallel_loop3A_1464 = %parallel_loop3A_345 to %parallel_loop3A_346 step %parallel_loop3A_347  : i32 {
      %parallel_loop3A_1465 = arith.constant 0 : i32
      %parallel_loop3A_1466 = arith.constant 64 : i32
      %parallel_loop3A_1467 = arith.constant 1 : i32
      scf.for %parallel_loop3A_1468 = %parallel_loop3A_1465 to %parallel_loop3A_1466 step %parallel_loop3A_1467  : i32 {
        %parallel_loop3A_1469 = arith.constant 16 : i32
        %parallel_loop3A_1470 = arith.muli %parallel_loop3A_1468, %parallel_loop3A_1469 : i32
        %parallel_loop3A_1471 = arith.constant 0 : i32
        %parallel_loop3A_1472 = arith.index_cast %parallel_loop3A_1471 : i32 to index
        %parallel_loop3A_1473 = arith.index_cast %parallel_loop3A_1464 : i32 to index
        %parallel_loop3A_1474 = arith.index_cast %parallel_loop3A_1470 : i32 to index
        %parallel_loop3A_1475 = tpu.vector_load %arg5[%parallel_loop3A_1472, %parallel_loop3A_1473, %parallel_loop3A_1474] {strides = array<i32>} : memref<3x16x1024xf32, #tpu.memory_space<vmem>>, vector<1x1x16xf32>,
        %parallel_loop3A_1476 = vector.shape_cast %parallel_loop3A_1475 : vector<1x1x16xf32> to vector<16xf32>
        %parallel_loop3A_1477 = arith.constant 0 : i32
        %parallel_loop3A_1478 = arith.index_cast %parallel_loop3A_1477 : i32 to index
        %parallel_loop3A_1479 = arith.index_cast %parallel_loop3A_1464 : i32 to index
        %parallel_loop3A_1480 = arith.index_cast %parallel_loop3A_1470 : i32 to index
        %parallel_loop3A_1481 = tpu.vector_load %arg6[%parallel_loop3A_1478, %parallel_loop3A_1479, %parallel_loop3A_1480] {strides = array<i32>} : memref<2x16x1024xf32, #tpu.memory_space<vmem>>, vector<1x1x16xf32>,
        %parallel_loop3A_1482 = vector.shape_cast %parallel_loop3A_1481 : vector<1x1x16xf32> to vector<16xf32>
        %parallel_loop3A_1483 = arith.addf %parallel_loop3A_1476, %parallel_loop3A_1482 : vector<16xf32>
        %parallel_loop3A_1484 = arith.constant 0 : i32
        %parallel_loop3A_1485 = arith.index_cast %parallel_loop3A_1484 : i32 to index
        %parallel_loop3A_1486 = arith.index_cast %parallel_loop3A_1464 : i32 to index
        %parallel_loop3A_1487 = arith.index_cast %parallel_loop3A_1470 : i32 to index
        %parallel_loop3A_1488 = tpu.vector_load %arg7[%parallel_loop3A_1485, %parallel_loop3A_1486, %parallel_loop3A_1487] {strides = array<i32>} : memref<3x16x1024xf32, #tpu.memory_space<vmem>>, vector<1x1x16xf32>,
        %parallel_loop3A_1489 = vector.shape_cast %parallel_loop3A_1488 : vector<1x1x16xf32> to vector<16xf32>
        %parallel_loop3A_1490 = vector.shape_cast %parallel_loop3A_1483 : vector<16xf32> to vector<1x1x16xf32>
        tpu.vector_store %arg7[%parallel_loop3A_1485, %parallel_loop3A_1486, %parallel_loop3A_1487], %parallel_loop3A_1490 {strides = array<i32>} : memref<3x16x1024xf32, #tpu.memory_space<vmem>>, vector<1x1x16xf32>,
      } {sc.loop_unroll_factor = 8 : i64, sc.parallel_access}
    } {sc.loop_unroll_factor = 1 : i64, sc.parallel_access}
    %add3A_348 = arith.constant 0 : i32
    %add3A_349 = arith.addi %mul3A_2, %add3A_348 : i32
    %dma_start3A_350 = arith.constant 0 : i32
    %dma_start3A_351 = arith.constant 3 : i32
    %dma_start3A_352 = arith.constant 0 : i32
    %dma_start3A_353 = arith.constant 0 : i32
    %dma_start3A_354 = arith.constant 0 : i32
    %dma_start3A_355 = tpu.memref_slice %arg7[%dma_start3A_350, %dma_start3A_353, %dma_start3A_354] : memref<3x16x1024xf32, #tpu.memory_space<vmem>> -> memref<1x16x1024xf32, #tpu.memory_space<vmem>>
    %dma_start3A_356 = tpu.memref_squeeze %dma_start3A_355 : memref<1x16x1024xf32, #tpu.memory_space<vmem>> -> memref<16x1024xf32, #tpu.memory_space<vmem>>
    %dma_start3A_357 = arith.constant 0 : i32
    %dma_start3A_358 = tpu.memref_slice %arg4[%dma_start3A_351, %add3A_349, %dma_start3A_357] : memref<4x2048x1024xf32, #tpu.memory_space<hbm>> -> memref<1x16x1024xf32, #tpu.memory_space<hbm>>
    %dma_start3A_359 = tpu.memref_squeeze %dma_start3A_358 : memref<1x16x1024xf32, #tpu.memory_space<hbm>> -> memref<16x1024xf32, #tpu.memory_space<hbm>>
    %dma_start3A_360 = tpu.memref_slice %arg9[%dma_start3A_352] : memref<3x!tpu.dma_semaphore, #tpu.memory_space<semaphore_mem>> -> memref<1x!tpu.dma_semaphore, #tpu.memory_space<semaphore_mem>>
    %dma_start3A_361 = tpu.memref_squeeze %dma_start3A_360 : memref<1x!tpu.dma_semaphore, #tpu.memory_space<semaphore_mem>> -> memref<!tpu.dma_semaphore, #tpu.memory_space<semaphore_mem>>
    %dma_start3A_362 = arith.constant 0 : i32
    %dma_start3A_363 = tpu.memref_slice %arg4[%dma_start3A_351, %add3A_349, %dma_start3A_362] : memref<4x2048x1024xf32, #tpu.memory_space<hbm>> -> memref<1x16x1024xf32, #tpu.memory_space<hbm>>
    %dma_start3A_364 = tpu.memref_squeeze %dma_start3A_363 : memref<1x16x1024xf32, #tpu.memory_space<hbm>> -> memref<16x1024xf32, #tpu.memory_space<hbm>>
    %dma_start3A_365 = arith.constant 0 : i32
    %dma_start3A_366 = arith.constant 0 : i32
    %dma_start3A_367 = tpu.memref_slice %arg7[%dma_start3A_350, %dma_start3A_365, %dma_start3A_366] : memref<3x16x1024xf32, #tpu.memory_space<vmem>> -> memref<1x16x1024xf32, #tpu.memory_space<vmem>>
    %dma_start3A_368 = tpu.memref_squeeze %dma_start3A_367 : memref<1x16x1024xf32, #tpu.memory_space<vmem>> -> memref<16x1024xf32, #tpu.memory_space<vmem>>
    tpu.enqueue_dma source(%dma_start3A_368 : memref<16x1024xf32, #tpu.memory_space<vmem>>) target(%dma_start3A_364 : memref<16x1024xf32, #tpu.memory_space<hbm>>) target_semaphore(%dma_start3A_361 : memref<!tpu.dma_semaphore, #tpu.memory_space<semaphore_mem>>)
    %add3A_369 = arith.constant 16 : i32
    %add3A_370 = arith.addi %mul3A_2, %add3A_369 : i32
    %dma_start3A_371 = arith.constant 2 : i32
    %dma_start3A_372 = arith.constant 0 : i32
    %dma_start3A_373 = arith.constant 0 : i32
    %dma_start3A_374 = arith.constant 0 : i32
    %dma_start3A_375 = arith.constant 0 : i32
    %dma_start3A_376 = tpu.memref_slice %arg5[%dma_start3A_372, %dma_start3A_374, %dma_start3A_375] : memref<3x16x1024xf32, #tpu.memory_space<vmem>> -> memref<1x16x1024xf32, #tpu.memory_space<vmem>>
    %dma_start3A_377 = tpu.memref_squeeze %dma_start3A_376 : memref<1x16x1024xf32, #tpu.memory_space<vmem>> -> memref<16x1024xf32, #tpu.memory_space<vmem>>
    %dma_start3A_378 = arith.constant 0 : i32
    %dma_start3A_379 = tpu.memref_slice %arg2[%dma_start3A_371, %add3A_370, %dma_start3A_378] : memref<4x2048x1024xf32, #tpu.memory_space<hbm>> -> memref<1x16x1024xf32, #tpu.memory_space<hbm>>
    %dma_start3A_380 = tpu.memref_squeeze %dma_start3A_379 : memref<1x16x1024xf32, #tpu.memory_space<hbm>> -> memref<16x1024xf32, #tpu.memory_space<hbm>>
    %dma_start3A_381 = tpu.memref_slice %arg8[%dma_start3A_373] : memref<3x!tpu.dma_semaphore, #tpu.memory_space<semaphore_mem>> -> memref<1x!tpu.dma_semaphore, #tpu.memory_space<semaphore_mem>>
    %dma_start3A_382 = tpu.memref_squeeze %dma_start3A_381 : memref<1x!tpu.dma_semaphore, #tpu.memory_space<semaphore_mem>> -> memref<!tpu.dma_semaphore, #tpu.memory_space<semaphore_mem>>
    %dma_start3A_383 = arith.constant 0 : i32
    %dma_start3A_384 = arith.constant 0 : i32
    %dma_start3A_385 = tpu.memref_slice %arg5[%dma_start3A_372, %dma_start3A_383, %dma_start3A_384] : memref<3x16x1024xf32, #tpu.memory_space<vmem>> -> memref<1x16x1024xf32, #tpu.memory_space<vmem>>
    %dma_start3A_386 = tpu.memref_squeeze %dma_start3A_385 : memref<1x16x1024xf32, #tpu.memory_space<vmem>> -> memref<16x1024xf32, #tpu.memory_space<vmem>>
    %dma_start3A_387 = arith.constant 0 : i32
    %dma_start3A_388 = tpu.memref_slice %arg2[%dma_start3A_371, %add3A_370, %dma_start3A_387] : memref<4x2048x1024xf32, #tpu.memory_space<hbm>> -> memref<1x16x1024xf32, #tpu.memory_space<hbm>>
    %dma_start3A_389 = tpu.memref_squeeze %dma_start3A_388 : memref<1x16x1024xf32, #tpu.memory_space<hbm>> -> memref<16x1024xf32, #tpu.memory_space<hbm>>
    tpu.enqueue_dma source(%dma_start3A_389 : memref<16x1024xf32, #tpu.memory_space<hbm>>) target(%dma_start3A_386 : memref<16x1024xf32, #tpu.memory_space<vmem>>) target_semaphore(%dma_start3A_382 : memref<!tpu.dma_semaphore, #tpu.memory_space<semaphore_mem>>)
    %add3A_390 = arith.constant 32 : i32
    %add3A_391 = arith.addi %mul3A_2, %add3A_390 : i32
    %dma_start3A_392 = arith.constant 0 : i32
    %dma_start3A_393 = arith.constant 0 : i32
    %dma_start3A_394 = arith.constant 0 : i32
    %dma_start3A_395 = arith.constant 0 : i32
    %dma_start3A_396 = tpu.memref_slice %arg6[%dma_start3A_392, %dma_start3A_394, %dma_start3A_395] : memref<2x16x1024xf32, #tpu.memory_space<vmem>> -> memref<1x16x1024xf32, #tpu.memory_space<vmem>>
    %dma_start3A_397 = tpu.memref_squeeze %dma_start3A_396 : memref<1x16x1024xf32, #tpu.memory_space<vmem>> -> memref<16x1024xf32, #tpu.memory_space<vmem>>
    %dma_start3A_398 = arith.constant 0 : i32
    %dma_start3A_399 = tpu.memref_slice %arg3[%add3A_391, %dma_start3A_398] : memref<2048x1024xf32, #tpu.memory_space<hbm>> -> memref<16x1024xf32, #tpu.memory_space<hbm>>
    %dma_start3A_400 = tpu.memref_slice %arg10[%dma_start3A_393] : memref<2x!tpu.dma_semaphore, #tpu.memory_space<semaphore_mem>> -> memref<1x!tpu.dma_semaphore, #tpu.memory_space<semaphore_mem>>
    %dma_start3A_401 = tpu.memref_squeeze %dma_start3A_400 : memref<1x!tpu.dma_semaphore, #tpu.memory_space<semaphore_mem>> -> memref<!tpu.dma_semaphore, #tpu.memory_space<semaphore_mem>>
    %dma_start3A_402 = arith.constant 0 : i32
    %dma_start3A_403 = arith.constant 0 : i32
    %dma_start3A_404 = tpu.memref_slice %arg6[%dma_start3A_392, %dma_start3A_402, %dma_start3A_403] : memref<2x16x1024xf32, #tpu.memory_space<vmem>> -> memref<1x16x1024xf32, #tpu.memory_space<vmem>>
    %dma_start3A_405 = tpu.memref_squeeze %dma_start3A_404 : memref<1x16x1024xf32, #tpu.memory_space<vmem>> -> memref<16x1024xf32, #tpu.memory_space<vmem>>
    %dma_start3A_406 = arith.constant 0 : i32
    %dma_start3A_407 = tpu.memref_slice %arg3[%add3A_391, %dma_start3A_406] : memref<2048x1024xf32, #tpu.memory_space<hbm>> -> memref<16x1024xf32, #tpu.memory_space<hbm>>
    tpu.enqueue_dma source(%dma_start3A_407 : memref<16x1024xf32, #tpu.memory_space<hbm>>) target(%dma_start3A_405 : memref<16x1024xf32, #tpu.memory_space<vmem>>) target_semaphore(%dma_start3A_401 : memref<!tpu.dma_semaphore, #tpu.memory_space<semaphore_mem>>)
    %dma_wait3A_408 = arith.constant 0 : i32
    %dma_wait3A_409 = arith.constant 1 : i32
    %dma_wait3A_410 = arith.constant 1 : i32
    %dma_wait3A_411 = arith.constant 0 : i32
    %dma_wait3A_412 = arith.constant 0 : i32
    %dma_wait3A_413 = tpu.memref_slice %arg5[%dma_wait3A_409, %dma_wait3A_411, %dma_wait3A_412] : memref<3x16x1024xf32, #tpu.memory_space<vmem>> -> memref<1x16x1024xf32, #tpu.memory_space<vmem>>
    %dma_wait3A_414 = tpu.memref_squeeze %dma_wait3A_413 : memref<1x16x1024xf32, #tpu.memory_space<vmem>> -> memref<16x1024xf32, #tpu.memory_space<vmem>>
    %dma_wait3A_415 = arith.constant 0 : i32
    %dma_wait3A_416 = tpu.memref_slice %arg2[%dma_wait3A_408, %add3A_223, %dma_wait3A_415] : memref<4x2048x1024xf32, #tpu.memory_space<hbm>> -> memref<1x16x1024xf32, #tpu.memory_space<hbm>>
    %dma_wait3A_417 = tpu.memref_squeeze %dma_wait3A_416 : memref<1x16x1024xf32, #tpu.memory_space<hbm>> -> memref<16x1024xf32, #tpu.memory_space<hbm>>
    %dma_wait3A_418 = tpu.memref_slice %arg8[%dma_wait3A_410] : memref<3x!tpu.dma_semaphore, #tpu.memory_space<semaphore_mem>> -> memref<1x!tpu.dma_semaphore, #tpu.memory_space<semaphore_mem>>
    %dma_wait3A_419 = tpu.memref_squeeze %dma_wait3A_418 : memref<1x!tpu.dma_semaphore, #tpu.memory_space<semaphore_mem>> -> memref<!tpu.dma_semaphore, #tpu.memory_space<semaphore_mem>>
    %dma_wait3A_420 = arith.constant 0 : i32
    %dma_wait3A_421 = arith.constant 0 : i32
    %dma_wait3A_422 = tpu.memref_slice %arg5[%dma_wait3A_409, %dma_wait3A_420, %dma_wait3A_421] : memref<3x16x1024xf32, #tpu.memory_space<vmem>> -> memref<1x16x1024xf32, #tpu.memory_space<vmem>>
    %dma_wait3A_423 = tpu.memref_squeeze %dma_wait3A_422 : memref<1x16x1024xf32, #tpu.memory_space<vmem>> -> memref<16x1024xf32, #tpu.memory_space<vmem>>
    %dma_wait3A_424 = arith.constant 0 : i32
    %dma_wait3A_425 = tpu.memref_slice %arg2[%dma_wait3A_408, %add3A_223, %dma_wait3A_424] : memref<4x2048x1024xf32, #tpu.memory_space<hbm>> -> memref<1x16x1024xf32, #tpu.memory_space<hbm>>
    %dma_wait3A_426 = tpu.memref_squeeze %dma_wait3A_425 : memref<1x16x1024xf32, #tpu.memory_space<hbm>> -> memref<16x1024xf32, #tpu.memory_space<hbm>>
    tpu.wait_dma2 semaphore(%dma_wait3A_419 : memref<!tpu.dma_semaphore, #tpu.memory_space<semaphore_mem>>) src(%dma_wait3A_426 : memref<16x1024xf32, #tpu.memory_space<hbm>>) dst(%dma_wait3A_423 : memref<16x1024xf32, #tpu.memory_space<vmem>>)
    %dma_wait3A_427 = arith.constant 1 : i32
    %dma_wait3A_428 = arith.constant 1 : i32
    %dma_wait3A_429 = arith.constant 0 : i32
    %dma_wait3A_430 = arith.constant 0 : i32
    %dma_wait3A_431 = tpu.memref_slice %arg6[%dma_wait3A_427, %dma_wait3A_429, %dma_wait3A_430] : memref<2x16x1024xf32, #tpu.memory_space<vmem>> -> memref<1x16x1024xf32, #tpu.memory_space<vmem>>
    %dma_wait3A_432 = tpu.memref_squeeze %dma_wait3A_431 : memref<1x16x1024xf32, #tpu.memory_space<vmem>> -> memref<16x1024xf32, #tpu.memory_space<vmem>>
    %dma_wait3A_433 = arith.constant 0 : i32
    %dma_wait3A_434 = tpu.memref_slice %arg3[%add3A_21, %dma_wait3A_433] : memref<2048x1024xf32, #tpu.memory_space<hbm>> -> memref<16x1024xf32, #tpu.memory_space<hbm>>
    %dma_wait3A_435 = tpu.memref_slice %arg10[%dma_wait3A_428] : memref<2x!tpu.dma_semaphore, #tpu.memory_space<semaphore_mem>> -> memref<1x!tpu.dma_semaphore, #tpu.memory_space<semaphore_mem>>
    %dma_wait3A_436 = tpu.memref_squeeze %dma_wait3A_435 : memref<1x!tpu.dma_semaphore, #tpu.memory_space<semaphore_mem>> -> memref<!tpu.dma_semaphore, #tpu.memory_space<semaphore_mem>>
    %dma_wait3A_437 = arith.constant 0 : i32
    %dma_wait3A_438 = arith.constant 0 : i32
    %dma_wait3A_439 = tpu.memref_slice %arg6[%dma_wait3A_427, %dma_wait3A_437, %dma_wait3A_438] : memref<2x16x1024xf32, #tpu.memory_space<vmem>> -> memref<1x16x1024xf32, #tpu.memory_space<vmem>>
    %dma_wait3A_440 = tpu.memref_squeeze %dma_wait3A_439 : memref<1x16x1024xf32, #tpu.memory_space<vmem>> -> memref<16x1024xf32, #tpu.memory_space<vmem>>
    %dma_wait3A_441 = arith.constant 0 : i32
    %dma_wait3A_442 = tpu.memref_slice %arg3[%add3A_21, %dma_wait3A_441] : memref<2048x1024xf32, #tpu.memory_space<hbm>> -> memref<16x1024xf32, #tpu.memory_space<hbm>>
    tpu.wait_dma2 semaphore(%dma_wait3A_436 : memref<!tpu.dma_semaphore, #tpu.memory_space<semaphore_mem>>) src(%dma_wait3A_442 : memref<16x1024xf32, #tpu.memory_space<hbm>>) dst(%dma_wait3A_440 : memref<16x1024xf32, #tpu.memory_space<vmem>>)
    %dma_wait3A_443 = arith.constant 1 : i32
    %dma_wait3A_444 = arith.constant 1 : i32
    %dma_wait3A_445 = arith.constant 1 : i32
    %dma_wait3A_446 = arith.constant 0 : i32
    %dma_wait3A_447 = arith.constant 0 : i32
    %dma_wait3A_448 = tpu.memref_slice %arg7[%dma_wait3A_443, %dma_wait3A_446, %dma_wait3A_447] : memref<3x16x1024xf32, #tpu.memory_space<vmem>> -> memref<1x16x1024xf32, #tpu.memory_space<vmem>>
    %dma_wait3A_449 = tpu.memref_squeeze %dma_wait3A_448 : memref<1x16x1024xf32, #tpu.memory_space<vmem>> -> memref<16x1024xf32, #tpu.memory_space<vmem>>
    %dma_wait3A_450 = arith.constant 0 : i32
    %dma_wait3A_451 = tpu.memref_slice %arg4[%dma_wait3A_444, %add3A_202, %dma_wait3A_450] : memref<4x2048x1024xf32, #tpu.memory_space<hbm>> -> memref<1x16x1024xf32, #tpu.memory_space<hbm>>
    %dma_wait3A_452 = tpu.memref_squeeze %dma_wait3A_451 : memref<1x16x1024xf32, #tpu.memory_space<hbm>> -> memref<16x1024xf32, #tpu.memory_space<hbm>>
    %dma_wait3A_453 = tpu.memref_slice %arg9[%dma_wait3A_445] : memref<3x!tpu.dma_semaphore, #tpu.memory_space<semaphore_mem>> -> memref<1x!tpu.dma_semaphore, #tpu.memory_space<semaphore_mem>>
    %dma_wait3A_454 = tpu.memref_squeeze %dma_wait3A_453 : memref<1x!tpu.dma_semaphore, #tpu.memory_space<semaphore_mem>> -> memref<!tpu.dma_semaphore, #tpu.memory_space<semaphore_mem>>
    %dma_wait3A_455 = arith.constant 0 : i32
    %dma_wait3A_456 = tpu.memref_slice %arg4[%dma_wait3A_444, %add3A_202, %dma_wait3A_455] : memref<4x2048x1024xf32, #tpu.memory_space<hbm>> -> memref<1x16x1024xf32, #tpu.memory_space<hbm>>
    %dma_wait3A_457 = tpu.memref_squeeze %dma_wait3A_456 : memref<1x16x1024xf32, #tpu.memory_space<hbm>> -> memref<16x1024xf32, #tpu.memory_space<hbm>>
    %dma_wait3A_458 = arith.constant 0 : i32
    %dma_wait3A_459 = arith.constant 0 : i32
    %dma_wait3A_460 = tpu.memref_slice %arg7[%dma_wait3A_443, %dma_wait3A_458, %dma_wait3A_459] : memref<3x16x1024xf32, #tpu.memory_space<vmem>> -> memref<1x16x1024xf32, #tpu.memory_space<vmem>>
    %dma_wait3A_461 = tpu.memref_squeeze %dma_wait3A_460 : memref<1x16x1024xf32, #tpu.memory_space<vmem>> -> memref<16x1024xf32, #tpu.memory_space<vmem>>
    tpu.wait_dma2 semaphore(%dma_wait3A_454 : memref<!tpu.dma_semaphore, #tpu.memory_space<semaphore_mem>>) src(%dma_wait3A_461 : memref<16x1024xf32, #tpu.memory_space<vmem>>) dst(%dma_wait3A_457 : memref<16x1024xf32, #tpu.memory_space<hbm>>)
    %parallel_loop3A_462 = arith.constant 0 : i32
    %parallel_loop3A_463 = arith.constant 16 : i32
    %parallel_loop3A_464 = arith.constant 1 : i32
    scf.for %parallel_loop3A_1464 = %parallel_loop3A_462 to %parallel_loop3A_463 step %parallel_loop3A_464  : i32 {
      %parallel_loop3A_1465 = arith.constant 0 : i32
      %parallel_loop3A_1466 = arith.constant 64 : i32
      %parallel_loop3A_1467 = arith.constant 1 : i32
      scf.for %parallel_loop3A_1468 = %parallel_loop3A_1465 to %parallel_loop3A_1466 step %parallel_loop3A_1467  : i32 {
        %parallel_loop3A_1469 = arith.constant 16 : i32
        %parallel_loop3A_1470 = arith.muli %parallel_loop3A_1468, %parallel_loop3A_1469 : i32
        %parallel_loop3A_1471 = arith.constant 1 : i32
        %parallel_loop3A_1472 = arith.index_cast %parallel_loop3A_1471 : i32 to index
        %parallel_loop3A_1473 = arith.index_cast %parallel_loop3A_1464 : i32 to index
        %parallel_loop3A_1474 = arith.index_cast %parallel_loop3A_1470 : i32 to index
        %parallel_loop3A_1475 = tpu.vector_load %arg5[%parallel_loop3A_1472, %parallel_loop3A_1473, %parallel_loop3A_1474] {strides = array<i32>} : memref<3x16x1024xf32, #tpu.memory_space<vmem>>, vector<1x1x16xf32>,
        %parallel_loop3A_1476 = vector.shape_cast %parallel_loop3A_1475 : vector<1x1x16xf32> to vector<16xf32>
        %parallel_loop3A_1477 = arith.constant 1 : i32
        %parallel_loop3A_1478 = arith.index_cast %parallel_loop3A_1477 : i32 to index
        %parallel_loop3A_1479 = arith.index_cast %parallel_loop3A_1464 : i32 to index
        %parallel_loop3A_1480 = arith.index_cast %parallel_loop3A_1470 : i32 to index
        %parallel_loop3A_1481 = tpu.vector_load %arg6[%parallel_loop3A_1478, %parallel_loop3A_1479, %parallel_loop3A_1480] {strides = array<i32>} : memref<2x16x1024xf32, #tpu.memory_space<vmem>>, vector<1x1x16xf32>,
        %parallel_loop3A_1482 = vector.shape_cast %parallel_loop3A_1481 : vector<1x1x16xf32> to vector<16xf32>
        %parallel_loop3A_1483 = arith.addf %parallel_loop3A_1476, %parallel_loop3A_1482 : vector<16xf32>
        %parallel_loop3A_1484 = arith.constant 1 : i32
        %parallel_loop3A_1485 = arith.index_cast %parallel_loop3A_1484 : i32 to index
        %parallel_loop3A_1486 = arith.index_cast %parallel_loop3A_1464 : i32 to index
        %parallel_loop3A_1487 = arith.index_cast %parallel_loop3A_1470 : i32 to index
        %parallel_loop3A_1488 = tpu.vector_load %arg7[%parallel_loop3A_1485, %parallel_loop3A_1486, %parallel_loop3A_1487] {strides = array<i32>} : memref<3x16x1024xf32, #tpu.memory_space<vmem>>, vector<1x1x16xf32>,
        %parallel_loop3A_1489 = vector.shape_cast %parallel_loop3A_1488 : vector<1x1x16xf32> to vector<16xf32>
        %parallel_loop3A_1490 = vector.shape_cast %parallel_loop3A_1483 : vector<16xf32> to vector<1x1x16xf32>
        tpu.vector_store %arg7[%parallel_loop3A_1485, %parallel_loop3A_1486, %parallel_loop3A_1487], %parallel_loop3A_1490 {strides = array<i32>} : memref<3x16x1024xf32, #tpu.memory_space<vmem>>, vector<1x1x16xf32>,
      } {sc.loop_unroll_factor = 8 : i64, sc.parallel_access}
    } {sc.loop_unroll_factor = 1 : i64, sc.parallel_access}
    %add3A_465 = arith.constant 16 : i32
    %add3A_466 = arith.addi %mul3A_2, %add3A_465 : i32
    %dma_start3A_467 = arith.constant 1 : i32
    %dma_start3A_468 = arith.constant 0 : i32
    %dma_start3A_469 = arith.constant 1 : i32
    %dma_start3A_470 = arith.constant 0 : i32
    %dma_start3A_471 = arith.constant 0 : i32
    %dma_start3A_472 = tpu.memref_slice %arg7[%dma_start3A_467, %dma_start3A_470, %dma_start3A_471] : memref<3x16x1024xf32, #tpu.memory_space<vmem>> -> memref<1x16x1024xf32, #tpu.memory_space<vmem>>
    %dma_start3A_473 = tpu.memref_squeeze %dma_start3A_472 : memref<1x16x1024xf32, #tpu.memory_space<vmem>> -> memref<16x1024xf32, #tpu.memory_space<vmem>>
    %dma_start3A_474 = arith.constant 0 : i32
    %dma_start3A_475 = tpu.memref_slice %arg4[%dma_start3A_468, %add3A_466, %dma_start3A_474] : memref<4x2048x1024xf32, #tpu.memory_space<hbm>> -> memref<1x16x1024xf32, #tpu.memory_space<hbm>>
    %dma_start3A_476 = tpu.memref_squeeze %dma_start3A_475 : memref<1x16x1024xf32, #tpu.memory_space<hbm>> -> memref<16x1024xf32, #tpu.memory_space<hbm>>
    %dma_start3A_477 = tpu.memref_slice %arg9[%dma_start3A_469] : memref<3x!tpu.dma_semaphore, #tpu.memory_space<semaphore_mem>> -> memref<1x!tpu.dma_semaphore, #tpu.memory_space<semaphore_mem>>
    %dma_start3A_478 = tpu.memref_squeeze %dma_start3A_477 : memref<1x!tpu.dma_semaphore, #tpu.memory_space<semaphore_mem>> -> memref<!tpu.dma_semaphore, #tpu.memory_space<semaphore_mem>>
    %dma_start3A_479 = arith.constant 0 : i32
    %dma_start3A_480 = tpu.memref_slice %arg4[%dma_start3A_468, %add3A_466, %dma_start3A_479] : memref<4x2048x1024xf32, #tpu.memory_space<hbm>> -> memref<1x16x1024xf32, #tpu.memory_space<hbm>>
    %dma_start3A_481 = tpu.memref_squeeze %dma_start3A_480 : memref<1x16x1024xf32, #tpu.memory_space<hbm>> -> memref<16x1024xf32, #tpu.memory_space<hbm>>
    %dma_start3A_482 = arith.constant 0 : i32
    %dma_start3A_483 = arith.constant 0 : i32
    %dma_start3A_484 = tpu.memref_slice %arg7[%dma_start3A_467, %dma_start3A_482, %dma_start3A_483] : memref<3x16x1024xf32, #tpu.memory_space<vmem>> -> memref<1x16x1024xf32, #tpu.memory_space<vmem>>
    %dma_start3A_485 = tpu.memref_squeeze %dma_start3A_484 : memref<1x16x1024xf32, #tpu.memory_space<vmem>> -> memref<16x1024xf32, #tpu.memory_space<vmem>>
    tpu.enqueue_dma source(%dma_start3A_485 : memref<16x1024xf32, #tpu.memory_space<vmem>>) target(%dma_start3A_481 : memref<16x1024xf32, #tpu.memory_space<hbm>>) target_semaphore(%dma_start3A_478 : memref<!tpu.dma_semaphore, #tpu.memory_space<semaphore_mem>>)
    %add3A_486 = arith.constant 16 : i32
    %add3A_487 = arith.addi %mul3A_2, %add3A_486 : i32
    %dma_start3A_488 = arith.constant 3 : i32
    %dma_start3A_489 = arith.constant 1 : i32
    %dma_start3A_490 = arith.constant 1 : i32
    %dma_start3A_491 = arith.constant 0 : i32
    %dma_start3A_492 = arith.constant 0 : i32
    %dma_start3A_493 = tpu.memref_slice %arg5[%dma_start3A_489, %dma_start3A_491, %dma_start3A_492] : memref<3x16x1024xf32, #tpu.memory_space<vmem>> -> memref<1x16x1024xf32, #tpu.memory_space<vmem>>
    %dma_start3A_494 = tpu.memref_squeeze %dma_start3A_493 : memref<1x16x1024xf32, #tpu.memory_space<vmem>> -> memref<16x1024xf32, #tpu.memory_space<vmem>>
    %dma_start3A_495 = arith.constant 0 : i32
    %dma_start3A_496 = tpu.memref_slice %arg2[%dma_start3A_488, %add3A_487, %dma_start3A_495] : memref<4x2048x1024xf32, #tpu.memory_space<hbm>> -> memref<1x16x1024xf32, #tpu.memory_space<hbm>>
    %dma_start3A_497 = tpu.memref_squeeze %dma_start3A_496 : memref<1x16x1024xf32, #tpu.memory_space<hbm>> -> memref<16x1024xf32, #tpu.memory_space<hbm>>
    %dma_start3A_498 = tpu.memref_slice %arg8[%dma_start3A_490] : memref<3x!tpu.dma_semaphore, #tpu.memory_space<semaphore_mem>> -> memref<1x!tpu.dma_semaphore, #tpu.memory_space<semaphore_mem>>
    %dma_start3A_499 = tpu.memref_squeeze %dma_start3A_498 : memref<1x!tpu.dma_semaphore, #tpu.memory_space<semaphore_mem>> -> memref<!tpu.dma_semaphore, #tpu.memory_space<semaphore_mem>>
    %dma_start3A_500 = arith.constant 0 : i32
    %dma_start3A_501 = arith.constant 0 : i32
    %dma_start3A_502 = tpu.memref_slice %arg5[%dma_start3A_489, %dma_start3A_500, %dma_start3A_501] : memref<3x16x1024xf32, #tpu.memory_space<vmem>> -> memref<1x16x1024xf32, #tpu.memory_space<vmem>>
    %dma_start3A_503 = tpu.memref_squeeze %dma_start3A_502 : memref<1x16x1024xf32, #tpu.memory_space<vmem>> -> memref<16x1024xf32, #tpu.memory_space<vmem>>
    %dma_start3A_504 = arith.constant 0 : i32
    %dma_start3A_505 = tpu.memref_slice %arg2[%dma_start3A_488, %add3A_487, %dma_start3A_504] : memref<4x2048x1024xf32, #tpu.memory_space<hbm>> -> memref<1x16x1024xf32, #tpu.memory_space<hbm>>
    %dma_start3A_506 = tpu.memref_squeeze %dma_start3A_505 : memref<1x16x1024xf32, #tpu.memory_space<hbm>> -> memref<16x1024xf32, #tpu.memory_space<hbm>>
    tpu.enqueue_dma source(%dma_start3A_506 : memref<16x1024xf32, #tpu.memory_space<hbm>>) target(%dma_start3A_503 : memref<16x1024xf32, #tpu.memory_space<vmem>>) target_semaphore(%dma_start3A_499 : memref<!tpu.dma_semaphore, #tpu.memory_space<semaphore_mem>>)
    %dma_wait3A_507 = arith.constant 1 : i32
    %dma_wait3A_508 = arith.constant 2 : i32
    %dma_wait3A_509 = arith.constant 2 : i32
    %dma_wait3A_510 = arith.constant 0 : i32
    %dma_wait3A_511 = arith.constant 0 : i32
    %dma_wait3A_512 = tpu.memref_slice %arg5[%dma_wait3A_508, %dma_wait3A_510, %dma_wait3A_511] : memref<3x16x1024xf32, #tpu.memory_space<vmem>> -> memref<1x16x1024xf32, #tpu.memory_space<vmem>>
    %dma_wait3A_513 = tpu.memref_squeeze %dma_wait3A_512 : memref<1x16x1024xf32, #tpu.memory_space<vmem>> -> memref<16x1024xf32, #tpu.memory_space<vmem>>
    %dma_wait3A_514 = arith.constant 0 : i32
    %dma_wait3A_515 = tpu.memref_slice %arg2[%dma_wait3A_507, %add3A_287, %dma_wait3A_514] : memref<4x2048x1024xf32, #tpu.memory_space<hbm>> -> memref<1x16x1024xf32, #tpu.memory_space<hbm>>
    %dma_wait3A_516 = tpu.memref_squeeze %dma_wait3A_515 : memref<1x16x1024xf32, #tpu.memory_space<hbm>> -> memref<16x1024xf32, #tpu.memory_space<hbm>>
    %dma_wait3A_517 = tpu.memref_slice %arg8[%dma_wait3A_509] : memref<3x!tpu.dma_semaphore, #tpu.memory_space<semaphore_mem>> -> memref<1x!tpu.dma_semaphore, #tpu.memory_space<semaphore_mem>>
    %dma_wait3A_518 = tpu.memref_squeeze %dma_wait3A_517 : memref<1x!tpu.dma_semaphore, #tpu.memory_space<semaphore_mem>> -> memref<!tpu.dma_semaphore, #tpu.memory_space<semaphore_mem>>
    %dma_wait3A_519 = arith.constant 0 : i32
    %dma_wait3A_520 = arith.constant 0 : i32
    %dma_wait3A_521 = tpu.memref_slice %arg5[%dma_wait3A_508, %dma_wait3A_519, %dma_wait3A_520] : memref<3x16x1024xf32, #tpu.memory_space<vmem>> -> memref<1x16x1024xf32, #tpu.memory_space<vmem>>
    %dma_wait3A_522 = tpu.memref_squeeze %dma_wait3A_521 : memref<1x16x1024xf32, #tpu.memory_space<vmem>> -> memref<16x1024xf32, #tpu.memory_space<vmem>>
    %dma_wait3A_523 = arith.constant 0 : i32
    %dma_wait3A_524 = tpu.memref_slice %arg2[%dma_wait3A_507, %add3A_287, %dma_wait3A_523] : memref<4x2048x1024xf32, #tpu.memory_space<hbm>> -> memref<1x16x1024xf32, #tpu.memory_space<hbm>>
    %dma_wait3A_525 = tpu.memref_squeeze %dma_wait3A_524 : memref<1x16x1024xf32, #tpu.memory_space<hbm>> -> memref<16x1024xf32, #tpu.memory_space<hbm>>
    tpu.wait_dma2 semaphore(%dma_wait3A_518 : memref<!tpu.dma_semaphore, #tpu.memory_space<semaphore_mem>>) src(%dma_wait3A_525 : memref<16x1024xf32, #tpu.memory_space<hbm>>) dst(%dma_wait3A_522 : memref<16x1024xf32, #tpu.memory_space<vmem>>)
    %dma_wait3A_526 = arith.constant 2 : i32
    %dma_wait3A_527 = arith.constant 2 : i32
    %dma_wait3A_528 = arith.constant 2 : i32
    %dma_wait3A_529 = arith.constant 0 : i32
    %dma_wait3A_530 = arith.constant 0 : i32
    %dma_wait3A_531 = tpu.memref_slice %arg7[%dma_wait3A_526, %dma_wait3A_529, %dma_wait3A_530] : memref<3x16x1024xf32, #tpu.memory_space<vmem>> -> memref<1x16x1024xf32, #tpu.memory_space<vmem>>
    %dma_wait3A_532 = tpu.memref_squeeze %dma_wait3A_531 : memref<1x16x1024xf32, #tpu.memory_space<vmem>> -> memref<16x1024xf32, #tpu.memory_space<vmem>>
    %dma_wait3A_533 = arith.constant 0 : i32
    %dma_wait3A_534 = tpu.memref_slice %arg4[%dma_wait3A_527, %add3A_266, %dma_wait3A_533] : memref<4x2048x1024xf32, #tpu.memory_space<hbm>> -> memref<1x16x1024xf32, #tpu.memory_space<hbm>>
    %dma_wait3A_535 = tpu.memref_squeeze %dma_wait3A_534 : memref<1x16x1024xf32, #tpu.memory_space<hbm>> -> memref<16x1024xf32, #tpu.memory_space<hbm>>
    %dma_wait3A_536 = tpu.memref_slice %arg9[%dma_wait3A_528] : memref<3x!tpu.dma_semaphore, #tpu.memory_space<semaphore_mem>> -> memref<1x!tpu.dma_semaphore, #tpu.memory_space<semaphore_mem>>
    %dma_wait3A_537 = tpu.memref_squeeze %dma_wait3A_536 : memref<1x!tpu.dma_semaphore, #tpu.memory_space<semaphore_mem>> -> memref<!tpu.dma_semaphore, #tpu.memory_space<semaphore_mem>>
    %dma_wait3A_538 = arith.constant 0 : i32
    %dma_wait3A_539 = tpu.memref_slice %arg4[%dma_wait3A_527, %add3A_266, %dma_wait3A_538] : memref<4x2048x1024xf32, #tpu.memory_space<hbm>> -> memref<1x16x1024xf32, #tpu.memory_space<hbm>>
    %dma_wait3A_540 = tpu.memref_squeeze %dma_wait3A_539 : memref<1x16x1024xf32, #tpu.memory_space<hbm>> -> memref<16x1024xf32, #tpu.memory_space<hbm>>
    %dma_wait3A_541 = arith.constant 0 : i32
    %dma_wait3A_542 = arith.constant 0 : i32
    %dma_wait3A_543 = tpu.memref_slice %arg7[%dma_wait3A_526, %dma_wait3A_541, %dma_wait3A_542] : memref<3x16x1024xf32, #tpu.memory_space<vmem>> -> memref<1x16x1024xf32, #tpu.memory_space<vmem>>
    %dma_wait3A_544 = tpu.memref_squeeze %dma_wait3A_543 : memref<1x16x1024xf32, #tpu.memory_space<vmem>> -> memref<16x1024xf32, #tpu.memory_space<vmem>>
    tpu.wait_dma2 semaphore(%dma_wait3A_537 : memref<!tpu.dma_semaphore, #tpu.memory_space<semaphore_mem>>) src(%dma_wait3A_544 : memref<16x1024xf32, #tpu.memory_space<vmem>>) dst(%dma_wait3A_540 : memref<16x1024xf32, #tpu.memory_space<hbm>>)
    %parallel_loop3A_545 = arith.constant 0 : i32
    %parallel_loop3A_546 = arith.constant 16 : i32
    %parallel_loop3A_547 = arith.constant 1 : i32
    scf.for %parallel_loop3A_1464 = %parallel_loop3A_545 to %parallel_loop3A_546 step %parallel_loop3A_547  : i32 {
      %parallel_loop3A_1465 = arith.constant 0 : i32
      %parallel_loop3A_1466 = arith.constant 64 : i32
      %parallel_loop3A_1467 = arith.constant 1 : i32
      scf.for %parallel_loop3A_1468 = %parallel_loop3A_1465 to %parallel_loop3A_1466 step %parallel_loop3A_1467  : i32 {
        %parallel_loop3A_1469 = arith.constant 16 : i32
        %parallel_loop3A_1470 = arith.muli %parallel_loop3A_1468, %parallel_loop3A_1469 : i32
        %parallel_loop3A_1471 = arith.constant 2 : i32
        %parallel_loop3A_1472 = arith.index_cast %parallel_loop3A_1471 : i32 to index
        %parallel_loop3A_1473 = arith.index_cast %parallel_loop3A_1464 : i32 to index
        %parallel_loop3A_1474 = arith.index_cast %parallel_loop3A_1470 : i32 to index
        %parallel_loop3A_1475 = tpu.vector_load %arg5[%parallel_loop3A_1472, %parallel_loop3A_1473, %parallel_loop3A_1474] {strides = array<i32>} : memref<3x16x1024xf32, #tpu.memory_space<vmem>>, vector<1x1x16xf32>,
        %parallel_loop3A_1476 = vector.shape_cast %parallel_loop3A_1475 : vector<1x1x16xf32> to vector<16xf32>
        %parallel_loop3A_1477 = arith.constant 1 : i32
        %parallel_loop3A_1478 = arith.index_cast %parallel_loop3A_1477 : i32 to index
        %parallel_loop3A_1479 = arith.index_cast %parallel_loop3A_1464 : i32 to index
        %parallel_loop3A_1480 = arith.index_cast %parallel_loop3A_1470 : i32 to index
        %parallel_loop3A_1481 = tpu.vector_load %arg6[%parallel_loop3A_1478, %parallel_loop3A_1479, %parallel_loop3A_1480] {strides = array<i32>} : memref<2x16x1024xf32, #tpu.memory_space<vmem>>, vector<1x1x16xf32>,
        %parallel_loop3A_1482 = vector.shape_cast %parallel_loop3A_1481 : vector<1x1x16xf32> to vector<16xf32>
        %parallel_loop3A_1483 = arith.addf %parallel_loop3A_1476, %parallel_loop3A_1482 : vector<16xf32>
        %parallel_loop3A_1484 = arith.constant 2 : i32
        %parallel_loop3A_1485 = arith.index_cast %parallel_loop3A_1484 : i32 to index
        %parallel_loop3A_1486 = arith.index_cast %parallel_loop3A_1464 : i32 to index
        %parallel_loop3A_1487 = arith.index_cast %parallel_loop3A_1470 : i32 to index
        %parallel_loop3A_1488 = tpu.vector_load %arg7[%parallel_loop3A_1485, %parallel_loop3A_1486, %parallel_loop3A_1487] {strides = array<i32>} : memref<3x16x1024xf32, #tpu.memory_space<vmem>>, vector<1x1x16xf32>,
        %parallel_loop3A_1489 = vector.shape_cast %parallel_loop3A_1488 : vector<1x1x16xf32> to vector<16xf32>
        %parallel_loop3A_1490 = vector.shape_cast %parallel_loop3A_1483 : vector<16xf32> to vector<1x1x16xf32>
        tpu.vector_store %arg7[%parallel_loop3A_1485, %parallel_loop3A_1486, %parallel_loop3A_1487], %parallel_loop3A_1490 {strides = array<i32>} : memref<3x16x1024xf32, #tpu.memory_space<vmem>>, vector<1x1x16xf32>,
      } {sc.loop_unroll_factor = 8 : i64, sc.parallel_access}
    } {sc.loop_unroll_factor = 1 : i64, sc.parallel_access}
    %add3A_548 = arith.constant 16 : i32
    %add3A_549 = arith.addi %mul3A_2, %add3A_548 : i32
    %dma_start3A_550 = arith.constant 2 : i32
    %dma_start3A_551 = arith.constant 1 : i32
    %dma_start3A_552 = arith.constant 2 : i32
    %dma_start3A_553 = arith.constant 0 : i32
    %dma_start3A_554 = arith.constant 0 : i32
    %dma_start3A_555 = tpu.memref_slice %arg7[%dma_start3A_550, %dma_start3A_553, %dma_start3A_554] : memref<3x16x1024xf32, #tpu.memory_space<vmem>> -> memref<1x16x1024xf32, #tpu.memory_space<vmem>>
    %dma_start3A_556 = tpu.memref_squeeze %dma_start3A_555 : memref<1x16x1024xf32, #tpu.memory_space<vmem>> -> memref<16x1024xf32, #tpu.memory_space<vmem>>
    %dma_start3A_557 = arith.constant 0 : i32
    %dma_start3A_558 = tpu.memref_slice %arg4[%dma_start3A_551, %add3A_549, %dma_start3A_557] : memref<4x2048x1024xf32, #tpu.memory_space<hbm>> -> memref<1x16x1024xf32, #tpu.memory_space<hbm>>
    %dma_start3A_559 = tpu.memref_squeeze %dma_start3A_558 : memref<1x16x1024xf32, #tpu.memory_space<hbm>> -> memref<16x1024xf32, #tpu.memory_space<hbm>>
    %dma_start3A_560 = tpu.memref_slice %arg9[%dma_start3A_552] : memref<3x!tpu.dma_semaphore, #tpu.memory_space<semaphore_mem>> -> memref<1x!tpu.dma_semaphore, #tpu.memory_space<semaphore_mem>>
    %dma_start3A_561 = tpu.memref_squeeze %dma_start3A_560 : memref<1x!tpu.dma_semaphore, #tpu.memory_space<semaphore_mem>> -> memref<!tpu.dma_semaphore, #tpu.memory_space<semaphore_mem>>
    %dma_start3A_562 = arith.constant 0 : i32
    %dma_start3A_563 = tpu.memref_slice %arg4[%dma_start3A_551, %add3A_549, %dma_start3A_562] : memref<4x2048x1024xf32, #tpu.memory_space<hbm>> -> memref<1x16x1024xf32, #tpu.memory_space<hbm>>
    %dma_start3A_564 = tpu.memref_squeeze %dma_start3A_563 : memref<1x16x1024xf32, #tpu.memory_space<hbm>> -> memref<16x1024xf32, #tpu.memory_space<hbm>>
    %dma_start3A_565 = arith.constant 0 : i32
    %dma_start3A_566 = arith.constant 0 : i32
    %dma_start3A_567 = tpu.memref_slice %arg7[%dma_start3A_550, %dma_start3A_565, %dma_start3A_566] : memref<3x16x1024xf32, #tpu.memory_space<vmem>> -> memref<1x16x1024xf32, #tpu.memory_space<vmem>>
    %dma_start3A_568 = tpu.memref_squeeze %dma_start3A_567 : memref<1x16x1024xf32, #tpu.memory_space<vmem>> -> memref<16x1024xf32, #tpu.memory_space<vmem>>
    tpu.enqueue_dma source(%dma_start3A_568 : memref<16x1024xf32, #tpu.memory_space<vmem>>) target(%dma_start3A_564 : memref<16x1024xf32, #tpu.memory_space<hbm>>) target_semaphore(%dma_start3A_561 : memref<!tpu.dma_semaphore, #tpu.memory_space<semaphore_mem>>)
    %add3A_569 = arith.constant 32 : i32
    %add3A_570 = arith.addi %mul3A_2, %add3A_569 : i32
    %dma_start3A_571 = arith.constant 0 : i32
    %dma_start3A_572 = arith.constant 2 : i32
    %dma_start3A_573 = arith.constant 2 : i32
    %dma_start3A_574 = arith.constant 0 : i32
    %dma_start3A_575 = arith.constant 0 : i32
    %dma_start3A_576 = tpu.memref_slice %arg5[%dma_start3A_572, %dma_start3A_574, %dma_start3A_575] : memref<3x16x1024xf32, #tpu.memory_space<vmem>> -> memref<1x16x1024xf32, #tpu.memory_space<vmem>>
    %dma_start3A_577 = tpu.memref_squeeze %dma_start3A_576 : memref<1x16x1024xf32, #tpu.memory_space<vmem>> -> memref<16x1024xf32, #tpu.memory_space<vmem>>
    %dma_start3A_578 = arith.constant 0 : i32
    %dma_start3A_579 = tpu.memref_slice %arg2[%dma_start3A_571, %add3A_570, %dma_start3A_578] : memref<4x2048x1024xf32, #tpu.memory_space<hbm>> -> memref<1x16x1024xf32, #tpu.memory_space<hbm>>
    %dma_start3A_580 = tpu.memref_squeeze %dma_start3A_579 : memref<1x16x1024xf32, #tpu.memory_space<hbm>> -> memref<16x1024xf32, #tpu.memory_space<hbm>>
    %dma_start3A_581 = tpu.memref_slice %arg8[%dma_start3A_573] : memref<3x!tpu.dma_semaphore, #tpu.memory_space<semaphore_mem>> -> memref<1x!tpu.dma_semaphore, #tpu.memory_space<semaphore_mem>>
    %dma_start3A_582 = tpu.memref_squeeze %dma_start3A_581 : memref<1x!tpu.dma_semaphore, #tpu.memory_space<semaphore_mem>> -> memref<!tpu.dma_semaphore, #tpu.memory_space<semaphore_mem>>
    %dma_start3A_583 = arith.constant 0 : i32
    %dma_start3A_584 = arith.constant 0 : i32
    %dma_start3A_585 = tpu.memref_slice %arg5[%dma_start3A_572, %dma_start3A_583, %dma_start3A_584] : memref<3x16x1024xf32, #tpu.memory_space<vmem>> -> memref<1x16x1024xf32, #tpu.memory_space<vmem>>
    %dma_start3A_586 = tpu.memref_squeeze %dma_start3A_585 : memref<1x16x1024xf32, #tpu.memory_space<vmem>> -> memref<16x1024xf32, #tpu.memory_space<vmem>>
    %dma_start3A_587 = arith.constant 0 : i32
    %dma_start3A_588 = tpu.memref_slice %arg2[%dma_start3A_571, %add3A_570, %dma_start3A_587] : memref<4x2048x1024xf32, #tpu.memory_space<hbm>> -> memref<1x16x1024xf32, #tpu.memory_space<hbm>>
    %dma_start3A_589 = tpu.memref_squeeze %dma_start3A_588 : memref<1x16x1024xf32, #tpu.memory_space<hbm>> -> memref<16x1024xf32, #tpu.memory_space<hbm>>
    tpu.enqueue_dma source(%dma_start3A_589 : memref<16x1024xf32, #tpu.memory_space<hbm>>) target(%dma_start3A_586 : memref<16x1024xf32, #tpu.memory_space<vmem>>) target_semaphore(%dma_start3A_582 : memref<!tpu.dma_semaphore, #tpu.memory_space<semaphore_mem>>)
    %dma_wait3A_590 = arith.constant 2 : i32
    %dma_wait3A_591 = arith.constant 0 : i32
    %dma_wait3A_592 = arith.constant 0 : i32
    %dma_wait3A_593 = arith.constant 0 : i32
    %dma_wait3A_594 = arith.constant 0 : i32
    %dma_wait3A_595 = tpu.memref_slice %arg5[%dma_wait3A_591, %dma_wait3A_593, %dma_wait3A_594] : memref<3x16x1024xf32, #tpu.memory_space<vmem>> -> memref<1x16x1024xf32, #tpu.memory_space<vmem>>
    %dma_wait3A_596 = tpu.memref_squeeze %dma_wait3A_595 : memref<1x16x1024xf32, #tpu.memory_space<vmem>> -> memref<16x1024xf32, #tpu.memory_space<vmem>>
    %dma_wait3A_597 = arith.constant 0 : i32
    %dma_wait3A_598 = tpu.memref_slice %arg2[%dma_wait3A_590, %add3A_370, %dma_wait3A_597] : memref<4x2048x1024xf32, #tpu.memory_space<hbm>> -> memref<1x16x1024xf32, #tpu.memory_space<hbm>>
    %dma_wait3A_599 = tpu.memref_squeeze %dma_wait3A_598 : memref<1x16x1024xf32, #tpu.memory_space<hbm>> -> memref<16x1024xf32, #tpu.memory_space<hbm>>
    %dma_wait3A_600 = tpu.memref_slice %arg8[%dma_wait3A_592] : memref<3x!tpu.dma_semaphore, #tpu.memory_space<semaphore_mem>> -> memref<1x!tpu.dma_semaphore, #tpu.memory_space<semaphore_mem>>
    %dma_wait3A_601 = tpu.memref_squeeze %dma_wait3A_600 : memref<1x!tpu.dma_semaphore, #tpu.memory_space<semaphore_mem>> -> memref<!tpu.dma_semaphore, #tpu.memory_space<semaphore_mem>>
    %dma_wait3A_602 = arith.constant 0 : i32
    %dma_wait3A_603 = arith.constant 0 : i32
    %dma_wait3A_604 = tpu.memref_slice %arg5[%dma_wait3A_591, %dma_wait3A_602, %dma_wait3A_603] : memref<3x16x1024xf32, #tpu.memory_space<vmem>> -> memref<1x16x1024xf32, #tpu.memory_space<vmem>>
    %dma_wait3A_605 = tpu.memref_squeeze %dma_wait3A_604 : memref<1x16x1024xf32, #tpu.memory_space<vmem>> -> memref<16x1024xf32, #tpu.memory_space<vmem>>
    %dma_wait3A_606 = arith.constant 0 : i32
    %dma_wait3A_607 = tpu.memref_slice %arg2[%dma_wait3A_590, %add3A_370, %dma_wait3A_606] : memref<4x2048x1024xf32, #tpu.memory_space<hbm>> -> memref<1x16x1024xf32, #tpu.memory_space<hbm>>
    %dma_wait3A_608 = tpu.memref_squeeze %dma_wait3A_607 : memref<1x16x1024xf32, #tpu.memory_space<hbm>> -> memref<16x1024xf32, #tpu.memory_space<hbm>>
    tpu.wait_dma2 semaphore(%dma_wait3A_601 : memref<!tpu.dma_semaphore, #tpu.memory_space<semaphore_mem>>) src(%dma_wait3A_608 : memref<16x1024xf32, #tpu.memory_space<hbm>>) dst(%dma_wait3A_605 : memref<16x1024xf32, #tpu.memory_space<vmem>>)
    %dma_wait3A_609 = arith.constant 0 : i32
    %dma_wait3A_610 = arith.constant 3 : i32
    %dma_wait3A_611 = arith.constant 0 : i32
    %dma_wait3A_612 = arith.constant 0 : i32
    %dma_wait3A_613 = arith.constant 0 : i32
    %dma_wait3A_614 = tpu.memref_slice %arg7[%dma_wait3A_609, %dma_wait3A_612, %dma_wait3A_613] : memref<3x16x1024xf32, #tpu.memory_space<vmem>> -> memref<1x16x1024xf32, #tpu.memory_space<vmem>>
    %dma_wait3A_615 = tpu.memref_squeeze %dma_wait3A_614 : memref<1x16x1024xf32, #tpu.memory_space<vmem>> -> memref<16x1024xf32, #tpu.memory_space<vmem>>
    %dma_wait3A_616 = arith.constant 0 : i32
    %dma_wait3A_617 = tpu.memref_slice %arg4[%dma_wait3A_610, %add3A_349, %dma_wait3A_616] : memref<4x2048x1024xf32, #tpu.memory_space<hbm>> -> memref<1x16x1024xf32, #tpu.memory_space<hbm>>
    %dma_wait3A_618 = tpu.memref_squeeze %dma_wait3A_617 : memref<1x16x1024xf32, #tpu.memory_space<hbm>> -> memref<16x1024xf32, #tpu.memory_space<hbm>>
    %dma_wait3A_619 = tpu.memref_slice %arg9[%dma_wait3A_611] : memref<3x!tpu.dma_semaphore, #tpu.memory_space<semaphore_mem>> -> memref<1x!tpu.dma_semaphore, #tpu.memory_space<semaphore_mem>>
    %dma_wait3A_620 = tpu.memref_squeeze %dma_wait3A_619 : memref<1x!tpu.dma_semaphore, #tpu.memory_space<semaphore_mem>> -> memref<!tpu.dma_semaphore, #tpu.memory_space<semaphore_mem>>
    %dma_wait3A_621 = arith.constant 0 : i32
    %dma_wait3A_622 = tpu.memref_slice %arg4[%dma_wait3A_610, %add3A_349, %dma_wait3A_621] : memref<4x2048x1024xf32, #tpu.memory_space<hbm>> -> memref<1x16x1024xf32, #tpu.memory_space<hbm>>
    %dma_wait3A_623 = tpu.memref_squeeze %dma_wait3A_622 : memref<1x16x1024xf32, #tpu.memory_space<hbm>> -> memref<16x1024xf32, #tpu.memory_space<hbm>>
    %dma_wait3A_624 = arith.constant 0 : i32
    %dma_wait3A_625 = arith.constant 0 : i32
    %dma_wait3A_626 = tpu.memref_slice %arg7[%dma_wait3A_609, %dma_wait3A_624, %dma_wait3A_625] : memref<3x16x1024xf32, #tpu.memory_space<vmem>> -> memref<1x16x1024xf32, #tpu.memory_space<vmem>>
    %dma_wait3A_627 = tpu.memref_squeeze %dma_wait3A_626 : memref<1x16x1024xf32, #tpu.memory_space<vmem>> -> memref<16x1024xf32, #tpu.memory_space<vmem>>
    tpu.wait_dma2 semaphore(%dma_wait3A_620 : memref<!tpu.dma_semaphore, #tpu.memory_space<semaphore_mem>>) src(%dma_wait3A_627 : memref<16x1024xf32, #tpu.memory_space<vmem>>) dst(%dma_wait3A_623 : memref<16x1024xf32, #tpu.memory_space<hbm>>)
    %parallel_loop3A_628 = arith.constant 0 : i32
    %parallel_loop3A_629 = arith.constant 16 : i32
    %parallel_loop3A_630 = arith.constant 1 : i32
    scf.for %parallel_loop3A_1464 = %parallel_loop3A_628 to %parallel_loop3A_629 step %parallel_loop3A_630  : i32 {
      %parallel_loop3A_1465 = arith.constant 0 : i32
      %parallel_loop3A_1466 = arith.constant 64 : i32
      %parallel_loop3A_1467 = arith.constant 1 : i32
      scf.for %parallel_loop3A_1468 = %parallel_loop3A_1465 to %parallel_loop3A_1466 step %parallel_loop3A_1467  : i32 {
        %parallel_loop3A_1469 = arith.constant 16 : i32
        %parallel_loop3A_1470 = arith.muli %parallel_loop3A_1468, %parallel_loop3A_1469 : i32
        %parallel_loop3A_1471 = arith.constant 0 : i32
        %parallel_loop3A_1472 = arith.index_cast %parallel_loop3A_1471 : i32 to index
        %parallel_loop3A_1473 = arith.index_cast %parallel_loop3A_1464 : i32 to index
        %parallel_loop3A_1474 = arith.index_cast %parallel_loop3A_1470 : i32 to index
        %parallel_loop3A_1475 = tpu.vector_load %arg5[%parallel_loop3A_1472, %parallel_loop3A_1473, %parallel_loop3A_1474] {strides = array<i32>} : memref<3x16x1024xf32, #tpu.memory_space<vmem>>, vector<1x1x16xf32>,
        %parallel_loop3A_1476 = vector.shape_cast %parallel_loop3A_1475 : vector<1x1x16xf32> to vector<16xf32>
        %parallel_loop3A_1477 = arith.constant 1 : i32
        %parallel_loop3A_1478 = arith.index_cast %parallel_loop3A_1477 : i32 to index
        %parallel_loop3A_1479 = arith.index_cast %parallel_loop3A_1464 : i32 to index
        %parallel_loop3A_1480 = arith.index_cast %parallel_loop3A_1470 : i32 to index
        %parallel_loop3A_1481 = tpu.vector_load %arg6[%parallel_loop3A_1478, %parallel_loop3A_1479, %parallel_loop3A_1480] {strides = array<i32>} : memref<2x16x1024xf32, #tpu.memory_space<vmem>>, vector<1x1x16xf32>,
        %parallel_loop3A_1482 = vector.shape_cast %parallel_loop3A_1481 : vector<1x1x16xf32> to vector<16xf32>
        %parallel_loop3A_1483 = arith.addf %parallel_loop3A_1476, %parallel_loop3A_1482 : vector<16xf32>
        %parallel_loop3A_1484 = arith.constant 0 : i32
        %parallel_loop3A_1485 = arith.index_cast %parallel_loop3A_1484 : i32 to index
        %parallel_loop3A_1486 = arith.index_cast %parallel_loop3A_1464 : i32 to index
        %parallel_loop3A_1487 = arith.index_cast %parallel_loop3A_1470 : i32 to index
        %parallel_loop3A_1488 = tpu.vector_load %arg7[%parallel_loop3A_1485, %parallel_loop3A_1486, %parallel_loop3A_1487] {strides = array<i32>} : memref<3x16x1024xf32, #tpu.memory_space<vmem>>, vector<1x1x16xf32>,
        %parallel_loop3A_1489 = vector.shape_cast %parallel_loop3A_1488 : vector<1x1x16xf32> to vector<16xf32>
        %parallel_loop3A_1490 = vector.shape_cast %parallel_loop3A_1483 : vector<16xf32> to vector<1x1x16xf32>
        tpu.vector_store %arg7[%parallel_loop3A_1485, %parallel_loop3A_1486, %parallel_loop3A_1487], %parallel_loop3A_1490 {strides = array<i32>} : memref<3x16x1024xf32, #tpu.memory_space<vmem>>, vector<1x1x16xf32>,
      } {sc.loop_unroll_factor = 8 : i64, sc.parallel_access}
    } {sc.loop_unroll_factor = 1 : i64, sc.parallel_access}
    %add3A_631 = arith.constant 16 : i32
    %add3A_632 = arith.addi %mul3A_2, %add3A_631 : i32
    %dma_start3A_633 = arith.constant 0 : i32
    %dma_start3A_634 = arith.constant 2 : i32
    %dma_start3A_635 = arith.constant 0 : i32
    %dma_start3A_636 = arith.constant 0 : i32
    %dma_start3A_637 = arith.constant 0 : i32
    %dma_start3A_638 = tpu.memref_slice %arg7[%dma_start3A_633, %dma_start3A_636, %dma_start3A_637] : memref<3x16x1024xf32, #tpu.memory_space<vmem>> -> memref<1x16x1024xf32, #tpu.memory_space<vmem>>
    %dma_start3A_639 = tpu.memref_squeeze %dma_start3A_638 : memref<1x16x1024xf32, #tpu.memory_space<vmem>> -> memref<16x1024xf32, #tpu.memory_space<vmem>>
    %dma_start3A_640 = arith.constant 0 : i32
    %dma_start3A_641 = tpu.memref_slice %arg4[%dma_start3A_634, %add3A_632, %dma_start3A_640] : memref<4x2048x1024xf32, #tpu.memory_space<hbm>> -> memref<1x16x1024xf32, #tpu.memory_space<hbm>>
    %dma_start3A_642 = tpu.memref_squeeze %dma_start3A_641 : memref<1x16x1024xf32, #tpu.memory_space<hbm>> -> memref<16x1024xf32, #tpu.memory_space<hbm>>
    %dma_start3A_643 = tpu.memref_slice %arg9[%dma_start3A_635] : memref<3x!tpu.dma_semaphore, #tpu.memory_space<semaphore_mem>> -> memref<1x!tpu.dma_semaphore, #tpu.memory_space<semaphore_mem>>
    %dma_start3A_644 = tpu.memref_squeeze %dma_start3A_643 : memref<1x!tpu.dma_semaphore, #tpu.memory_space<semaphore_mem>> -> memref<!tpu.dma_semaphore, #tpu.memory_space<semaphore_mem>>
    %dma_start3A_645 = arith.constant 0 : i32
    %dma_start3A_646 = tpu.memref_slice %arg4[%dma_start3A_634, %add3A_632, %dma_start3A_645] : memref<4x2048x1024xf32, #tpu.memory_space<hbm>> -> memref<1x16x1024xf32, #tpu.memory_space<hbm>>
    %dma_start3A_647 = tpu.memref_squeeze %dma_start3A_646 : memref<1x16x1024xf32, #tpu.memory_space<hbm>> -> memref<16x1024xf32, #tpu.memory_space<hbm>>
    %dma_start3A_648 = arith.constant 0 : i32
    %dma_start3A_649 = arith.constant 0 : i32
    %dma_start3A_650 = tpu.memref_slice %arg7[%dma_start3A_633, %dma_start3A_648, %dma_start3A_649] : memref<3x16x1024xf32, #tpu.memory_space<vmem>> -> memref<1x16x1024xf32, #tpu.memory_space<vmem>>
    %dma_start3A_651 = tpu.memref_squeeze %dma_start3A_650 : memref<1x16x1024xf32, #tpu.memory_space<vmem>> -> memref<16x1024xf32, #tpu.memory_space<vmem>>
    tpu.enqueue_dma source(%dma_start3A_651 : memref<16x1024xf32, #tpu.memory_space<vmem>>) target(%dma_start3A_647 : memref<16x1024xf32, #tpu.memory_space<hbm>>) target_semaphore(%dma_start3A_644 : memref<!tpu.dma_semaphore, #tpu.memory_space<semaphore_mem>>)
    %add3A_652 = arith.constant 32 : i32
    %add3A_653 = arith.addi %mul3A_2, %add3A_652 : i32
    %dma_start3A_654 = arith.constant 1 : i32
    %dma_start3A_655 = arith.constant 0 : i32
    %dma_start3A_656 = arith.constant 0 : i32
    %dma_start3A_657 = arith.constant 0 : i32
    %dma_start3A_658 = arith.constant 0 : i32
    %dma_start3A_659 = tpu.memref_slice %arg5[%dma_start3A_655, %dma_start3A_657, %dma_start3A_658] : memref<3x16x1024xf32, #tpu.memory_space<vmem>> -> memref<1x16x1024xf32, #tpu.memory_space<vmem>>
    %dma_start3A_660 = tpu.memref_squeeze %dma_start3A_659 : memref<1x16x1024xf32, #tpu.memory_space<vmem>> -> memref<16x1024xf32, #tpu.memory_space<vmem>>
    %dma_start3A_661 = arith.constant 0 : i32
    %dma_start3A_662 = tpu.memref_slice %arg2[%dma_start3A_654, %add3A_653, %dma_start3A_661] : memref<4x2048x1024xf32, #tpu.memory_space<hbm>> -> memref<1x16x1024xf32, #tpu.memory_space<hbm>>
    %dma_start3A_663 = tpu.memref_squeeze %dma_start3A_662 : memref<1x16x1024xf32, #tpu.memory_space<hbm>> -> memref<16x1024xf32, #tpu.memory_space<hbm>>
    %dma_start3A_664 = tpu.memref_slice %arg8[%dma_start3A_656] : memref<3x!tpu.dma_semaphore, #tpu.memory_space<semaphore_mem>> -> memref<1x!tpu.dma_semaphore, #tpu.memory_space<semaphore_mem>>
    %dma_start3A_665 = tpu.memref_squeeze %dma_start3A_664 : memref<1x!tpu.dma_semaphore, #tpu.memory_space<semaphore_mem>> -> memref<!tpu.dma_semaphore, #tpu.memory_space<semaphore_mem>>
    %dma_start3A_666 = arith.constant 0 : i32
    %dma_start3A_667 = arith.constant 0 : i32
    %dma_start3A_668 = tpu.memref_slice %arg5[%dma_start3A_655, %dma_start3A_666, %dma_start3A_667] : memref<3x16x1024xf32, #tpu.memory_space<vmem>> -> memref<1x16x1024xf32, #tpu.memory_space<vmem>>
    %dma_start3A_669 = tpu.memref_squeeze %dma_start3A_668 : memref<1x16x1024xf32, #tpu.memory_space<vmem>> -> memref<16x1024xf32, #tpu.memory_space<vmem>>
    %dma_start3A_670 = arith.constant 0 : i32
    %dma_start3A_671 = tpu.memref_slice %arg2[%dma_start3A_654, %add3A_653, %dma_start3A_670] : memref<4x2048x1024xf32, #tpu.memory_space<hbm>> -> memref<1x16x1024xf32, #tpu.memory_space<hbm>>
    %dma_start3A_672 = tpu.memref_squeeze %dma_start3A_671 : memref<1x16x1024xf32, #tpu.memory_space<hbm>> -> memref<16x1024xf32, #tpu.memory_space<hbm>>
    tpu.enqueue_dma source(%dma_start3A_672 : memref<16x1024xf32, #tpu.memory_space<hbm>>) target(%dma_start3A_669 : memref<16x1024xf32, #tpu.memory_space<vmem>>) target_semaphore(%dma_start3A_665 : memref<!tpu.dma_semaphore, #tpu.memory_space<semaphore_mem>>)
    %dma_wait3A_673 = arith.constant 3 : i32
    %dma_wait3A_674 = arith.constant 1 : i32
    %dma_wait3A_675 = arith.constant 1 : i32
    %dma_wait3A_676 = arith.constant 0 : i32
    %dma_wait3A_677 = arith.constant 0 : i32
    %dma_wait3A_678 = tpu.memref_slice %arg5[%dma_wait3A_674, %dma_wait3A_676, %dma_wait3A_677] : memref<3x16x1024xf32, #tpu.memory_space<vmem>> -> memref<1x16x1024xf32, #tpu.memory_space<vmem>>
    %dma_wait3A_679 = tpu.memref_squeeze %dma_wait3A_678 : memref<1x16x1024xf32, #tpu.memory_space<vmem>> -> memref<16x1024xf32, #tpu.memory_space<vmem>>
    %dma_wait3A_680 = arith.constant 0 : i32
    %dma_wait3A_681 = tpu.memref_slice %arg2[%dma_wait3A_673, %add3A_487, %dma_wait3A_680] : memref<4x2048x1024xf32, #tpu.memory_space<hbm>> -> memref<1x16x1024xf32, #tpu.memory_space<hbm>>
    %dma_wait3A_682 = tpu.memref_squeeze %dma_wait3A_681 : memref<1x16x1024xf32, #tpu.memory_space<hbm>> -> memref<16x1024xf32, #tpu.memory_space<hbm>>
    %dma_wait3A_683 = tpu.memref_slice %arg8[%dma_wait3A_675] : memref<3x!tpu.dma_semaphore, #tpu.memory_space<semaphore_mem>> -> memref<1x!tpu.dma_semaphore, #tpu.memory_space<semaphore_mem>>
    %dma_wait3A_684 = tpu.memref_squeeze %dma_wait3A_683 : memref<1x!tpu.dma_semaphore, #tpu.memory_space<semaphore_mem>> -> memref<!tpu.dma_semaphore, #tpu.memory_space<semaphore_mem>>
    %dma_wait3A_685 = arith.constant 0 : i32
    %dma_wait3A_686 = arith.constant 0 : i32
    %dma_wait3A_687 = tpu.memref_slice %arg5[%dma_wait3A_674, %dma_wait3A_685, %dma_wait3A_686] : memref<3x16x1024xf32, #tpu.memory_space<vmem>> -> memref<1x16x1024xf32, #tpu.memory_space<vmem>>
    %dma_wait3A_688 = tpu.memref_squeeze %dma_wait3A_687 : memref<1x16x1024xf32, #tpu.memory_space<vmem>> -> memref<16x1024xf32, #tpu.memory_space<vmem>>
    %dma_wait3A_689 = arith.constant 0 : i32
    %dma_wait3A_690 = tpu.memref_slice %arg2[%dma_wait3A_673, %add3A_487, %dma_wait3A_689] : memref<4x2048x1024xf32, #tpu.memory_space<hbm>> -> memref<1x16x1024xf32, #tpu.memory_space<hbm>>
    %dma_wait3A_691 = tpu.memref_squeeze %dma_wait3A_690 : memref<1x16x1024xf32, #tpu.memory_space<hbm>> -> memref<16x1024xf32, #tpu.memory_space<hbm>>
    tpu.wait_dma2 semaphore(%dma_wait3A_684 : memref<!tpu.dma_semaphore, #tpu.memory_space<semaphore_mem>>) src(%dma_wait3A_691 : memref<16x1024xf32, #tpu.memory_space<hbm>>) dst(%dma_wait3A_688 : memref<16x1024xf32, #tpu.memory_space<vmem>>)
    %dma_wait3A_692 = arith.constant 1 : i32
    %dma_wait3A_693 = arith.constant 0 : i32
    %dma_wait3A_694 = arith.constant 1 : i32
    %dma_wait3A_695 = arith.constant 0 : i32
    %dma_wait3A_696 = arith.constant 0 : i32
    %dma_wait3A_697 = tpu.memref_slice %arg7[%dma_wait3A_692, %dma_wait3A_695, %dma_wait3A_696] : memref<3x16x1024xf32, #tpu.memory_space<vmem>> -> memref<1x16x1024xf32, #tpu.memory_space<vmem>>
    %dma_wait3A_698 = tpu.memref_squeeze %dma_wait3A_697 : memref<1x16x1024xf32, #tpu.memory_space<vmem>> -> memref<16x1024xf32, #tpu.memory_space<vmem>>
    %dma_wait3A_699 = arith.constant 0 : i32
    %dma_wait3A_700 = tpu.memref_slice %arg4[%dma_wait3A_693, %add3A_466, %dma_wait3A_699] : memref<4x2048x1024xf32, #tpu.memory_space<hbm>> -> memref<1x16x1024xf32, #tpu.memory_space<hbm>>
    %dma_wait3A_701 = tpu.memref_squeeze %dma_wait3A_700 : memref<1x16x1024xf32, #tpu.memory_space<hbm>> -> memref<16x1024xf32, #tpu.memory_space<hbm>>
    %dma_wait3A_702 = tpu.memref_slice %arg9[%dma_wait3A_694] : memref<3x!tpu.dma_semaphore, #tpu.memory_space<semaphore_mem>> -> memref<1x!tpu.dma_semaphore, #tpu.memory_space<semaphore_mem>>
    %dma_wait3A_703 = tpu.memref_squeeze %dma_wait3A_702 : memref<1x!tpu.dma_semaphore, #tpu.memory_space<semaphore_mem>> -> memref<!tpu.dma_semaphore, #tpu.memory_space<semaphore_mem>>
    %dma_wait3A_704 = arith.constant 0 : i32
    %dma_wait3A_705 = tpu.memref_slice %arg4[%dma_wait3A_693, %add3A_466, %dma_wait3A_704] : memref<4x2048x1024xf32, #tpu.memory_space<hbm>> -> memref<1x16x1024xf32, #tpu.memory_space<hbm>>
    %dma_wait3A_706 = tpu.memref_squeeze %dma_wait3A_705 : memref<1x16x1024xf32, #tpu.memory_space<hbm>> -> memref<16x1024xf32, #tpu.memory_space<hbm>>
    %dma_wait3A_707 = arith.constant 0 : i32
    %dma_wait3A_708 = arith.constant 0 : i32
    %dma_wait3A_709 = tpu.memref_slice %arg7[%dma_wait3A_692, %dma_wait3A_707, %dma_wait3A_708] : memref<3x16x1024xf32, #tpu.memory_space<vmem>> -> memref<1x16x1024xf32, #tpu.memory_space<vmem>>
    %dma_wait3A_710 = tpu.memref_squeeze %dma_wait3A_709 : memref<1x16x1024xf32, #tpu.memory_space<vmem>> -> memref<16x1024xf32, #tpu.memory_space<vmem>>
    tpu.wait_dma2 semaphore(%dma_wait3A_703 : memref<!tpu.dma_semaphore, #tpu.memory_space<semaphore_mem>>) src(%dma_wait3A_710 : memref<16x1024xf32, #tpu.memory_space<vmem>>) dst(%dma_wait3A_706 : memref<16x1024xf32, #tpu.memory_space<hbm>>)
    %parallel_loop3A_711 = arith.constant 0 : i32
    %parallel_loop3A_712 = arith.constant 16 : i32
    %parallel_loop3A_713 = arith.constant 1 : i32
    scf.for %parallel_loop3A_1464 = %parallel_loop3A_711 to %parallel_loop3A_712 step %parallel_loop3A_713  : i32 {
      %parallel_loop3A_1465 = arith.constant 0 : i32
      %parallel_loop3A_1466 = arith.constant 64 : i32
      %parallel_loop3A_1467 = arith.constant 1 : i32
      scf.for %parallel_loop3A_1468 = %parallel_loop3A_1465 to %parallel_loop3A_1466 step %parallel_loop3A_1467  : i32 {
        %parallel_loop3A_1469 = arith.constant 16 : i32
        %parallel_loop3A_1470 = arith.muli %parallel_loop3A_1468, %parallel_loop3A_1469 : i32
        %parallel_loop3A_1471 = arith.constant 1 : i32
        %parallel_loop3A_1472 = arith.index_cast %parallel_loop3A_1471 : i32 to index
        %parallel_loop3A_1473 = arith.index_cast %parallel_loop3A_1464 : i32 to index
        %parallel_loop3A_1474 = arith.index_cast %parallel_loop3A_1470 : i32 to index
        %parallel_loop3A_1475 = tpu.vector_load %arg5[%parallel_loop3A_1472, %parallel_loop3A_1473, %parallel_loop3A_1474] {strides = array<i32>} : memref<3x16x1024xf32, #tpu.memory_space<vmem>>, vector<1x1x16xf32>,
        %parallel_loop3A_1476 = vector.shape_cast %parallel_loop3A_1475 : vector<1x1x16xf32> to vector<16xf32>
        %parallel_loop3A_1477 = arith.constant 1 : i32
        %parallel_loop3A_1478 = arith.index_cast %parallel_loop3A_1477 : i32 to index
        %parallel_loop3A_1479 = arith.index_cast %parallel_loop3A_1464 : i32 to index
        %parallel_loop3A_1480 = arith.index_cast %parallel_loop3A_1470 : i32 to index
        %parallel_loop3A_1481 = tpu.vector_load %arg6[%parallel_loop3A_1478, %parallel_loop3A_1479, %parallel_loop3A_1480] {strides = array<i32>} : memref<2x16x1024xf32, #tpu.memory_space<vmem>>, vector<1x1x16xf32>,
        %parallel_loop3A_1482 = vector.shape_cast %parallel_loop3A_1481 : vector<1x1x16xf32> to vector<16xf32>
        %parallel_loop3A_1483 = arith.addf %parallel_loop3A_1476, %parallel_loop3A_1482 : vector<16xf32>
        %parallel_loop3A_1484 = arith.constant 1 : i32
        %parallel_loop3A_1485 = arith.index_cast %parallel_loop3A_1484 : i32 to index
        %parallel_loop3A_1486 = arith.index_cast %parallel_loop3A_1464 : i32 to index
        %parallel_loop3A_1487 = arith.index_cast %parallel_loop3A_1470 : i32 to index
        %parallel_loop3A_1488 = tpu.vector_load %arg7[%parallel_loop3A_1485, %parallel_loop3A_1486, %parallel_loop3A_1487] {strides = array<i32>} : memref<3x16x1024xf32, #tpu.memory_space<vmem>>, vector<1x1x16xf32>,
        %parallel_loop3A_1489 = vector.shape_cast %parallel_loop3A_1488 : vector<1x1x16xf32> to vector<16xf32>
        %parallel_loop3A_1490 = vector.shape_cast %parallel_loop3A_1483 : vector<16xf32> to vector<1x1x16xf32>
        tpu.vector_store %arg7[%parallel_loop3A_1485, %parallel_loop3A_1486, %parallel_loop3A_1487], %parallel_loop3A_1490 {strides = array<i32>} : memref<3x16x1024xf32, #tpu.memory_space<vmem>>, vector<1x1x16xf32>,
      } {sc.loop_unroll_factor = 8 : i64, sc.parallel_access}
    } {sc.loop_unroll_factor = 1 : i64, sc.parallel_access}
    %add3A_714 = arith.constant 16 : i32
    %add3A_715 = arith.addi %mul3A_2, %add3A_714 : i32
    %dma_start3A_716 = arith.constant 1 : i32
    %dma_start3A_717 = arith.constant 3 : i32
    %dma_start3A_718 = arith.constant 1 : i32
    %dma_start3A_719 = arith.constant 0 : i32
    %dma_start3A_720 = arith.constant 0 : i32
    %dma_start3A_721 = tpu.memref_slice %arg7[%dma_start3A_716, %dma_start3A_719, %dma_start3A_720] : memref<3x16x1024xf32, #tpu.memory_space<vmem>> -> memref<1x16x1024xf32, #tpu.memory_space<vmem>>
    %dma_start3A_722 = tpu.memref_squeeze %dma_start3A_721 : memref<1x16x1024xf32, #tpu.memory_space<vmem>> -> memref<16x1024xf32, #tpu.memory_space<vmem>>
    %dma_start3A_723 = arith.constant 0 : i32
    %dma_start3A_724 = tpu.memref_slice %arg4[%dma_start3A_717, %add3A_715, %dma_start3A_723] : memref<4x2048x1024xf32, #tpu.memory_space<hbm>> -> memref<1x16x1024xf32, #tpu.memory_space<hbm>>
    %dma_start3A_725 = tpu.memref_squeeze %dma_start3A_724 : memref<1x16x1024xf32, #tpu.memory_space<hbm>> -> memref<16x1024xf32, #tpu.memory_space<hbm>>
    %dma_start3A_726 = tpu.memref_slice %arg9[%dma_start3A_718] : memref<3x!tpu.dma_semaphore, #tpu.memory_space<semaphore_mem>> -> memref<1x!tpu.dma_semaphore, #tpu.memory_space<semaphore_mem>>
    %dma_start3A_727 = tpu.memref_squeeze %dma_start3A_726 : memref<1x!tpu.dma_semaphore, #tpu.memory_space<semaphore_mem>> -> memref<!tpu.dma_semaphore, #tpu.memory_space<semaphore_mem>>
    %dma_start3A_728 = arith.constant 0 : i32
    %dma_start3A_729 = tpu.memref_slice %arg4[%dma_start3A_717, %add3A_715, %dma_start3A_728] : memref<4x2048x1024xf32, #tpu.memory_space<hbm>> -> memref<1x16x1024xf32, #tpu.memory_space<hbm>>
    %dma_start3A_730 = tpu.memref_squeeze %dma_start3A_729 : memref<1x16x1024xf32, #tpu.memory_space<hbm>> -> memref<16x1024xf32, #tpu.memory_space<hbm>>
    %dma_start3A_731 = arith.constant 0 : i32
    %dma_start3A_732 = arith.constant 0 : i32
    %dma_start3A_733 = tpu.memref_slice %arg7[%dma_start3A_716, %dma_start3A_731, %dma_start3A_732] : memref<3x16x1024xf32, #tpu.memory_space<vmem>> -> memref<1x16x1024xf32, #tpu.memory_space<vmem>>
    %dma_start3A_734 = tpu.memref_squeeze %dma_start3A_733 : memref<1x16x1024xf32, #tpu.memory_space<vmem>> -> memref<16x1024xf32, #tpu.memory_space<vmem>>
    tpu.enqueue_dma source(%dma_start3A_734 : memref<16x1024xf32, #tpu.memory_space<vmem>>) target(%dma_start3A_730 : memref<16x1024xf32, #tpu.memory_space<hbm>>) target_semaphore(%dma_start3A_727 : memref<!tpu.dma_semaphore, #tpu.memory_space<semaphore_mem>>)
    %add3A_735 = arith.constant 32 : i32
    %add3A_736 = arith.addi %mul3A_2, %add3A_735 : i32
    %dma_start3A_737 = arith.constant 2 : i32
    %dma_start3A_738 = arith.constant 1 : i32
    %dma_start3A_739 = arith.constant 1 : i32
    %dma_start3A_740 = arith.constant 0 : i32
    %dma_start3A_741 = arith.constant 0 : i32
    %dma_start3A_742 = tpu.memref_slice %arg5[%dma_start3A_738, %dma_start3A_740, %dma_start3A_741] : memref<3x16x1024xf32, #tpu.memory_space<vmem>> -> memref<1x16x1024xf32, #tpu.memory_space<vmem>>
    %dma_start3A_743 = tpu.memref_squeeze %dma_start3A_742 : memref<1x16x1024xf32, #tpu.memory_space<vmem>> -> memref<16x1024xf32, #tpu.memory_space<vmem>>
    %dma_start3A_744 = arith.constant 0 : i32
    %dma_start3A_745 = tpu.memref_slice %arg2[%dma_start3A_737, %add3A_736, %dma_start3A_744] : memref<4x2048x1024xf32, #tpu.memory_space<hbm>> -> memref<1x16x1024xf32, #tpu.memory_space<hbm>>
    %dma_start3A_746 = tpu.memref_squeeze %dma_start3A_745 : memref<1x16x1024xf32, #tpu.memory_space<hbm>> -> memref<16x1024xf32, #tpu.memory_space<hbm>>
    %dma_start3A_747 = tpu.memref_slice %arg8[%dma_start3A_739] : memref<3x!tpu.dma_semaphore, #tpu.memory_space<semaphore_mem>> -> memref<1x!tpu.dma_semaphore, #tpu.memory_space<semaphore_mem>>
    %dma_start3A_748 = tpu.memref_squeeze %dma_start3A_747 : memref<1x!tpu.dma_semaphore, #tpu.memory_space<semaphore_mem>> -> memref<!tpu.dma_semaphore, #tpu.memory_space<semaphore_mem>>
    %dma_start3A_749 = arith.constant 0 : i32
    %dma_start3A_750 = arith.constant 0 : i32
    %dma_start3A_751 = tpu.memref_slice %arg5[%dma_start3A_738, %dma_start3A_749, %dma_start3A_750] : memref<3x16x1024xf32, #tpu.memory_space<vmem>> -> memref<1x16x1024xf32, #tpu.memory_space<vmem>>
    %dma_start3A_752 = tpu.memref_squeeze %dma_start3A_751 : memref<1x16x1024xf32, #tpu.memory_space<vmem>> -> memref<16x1024xf32, #tpu.memory_space<vmem>>
    %dma_start3A_753 = arith.constant 0 : i32
    %dma_start3A_754 = tpu.memref_slice %arg2[%dma_start3A_737, %add3A_736, %dma_start3A_753] : memref<4x2048x1024xf32, #tpu.memory_space<hbm>> -> memref<1x16x1024xf32, #tpu.memory_space<hbm>>
    %dma_start3A_755 = tpu.memref_squeeze %dma_start3A_754 : memref<1x16x1024xf32, #tpu.memory_space<hbm>> -> memref<16x1024xf32, #tpu.memory_space<hbm>>
    tpu.enqueue_dma source(%dma_start3A_755 : memref<16x1024xf32, #tpu.memory_space<hbm>>) target(%dma_start3A_752 : memref<16x1024xf32, #tpu.memory_space<vmem>>) target_semaphore(%dma_start3A_748 : memref<!tpu.dma_semaphore, #tpu.memory_space<semaphore_mem>>)
    %add3A_756 = arith.constant 48 : i32
    %add3A_757 = arith.addi %mul3A_2, %add3A_756 : i32
    %dma_start3A_758 = arith.constant 1 : i32
    %dma_start3A_759 = arith.constant 1 : i32
    %dma_start3A_760 = arith.constant 0 : i32
    %dma_start3A_761 = arith.constant 0 : i32
    %dma_start3A_762 = tpu.memref_slice %arg6[%dma_start3A_758, %dma_start3A_760, %dma_start3A_761] : memref<2x16x1024xf32, #tpu.memory_space<vmem>> -> memref<1x16x1024xf32, #tpu.memory_space<vmem>>
    %dma_start3A_763 = tpu.memref_squeeze %dma_start3A_762 : memref<1x16x1024xf32, #tpu.memory_space<vmem>> -> memref<16x1024xf32, #tpu.memory_space<vmem>>
    %dma_start3A_764 = arith.constant 0 : i32
    %dma_start3A_765 = tpu.memref_slice %arg3[%add3A_757, %dma_start3A_764] : memref<2048x1024xf32, #tpu.memory_space<hbm>> -> memref<16x1024xf32, #tpu.memory_space<hbm>>
    %dma_start3A_766 = tpu.memref_slice %arg10[%dma_start3A_759] : memref<2x!tpu.dma_semaphore, #tpu.memory_space<semaphore_mem>> -> memref<1x!tpu.dma_semaphore, #tpu.memory_space<semaphore_mem>>
    %dma_start3A_767 = tpu.memref_squeeze %dma_start3A_766 : memref<1x!tpu.dma_semaphore, #tpu.memory_space<semaphore_mem>> -> memref<!tpu.dma_semaphore, #tpu.memory_space<semaphore_mem>>
    %dma_start3A_768 = arith.constant 0 : i32
    %dma_start3A_769 = arith.constant 0 : i32
    %dma_start3A_770 = tpu.memref_slice %arg6[%dma_start3A_758, %dma_start3A_768, %dma_start3A_769] : memref<2x16x1024xf32, #tpu.memory_space<vmem>> -> memref<1x16x1024xf32, #tpu.memory_space<vmem>>
    %dma_start3A_771 = tpu.memref_squeeze %dma_start3A_770 : memref<1x16x1024xf32, #tpu.memory_space<vmem>> -> memref<16x1024xf32, #tpu.memory_space<vmem>>
    %dma_start3A_772 = arith.constant 0 : i32
    %dma_start3A_773 = tpu.memref_slice %arg3[%add3A_757, %dma_start3A_772] : memref<2048x1024xf32, #tpu.memory_space<hbm>> -> memref<16x1024xf32, #tpu.memory_space<hbm>>
    tpu.enqueue_dma source(%dma_start3A_773 : memref<16x1024xf32, #tpu.memory_space<hbm>>) target(%dma_start3A_771 : memref<16x1024xf32, #tpu.memory_space<vmem>>) target_semaphore(%dma_start3A_767 : memref<!tpu.dma_semaphore, #tpu.memory_space<semaphore_mem>>)
    %dma_wait3A_774 = arith.constant 0 : i32
    %dma_wait3A_775 = arith.constant 2 : i32
    %dma_wait3A_776 = arith.constant 2 : i32
    %dma_wait3A_777 = arith.constant 0 : i32
    %dma_wait3A_778 = arith.constant 0 : i32
    %dma_wait3A_779 = tpu.memref_slice %arg5[%dma_wait3A_775, %dma_wait3A_777, %dma_wait3A_778] : memref<3x16x1024xf32, #tpu.memory_space<vmem>> -> memref<1x16x1024xf32, #tpu.memory_space<vmem>>
    %dma_wait3A_780 = tpu.memref_squeeze %dma_wait3A_779 : memref<1x16x1024xf32, #tpu.memory_space<vmem>> -> memref<16x1024xf32, #tpu.memory_space<vmem>>
    %dma_wait3A_781 = arith.constant 0 : i32
    %dma_wait3A_782 = tpu.memref_slice %arg2[%dma_wait3A_774, %add3A_570, %dma_wait3A_781] : memref<4x2048x1024xf32, #tpu.memory_space<hbm>> -> memref<1x16x1024xf32, #tpu.memory_space<hbm>>
    %dma_wait3A_783 = tpu.memref_squeeze %dma_wait3A_782 : memref<1x16x1024xf32, #tpu.memory_space<hbm>> -> memref<16x1024xf32, #tpu.memory_space<hbm>>
    %dma_wait3A_784 = tpu.memref_slice %arg8[%dma_wait3A_776] : memref<3x!tpu.dma_semaphore, #tpu.memory_space<semaphore_mem>> -> memref<1x!tpu.dma_semaphore, #tpu.memory_space<semaphore_mem>>
    %dma_wait3A_785 = tpu.memref_squeeze %dma_wait3A_784 : memref<1x!tpu.dma_semaphore, #tpu.memory_space<semaphore_mem>> -> memref<!tpu.dma_semaphore, #tpu.memory_space<semaphore_mem>>
    %dma_wait3A_786 = arith.constant 0 : i32
    %dma_wait3A_787 = arith.constant 0 : i32
    %dma_wait3A_788 = tpu.memref_slice %arg5[%dma_wait3A_775, %dma_wait3A_786, %dma_wait3A_787] : memref<3x16x1024xf32, #tpu.memory_space<vmem>> -> memref<1x16x1024xf32, #tpu.memory_space<vmem>>
    %dma_wait3A_789 = tpu.memref_squeeze %dma_wait3A_788 : memref<1x16x1024xf32, #tpu.memory_space<vmem>> -> memref<16x1024xf32, #tpu.memory_space<vmem>>
    %dma_wait3A_790 = arith.constant 0 : i32
    %dma_wait3A_791 = tpu.memref_slice %arg2[%dma_wait3A_774, %add3A_570, %dma_wait3A_790] : memref<4x2048x1024xf32, #tpu.memory_space<hbm>> -> memref<1x16x1024xf32, #tpu.memory_space<hbm>>
    %dma_wait3A_792 = tpu.memref_squeeze %dma_wait3A_791 : memref<1x16x1024xf32, #tpu.memory_space<hbm>> -> memref<16x1024xf32, #tpu.memory_space<hbm>>
    tpu.wait_dma2 semaphore(%dma_wait3A_785 : memref<!tpu.dma_semaphore, #tpu.memory_space<semaphore_mem>>) src(%dma_wait3A_792 : memref<16x1024xf32, #tpu.memory_space<hbm>>) dst(%dma_wait3A_789 : memref<16x1024xf32, #tpu.memory_space<vmem>>)
    %dma_wait3A_793 = arith.constant 0 : i32
    %dma_wait3A_794 = arith.constant 0 : i32
    %dma_wait3A_795 = arith.constant 0 : i32
    %dma_wait3A_796 = arith.constant 0 : i32
    %dma_wait3A_797 = tpu.memref_slice %arg6[%dma_wait3A_793, %dma_wait3A_795, %dma_wait3A_796] : memref<2x16x1024xf32, #tpu.memory_space<vmem>> -> memref<1x16x1024xf32, #tpu.memory_space<vmem>>
    %dma_wait3A_798 = tpu.memref_squeeze %dma_wait3A_797 : memref<1x16x1024xf32, #tpu.memory_space<vmem>> -> memref<16x1024xf32, #tpu.memory_space<vmem>>
    %dma_wait3A_799 = arith.constant 0 : i32
    %dma_wait3A_800 = tpu.memref_slice %arg3[%add3A_391, %dma_wait3A_799] : memref<2048x1024xf32, #tpu.memory_space<hbm>> -> memref<16x1024xf32, #tpu.memory_space<hbm>>
    %dma_wait3A_801 = tpu.memref_slice %arg10[%dma_wait3A_794] : memref<2x!tpu.dma_semaphore, #tpu.memory_space<semaphore_mem>> -> memref<1x!tpu.dma_semaphore, #tpu.memory_space<semaphore_mem>>
    %dma_wait3A_802 = tpu.memref_squeeze %dma_wait3A_801 : memref<1x!tpu.dma_semaphore, #tpu.memory_space<semaphore_mem>> -> memref<!tpu.dma_semaphore, #tpu.memory_space<semaphore_mem>>
    %dma_wait3A_803 = arith.constant 0 : i32
    %dma_wait3A_804 = arith.constant 0 : i32
    %dma_wait3A_805 = tpu.memref_slice %arg6[%dma_wait3A_793, %dma_wait3A_803, %dma_wait3A_804] : memref<2x16x1024xf32, #tpu.memory_space<vmem>> -> memref<1x16x1024xf32, #tpu.memory_space<vmem>>
    %dma_wait3A_806 = tpu.memref_squeeze %dma_wait3A_805 : memref<1x16x1024xf32, #tpu.memory_space<vmem>> -> memref<16x1024xf32, #tpu.memory_space<vmem>>
    %dma_wait3A_807 = arith.constant 0 : i32
    %dma_wait3A_808 = tpu.memref_slice %arg3[%add3A_391, %dma_wait3A_807] : memref<2048x1024xf32, #tpu.memory_space<hbm>> -> memref<16x1024xf32, #tpu.memory_space<hbm>>
    tpu.wait_dma2 semaphore(%dma_wait3A_802 : memref<!tpu.dma_semaphore, #tpu.memory_space<semaphore_mem>>) src(%dma_wait3A_808 : memref<16x1024xf32, #tpu.memory_space<hbm>>) dst(%dma_wait3A_806 : memref<16x1024xf32, #tpu.memory_space<vmem>>)
    %dma_wait3A_809 = arith.constant 2 : i32
    %dma_wait3A_810 = arith.constant 1 : i32
    %dma_wait3A_811 = arith.constant 2 : i32
    %dma_wait3A_812 = arith.constant 0 : i32
    %dma_wait3A_813 = arith.constant 0 : i32
    %dma_wait3A_814 = tpu.memref_slice %arg7[%dma_wait3A_809, %dma_wait3A_812, %dma_wait3A_813] : memref<3x16x1024xf32, #tpu.memory_space<vmem>> -> memref<1x16x1024xf32, #tpu.memory_space<vmem>>
    %dma_wait3A_815 = tpu.memref_squeeze %dma_wait3A_814 : memref<1x16x1024xf32, #tpu.memory_space<vmem>> -> memref<16x1024xf32, #tpu.memory_space<vmem>>
    %dma_wait3A_816 = arith.constant 0 : i32
    %dma_wait3A_817 = tpu.memref_slice %arg4[%dma_wait3A_810, %add3A_549, %dma_wait3A_816] : memref<4x2048x1024xf32, #tpu.memory_space<hbm>> -> memref<1x16x1024xf32, #tpu.memory_space<hbm>>
    %dma_wait3A_818 = tpu.memref_squeeze %dma_wait3A_817 : memref<1x16x1024xf32, #tpu.memory_space<hbm>> -> memref<16x1024xf32, #tpu.memory_space<hbm>>
    %dma_wait3A_819 = tpu.memref_slice %arg9[%dma_wait3A_811] : memref<3x!tpu.dma_semaphore, #tpu.memory_space<semaphore_mem>> -> memref<1x!tpu.dma_semaphore, #tpu.memory_space<semaphore_mem>>
    %dma_wait3A_820 = tpu.memref_squeeze %dma_wait3A_819 : memref<1x!tpu.dma_semaphore, #tpu.memory_space<semaphore_mem>> -> memref<!tpu.dma_semaphore, #tpu.memory_space<semaphore_mem>>
    %dma_wait3A_821 = arith.constant 0 : i32
    %dma_wait3A_822 = tpu.memref_slice %arg4[%dma_wait3A_810, %add3A_549, %dma_wait3A_821] : memref<4x2048x1024xf32, #tpu.memory_space<hbm>> -> memref<1x16x1024xf32, #tpu.memory_space<hbm>>
    %dma_wait3A_823 = tpu.memref_squeeze %dma_wait3A_822 : memref<1x16x1024xf32, #tpu.memory_space<hbm>> -> memref<16x1024xf32, #tpu.memory_space<hbm>>
    %dma_wait3A_824 = arith.constant 0 : i32
    %dma_wait3A_825 = arith.constant 0 : i32
    %dma_wait3A_826 = tpu.memref_slice %arg7[%dma_wait3A_809, %dma_wait3A_824, %dma_wait3A_825] : memref<3x16x1024xf32, #tpu.memory_space<vmem>> -> memref<1x16x1024xf32, #tpu.memory_space<vmem>>
    %dma_wait3A_827 = tpu.memref_squeeze %dma_wait3A_826 : memref<1x16x1024xf32, #tpu.memory_space<vmem>> -> memref<16x1024xf32, #tpu.memory_space<vmem>>
    tpu.wait_dma2 semaphore(%dma_wait3A_820 : memref<!tpu.dma_semaphore, #tpu.memory_space<semaphore_mem>>) src(%dma_wait3A_827 : memref<16x1024xf32, #tpu.memory_space<vmem>>) dst(%dma_wait3A_823 : memref<16x1024xf32, #tpu.memory_space<hbm>>)
    %parallel_loop3A_828 = arith.constant 0 : i32
    %parallel_loop3A_829 = arith.constant 16 : i32
    %parallel_loop3A_830 = arith.constant 1 : i32
    scf.for %parallel_loop3A_1464 = %parallel_loop3A_828 to %parallel_loop3A_829 step %parallel_loop3A_830  : i32 {
      %parallel_loop3A_1465 = arith.constant 0 : i32
      %parallel_loop3A_1466 = arith.constant 64 : i32
      %parallel_loop3A_1467 = arith.constant 1 : i32
      scf.for %parallel_loop3A_1468 = %parallel_loop3A_1465 to %parallel_loop3A_1466 step %parallel_loop3A_1467  : i32 {
        %parallel_loop3A_1469 = arith.constant 16 : i32
        %parallel_loop3A_1470 = arith.muli %parallel_loop3A_1468, %parallel_loop3A_1469 : i32
        %parallel_loop3A_1471 = arith.constant 2 : i32
        %parallel_loop3A_1472 = arith.index_cast %parallel_loop3A_1471 : i32 to index
        %parallel_loop3A_1473 = arith.index_cast %parallel_loop3A_1464 : i32 to index
        %parallel_loop3A_1474 = arith.index_cast %parallel_loop3A_1470 : i32 to index
        %parallel_loop3A_1475 = tpu.vector_load %arg5[%parallel_loop3A_1472, %parallel_loop3A_1473, %parallel_loop3A_1474] {strides = array<i32>} : memref<3x16x1024xf32, #tpu.memory_space<vmem>>, vector<1x1x16xf32>,
        %parallel_loop3A_1476 = vector.shape_cast %parallel_loop3A_1475 : vector<1x1x16xf32> to vector<16xf32>
        %parallel_loop3A_1477 = arith.constant 0 : i32
        %parallel_loop3A_1478 = arith.index_cast %parallel_loop3A_1477 : i32 to index
        %parallel_loop3A_1479 = arith.index_cast %parallel_loop3A_1464 : i32 to index
        %parallel_loop3A_1480 = arith.index_cast %parallel_loop3A_1470 : i32 to index
        %parallel_loop3A_1481 = tpu.vector_load %arg6[%parallel_loop3A_1478, %parallel_loop3A_1479, %parallel_loop3A_1480] {strides = array<i32>} : memref<2x16x1024xf32, #tpu.memory_space<vmem>>, vector<1x1x16xf32>,
        %parallel_loop3A_1482 = vector.shape_cast %parallel_loop3A_1481 : vector<1x1x16xf32> to vector<16xf32>
        %parallel_loop3A_1483 = arith.addf %parallel_loop3A_1476, %parallel_loop3A_1482 : vector<16xf32>
        %parallel_loop3A_1484 = arith.constant 2 : i32
        %parallel_loop3A_1485 = arith.index_cast %parallel_loop3A_1484 : i32 to index
        %parallel_loop3A_1486 = arith.index_cast %parallel_loop3A_1464 : i32 to index
        %parallel_loop3A_1487 = arith.index_cast %parallel_loop3A_1470 : i32 to index
        %parallel_loop3A_1488 = tpu.vector_load %arg7[%parallel_loop3A_1485, %parallel_loop3A_1486, %parallel_loop3A_1487] {strides = array<i32>} : memref<3x16x1024xf32, #tpu.memory_space<vmem>>, vector<1x1x16xf32>,
        %parallel_loop3A_1489 = vector.shape_cast %parallel_loop3A_1488 : vector<1x1x16xf32> to vector<16xf32>
        %parallel_loop3A_1490 = vector.shape_cast %parallel_loop3A_1483 : vector<16xf32> to vector<1x1x16xf32>
        tpu.vector_store %arg7[%parallel_loop3A_1485, %parallel_loop3A_1486, %parallel_loop3A_1487], %parallel_loop3A_1490 {strides = array<i32>} : memref<3x16x1024xf32, #tpu.memory_space<vmem>>, vector<1x1x16xf32>,
      } {sc.loop_unroll_factor = 8 : i64, sc.parallel_access}
    } {sc.loop_unroll_factor = 1 : i64, sc.parallel_access}
    %add3A_831 = arith.constant 32 : i32
    %add3A_832 = arith.addi %mul3A_2, %add3A_831 : i32
    %dma_start3A_833 = arith.constant 2 : i32
    %dma_start3A_834 = arith.constant 0 : i32
    %dma_start3A_835 = arith.constant 2 : i32
    %dma_start3A_836 = arith.constant 0 : i32
    %dma_start3A_837 = arith.constant 0 : i32
    %dma_start3A_838 = tpu.memref_slice %arg7[%dma_start3A_833, %dma_start3A_836, %dma_start3A_837] : memref<3x16x1024xf32, #tpu.memory_space<vmem>> -> memref<1x16x1024xf32, #tpu.memory_space<vmem>>
    %dma_start3A_839 = tpu.memref_squeeze %dma_start3A_838 : memref<1x16x1024xf32, #tpu.memory_space<vmem>> -> memref<16x1024xf32, #tpu.memory_space<vmem>>
    %dma_start3A_840 = arith.constant 0 : i32
    %dma_start3A_841 = tpu.memref_slice %arg4[%dma_start3A_834, %add3A_832, %dma_start3A_840] : memref<4x2048x1024xf32, #tpu.memory_space<hbm>> -> memref<1x16x1024xf32, #tpu.memory_space<hbm>>
    %dma_start3A_842 = tpu.memref_squeeze %dma_start3A_841 : memref<1x16x1024xf32, #tpu.memory_space<hbm>> -> memref<16x1024xf32, #tpu.memory_space<hbm>>
    %dma_start3A_843 = tpu.memref_slice %arg9[%dma_start3A_835] : memref<3x!tpu.dma_semaphore, #tpu.memory_space<semaphore_mem>> -> memref<1x!tpu.dma_semaphore, #tpu.memory_space<semaphore_mem>>
    %dma_start3A_844 = tpu.memref_squeeze %dma_start3A_843 : memref<1x!tpu.dma_semaphore, #tpu.memory_space<semaphore_mem>> -> memref<!tpu.dma_semaphore, #tpu.memory_space<semaphore_mem>>
    %dma_start3A_845 = arith.constant 0 : i32
    %dma_start3A_846 = tpu.memref_slice %arg4[%dma_start3A_834, %add3A_832, %dma_start3A_845] : memref<4x2048x1024xf32, #tpu.memory_space<hbm>> -> memref<1x16x1024xf32, #tpu.memory_space<hbm>>
    %dma_start3A_847 = tpu.memref_squeeze %dma_start3A_846 : memref<1x16x1024xf32, #tpu.memory_space<hbm>> -> memref<16x1024xf32, #tpu.memory_space<hbm>>
    %dma_start3A_848 = arith.constant 0 : i32
    %dma_start3A_849 = arith.constant 0 : i32
    %dma_start3A_850 = tpu.memref_slice %arg7[%dma_start3A_833, %dma_start3A_848, %dma_start3A_849] : memref<3x16x1024xf32, #tpu.memory_space<vmem>> -> memref<1x16x1024xf32, #tpu.memory_space<vmem>>
    %dma_start3A_851 = tpu.memref_squeeze %dma_start3A_850 : memref<1x16x1024xf32, #tpu.memory_space<vmem>> -> memref<16x1024xf32, #tpu.memory_space<vmem>>
    tpu.enqueue_dma source(%dma_start3A_851 : memref<16x1024xf32, #tpu.memory_space<vmem>>) target(%dma_start3A_847 : memref<16x1024xf32, #tpu.memory_space<hbm>>) target_semaphore(%dma_start3A_844 : memref<!tpu.dma_semaphore, #tpu.memory_space<semaphore_mem>>)
    %add3A_852 = arith.constant 32 : i32
    %add3A_853 = arith.addi %mul3A_2, %add3A_852 : i32
    %dma_start3A_854 = arith.constant 3 : i32
    %dma_start3A_855 = arith.constant 2 : i32
    %dma_start3A_856 = arith.constant 2 : i32
    %dma_start3A_857 = arith.constant 0 : i32
    %dma_start3A_858 = arith.constant 0 : i32
    %dma_start3A_859 = tpu.memref_slice %arg5[%dma_start3A_855, %dma_start3A_857, %dma_start3A_858] : memref<3x16x1024xf32, #tpu.memory_space<vmem>> -> memref<1x16x1024xf32, #tpu.memory_space<vmem>>
    %dma_start3A_860 = tpu.memref_squeeze %dma_start3A_859 : memref<1x16x1024xf32, #tpu.memory_space<vmem>> -> memref<16x1024xf32, #tpu.memory_space<vmem>>
    %dma_start3A_861 = arith.constant 0 : i32
    %dma_start3A_862 = tpu.memref_slice %arg2[%dma_start3A_854, %add3A_853, %dma_start3A_861] : memref<4x2048x1024xf32, #tpu.memory_space<hbm>> -> memref<1x16x1024xf32, #tpu.memory_space<hbm>>
    %dma_start3A_863 = tpu.memref_squeeze %dma_start3A_862 : memref<1x16x1024xf32, #tpu.memory_space<hbm>> -> memref<16x1024xf32, #tpu.memory_space<hbm>>
    %dma_start3A_864 = tpu.memref_slice %arg8[%dma_start3A_856] : memref<3x!tpu.dma_semaphore, #tpu.memory_space<semaphore_mem>> -> memref<1x!tpu.dma_semaphore, #tpu.memory_space<semaphore_mem>>
    %dma_start3A_865 = tpu.memref_squeeze %dma_start3A_864 : memref<1x!tpu.dma_semaphore, #tpu.memory_space<semaphore_mem>> -> memref<!tpu.dma_semaphore, #tpu.memory_space<semaphore_mem>>
    %dma_start3A_866 = arith.constant 0 : i32
    %dma_start3A_867 = arith.constant 0 : i32
    %dma_start3A_868 = tpu.memref_slice %arg5[%dma_start3A_855, %dma_start3A_866, %dma_start3A_867] : memref<3x16x1024xf32, #tpu.memory_space<vmem>> -> memref<1x16x1024xf32, #tpu.memory_space<vmem>>
    %dma_start3A_869 = tpu.memref_squeeze %dma_start3A_868 : memref<1x16x1024xf32, #tpu.memory_space<vmem>> -> memref<16x1024xf32, #tpu.memory_space<vmem>>
    %dma_start3A_870 = arith.constant 0 : i32
    %dma_start3A_871 = tpu.memref_slice %arg2[%dma_start3A_854, %add3A_853, %dma_start3A_870] : memref<4x2048x1024xf32, #tpu.memory_space<hbm>> -> memref<1x16x1024xf32, #tpu.memory_space<hbm>>
    %dma_start3A_872 = tpu.memref_squeeze %dma_start3A_871 : memref<1x16x1024xf32, #tpu.memory_space<hbm>> -> memref<16x1024xf32, #tpu.memory_space<hbm>>
    tpu.enqueue_dma source(%dma_start3A_872 : memref<16x1024xf32, #tpu.memory_space<hbm>>) target(%dma_start3A_869 : memref<16x1024xf32, #tpu.memory_space<vmem>>) target_semaphore(%dma_start3A_865 : memref<!tpu.dma_semaphore, #tpu.memory_space<semaphore_mem>>)
    %dma_wait3A_873 = arith.constant 1 : i32
    %dma_wait3A_874 = arith.constant 0 : i32
    %dma_wait3A_875 = arith.constant 0 : i32
    %dma_wait3A_876 = arith.constant 0 : i32
    %dma_wait3A_877 = arith.constant 0 : i32
    %dma_wait3A_878 = tpu.memref_slice %arg5[%dma_wait3A_874, %dma_wait3A_876, %dma_wait3A_877] : memref<3x16x1024xf32, #tpu.memory_space<vmem>> -> memref<1x16x1024xf32, #tpu.memory_space<vmem>>
    %dma_wait3A_879 = tpu.memref_squeeze %dma_wait3A_878 : memref<1x16x1024xf32, #tpu.memory_space<vmem>> -> memref<16x1024xf32, #tpu.memory_space<vmem>>
    %dma_wait3A_880 = arith.constant 0 : i32
    %dma_wait3A_881 = tpu.memref_slice %arg2[%dma_wait3A_873, %add3A_653, %dma_wait3A_880] : memref<4x2048x1024xf32, #tpu.memory_space<hbm>> -> memref<1x16x1024xf32, #tpu.memory_space<hbm>>
    %dma_wait3A_882 = tpu.memref_squeeze %dma_wait3A_881 : memref<1x16x1024xf32, #tpu.memory_space<hbm>> -> memref<16x1024xf32, #tpu.memory_space<hbm>>
    %dma_wait3A_883 = tpu.memref_slice %arg8[%dma_wait3A_875] : memref<3x!tpu.dma_semaphore, #tpu.memory_space<semaphore_mem>> -> memref<1x!tpu.dma_semaphore, #tpu.memory_space<semaphore_mem>>
    %dma_wait3A_884 = tpu.memref_squeeze %dma_wait3A_883 : memref<1x!tpu.dma_semaphore, #tpu.memory_space<semaphore_mem>> -> memref<!tpu.dma_semaphore, #tpu.memory_space<semaphore_mem>>
    %dma_wait3A_885 = arith.constant 0 : i32
    %dma_wait3A_886 = arith.constant 0 : i32
    %dma_wait3A_887 = tpu.memref_slice %arg5[%dma_wait3A_874, %dma_wait3A_885, %dma_wait3A_886] : memref<3x16x1024xf32, #tpu.memory_space<vmem>> -> memref<1x16x1024xf32, #tpu.memory_space<vmem>>
    %dma_wait3A_888 = tpu.memref_squeeze %dma_wait3A_887 : memref<1x16x1024xf32, #tpu.memory_space<vmem>> -> memref<16x1024xf32, #tpu.memory_space<vmem>>
    %dma_wait3A_889 = arith.constant 0 : i32
    %dma_wait3A_890 = tpu.memref_slice %arg2[%dma_wait3A_873, %add3A_653, %dma_wait3A_889] : memref<4x2048x1024xf32, #tpu.memory_space<hbm>> -> memref<1x16x1024xf32, #tpu.memory_space<hbm>>
    %dma_wait3A_891 = tpu.memref_squeeze %dma_wait3A_890 : memref<1x16x1024xf32, #tpu.memory_space<hbm>> -> memref<16x1024xf32, #tpu.memory_space<hbm>>
    tpu.wait_dma2 semaphore(%dma_wait3A_884 : memref<!tpu.dma_semaphore, #tpu.memory_space<semaphore_mem>>) src(%dma_wait3A_891 : memref<16x1024xf32, #tpu.memory_space<hbm>>) dst(%dma_wait3A_888 : memref<16x1024xf32, #tpu.memory_space<vmem>>)
    %dma_wait3A_892 = arith.constant 0 : i32
    %dma_wait3A_893 = arith.constant 2 : i32
    %dma_wait3A_894 = arith.constant 0 : i32
    %dma_wait3A_895 = arith.constant 0 : i32
    %dma_wait3A_896 = arith.constant 0 : i32
    %dma_wait3A_897 = tpu.memref_slice %arg7[%dma_wait3A_892, %dma_wait3A_895, %dma_wait3A_896] : memref<3x16x1024xf32, #tpu.memory_space<vmem>> -> memref<1x16x1024xf32, #tpu.memory_space<vmem>>
    %dma_wait3A_898 = tpu.memref_squeeze %dma_wait3A_897 : memref<1x16x1024xf32, #tpu.memory_space<vmem>> -> memref<16x1024xf32, #tpu.memory_space<vmem>>
    %dma_wait3A_899 = arith.constant 0 : i32
    %dma_wait3A_900 = tpu.memref_slice %arg4[%dma_wait3A_893, %add3A_632, %dma_wait3A_899] : memref<4x2048x1024xf32, #tpu.memory_space<hbm>> -> memref<1x16x1024xf32, #tpu.memory_space<hbm>>
    %dma_wait3A_901 = tpu.memref_squeeze %dma_wait3A_900 : memref<1x16x1024xf32, #tpu.memory_space<hbm>> -> memref<16x1024xf32, #tpu.memory_space<hbm>>
    %dma_wait3A_902 = tpu.memref_slice %arg9[%dma_wait3A_894] : memref<3x!tpu.dma_semaphore, #tpu.memory_space<semaphore_mem>> -> memref<1x!tpu.dma_semaphore, #tpu.memory_space<semaphore_mem>>
    %dma_wait3A_903 = tpu.memref_squeeze %dma_wait3A_902 : memref<1x!tpu.dma_semaphore, #tpu.memory_space<semaphore_mem>> -> memref<!tpu.dma_semaphore, #tpu.memory_space<semaphore_mem>>
    %dma_wait3A_904 = arith.constant 0 : i32
    %dma_wait3A_905 = tpu.memref_slice %arg4[%dma_wait3A_893, %add3A_632, %dma_wait3A_904] : memref<4x2048x1024xf32, #tpu.memory_space<hbm>> -> memref<1x16x1024xf32, #tpu.memory_space<hbm>>
    %dma_wait3A_906 = tpu.memref_squeeze %dma_wait3A_905 : memref<1x16x1024xf32, #tpu.memory_space<hbm>> -> memref<16x1024xf32, #tpu.memory_space<hbm>>
    %dma_wait3A_907 = arith.constant 0 : i32
    %dma_wait3A_908 = arith.constant 0 : i32
    %dma_wait3A_909 = tpu.memref_slice %arg7[%dma_wait3A_892, %dma_wait3A_907, %dma_wait3A_908] : memref<3x16x1024xf32, #tpu.memory_space<vmem>> -> memref<1x16x1024xf32, #tpu.memory_space<vmem>>
    %dma_wait3A_910 = tpu.memref_squeeze %dma_wait3A_909 : memref<1x16x1024xf32, #tpu.memory_space<vmem>> -> memref<16x1024xf32, #tpu.memory_space<vmem>>
    tpu.wait_dma2 semaphore(%dma_wait3A_903 : memref<!tpu.dma_semaphore, #tpu.memory_space<semaphore_mem>>) src(%dma_wait3A_910 : memref<16x1024xf32, #tpu.memory_space<vmem>>) dst(%dma_wait3A_906 : memref<16x1024xf32, #tpu.memory_space<hbm>>)
    %parallel_loop3A_911 = arith.constant 0 : i32
    %parallel_loop3A_912 = arith.constant 16 : i32
    %parallel_loop3A_913 = arith.constant 1 : i32
    scf.for %parallel_loop3A_1464 = %parallel_loop3A_911 to %parallel_loop3A_912 step %parallel_loop3A_913  : i32 {
      %parallel_loop3A_1465 = arith.constant 0 : i32
      %parallel_loop3A_1466 = arith.constant 64 : i32
      %parallel_loop3A_1467 = arith.constant 1 : i32
      scf.for %parallel_loop3A_1468 = %parallel_loop3A_1465 to %parallel_loop3A_1466 step %parallel_loop3A_1467  : i32 {
        %parallel_loop3A_1469 = arith.constant 16 : i32
        %parallel_loop3A_1470 = arith.muli %parallel_loop3A_1468, %parallel_loop3A_1469 : i32
        %parallel_loop3A_1471 = arith.constant 0 : i32
        %parallel_loop3A_1472 = arith.index_cast %parallel_loop3A_1471 : i32 to index
        %parallel_loop3A_1473 = arith.index_cast %parallel_loop3A_1464 : i32 to index
        %parallel_loop3A_1474 = arith.index_cast %parallel_loop3A_1470 : i32 to index
        %parallel_loop3A_1475 = tpu.vector_load %arg5[%parallel_loop3A_1472, %parallel_loop3A_1473, %parallel_loop3A_1474] {strides = array<i32>} : memref<3x16x1024xf32, #tpu.memory_space<vmem>>, vector<1x1x16xf32>,
        %parallel_loop3A_1476 = vector.shape_cast %parallel_loop3A_1475 : vector<1x1x16xf32> to vector<16xf32>
        %parallel_loop3A_1477 = arith.constant 0 : i32
        %parallel_loop3A_1478 = arith.index_cast %parallel_loop3A_1477 : i32 to index
        %parallel_loop3A_1479 = arith.index_cast %parallel_loop3A_1464 : i32 to index
        %parallel_loop3A_1480 = arith.index_cast %parallel_loop3A_1470 : i32 to index
        %parallel_loop3A_1481 = tpu.vector_load %arg6[%parallel_loop3A_1478, %parallel_loop3A_1479, %parallel_loop3A_1480] {strides = array<i32>} : memref<2x16x1024xf32, #tpu.memory_space<vmem>>, vector<1x1x16xf32>,
        %parallel_loop3A_1482 = vector.shape_cast %parallel_loop3A_1481 : vector<1x1x16xf32> to vector<16xf32>
        %parallel_loop3A_1483 = arith.addf %parallel_loop3A_1476, %parallel_loop3A_1482 : vector<16xf32>
        %parallel_loop3A_1484 = arith.constant 0 : i32
        %parallel_loop3A_1485 = arith.index_cast %parallel_loop3A_1484 : i32 to index
        %parallel_loop3A_1486 = arith.index_cast %parallel_loop3A_1464 : i32 to index
        %parallel_loop3A_1487 = arith.index_cast %parallel_loop3A_1470 : i32 to index
        %parallel_loop3A_1488 = tpu.vector_load %arg7[%parallel_loop3A_1485, %parallel_loop3A_1486, %parallel_loop3A_1487] {strides = array<i32>} : memref<3x16x1024xf32, #tpu.memory_space<vmem>>, vector<1x1x16xf32>,
        %parallel_loop3A_1489 = vector.shape_cast %parallel_loop3A_1488 : vector<1x1x16xf32> to vector<16xf32>
        %parallel_loop3A_1490 = vector.shape_cast %parallel_loop3A_1483 : vector<16xf32> to vector<1x1x16xf32>
        tpu.vector_store %arg7[%parallel_loop3A_1485, %parallel_loop3A_1486, %parallel_loop3A_1487], %parallel_loop3A_1490 {strides = array<i32>} : memref<3x16x1024xf32, #tpu.memory_space<vmem>>, vector<1x1x16xf32>,
      } {sc.loop_unroll_factor = 8 : i64, sc.parallel_access}
    } {sc.loop_unroll_factor = 1 : i64, sc.parallel_access}
    %add3A_914 = arith.constant 32 : i32
    %add3A_915 = arith.addi %mul3A_2, %add3A_914 : i32
    %dma_start3A_916 = arith.constant 0 : i32
    %dma_start3A_917 = arith.constant 1 : i32
    %dma_start3A_918 = arith.constant 0 : i32
    %dma_start3A_919 = arith.constant 0 : i32
    %dma_start3A_920 = arith.constant 0 : i32
    %dma_start3A_921 = tpu.memref_slice %arg7[%dma_start3A_916, %dma_start3A_919, %dma_start3A_920] : memref<3x16x1024xf32, #tpu.memory_space<vmem>> -> memref<1x16x1024xf32, #tpu.memory_space<vmem>>
    %dma_start3A_922 = tpu.memref_squeeze %dma_start3A_921 : memref<1x16x1024xf32, #tpu.memory_space<vmem>> -> memref<16x1024xf32, #tpu.memory_space<vmem>>
    %dma_start3A_923 = arith.constant 0 : i32
    %dma_start3A_924 = tpu.memref_slice %arg4[%dma_start3A_917, %add3A_915, %dma_start3A_923] : memref<4x2048x1024xf32, #tpu.memory_space<hbm>> -> memref<1x16x1024xf32, #tpu.memory_space<hbm>>
    %dma_start3A_925 = tpu.memref_squeeze %dma_start3A_924 : memref<1x16x1024xf32, #tpu.memory_space<hbm>> -> memref<16x1024xf32, #tpu.memory_space<hbm>>
    %dma_start3A_926 = tpu.memref_slice %arg9[%dma_start3A_918] : memref<3x!tpu.dma_semaphore, #tpu.memory_space<semaphore_mem>> -> memref<1x!tpu.dma_semaphore, #tpu.memory_space<semaphore_mem>>
    %dma_start3A_927 = tpu.memref_squeeze %dma_start3A_926 : memref<1x!tpu.dma_semaphore, #tpu.memory_space<semaphore_mem>> -> memref<!tpu.dma_semaphore, #tpu.memory_space<semaphore_mem>>
    %dma_start3A_928 = arith.constant 0 : i32
    %dma_start3A_929 = tpu.memref_slice %arg4[%dma_start3A_917, %add3A_915, %dma_start3A_928] : memref<4x2048x1024xf32, #tpu.memory_space<hbm>> -> memref<1x16x1024xf32, #tpu.memory_space<hbm>>
    %dma_start3A_930 = tpu.memref_squeeze %dma_start3A_929 : memref<1x16x1024xf32, #tpu.memory_space<hbm>> -> memref<16x1024xf32, #tpu.memory_space<hbm>>
    %dma_start3A_931 = arith.constant 0 : i32
    %dma_start3A_932 = arith.constant 0 : i32
    %dma_start3A_933 = tpu.memref_slice %arg7[%dma_start3A_916, %dma_start3A_931, %dma_start3A_932] : memref<3x16x1024xf32, #tpu.memory_space<vmem>> -> memref<1x16x1024xf32, #tpu.memory_space<vmem>>
    %dma_start3A_934 = tpu.memref_squeeze %dma_start3A_933 : memref<1x16x1024xf32, #tpu.memory_space<vmem>> -> memref<16x1024xf32, #tpu.memory_space<vmem>>
    tpu.enqueue_dma source(%dma_start3A_934 : memref<16x1024xf32, #tpu.memory_space<vmem>>) target(%dma_start3A_930 : memref<16x1024xf32, #tpu.memory_space<hbm>>) target_semaphore(%dma_start3A_927 : memref<!tpu.dma_semaphore, #tpu.memory_space<semaphore_mem>>)
    %add3A_935 = arith.constant 48 : i32
    %add3A_936 = arith.addi %mul3A_2, %add3A_935 : i32
    %dma_start3A_937 = arith.constant 0 : i32
    %dma_start3A_938 = arith.constant 0 : i32
    %dma_start3A_939 = arith.constant 0 : i32
    %dma_start3A_940 = arith.constant 0 : i32
    %dma_start3A_941 = arith.constant 0 : i32
    %dma_start3A_942 = tpu.memref_slice %arg5[%dma_start3A_938, %dma_start3A_940, %dma_start3A_941] : memref<3x16x1024xf32, #tpu.memory_space<vmem>> -> memref<1x16x1024xf32, #tpu.memory_space<vmem>>
    %dma_start3A_943 = tpu.memref_squeeze %dma_start3A_942 : memref<1x16x1024xf32, #tpu.memory_space<vmem>> -> memref<16x1024xf32, #tpu.memory_space<vmem>>
    %dma_start3A_944 = arith.constant 0 : i32
    %dma_start3A_945 = tpu.memref_slice %arg2[%dma_start3A_937, %add3A_936, %dma_start3A_944] : memref<4x2048x1024xf32, #tpu.memory_space<hbm>> -> memref<1x16x1024xf32, #tpu.memory_space<hbm>>
    %dma_start3A_946 = tpu.memref_squeeze %dma_start3A_945 : memref<1x16x1024xf32, #tpu.memory_space<hbm>> -> memref<16x1024xf32, #tpu.memory_space<hbm>>
    %dma_start3A_947 = tpu.memref_slice %arg8[%dma_start3A_939] : memref<3x!tpu.dma_semaphore, #tpu.memory_space<semaphore_mem>> -> memref<1x!tpu.dma_semaphore, #tpu.memory_space<semaphore_mem>>
    %dma_start3A_948 = tpu.memref_squeeze %dma_start3A_947 : memref<1x!tpu.dma_semaphore, #tpu.memory_space<semaphore_mem>> -> memref<!tpu.dma_semaphore, #tpu.memory_space<semaphore_mem>>
    %dma_start3A_949 = arith.constant 0 : i32
    %dma_start3A_950 = arith.constant 0 : i32
    %dma_start3A_951 = tpu.memref_slice %arg5[%dma_start3A_938, %dma_start3A_949, %dma_start3A_950] : memref<3x16x1024xf32, #tpu.memory_space<vmem>> -> memref<1x16x1024xf32, #tpu.memory_space<vmem>>
    %dma_start3A_952 = tpu.memref_squeeze %dma_start3A_951 : memref<1x16x1024xf32, #tpu.memory_space<vmem>> -> memref<16x1024xf32, #tpu.memory_space<vmem>>
    %dma_start3A_953 = arith.constant 0 : i32
    %dma_start3A_954 = tpu.memref_slice %arg2[%dma_start3A_937, %add3A_936, %dma_start3A_953] : memref<4x2048x1024xf32, #tpu.memory_space<hbm>> -> memref<1x16x1024xf32, #tpu.memory_space<hbm>>
    %dma_start3A_955 = tpu.memref_squeeze %dma_start3A_954 : memref<1x16x1024xf32, #tpu.memory_space<hbm>> -> memref<16x1024xf32, #tpu.memory_space<hbm>>
    tpu.enqueue_dma source(%dma_start3A_955 : memref<16x1024xf32, #tpu.memory_space<hbm>>) target(%dma_start3A_952 : memref<16x1024xf32, #tpu.memory_space<vmem>>) target_semaphore(%dma_start3A_948 : memref<!tpu.dma_semaphore, #tpu.memory_space<semaphore_mem>>)
    %dma_wait3A_956 = arith.constant 2 : i32
    %dma_wait3A_957 = arith.constant 1 : i32
    %dma_wait3A_958 = arith.constant 1 : i32
    %dma_wait3A_959 = arith.constant 0 : i32
    %dma_wait3A_960 = arith.constant 0 : i32
    %dma_wait3A_961 = tpu.memref_slice %arg5[%dma_wait3A_957, %dma_wait3A_959, %dma_wait3A_960] : memref<3x16x1024xf32, #tpu.memory_space<vmem>> -> memref<1x16x1024xf32, #tpu.memory_space<vmem>>
    %dma_wait3A_962 = tpu.memref_squeeze %dma_wait3A_961 : memref<1x16x1024xf32, #tpu.memory_space<vmem>> -> memref<16x1024xf32, #tpu.memory_space<vmem>>
    %dma_wait3A_963 = arith.constant 0 : i32
    %dma_wait3A_964 = tpu.memref_slice %arg2[%dma_wait3A_956, %add3A_736, %dma_wait3A_963] : memref<4x2048x1024xf32, #tpu.memory_space<hbm>> -> memref<1x16x1024xf32, #tpu.memory_space<hbm>>
    %dma_wait3A_965 = tpu.memref_squeeze %dma_wait3A_964 : memref<1x16x1024xf32, #tpu.memory_space<hbm>> -> memref<16x1024xf32, #tpu.memory_space<hbm>>
    %dma_wait3A_966 = tpu.memref_slice %arg8[%dma_wait3A_958] : memref<3x!tpu.dma_semaphore, #tpu.memory_space<semaphore_mem>> -> memref<1x!tpu.dma_semaphore, #tpu.memory_space<semaphore_mem>>
    %dma_wait3A_967 = tpu.memref_squeeze %dma_wait3A_966 : memref<1x!tpu.dma_semaphore, #tpu.memory_space<semaphore_mem>> -> memref<!tpu.dma_semaphore, #tpu.memory_space<semaphore_mem>>
    %dma_wait3A_968 = arith.constant 0 : i32
    %dma_wait3A_969 = arith.constant 0 : i32
    %dma_wait3A_970 = tpu.memref_slice %arg5[%dma_wait3A_957, %dma_wait3A_968, %dma_wait3A_969] : memref<3x16x1024xf32, #tpu.memory_space<vmem>> -> memref<1x16x1024xf32, #tpu.memory_space<vmem>>
    %dma_wait3A_971 = tpu.memref_squeeze %dma_wait3A_970 : memref<1x16x1024xf32, #tpu.memory_space<vmem>> -> memref<16x1024xf32, #tpu.memory_space<vmem>>
    %dma_wait3A_972 = arith.constant 0 : i32
    %dma_wait3A_973 = tpu.memref_slice %arg2[%dma_wait3A_956, %add3A_736, %dma_wait3A_972] : memref<4x2048x1024xf32, #tpu.memory_space<hbm>> -> memref<1x16x1024xf32, #tpu.memory_space<hbm>>
    %dma_wait3A_974 = tpu.memref_squeeze %dma_wait3A_973 : memref<1x16x1024xf32, #tpu.memory_space<hbm>> -> memref<16x1024xf32, #tpu.memory_space<hbm>>
    tpu.wait_dma2 semaphore(%dma_wait3A_967 : memref<!tpu.dma_semaphore, #tpu.memory_space<semaphore_mem>>) src(%dma_wait3A_974 : memref<16x1024xf32, #tpu.memory_space<hbm>>) dst(%dma_wait3A_971 : memref<16x1024xf32, #tpu.memory_space<vmem>>)
    %dma_wait3A_975 = arith.constant 1 : i32
    %dma_wait3A_976 = arith.constant 3 : i32
    %dma_wait3A_977 = arith.constant 1 : i32
    %dma_wait3A_978 = arith.constant 0 : i32
    %dma_wait3A_979 = arith.constant 0 : i32
    %dma_wait3A_980 = tpu.memref_slice %arg7[%dma_wait3A_975, %dma_wait3A_978, %dma_wait3A_979] : memref<3x16x1024xf32, #tpu.memory_space<vmem>> -> memref<1x16x1024xf32, #tpu.memory_space<vmem>>
    %dma_wait3A_981 = tpu.memref_squeeze %dma_wait3A_980 : memref<1x16x1024xf32, #tpu.memory_space<vmem>> -> memref<16x1024xf32, #tpu.memory_space<vmem>>
    %dma_wait3A_982 = arith.constant 0 : i32
    %dma_wait3A_983 = tpu.memref_slice %arg4[%dma_wait3A_976, %add3A_715, %dma_wait3A_982] : memref<4x2048x1024xf32, #tpu.memory_space<hbm>> -> memref<1x16x1024xf32, #tpu.memory_space<hbm>>
    %dma_wait3A_984 = tpu.memref_squeeze %dma_wait3A_983 : memref<1x16x1024xf32, #tpu.memory_space<hbm>> -> memref<16x1024xf32, #tpu.memory_space<hbm>>
    %dma_wait3A_985 = tpu.memref_slice %arg9[%dma_wait3A_977] : memref<3x!tpu.dma_semaphore, #tpu.memory_space<semaphore_mem>> -> memref<1x!tpu.dma_semaphore, #tpu.memory_space<semaphore_mem>>
    %dma_wait3A_986 = tpu.memref_squeeze %dma_wait3A_985 : memref<1x!tpu.dma_semaphore, #tpu.memory_space<semaphore_mem>> -> memref<!tpu.dma_semaphore, #tpu.memory_space<semaphore_mem>>
    %dma_wait3A_987 = arith.constant 0 : i32
    %dma_wait3A_988 = tpu.memref_slice %arg4[%dma_wait3A_976, %add3A_715, %dma_wait3A_987] : memref<4x2048x1024xf32, #tpu.memory_space<hbm>> -> memref<1x16x1024xf32, #tpu.memory_space<hbm>>
    %dma_wait3A_989 = tpu.memref_squeeze %dma_wait3A_988 : memref<1x16x1024xf32, #tpu.memory_space<hbm>> -> memref<16x1024xf32, #tpu.memory_space<hbm>>
    %dma_wait3A_990 = arith.constant 0 : i32
    %dma_wait3A_991 = arith.constant 0 : i32
    %dma_wait3A_992 = tpu.memref_slice %arg7[%dma_wait3A_975, %dma_wait3A_990, %dma_wait3A_991] : memref<3x16x1024xf32, #tpu.memory_space<vmem>> -> memref<1x16x1024xf32, #tpu.memory_space<vmem>>
    %dma_wait3A_993 = tpu.memref_squeeze %dma_wait3A_992 : memref<1x16x1024xf32, #tpu.memory_space<vmem>> -> memref<16x1024xf32, #tpu.memory_space<vmem>>
    tpu.wait_dma2 semaphore(%dma_wait3A_986 : memref<!tpu.dma_semaphore, #tpu.memory_space<semaphore_mem>>) src(%dma_wait3A_993 : memref<16x1024xf32, #tpu.memory_space<vmem>>) dst(%dma_wait3A_989 : memref<16x1024xf32, #tpu.memory_space<hbm>>)
    %parallel_loop3A_994 = arith.constant 0 : i32
    %parallel_loop3A_995 = arith.constant 16 : i32
    %parallel_loop3A_996 = arith.constant 1 : i32
    scf.for %parallel_loop3A_1464 = %parallel_loop3A_994 to %parallel_loop3A_995 step %parallel_loop3A_996  : i32 {
      %parallel_loop3A_1465 = arith.constant 0 : i32
      %parallel_loop3A_1466 = arith.constant 64 : i32
      %parallel_loop3A_1467 = arith.constant 1 : i32
      scf.for %parallel_loop3A_1468 = %parallel_loop3A_1465 to %parallel_loop3A_1466 step %parallel_loop3A_1467  : i32 {
        %parallel_loop3A_1469 = arith.constant 16 : i32
        %parallel_loop3A_1470 = arith.muli %parallel_loop3A_1468, %parallel_loop3A_1469 : i32
        %parallel_loop3A_1471 = arith.constant 1 : i32
        %parallel_loop3A_1472 = arith.index_cast %parallel_loop3A_1471 : i32 to index
        %parallel_loop3A_1473 = arith.index_cast %parallel_loop3A_1464 : i32 to index
        %parallel_loop3A_1474 = arith.index_cast %parallel_loop3A_1470 : i32 to index
        %parallel_loop3A_1475 = tpu.vector_load %arg5[%parallel_loop3A_1472, %parallel_loop3A_1473, %parallel_loop3A_1474] {strides = array<i32>} : memref<3x16x1024xf32, #tpu.memory_space<vmem>>, vector<1x1x16xf32>,
        %parallel_loop3A_1476 = vector.shape_cast %parallel_loop3A_1475 : vector<1x1x16xf32> to vector<16xf32>
        %parallel_loop3A_1477 = arith.constant 0 : i32
        %parallel_loop3A_1478 = arith.index_cast %parallel_loop3A_1477 : i32 to index
        %parallel_loop3A_1479 = arith.index_cast %parallel_loop3A_1464 : i32 to index
        %parallel_loop3A_1480 = arith.index_cast %parallel_loop3A_1470 : i32 to index
        %parallel_loop3A_1481 = tpu.vector_load %arg6[%parallel_loop3A_1478, %parallel_loop3A_1479, %parallel_loop3A_1480] {strides = array<i32>} : memref<2x16x1024xf32, #tpu.memory_space<vmem>>, vector<1x1x16xf32>,
        %parallel_loop3A_1482 = vector.shape_cast %parallel_loop3A_1481 : vector<1x1x16xf32> to vector<16xf32>
        %parallel_loop3A_1483 = arith.addf %parallel_loop3A_1476, %parallel_loop3A_1482 : vector<16xf32>
        %parallel_loop3A_1484 = arith.constant 1 : i32
        %parallel_loop3A_1485 = arith.index_cast %parallel_loop3A_1484 : i32 to index
        %parallel_loop3A_1486 = arith.index_cast %parallel_loop3A_1464 : i32 to index
        %parallel_loop3A_1487 = arith.index_cast %parallel_loop3A_1470 : i32 to index
        %parallel_loop3A_1488 = tpu.vector_load %arg7[%parallel_loop3A_1485, %parallel_loop3A_1486, %parallel_loop3A_1487] {strides = array<i32>} : memref<3x16x1024xf32, #tpu.memory_space<vmem>>, vector<1x1x16xf32>,
        %parallel_loop3A_1489 = vector.shape_cast %parallel_loop3A_1488 : vector<1x1x16xf32> to vector<16xf32>
        %parallel_loop3A_1490 = vector.shape_cast %parallel_loop3A_1483 : vector<16xf32> to vector<1x1x16xf32>
        tpu.vector_store %arg7[%parallel_loop3A_1485, %parallel_loop3A_1486, %parallel_loop3A_1487], %parallel_loop3A_1490 {strides = array<i32>} : memref<3x16x1024xf32, #tpu.memory_space<vmem>>, vector<1x1x16xf32>,
      } {sc.loop_unroll_factor = 8 : i64, sc.parallel_access}
    } {sc.loop_unroll_factor = 1 : i64, sc.parallel_access}
    %add3A_997 = arith.constant 32 : i32
    %add3A_998 = arith.addi %mul3A_2, %add3A_997 : i32
    %dma_start3A_999 = arith.constant 1 : i32
    %dma_start3A_1000 = arith.constant 2 : i32
    %dma_start3A_1001 = arith.constant 1 : i32
    %dma_start3A_1002 = arith.constant 0 : i32
    %dma_start3A_1003 = arith.constant 0 : i32
    %dma_start3A_1004 = tpu.memref_slice %arg7[%dma_start3A_999, %dma_start3A_1002, %dma_start3A_1003] : memref<3x16x1024xf32, #tpu.memory_space<vmem>> -> memref<1x16x1024xf32, #tpu.memory_space<vmem>>
    %dma_start3A_1005 = tpu.memref_squeeze %dma_start3A_1004 : memref<1x16x1024xf32, #tpu.memory_space<vmem>> -> memref<16x1024xf32, #tpu.memory_space<vmem>>
    %dma_start3A_1006 = arith.constant 0 : i32
    %dma_start3A_1007 = tpu.memref_slice %arg4[%dma_start3A_1000, %add3A_998, %dma_start3A_1006] : memref<4x2048x1024xf32, #tpu.memory_space<hbm>> -> memref<1x16x1024xf32, #tpu.memory_space<hbm>>
    %dma_start3A_1008 = tpu.memref_squeeze %dma_start3A_1007 : memref<1x16x1024xf32, #tpu.memory_space<hbm>> -> memref<16x1024xf32, #tpu.memory_space<hbm>>
    %dma_start3A_1009 = tpu.memref_slice %arg9[%dma_start3A_1001] : memref<3x!tpu.dma_semaphore, #tpu.memory_space<semaphore_mem>> -> memref<1x!tpu.dma_semaphore, #tpu.memory_space<semaphore_mem>>
    %dma_start3A_1010 = tpu.memref_squeeze %dma_start3A_1009 : memref<1x!tpu.dma_semaphore, #tpu.memory_space<semaphore_mem>> -> memref<!tpu.dma_semaphore, #tpu.memory_space<semaphore_mem>>
    %dma_start3A_1011 = arith.constant 0 : i32
    %dma_start3A_1012 = tpu.memref_slice %arg4[%dma_start3A_1000, %add3A_998, %dma_start3A_1011] : memref<4x2048x1024xf32, #tpu.memory_space<hbm>> -> memref<1x16x1024xf32, #tpu.memory_space<hbm>>
    %dma_start3A_1013 = tpu.memref_squeeze %dma_start3A_1012 : memref<1x16x1024xf32, #tpu.memory_space<hbm>> -> memref<16x1024xf32, #tpu.memory_space<hbm>>
    %dma_start3A_1014 = arith.constant 0 : i32
    %dma_start3A_1015 = arith.constant 0 : i32
    %dma_start3A_1016 = tpu.memref_slice %arg7[%dma_start3A_999, %dma_start3A_1014, %dma_start3A_1015] : memref<3x16x1024xf32, #tpu.memory_space<vmem>> -> memref<1x16x1024xf32, #tpu.memory_space<vmem>>
    %dma_start3A_1017 = tpu.memref_squeeze %dma_start3A_1016 : memref<1x16x1024xf32, #tpu.memory_space<vmem>> -> memref<16x1024xf32, #tpu.memory_space<vmem>>
    tpu.enqueue_dma source(%dma_start3A_1017 : memref<16x1024xf32, #tpu.memory_space<vmem>>) target(%dma_start3A_1013 : memref<16x1024xf32, #tpu.memory_space<hbm>>) target_semaphore(%dma_start3A_1010 : memref<!tpu.dma_semaphore, #tpu.memory_space<semaphore_mem>>)
    %add3A_1018 = arith.constant 48 : i32
    %add3A_1019 = arith.addi %mul3A_2, %add3A_1018 : i32
    %dma_start3A_1020 = arith.constant 1 : i32
    %dma_start3A_1021 = arith.constant 1 : i32
    %dma_start3A_1022 = arith.constant 1 : i32
    %dma_start3A_1023 = arith.constant 0 : i32
    %dma_start3A_1024 = arith.constant 0 : i32
    %dma_start3A_1025 = tpu.memref_slice %arg5[%dma_start3A_1021, %dma_start3A_1023, %dma_start3A_1024] : memref<3x16x1024xf32, #tpu.memory_space<vmem>> -> memref<1x16x1024xf32, #tpu.memory_space<vmem>>
    %dma_start3A_1026 = tpu.memref_squeeze %dma_start3A_1025 : memref<1x16x1024xf32, #tpu.memory_space<vmem>> -> memref<16x1024xf32, #tpu.memory_space<vmem>>
    %dma_start3A_1027 = arith.constant 0 : i32
    %dma_start3A_1028 = tpu.memref_slice %arg2[%dma_start3A_1020, %add3A_1019, %dma_start3A_1027] : memref<4x2048x1024xf32, #tpu.memory_space<hbm>> -> memref<1x16x1024xf32, #tpu.memory_space<hbm>>
    %dma_start3A_1029 = tpu.memref_squeeze %dma_start3A_1028 : memref<1x16x1024xf32, #tpu.memory_space<hbm>> -> memref<16x1024xf32, #tpu.memory_space<hbm>>
    %dma_start3A_1030 = tpu.memref_slice %arg8[%dma_start3A_1022] : memref<3x!tpu.dma_semaphore, #tpu.memory_space<semaphore_mem>> -> memref<1x!tpu.dma_semaphore, #tpu.memory_space<semaphore_mem>>
    %dma_start3A_1031 = tpu.memref_squeeze %dma_start3A_1030 : memref<1x!tpu.dma_semaphore, #tpu.memory_space<semaphore_mem>> -> memref<!tpu.dma_semaphore, #tpu.memory_space<semaphore_mem>>
    %dma_start3A_1032 = arith.constant 0 : i32
    %dma_start3A_1033 = arith.constant 0 : i32
    %dma_start3A_1034 = tpu.memref_slice %arg5[%dma_start3A_1021, %dma_start3A_1032, %dma_start3A_1033] : memref<3x16x1024xf32, #tpu.memory_space<vmem>> -> memref<1x16x1024xf32, #tpu.memory_space<vmem>>
    %dma_start3A_1035 = tpu.memref_squeeze %dma_start3A_1034 : memref<1x16x1024xf32, #tpu.memory_space<vmem>> -> memref<16x1024xf32, #tpu.memory_space<vmem>>
    %dma_start3A_1036 = arith.constant 0 : i32
    %dma_start3A_1037 = tpu.memref_slice %arg2[%dma_start3A_1020, %add3A_1019, %dma_start3A_1036] : memref<4x2048x1024xf32, #tpu.memory_space<hbm>> -> memref<1x16x1024xf32, #tpu.memory_space<hbm>>
    %dma_start3A_1038 = tpu.memref_squeeze %dma_start3A_1037 : memref<1x16x1024xf32, #tpu.memory_space<hbm>> -> memref<16x1024xf32, #tpu.memory_space<hbm>>
    tpu.enqueue_dma source(%dma_start3A_1038 : memref<16x1024xf32, #tpu.memory_space<hbm>>) target(%dma_start3A_1035 : memref<16x1024xf32, #tpu.memory_space<vmem>>) target_semaphore(%dma_start3A_1031 : memref<!tpu.dma_semaphore, #tpu.memory_space<semaphore_mem>>)
    %dma_wait3A_1039 = arith.constant 3 : i32
    %dma_wait3A_1040 = arith.constant 2 : i32
    %dma_wait3A_1041 = arith.constant 2 : i32
    %dma_wait3A_1042 = arith.constant 0 : i32
    %dma_wait3A_1043 = arith.constant 0 : i32
    %dma_wait3A_1044 = tpu.memref_slice %arg5[%dma_wait3A_1040, %dma_wait3A_1042, %dma_wait3A_1043] : memref<3x16x1024xf32, #tpu.memory_space<vmem>> -> memref<1x16x1024xf32, #tpu.memory_space<vmem>>
    %dma_wait3A_1045 = tpu.memref_squeeze %dma_wait3A_1044 : memref<1x16x1024xf32, #tpu.memory_space<vmem>> -> memref<16x1024xf32, #tpu.memory_space<vmem>>
    %dma_wait3A_1046 = arith.constant 0 : i32
    %dma_wait3A_1047 = tpu.memref_slice %arg2[%dma_wait3A_1039, %add3A_853, %dma_wait3A_1046] : memref<4x2048x1024xf32, #tpu.memory_space<hbm>> -> memref<1x16x1024xf32, #tpu.memory_space<hbm>>
    %dma_wait3A_1048 = tpu.memref_squeeze %dma_wait3A_1047 : memref<1x16x1024xf32, #tpu.memory_space<hbm>> -> memref<16x1024xf32, #tpu.memory_space<hbm>>
    %dma_wait3A_1049 = tpu.memref_slice %arg8[%dma_wait3A_1041] : memref<3x!tpu.dma_semaphore, #tpu.memory_space<semaphore_mem>> -> memref<1x!tpu.dma_semaphore, #tpu.memory_space<semaphore_mem>>
    %dma_wait3A_1050 = tpu.memref_squeeze %dma_wait3A_1049 : memref<1x!tpu.dma_semaphore, #tpu.memory_space<semaphore_mem>> -> memref<!tpu.dma_semaphore, #tpu.memory_space<semaphore_mem>>
    %dma_wait3A_1051 = arith.constant 0 : i32
    %dma_wait3A_1052 = arith.constant 0 : i32
    %dma_wait3A_1053 = tpu.memref_slice %arg5[%dma_wait3A_1040, %dma_wait3A_1051, %dma_wait3A_1052] : memref<3x16x1024xf32, #tpu.memory_space<vmem>> -> memref<1x16x1024xf32, #tpu.memory_space<vmem>>
    %dma_wait3A_1054 = tpu.memref_squeeze %dma_wait3A_1053 : memref<1x16x1024xf32, #tpu.memory_space<vmem>> -> memref<16x1024xf32, #tpu.memory_space<vmem>>
    %dma_wait3A_1055 = arith.constant 0 : i32
    %dma_wait3A_1056 = tpu.memref_slice %arg2[%dma_wait3A_1039, %add3A_853, %dma_wait3A_1055] : memref<4x2048x1024xf32, #tpu.memory_space<hbm>> -> memref<1x16x1024xf32, #tpu.memory_space<hbm>>
    %dma_wait3A_1057 = tpu.memref_squeeze %dma_wait3A_1056 : memref<1x16x1024xf32, #tpu.memory_space<hbm>> -> memref<16x1024xf32, #tpu.memory_space<hbm>>
    tpu.wait_dma2 semaphore(%dma_wait3A_1050 : memref<!tpu.dma_semaphore, #tpu.memory_space<semaphore_mem>>) src(%dma_wait3A_1057 : memref<16x1024xf32, #tpu.memory_space<hbm>>) dst(%dma_wait3A_1054 : memref<16x1024xf32, #tpu.memory_space<vmem>>)
    %dma_wait3A_1058 = arith.constant 2 : i32
    %dma_wait3A_1059 = arith.constant 0 : i32
    %dma_wait3A_1060 = arith.constant 2 : i32
    %dma_wait3A_1061 = arith.constant 0 : i32
    %dma_wait3A_1062 = arith.constant 0 : i32
    %dma_wait3A_1063 = tpu.memref_slice %arg7[%dma_wait3A_1058, %dma_wait3A_1061, %dma_wait3A_1062] : memref<3x16x1024xf32, #tpu.memory_space<vmem>> -> memref<1x16x1024xf32, #tpu.memory_space<vmem>>
    %dma_wait3A_1064 = tpu.memref_squeeze %dma_wait3A_1063 : memref<1x16x1024xf32, #tpu.memory_space<vmem>> -> memref<16x1024xf32, #tpu.memory_space<vmem>>
    %dma_wait3A_1065 = arith.constant 0 : i32
    %dma_wait3A_1066 = tpu.memref_slice %arg4[%dma_wait3A_1059, %add3A_832, %dma_wait3A_1065] : memref<4x2048x1024xf32, #tpu.memory_space<hbm>> -> memref<1x16x1024xf32, #tpu.memory_space<hbm>>
    %dma_wait3A_1067 = tpu.memref_squeeze %dma_wait3A_1066 : memref<1x16x1024xf32, #tpu.memory_space<hbm>> -> memref<16x1024xf32, #tpu.memory_space<hbm>>
    %dma_wait3A_1068 = tpu.memref_slice %arg9[%dma_wait3A_1060] : memref<3x!tpu.dma_semaphore, #tpu.memory_space<semaphore_mem>> -> memref<1x!tpu.dma_semaphore, #tpu.memory_space<semaphore_mem>>
    %dma_wait3A_1069 = tpu.memref_squeeze %dma_wait3A_1068 : memref<1x!tpu.dma_semaphore, #tpu.memory_space<semaphore_mem>> -> memref<!tpu.dma_semaphore, #tpu.memory_space<semaphore_mem>>
    %dma_wait3A_1070 = arith.constant 0 : i32
    %dma_wait3A_1071 = tpu.memref_slice %arg4[%dma_wait3A_1059, %add3A_832, %dma_wait3A_1070] : memref<4x2048x1024xf32, #tpu.memory_space<hbm>> -> memref<1x16x1024xf32, #tpu.memory_space<hbm>>
    %dma_wait3A_1072 = tpu.memref_squeeze %dma_wait3A_1071 : memref<1x16x1024xf32, #tpu.memory_space<hbm>> -> memref<16x1024xf32, #tpu.memory_space<hbm>>
    %dma_wait3A_1073 = arith.constant 0 : i32
    %dma_wait3A_1074 = arith.constant 0 : i32
    %dma_wait3A_1075 = tpu.memref_slice %arg7[%dma_wait3A_1058, %dma_wait3A_1073, %dma_wait3A_1074] : memref<3x16x1024xf32, #tpu.memory_space<vmem>> -> memref<1x16x1024xf32, #tpu.memory_space<vmem>>
    %dma_wait3A_1076 = tpu.memref_squeeze %dma_wait3A_1075 : memref<1x16x1024xf32, #tpu.memory_space<vmem>> -> memref<16x1024xf32, #tpu.memory_space<vmem>>
    tpu.wait_dma2 semaphore(%dma_wait3A_1069 : memref<!tpu.dma_semaphore, #tpu.memory_space<semaphore_mem>>) src(%dma_wait3A_1076 : memref<16x1024xf32, #tpu.memory_space<vmem>>) dst(%dma_wait3A_1072 : memref<16x1024xf32, #tpu.memory_space<hbm>>)
    %parallel_loop3A_1077 = arith.constant 0 : i32
    %parallel_loop3A_1078 = arith.constant 16 : i32
    %parallel_loop3A_1079 = arith.constant 1 : i32
    scf.for %parallel_loop3A_1464 = %parallel_loop3A_1077 to %parallel_loop3A_1078 step %parallel_loop3A_1079  : i32 {
      %parallel_loop3A_1465 = arith.constant 0 : i32
      %parallel_loop3A_1466 = arith.constant 64 : i32
      %parallel_loop3A_1467 = arith.constant 1 : i32
      scf.for %parallel_loop3A_1468 = %parallel_loop3A_1465 to %parallel_loop3A_1466 step %parallel_loop3A_1467  : i32 {
        %parallel_loop3A_1469 = arith.constant 16 : i32
        %parallel_loop3A_1470 = arith.muli %parallel_loop3A_1468, %parallel_loop3A_1469 : i32
        %parallel_loop3A_1471 = arith.constant 2 : i32
        %parallel_loop3A_1472 = arith.index_cast %parallel_loop3A_1471 : i32 to index
        %parallel_loop3A_1473 = arith.index_cast %parallel_loop3A_1464 : i32 to index
        %parallel_loop3A_1474 = arith.index_cast %parallel_loop3A_1470 : i32 to index
        %parallel_loop3A_1475 = tpu.vector_load %arg5[%parallel_loop3A_1472, %parallel_loop3A_1473, %parallel_loop3A_1474] {strides = array<i32>} : memref<3x16x1024xf32, #tpu.memory_space<vmem>>, vector<1x1x16xf32>,
        %parallel_loop3A_1476 = vector.shape_cast %parallel_loop3A_1475 : vector<1x1x16xf32> to vector<16xf32>
        %parallel_loop3A_1477 = arith.constant 0 : i32
        %parallel_loop3A_1478 = arith.index_cast %parallel_loop3A_1477 : i32 to index
        %parallel_loop3A_1479 = arith.index_cast %parallel_loop3A_1464 : i32 to index
        %parallel_loop3A_1480 = arith.index_cast %parallel_loop3A_1470 : i32 to index
        %parallel_loop3A_1481 = tpu.vector_load %arg6[%parallel_loop3A_1478, %parallel_loop3A_1479, %parallel_loop3A_1480] {strides = array<i32>} : memref<2x16x1024xf32, #tpu.memory_space<vmem>>, vector<1x1x16xf32>,
        %parallel_loop3A_1482 = vector.shape_cast %parallel_loop3A_1481 : vector<1x1x16xf32> to vector<16xf32>
        %parallel_loop3A_1483 = arith.addf %parallel_loop3A_1476, %parallel_loop3A_1482 : vector<16xf32>
        %parallel_loop3A_1484 = arith.constant 2 : i32
        %parallel_loop3A_1485 = arith.index_cast %parallel_loop3A_1484 : i32 to index
        %parallel_loop3A_1486 = arith.index_cast %parallel_loop3A_1464 : i32 to index
        %parallel_loop3A_1487 = arith.index_cast %parallel_loop3A_1470 : i32 to index
        %parallel_loop3A_1488 = tpu.vector_load %arg7[%parallel_loop3A_1485, %parallel_loop3A_1486, %parallel_loop3A_1487] {strides = array<i32>} : memref<3x16x1024xf32, #tpu.memory_space<vmem>>, vector<1x1x16xf32>,
        %parallel_loop3A_1489 = vector.shape_cast %parallel_loop3A_1488 : vector<1x1x16xf32> to vector<16xf32>
        %parallel_loop3A_1490 = vector.shape_cast %parallel_loop3A_1483 : vector<16xf32> to vector<1x1x16xf32>
        tpu.vector_store %arg7[%parallel_loop3A_1485, %parallel_loop3A_1486, %parallel_loop3A_1487], %parallel_loop3A_1490 {strides = array<i32>} : memref<3x16x1024xf32, #tpu.memory_space<vmem>>, vector<1x1x16xf32>,
      } {sc.loop_unroll_factor = 8 : i64, sc.parallel_access}
    } {sc.loop_unroll_factor = 1 : i64, sc.parallel_access}
    %add3A_1080 = arith.constant 32 : i32
    %add3A_1081 = arith.addi %mul3A_2, %add3A_1080 : i32
    %dma_start3A_1082 = arith.constant 2 : i32
    %dma_start3A_1083 = arith.constant 3 : i32
    %dma_start3A_1084 = arith.constant 2 : i32
    %dma_start3A_1085 = arith.constant 0 : i32
    %dma_start3A_1086 = arith.constant 0 : i32
    %dma_start3A_1087 = tpu.memref_slice %arg7[%dma_start3A_1082, %dma_start3A_1085, %dma_start3A_1086] : memref<3x16x1024xf32, #tpu.memory_space<vmem>> -> memref<1x16x1024xf32, #tpu.memory_space<vmem>>
    %dma_start3A_1088 = tpu.memref_squeeze %dma_start3A_1087 : memref<1x16x1024xf32, #tpu.memory_space<vmem>> -> memref<16x1024xf32, #tpu.memory_space<vmem>>
    %dma_start3A_1089 = arith.constant 0 : i32
    %dma_start3A_1090 = tpu.memref_slice %arg4[%dma_start3A_1083, %add3A_1081, %dma_start3A_1089] : memref<4x2048x1024xf32, #tpu.memory_space<hbm>> -> memref<1x16x1024xf32, #tpu.memory_space<hbm>>
    %dma_start3A_1091 = tpu.memref_squeeze %dma_start3A_1090 : memref<1x16x1024xf32, #tpu.memory_space<hbm>> -> memref<16x1024xf32, #tpu.memory_space<hbm>>
    %dma_start3A_1092 = tpu.memref_slice %arg9[%dma_start3A_1084] : memref<3x!tpu.dma_semaphore, #tpu.memory_space<semaphore_mem>> -> memref<1x!tpu.dma_semaphore, #tpu.memory_space<semaphore_mem>>
    %dma_start3A_1093 = tpu.memref_squeeze %dma_start3A_1092 : memref<1x!tpu.dma_semaphore, #tpu.memory_space<semaphore_mem>> -> memref<!tpu.dma_semaphore, #tpu.memory_space<semaphore_mem>>
    %dma_start3A_1094 = arith.constant 0 : i32
    %dma_start3A_1095 = tpu.memref_slice %arg4[%dma_start3A_1083, %add3A_1081, %dma_start3A_1094] : memref<4x2048x1024xf32, #tpu.memory_space<hbm>> -> memref<1x16x1024xf32, #tpu.memory_space<hbm>>
    %dma_start3A_1096 = tpu.memref_squeeze %dma_start3A_1095 : memref<1x16x1024xf32, #tpu.memory_space<hbm>> -> memref<16x1024xf32, #tpu.memory_space<hbm>>
    %dma_start3A_1097 = arith.constant 0 : i32
    %dma_start3A_1098 = arith.constant 0 : i32
    %dma_start3A_1099 = tpu.memref_slice %arg7[%dma_start3A_1082, %dma_start3A_1097, %dma_start3A_1098] : memref<3x16x1024xf32, #tpu.memory_space<vmem>> -> memref<1x16x1024xf32, #tpu.memory_space<vmem>>
    %dma_start3A_1100 = tpu.memref_squeeze %dma_start3A_1099 : memref<1x16x1024xf32, #tpu.memory_space<vmem>> -> memref<16x1024xf32, #tpu.memory_space<vmem>>
    tpu.enqueue_dma source(%dma_start3A_1100 : memref<16x1024xf32, #tpu.memory_space<vmem>>) target(%dma_start3A_1096 : memref<16x1024xf32, #tpu.memory_space<hbm>>) target_semaphore(%dma_start3A_1093 : memref<!tpu.dma_semaphore, #tpu.memory_space<semaphore_mem>>)
    %add3A_1101 = arith.constant 48 : i32
    %add3A_1102 = arith.addi %mul3A_2, %add3A_1101 : i32
    %dma_start3A_1103 = arith.constant 2 : i32
    %dma_start3A_1104 = arith.constant 2 : i32
    %dma_start3A_1105 = arith.constant 2 : i32
    %dma_start3A_1106 = arith.constant 0 : i32
    %dma_start3A_1107 = arith.constant 0 : i32
    %dma_start3A_1108 = tpu.memref_slice %arg5[%dma_start3A_1104, %dma_start3A_1106, %dma_start3A_1107] : memref<3x16x1024xf32, #tpu.memory_space<vmem>> -> memref<1x16x1024xf32, #tpu.memory_space<vmem>>
    %dma_start3A_1109 = tpu.memref_squeeze %dma_start3A_1108 : memref<1x16x1024xf32, #tpu.memory_space<vmem>> -> memref<16x1024xf32, #tpu.memory_space<vmem>>
    %dma_start3A_1110 = arith.constant 0 : i32
    %dma_start3A_1111 = tpu.memref_slice %arg2[%dma_start3A_1103, %add3A_1102, %dma_start3A_1110] : memref<4x2048x1024xf32, #tpu.memory_space<hbm>> -> memref<1x16x1024xf32, #tpu.memory_space<hbm>>
    %dma_start3A_1112 = tpu.memref_squeeze %dma_start3A_1111 : memref<1x16x1024xf32, #tpu.memory_space<hbm>> -> memref<16x1024xf32, #tpu.memory_space<hbm>>
    %dma_start3A_1113 = tpu.memref_slice %arg8[%dma_start3A_1105] : memref<3x!tpu.dma_semaphore, #tpu.memory_space<semaphore_mem>> -> memref<1x!tpu.dma_semaphore, #tpu.memory_space<semaphore_mem>>
    %dma_start3A_1114 = tpu.memref_squeeze %dma_start3A_1113 : memref<1x!tpu.dma_semaphore, #tpu.memory_space<semaphore_mem>> -> memref<!tpu.dma_semaphore, #tpu.memory_space<semaphore_mem>>
    %dma_start3A_1115 = arith.constant 0 : i32
    %dma_start3A_1116 = arith.constant 0 : i32
    %dma_start3A_1117 = tpu.memref_slice %arg5[%dma_start3A_1104, %dma_start3A_1115, %dma_start3A_1116] : memref<3x16x1024xf32, #tpu.memory_space<vmem>> -> memref<1x16x1024xf32, #tpu.memory_space<vmem>>
    %dma_start3A_1118 = tpu.memref_squeeze %dma_start3A_1117 : memref<1x16x1024xf32, #tpu.memory_space<vmem>> -> memref<16x1024xf32, #tpu.memory_space<vmem>>
    %dma_start3A_1119 = arith.constant 0 : i32
    %dma_start3A_1120 = tpu.memref_slice %arg2[%dma_start3A_1103, %add3A_1102, %dma_start3A_1119] : memref<4x2048x1024xf32, #tpu.memory_space<hbm>> -> memref<1x16x1024xf32, #tpu.memory_space<hbm>>
    %dma_start3A_1121 = tpu.memref_squeeze %dma_start3A_1120 : memref<1x16x1024xf32, #tpu.memory_space<hbm>> -> memref<16x1024xf32, #tpu.memory_space<hbm>>
    tpu.enqueue_dma source(%dma_start3A_1121 : memref<16x1024xf32, #tpu.memory_space<hbm>>) target(%dma_start3A_1118 : memref<16x1024xf32, #tpu.memory_space<vmem>>) target_semaphore(%dma_start3A_1114 : memref<!tpu.dma_semaphore, #tpu.memory_space<semaphore_mem>>)
    %dma_wait3A_1122 = arith.constant 0 : i32
    %dma_wait3A_1123 = arith.constant 0 : i32
    %dma_wait3A_1124 = arith.constant 0 : i32
    %dma_wait3A_1125 = arith.constant 0 : i32
    %dma_wait3A_1126 = arith.constant 0 : i32
    %dma_wait3A_1127 = tpu.memref_slice %arg5[%dma_wait3A_1123, %dma_wait3A_1125, %dma_wait3A_1126] : memref<3x16x1024xf32, #tpu.memory_space<vmem>> -> memref<1x16x1024xf32, #tpu.memory_space<vmem>>
    %dma_wait3A_1128 = tpu.memref_squeeze %dma_wait3A_1127 : memref<1x16x1024xf32, #tpu.memory_space<vmem>> -> memref<16x1024xf32, #tpu.memory_space<vmem>>
    %dma_wait3A_1129 = arith.constant 0 : i32
    %dma_wait3A_1130 = tpu.memref_slice %arg2[%dma_wait3A_1122, %add3A_936, %dma_wait3A_1129] : memref<4x2048x1024xf32, #tpu.memory_space<hbm>> -> memref<1x16x1024xf32, #tpu.memory_space<hbm>>
    %dma_wait3A_1131 = tpu.memref_squeeze %dma_wait3A_1130 : memref<1x16x1024xf32, #tpu.memory_space<hbm>> -> memref<16x1024xf32, #tpu.memory_space<hbm>>
    %dma_wait3A_1132 = tpu.memref_slice %arg8[%dma_wait3A_1124] : memref<3x!tpu.dma_semaphore, #tpu.memory_space<semaphore_mem>> -> memref<1x!tpu.dma_semaphore, #tpu.memory_space<semaphore_mem>>
    %dma_wait3A_1133 = tpu.memref_squeeze %dma_wait3A_1132 : memref<1x!tpu.dma_semaphore, #tpu.memory_space<semaphore_mem>> -> memref<!tpu.dma_semaphore, #tpu.memory_space<semaphore_mem>>
    %dma_wait3A_1134 = arith.constant 0 : i32
    %dma_wait3A_1135 = arith.constant 0 : i32
    %dma_wait3A_1136 = tpu.memref_slice %arg5[%dma_wait3A_1123, %dma_wait3A_1134, %dma_wait3A_1135] : memref<3x16x1024xf32, #tpu.memory_space<vmem>> -> memref<1x16x1024xf32, #tpu.memory_space<vmem>>
    %dma_wait3A_1137 = tpu.memref_squeeze %dma_wait3A_1136 : memref<1x16x1024xf32, #tpu.memory_space<vmem>> -> memref<16x1024xf32, #tpu.memory_space<vmem>>
    %dma_wait3A_1138 = arith.constant 0 : i32
    %dma_wait3A_1139 = tpu.memref_slice %arg2[%dma_wait3A_1122, %add3A_936, %dma_wait3A_1138] : memref<4x2048x1024xf32, #tpu.memory_space<hbm>> -> memref<1x16x1024xf32, #tpu.memory_space<hbm>>
    %dma_wait3A_1140 = tpu.memref_squeeze %dma_wait3A_1139 : memref<1x16x1024xf32, #tpu.memory_space<hbm>> -> memref<16x1024xf32, #tpu.memory_space<hbm>>
    tpu.wait_dma2 semaphore(%dma_wait3A_1133 : memref<!tpu.dma_semaphore, #tpu.memory_space<semaphore_mem>>) src(%dma_wait3A_1140 : memref<16x1024xf32, #tpu.memory_space<hbm>>) dst(%dma_wait3A_1137 : memref<16x1024xf32, #tpu.memory_space<vmem>>)
    %dma_wait3A_1141 = arith.constant 1 : i32
    %dma_wait3A_1142 = arith.constant 1 : i32
    %dma_wait3A_1143 = arith.constant 0 : i32
    %dma_wait3A_1144 = arith.constant 0 : i32
    %dma_wait3A_1145 = tpu.memref_slice %arg6[%dma_wait3A_1141, %dma_wait3A_1143, %dma_wait3A_1144] : memref<2x16x1024xf32, #tpu.memory_space<vmem>> -> memref<1x16x1024xf32, #tpu.memory_space<vmem>>
    %dma_wait3A_1146 = tpu.memref_squeeze %dma_wait3A_1145 : memref<1x16x1024xf32, #tpu.memory_space<vmem>> -> memref<16x1024xf32, #tpu.memory_space<vmem>>
    %dma_wait3A_1147 = arith.constant 0 : i32
    %dma_wait3A_1148 = tpu.memref_slice %arg3[%add3A_757, %dma_wait3A_1147] : memref<2048x1024xf32, #tpu.memory_space<hbm>> -> memref<16x1024xf32, #tpu.memory_space<hbm>>
    %dma_wait3A_1149 = tpu.memref_slice %arg10[%dma_wait3A_1142] : memref<2x!tpu.dma_semaphore, #tpu.memory_space<semaphore_mem>> -> memref<1x!tpu.dma_semaphore, #tpu.memory_space<semaphore_mem>>
    %dma_wait3A_1150 = tpu.memref_squeeze %dma_wait3A_1149 : memref<1x!tpu.dma_semaphore, #tpu.memory_space<semaphore_mem>> -> memref<!tpu.dma_semaphore, #tpu.memory_space<semaphore_mem>>
    %dma_wait3A_1151 = arith.constant 0 : i32
    %dma_wait3A_1152 = arith.constant 0 : i32
    %dma_wait3A_1153 = tpu.memref_slice %arg6[%dma_wait3A_1141, %dma_wait3A_1151, %dma_wait3A_1152] : memref<2x16x1024xf32, #tpu.memory_space<vmem>> -> memref<1x16x1024xf32, #tpu.memory_space<vmem>>
    %dma_wait3A_1154 = tpu.memref_squeeze %dma_wait3A_1153 : memref<1x16x1024xf32, #tpu.memory_space<vmem>> -> memref<16x1024xf32, #tpu.memory_space<vmem>>
    %dma_wait3A_1155 = arith.constant 0 : i32
    %dma_wait3A_1156 = tpu.memref_slice %arg3[%add3A_757, %dma_wait3A_1155] : memref<2048x1024xf32, #tpu.memory_space<hbm>> -> memref<16x1024xf32, #tpu.memory_space<hbm>>
    tpu.wait_dma2 semaphore(%dma_wait3A_1150 : memref<!tpu.dma_semaphore, #tpu.memory_space<semaphore_mem>>) src(%dma_wait3A_1156 : memref<16x1024xf32, #tpu.memory_space<hbm>>) dst(%dma_wait3A_1154 : memref<16x1024xf32, #tpu.memory_space<vmem>>)
    %dma_wait3A_1157 = arith.constant 0 : i32
    %dma_wait3A_1158 = arith.constant 1 : i32
    %dma_wait3A_1159 = arith.constant 0 : i32
    %dma_wait3A_1160 = arith.constant 0 : i32
    %dma_wait3A_1161 = arith.constant 0 : i32
    %dma_wait3A_1162 = tpu.memref_slice %arg7[%dma_wait3A_1157, %dma_wait3A_1160, %dma_wait3A_1161] : memref<3x16x1024xf32, #tpu.memory_space<vmem>> -> memref<1x16x1024xf32, #tpu.memory_space<vmem>>
    %dma_wait3A_1163 = tpu.memref_squeeze %dma_wait3A_1162 : memref<1x16x1024xf32, #tpu.memory_space<vmem>> -> memref<16x1024xf32, #tpu.memory_space<vmem>>
    %dma_wait3A_1164 = arith.constant 0 : i32
    %dma_wait3A_1165 = tpu.memref_slice %arg4[%dma_wait3A_1158, %add3A_915, %dma_wait3A_1164] : memref<4x2048x1024xf32, #tpu.memory_space<hbm>> -> memref<1x16x1024xf32, #tpu.memory_space<hbm>>
    %dma_wait3A_1166 = tpu.memref_squeeze %dma_wait3A_1165 : memref<1x16x1024xf32, #tpu.memory_space<hbm>> -> memref<16x1024xf32, #tpu.memory_space<hbm>>
    %dma_wait3A_1167 = tpu.memref_slice %arg9[%dma_wait3A_1159] : memref<3x!tpu.dma_semaphore, #tpu.memory_space<semaphore_mem>> -> memref<1x!tpu.dma_semaphore, #tpu.memory_space<semaphore_mem>>
    %dma_wait3A_1168 = tpu.memref_squeeze %dma_wait3A_1167 : memref<1x!tpu.dma_semaphore, #tpu.memory_space<semaphore_mem>> -> memref<!tpu.dma_semaphore, #tpu.memory_space<semaphore_mem>>
    %dma_wait3A_1169 = arith.constant 0 : i32
    %dma_wait3A_1170 = tpu.memref_slice %arg4[%dma_wait3A_1158, %add3A_915, %dma_wait3A_1169] : memref<4x2048x1024xf32, #tpu.memory_space<hbm>> -> memref<1x16x1024xf32, #tpu.memory_space<hbm>>
    %dma_wait3A_1171 = tpu.memref_squeeze %dma_wait3A_1170 : memref<1x16x1024xf32, #tpu.memory_space<hbm>> -> memref<16x1024xf32, #tpu.memory_space<hbm>>
    %dma_wait3A_1172 = arith.constant 0 : i32
    %dma_wait3A_1173 = arith.constant 0 : i32
    %dma_wait3A_1174 = tpu.memref_slice %arg7[%dma_wait3A_1157, %dma_wait3A_1172, %dma_wait3A_1173] : memref<3x16x1024xf32, #tpu.memory_space<vmem>> -> memref<1x16x1024xf32, #tpu.memory_space<vmem>>
    %dma_wait3A_1175 = tpu.memref_squeeze %dma_wait3A_1174 : memref<1x16x1024xf32, #tpu.memory_space<vmem>> -> memref<16x1024xf32, #tpu.memory_space<vmem>>
    tpu.wait_dma2 semaphore(%dma_wait3A_1168 : memref<!tpu.dma_semaphore, #tpu.memory_space<semaphore_mem>>) src(%dma_wait3A_1175 : memref<16x1024xf32, #tpu.memory_space<vmem>>) dst(%dma_wait3A_1171 : memref<16x1024xf32, #tpu.memory_space<hbm>>)
    %parallel_loop3A_1176 = arith.constant 0 : i32
    %parallel_loop3A_1177 = arith.constant 16 : i32
    %parallel_loop3A_1178 = arith.constant 1 : i32
    scf.for %parallel_loop3A_1464 = %parallel_loop3A_1176 to %parallel_loop3A_1177 step %parallel_loop3A_1178  : i32 {
      %parallel_loop3A_1465 = arith.constant 0 : i32
      %parallel_loop3A_1466 = arith.constant 64 : i32
      %parallel_loop3A_1467 = arith.constant 1 : i32
      scf.for %parallel_loop3A_1468 = %parallel_loop3A_1465 to %parallel_loop3A_1466 step %parallel_loop3A_1467  : i32 {
        %parallel_loop3A_1469 = arith.constant 16 : i32
        %parallel_loop3A_1470 = arith.muli %parallel_loop3A_1468, %parallel_loop3A_1469 : i32
        %parallel_loop3A_1471 = arith.constant 0 : i32
        %parallel_loop3A_1472 = arith.index_cast %parallel_loop3A_1471 : i32 to index
        %parallel_loop3A_1473 = arith.index_cast %parallel_loop3A_1464 : i32 to index
        %parallel_loop3A_1474 = arith.index_cast %parallel_loop3A_1470 : i32 to index
        %parallel_loop3A_1475 = tpu.vector_load %arg5[%parallel_loop3A_1472, %parallel_loop3A_1473, %parallel_loop3A_1474] {strides = array<i32>} : memref<3x16x1024xf32, #tpu.memory_space<vmem>>, vector<1x1x16xf32>,
        %parallel_loop3A_1476 = vector.shape_cast %parallel_loop3A_1475 : vector<1x1x16xf32> to vector<16xf32>
        %parallel_loop3A_1477 = arith.constant 1 : i32
        %parallel_loop3A_1478 = arith.index_cast %parallel_loop3A_1477 : i32 to index
        %parallel_loop3A_1479 = arith.index_cast %parallel_loop3A_1464 : i32 to index
        %parallel_loop3A_1480 = arith.index_cast %parallel_loop3A_1470 : i32 to index
        %parallel_loop3A_1481 = tpu.vector_load %arg6[%parallel_loop3A_1478, %parallel_loop3A_1479, %parallel_loop3A_1480] {strides = array<i32>} : memref<2x16x1024xf32, #tpu.memory_space<vmem>>, vector<1x1x16xf32>,
        %parallel_loop3A_1482 = vector.shape_cast %parallel_loop3A_1481 : vector<1x1x16xf32> to vector<16xf32>
        %parallel_loop3A_1483 = arith.addf %parallel_loop3A_1476, %parallel_loop3A_1482 : vector<16xf32>
        %parallel_loop3A_1484 = arith.constant 0 : i32
        %parallel_loop3A_1485 = arith.index_cast %parallel_loop3A_1484 : i32 to index
        %parallel_loop3A_1486 = arith.index_cast %parallel_loop3A_1464 : i32 to index
        %parallel_loop3A_1487 = arith.index_cast %parallel_loop3A_1470 : i32 to index
        %parallel_loop3A_1488 = tpu.vector_load %arg7[%parallel_loop3A_1485, %parallel_loop3A_1486, %parallel_loop3A_1487] {strides = array<i32>} : memref<3x16x1024xf32, #tpu.memory_space<vmem>>, vector<1x1x16xf32>,
        %parallel_loop3A_1489 = vector.shape_cast %parallel_loop3A_1488 : vector<1x1x16xf32> to vector<16xf32>
        %parallel_loop3A_1490 = vector.shape_cast %parallel_loop3A_1483 : vector<16xf32> to vector<1x1x16xf32>
        tpu.vector_store %arg7[%parallel_loop3A_1485, %parallel_loop3A_1486, %parallel_loop3A_1487], %parallel_loop3A_1490 {strides = array<i32>} : memref<3x16x1024xf32, #tpu.memory_space<vmem>>, vector<1x1x16xf32>,
      } {sc.loop_unroll_factor = 8 : i64, sc.parallel_access}
    } {sc.loop_unroll_factor = 1 : i64, sc.parallel_access}
    %add3A_1179 = arith.constant 48 : i32
    %add3A_1180 = arith.addi %mul3A_2, %add3A_1179 : i32
    %dma_start3A_1181 = arith.constant 0 : i32
    %dma_start3A_1182 = arith.constant 0 : i32
    %dma_start3A_1183 = arith.constant 0 : i32
    %dma_start3A_1184 = arith.constant 0 : i32
    %dma_start3A_1185 = arith.constant 0 : i32
    %dma_start3A_1186 = tpu.memref_slice %arg7[%dma_start3A_1181, %dma_start3A_1184, %dma_start3A_1185] : memref<3x16x1024xf32, #tpu.memory_space<vmem>> -> memref<1x16x1024xf32, #tpu.memory_space<vmem>>
    %dma_start3A_1187 = tpu.memref_squeeze %dma_start3A_1186 : memref<1x16x1024xf32, #tpu.memory_space<vmem>> -> memref<16x1024xf32, #tpu.memory_space<vmem>>
    %dma_start3A_1188 = arith.constant 0 : i32
    %dma_start3A_1189 = tpu.memref_slice %arg4[%dma_start3A_1182, %add3A_1180, %dma_start3A_1188] : memref<4x2048x1024xf32, #tpu.memory_space<hbm>> -> memref<1x16x1024xf32, #tpu.memory_space<hbm>>
    %dma_start3A_1190 = tpu.memref_squeeze %dma_start3A_1189 : memref<1x16x1024xf32, #tpu.memory_space<hbm>> -> memref<16x1024xf32, #tpu.memory_space<hbm>>
    %dma_start3A_1191 = tpu.memref_slice %arg9[%dma_start3A_1183] : memref<3x!tpu.dma_semaphore, #tpu.memory_space<semaphore_mem>> -> memref<1x!tpu.dma_semaphore, #tpu.memory_space<semaphore_mem>>
    %dma_start3A_1192 = tpu.memref_squeeze %dma_start3A_1191 : memref<1x!tpu.dma_semaphore, #tpu.memory_space<semaphore_mem>> -> memref<!tpu.dma_semaphore, #tpu.memory_space<semaphore_mem>>
    %dma_start3A_1193 = arith.constant 0 : i32
    %dma_start3A_1194 = tpu.memref_slice %arg4[%dma_start3A_1182, %add3A_1180, %dma_start3A_1193] : memref<4x2048x1024xf32, #tpu.memory_space<hbm>> -> memref<1x16x1024xf32, #tpu.memory_space<hbm>>
    %dma_start3A_1195 = tpu.memref_squeeze %dma_start3A_1194 : memref<1x16x1024xf32, #tpu.memory_space<hbm>> -> memref<16x1024xf32, #tpu.memory_space<hbm>>
    %dma_start3A_1196 = arith.constant 0 : i32
    %dma_start3A_1197 = arith.constant 0 : i32
    %dma_start3A_1198 = tpu.memref_slice %arg7[%dma_start3A_1181, %dma_start3A_1196, %dma_start3A_1197] : memref<3x16x1024xf32, #tpu.memory_space<vmem>> -> memref<1x16x1024xf32, #tpu.memory_space<vmem>>
    %dma_start3A_1199 = tpu.memref_squeeze %dma_start3A_1198 : memref<1x16x1024xf32, #tpu.memory_space<vmem>> -> memref<16x1024xf32, #tpu.memory_space<vmem>>
    tpu.enqueue_dma source(%dma_start3A_1199 : memref<16x1024xf32, #tpu.memory_space<vmem>>) target(%dma_start3A_1195 : memref<16x1024xf32, #tpu.memory_space<hbm>>) target_semaphore(%dma_start3A_1192 : memref<!tpu.dma_semaphore, #tpu.memory_space<semaphore_mem>>)
    %add3A_1200 = arith.constant 48 : i32
    %add3A_1201 = arith.addi %mul3A_2, %add3A_1200 : i32
    %dma_start3A_1202 = arith.constant 3 : i32
    %dma_start3A_1203 = arith.constant 0 : i32
    %dma_start3A_1204 = arith.constant 0 : i32
    %dma_start3A_1205 = arith.constant 0 : i32
    %dma_start3A_1206 = arith.constant 0 : i32
    %dma_start3A_1207 = tpu.memref_slice %arg5[%dma_start3A_1203, %dma_start3A_1205, %dma_start3A_1206] : memref<3x16x1024xf32, #tpu.memory_space<vmem>> -> memref<1x16x1024xf32, #tpu.memory_space<vmem>>
    %dma_start3A_1208 = tpu.memref_squeeze %dma_start3A_1207 : memref<1x16x1024xf32, #tpu.memory_space<vmem>> -> memref<16x1024xf32, #tpu.memory_space<vmem>>
    %dma_start3A_1209 = arith.constant 0 : i32
    %dma_start3A_1210 = tpu.memref_slice %arg2[%dma_start3A_1202, %add3A_1201, %dma_start3A_1209] : memref<4x2048x1024xf32, #tpu.memory_space<hbm>> -> memref<1x16x1024xf32, #tpu.memory_space<hbm>>
    %dma_start3A_1211 = tpu.memref_squeeze %dma_start3A_1210 : memref<1x16x1024xf32, #tpu.memory_space<hbm>> -> memref<16x1024xf32, #tpu.memory_space<hbm>>
    %dma_start3A_1212 = tpu.memref_slice %arg8[%dma_start3A_1204] : memref<3x!tpu.dma_semaphore, #tpu.memory_space<semaphore_mem>> -> memref<1x!tpu.dma_semaphore, #tpu.memory_space<semaphore_mem>>
    %dma_start3A_1213 = tpu.memref_squeeze %dma_start3A_1212 : memref<1x!tpu.dma_semaphore, #tpu.memory_space<semaphore_mem>> -> memref<!tpu.dma_semaphore, #tpu.memory_space<semaphore_mem>>
    %dma_start3A_1214 = arith.constant 0 : i32
    %dma_start3A_1215 = arith.constant 0 : i32
    %dma_start3A_1216 = tpu.memref_slice %arg5[%dma_start3A_1203, %dma_start3A_1214, %dma_start3A_1215] : memref<3x16x1024xf32, #tpu.memory_space<vmem>> -> memref<1x16x1024xf32, #tpu.memory_space<vmem>>
    %dma_start3A_1217 = tpu.memref_squeeze %dma_start3A_1216 : memref<1x16x1024xf32, #tpu.memory_space<vmem>> -> memref<16x1024xf32, #tpu.memory_space<vmem>>
    %dma_start3A_1218 = arith.constant 0 : i32
    %dma_start3A_1219 = tpu.memref_slice %arg2[%dma_start3A_1202, %add3A_1201, %dma_start3A_1218] : memref<4x2048x1024xf32, #tpu.memory_space<hbm>> -> memref<1x16x1024xf32, #tpu.memory_space<hbm>>
    %dma_start3A_1220 = tpu.memref_squeeze %dma_start3A_1219 : memref<1x16x1024xf32, #tpu.memory_space<hbm>> -> memref<16x1024xf32, #tpu.memory_space<hbm>>
    tpu.enqueue_dma source(%dma_start3A_1220 : memref<16x1024xf32, #tpu.memory_space<hbm>>) target(%dma_start3A_1217 : memref<16x1024xf32, #tpu.memory_space<vmem>>) target_semaphore(%dma_start3A_1213 : memref<!tpu.dma_semaphore, #tpu.memory_space<semaphore_mem>>)
    %dma_wait3A_1221 = arith.constant 1 : i32
    %dma_wait3A_1222 = arith.constant 1 : i32
    %dma_wait3A_1223 = arith.constant 1 : i32
    %dma_wait3A_1224 = arith.constant 0 : i32
    %dma_wait3A_1225 = arith.constant 0 : i32
    %dma_wait3A_1226 = tpu.memref_slice %arg5[%dma_wait3A_1222, %dma_wait3A_1224, %dma_wait3A_1225] : memref<3x16x1024xf32, #tpu.memory_space<vmem>> -> memref<1x16x1024xf32, #tpu.memory_space<vmem>>
    %dma_wait3A_1227 = tpu.memref_squeeze %dma_wait3A_1226 : memref<1x16x1024xf32, #tpu.memory_space<vmem>> -> memref<16x1024xf32, #tpu.memory_space<vmem>>
    %dma_wait3A_1228 = arith.constant 0 : i32
    %dma_wait3A_1229 = tpu.memref_slice %arg2[%dma_wait3A_1221, %add3A_1019, %dma_wait3A_1228] : memref<4x2048x1024xf32, #tpu.memory_space<hbm>> -> memref<1x16x1024xf32, #tpu.memory_space<hbm>>
    %dma_wait3A_1230 = tpu.memref_squeeze %dma_wait3A_1229 : memref<1x16x1024xf32, #tpu.memory_space<hbm>> -> memref<16x1024xf32, #tpu.memory_space<hbm>>
    %dma_wait3A_1231 = tpu.memref_slice %arg8[%dma_wait3A_1223] : memref<3x!tpu.dma_semaphore, #tpu.memory_space<semaphore_mem>> -> memref<1x!tpu.dma_semaphore, #tpu.memory_space<semaphore_mem>>
    %dma_wait3A_1232 = tpu.memref_squeeze %dma_wait3A_1231 : memref<1x!tpu.dma_semaphore, #tpu.memory_space<semaphore_mem>> -> memref<!tpu.dma_semaphore, #tpu.memory_space<semaphore_mem>>
    %dma_wait3A_1233 = arith.constant 0 : i32
    %dma_wait3A_1234 = arith.constant 0 : i32
    %dma_wait3A_1235 = tpu.memref_slice %arg5[%dma_wait3A_1222, %dma_wait3A_1233, %dma_wait3A_1234] : memref<3x16x1024xf32, #tpu.memory_space<vmem>> -> memref<1x16x1024xf32, #tpu.memory_space<vmem>>
    %dma_wait3A_1236 = tpu.memref_squeeze %dma_wait3A_1235 : memref<1x16x1024xf32, #tpu.memory_space<vmem>> -> memref<16x1024xf32, #tpu.memory_space<vmem>>
    %dma_wait3A_1237 = arith.constant 0 : i32
    %dma_wait3A_1238 = tpu.memref_slice %arg2[%dma_wait3A_1221, %add3A_1019, %dma_wait3A_1237] : memref<4x2048x1024xf32, #tpu.memory_space<hbm>> -> memref<1x16x1024xf32, #tpu.memory_space<hbm>>
    %dma_wait3A_1239 = tpu.memref_squeeze %dma_wait3A_1238 : memref<1x16x1024xf32, #tpu.memory_space<hbm>> -> memref<16x1024xf32, #tpu.memory_space<hbm>>
    tpu.wait_dma2 semaphore(%dma_wait3A_1232 : memref<!tpu.dma_semaphore, #tpu.memory_space<semaphore_mem>>) src(%dma_wait3A_1239 : memref<16x1024xf32, #tpu.memory_space<hbm>>) dst(%dma_wait3A_1236 : memref<16x1024xf32, #tpu.memory_space<vmem>>)
    %dma_wait3A_1240 = arith.constant 1 : i32
    %dma_wait3A_1241 = arith.constant 2 : i32
    %dma_wait3A_1242 = arith.constant 1 : i32
    %dma_wait3A_1243 = arith.constant 0 : i32
    %dma_wait3A_1244 = arith.constant 0 : i32
    %dma_wait3A_1245 = tpu.memref_slice %arg7[%dma_wait3A_1240, %dma_wait3A_1243, %dma_wait3A_1244] : memref<3x16x1024xf32, #tpu.memory_space<vmem>> -> memref<1x16x1024xf32, #tpu.memory_space<vmem>>
    %dma_wait3A_1246 = tpu.memref_squeeze %dma_wait3A_1245 : memref<1x16x1024xf32, #tpu.memory_space<vmem>> -> memref<16x1024xf32, #tpu.memory_space<vmem>>
    %dma_wait3A_1247 = arith.constant 0 : i32
    %dma_wait3A_1248 = tpu.memref_slice %arg4[%dma_wait3A_1241, %add3A_998, %dma_wait3A_1247] : memref<4x2048x1024xf32, #tpu.memory_space<hbm>> -> memref<1x16x1024xf32, #tpu.memory_space<hbm>>
    %dma_wait3A_1249 = tpu.memref_squeeze %dma_wait3A_1248 : memref<1x16x1024xf32, #tpu.memory_space<hbm>> -> memref<16x1024xf32, #tpu.memory_space<hbm>>
    %dma_wait3A_1250 = tpu.memref_slice %arg9[%dma_wait3A_1242] : memref<3x!tpu.dma_semaphore, #tpu.memory_space<semaphore_mem>> -> memref<1x!tpu.dma_semaphore, #tpu.memory_space<semaphore_mem>>
    %dma_wait3A_1251 = tpu.memref_squeeze %dma_wait3A_1250 : memref<1x!tpu.dma_semaphore, #tpu.memory_space<semaphore_mem>> -> memref<!tpu.dma_semaphore, #tpu.memory_space<semaphore_mem>>
    %dma_wait3A_1252 = arith.constant 0 : i32
    %dma_wait3A_1253 = tpu.memref_slice %arg4[%dma_wait3A_1241, %add3A_998, %dma_wait3A_1252] : memref<4x2048x1024xf32, #tpu.memory_space<hbm>> -> memref<1x16x1024xf32, #tpu.memory_space<hbm>>
    %dma_wait3A_1254 = tpu.memref_squeeze %dma_wait3A_1253 : memref<1x16x1024xf32, #tpu.memory_space<hbm>> -> memref<16x1024xf32, #tpu.memory_space<hbm>>
    %dma_wait3A_1255 = arith.constant 0 : i32
    %dma_wait3A_1256 = arith.constant 0 : i32
    %dma_wait3A_1257 = tpu.memref_slice %arg7[%dma_wait3A_1240, %dma_wait3A_1255, %dma_wait3A_1256] : memref<3x16x1024xf32, #tpu.memory_space<vmem>> -> memref<1x16x1024xf32, #tpu.memory_space<vmem>>
    %dma_wait3A_1258 = tpu.memref_squeeze %dma_wait3A_1257 : memref<1x16x1024xf32, #tpu.memory_space<vmem>> -> memref<16x1024xf32, #tpu.memory_space<vmem>>
    tpu.wait_dma2 semaphore(%dma_wait3A_1251 : memref<!tpu.dma_semaphore, #tpu.memory_space<semaphore_mem>>) src(%dma_wait3A_1258 : memref<16x1024xf32, #tpu.memory_space<vmem>>) dst(%dma_wait3A_1254 : memref<16x1024xf32, #tpu.memory_space<hbm>>)
    %parallel_loop3A_1259 = arith.constant 0 : i32
    %parallel_loop3A_1260 = arith.constant 16 : i32
    %parallel_loop3A_1261 = arith.constant 1 : i32
    scf.for %parallel_loop3A_1464 = %parallel_loop3A_1259 to %parallel_loop3A_1260 step %parallel_loop3A_1261  : i32 {
      %parallel_loop3A_1465 = arith.constant 0 : i32
      %parallel_loop3A_1466 = arith.constant 64 : i32
      %parallel_loop3A_1467 = arith.constant 1 : i32
      scf.for %parallel_loop3A_1468 = %parallel_loop3A_1465 to %parallel_loop3A_1466 step %parallel_loop3A_1467  : i32 {
        %parallel_loop3A_1469 = arith.constant 16 : i32
        %parallel_loop3A_1470 = arith.muli %parallel_loop3A_1468, %parallel_loop3A_1469 : i32
        %parallel_loop3A_1471 = arith.constant 1 : i32
        %parallel_loop3A_1472 = arith.index_cast %parallel_loop3A_1471 : i32 to index
        %parallel_loop3A_1473 = arith.index_cast %parallel_loop3A_1464 : i32 to index
        %parallel_loop3A_1474 = arith.index_cast %parallel_loop3A_1470 : i32 to index
        %parallel_loop3A_1475 = tpu.vector_load %arg5[%parallel_loop3A_1472, %parallel_loop3A_1473, %parallel_loop3A_1474] {strides = array<i32>} : memref<3x16x1024xf32, #tpu.memory_space<vmem>>, vector<1x1x16xf32>,
        %parallel_loop3A_1476 = vector.shape_cast %parallel_loop3A_1475 : vector<1x1x16xf32> to vector<16xf32>
        %parallel_loop3A_1477 = arith.constant 1 : i32
        %parallel_loop3A_1478 = arith.index_cast %parallel_loop3A_1477 : i32 to index
        %parallel_loop3A_1479 = arith.index_cast %parallel_loop3A_1464 : i32 to index
        %parallel_loop3A_1480 = arith.index_cast %parallel_loop3A_1470 : i32 to index
        %parallel_loop3A_1481 = tpu.vector_load %arg6[%parallel_loop3A_1478, %parallel_loop3A_1479, %parallel_loop3A_1480] {strides = array<i32>} : memref<2x16x1024xf32, #tpu.memory_space<vmem>>, vector<1x1x16xf32>,
        %parallel_loop3A_1482 = vector.shape_cast %parallel_loop3A_1481 : vector<1x1x16xf32> to vector<16xf32>
        %parallel_loop3A_1483 = arith.addf %parallel_loop3A_1476, %parallel_loop3A_1482 : vector<16xf32>
        %parallel_loop3A_1484 = arith.constant 1 : i32
        %parallel_loop3A_1485 = arith.index_cast %parallel_loop3A_1484 : i32 to index
        %parallel_loop3A_1486 = arith.index_cast %parallel_loop3A_1464 : i32 to index
        %parallel_loop3A_1487 = arith.index_cast %parallel_loop3A_1470 : i32 to index
        %parallel_loop3A_1488 = tpu.vector_load %arg7[%parallel_loop3A_1485, %parallel_loop3A_1486, %parallel_loop3A_1487] {strides = array<i32>} : memref<3x16x1024xf32, #tpu.memory_space<vmem>>, vector<1x1x16xf32>,
        %parallel_loop3A_1489 = vector.shape_cast %parallel_loop3A_1488 : vector<1x1x16xf32> to vector<16xf32>
        %parallel_loop3A_1490 = vector.shape_cast %parallel_loop3A_1483 : vector<16xf32> to vector<1x1x16xf32>
        tpu.vector_store %arg7[%parallel_loop3A_1485, %parallel_loop3A_1486, %parallel_loop3A_1487], %parallel_loop3A_1490 {strides = array<i32>} : memref<3x16x1024xf32, #tpu.memory_space<vmem>>, vector<1x1x16xf32>,
      } {sc.loop_unroll_factor = 8 : i64, sc.parallel_access}
    } {sc.loop_unroll_factor = 1 : i64, sc.parallel_access}
    %add3A_1262 = arith.constant 48 : i32
    %add3A_1263 = arith.addi %mul3A_2, %add3A_1262 : i32
    %dma_start3A_1264 = arith.constant 1 : i32
    %dma_start3A_1265 = arith.constant 1 : i32
    %dma_start3A_1266 = arith.constant 1 : i32
    %dma_start3A_1267 = arith.constant 0 : i32
    %dma_start3A_1268 = arith.constant 0 : i32
    %dma_start3A_1269 = tpu.memref_slice %arg7[%dma_start3A_1264, %dma_start3A_1267, %dma_start3A_1268] : memref<3x16x1024xf32, #tpu.memory_space<vmem>> -> memref<1x16x1024xf32, #tpu.memory_space<vmem>>
    %dma_start3A_1270 = tpu.memref_squeeze %dma_start3A_1269 : memref<1x16x1024xf32, #tpu.memory_space<vmem>> -> memref<16x1024xf32, #tpu.memory_space<vmem>>
    %dma_start3A_1271 = arith.constant 0 : i32
    %dma_start3A_1272 = tpu.memref_slice %arg4[%dma_start3A_1265, %add3A_1263, %dma_start3A_1271] : memref<4x2048x1024xf32, #tpu.memory_space<hbm>> -> memref<1x16x1024xf32, #tpu.memory_space<hbm>>
    %dma_start3A_1273 = tpu.memref_squeeze %dma_start3A_1272 : memref<1x16x1024xf32, #tpu.memory_space<hbm>> -> memref<16x1024xf32, #tpu.memory_space<hbm>>
    %dma_start3A_1274 = tpu.memref_slice %arg9[%dma_start3A_1266] : memref<3x!tpu.dma_semaphore, #tpu.memory_space<semaphore_mem>> -> memref<1x!tpu.dma_semaphore, #tpu.memory_space<semaphore_mem>>
    %dma_start3A_1275 = tpu.memref_squeeze %dma_start3A_1274 : memref<1x!tpu.dma_semaphore, #tpu.memory_space<semaphore_mem>> -> memref<!tpu.dma_semaphore, #tpu.memory_space<semaphore_mem>>
    %dma_start3A_1276 = arith.constant 0 : i32
    %dma_start3A_1277 = tpu.memref_slice %arg4[%dma_start3A_1265, %add3A_1263, %dma_start3A_1276] : memref<4x2048x1024xf32, #tpu.memory_space<hbm>> -> memref<1x16x1024xf32, #tpu.memory_space<hbm>>
    %dma_start3A_1278 = tpu.memref_squeeze %dma_start3A_1277 : memref<1x16x1024xf32, #tpu.memory_space<hbm>> -> memref<16x1024xf32, #tpu.memory_space<hbm>>
    %dma_start3A_1279 = arith.constant 0 : i32
    %dma_start3A_1280 = arith.constant 0 : i32
    %dma_start3A_1281 = tpu.memref_slice %arg7[%dma_start3A_1264, %dma_start3A_1279, %dma_start3A_1280] : memref<3x16x1024xf32, #tpu.memory_space<vmem>> -> memref<1x16x1024xf32, #tpu.memory_space<vmem>>
    %dma_start3A_1282 = tpu.memref_squeeze %dma_start3A_1281 : memref<1x16x1024xf32, #tpu.memory_space<vmem>> -> memref<16x1024xf32, #tpu.memory_space<vmem>>
    tpu.enqueue_dma source(%dma_start3A_1282 : memref<16x1024xf32, #tpu.memory_space<vmem>>) target(%dma_start3A_1278 : memref<16x1024xf32, #tpu.memory_space<hbm>>) target_semaphore(%dma_start3A_1275 : memref<!tpu.dma_semaphore, #tpu.memory_space<semaphore_mem>>)
    %dma_wait3A_1283 = arith.constant 2 : i32
    %dma_wait3A_1284 = arith.constant 2 : i32
    %dma_wait3A_1285 = arith.constant 2 : i32
    %dma_wait3A_1286 = arith.constant 0 : i32
    %dma_wait3A_1287 = arith.constant 0 : i32
    %dma_wait3A_1288 = tpu.memref_slice %arg5[%dma_wait3A_1284, %dma_wait3A_1286, %dma_wait3A_1287] : memref<3x16x1024xf32, #tpu.memory_space<vmem>> -> memref<1x16x1024xf32, #tpu.memory_space<vmem>>
    %dma_wait3A_1289 = tpu.memref_squeeze %dma_wait3A_1288 : memref<1x16x1024xf32, #tpu.memory_space<vmem>> -> memref<16x1024xf32, #tpu.memory_space<vmem>>
    %dma_wait3A_1290 = arith.constant 0 : i32
    %dma_wait3A_1291 = tpu.memref_slice %arg2[%dma_wait3A_1283, %add3A_1102, %dma_wait3A_1290] : memref<4x2048x1024xf32, #tpu.memory_space<hbm>> -> memref<1x16x1024xf32, #tpu.memory_space<hbm>>
    %dma_wait3A_1292 = tpu.memref_squeeze %dma_wait3A_1291 : memref<1x16x1024xf32, #tpu.memory_space<hbm>> -> memref<16x1024xf32, #tpu.memory_space<hbm>>
    %dma_wait3A_1293 = tpu.memref_slice %arg8[%dma_wait3A_1285] : memref<3x!tpu.dma_semaphore, #tpu.memory_space<semaphore_mem>> -> memref<1x!tpu.dma_semaphore, #tpu.memory_space<semaphore_mem>>
    %dma_wait3A_1294 = tpu.memref_squeeze %dma_wait3A_1293 : memref<1x!tpu.dma_semaphore, #tpu.memory_space<semaphore_mem>> -> memref<!tpu.dma_semaphore, #tpu.memory_space<semaphore_mem>>
    %dma_wait3A_1295 = arith.constant 0 : i32
    %dma_wait3A_1296 = arith.constant 0 : i32
    %dma_wait3A_1297 = tpu.memref_slice %arg5[%dma_wait3A_1284, %dma_wait3A_1295, %dma_wait3A_1296] : memref<3x16x1024xf32, #tpu.memory_space<vmem>> -> memref<1x16x1024xf32, #tpu.memory_space<vmem>>
    %dma_wait3A_1298 = tpu.memref_squeeze %dma_wait3A_1297 : memref<1x16x1024xf32, #tpu.memory_space<vmem>> -> memref<16x1024xf32, #tpu.memory_space<vmem>>
    %dma_wait3A_1299 = arith.constant 0 : i32
    %dma_wait3A_1300 = tpu.memref_slice %arg2[%dma_wait3A_1283, %add3A_1102, %dma_wait3A_1299] : memref<4x2048x1024xf32, #tpu.memory_space<hbm>> -> memref<1x16x1024xf32, #tpu.memory_space<hbm>>
    %dma_wait3A_1301 = tpu.memref_squeeze %dma_wait3A_1300 : memref<1x16x1024xf32, #tpu.memory_space<hbm>> -> memref<16x1024xf32, #tpu.memory_space<hbm>>
    tpu.wait_dma2 semaphore(%dma_wait3A_1294 : memref<!tpu.dma_semaphore, #tpu.memory_space<semaphore_mem>>) src(%dma_wait3A_1301 : memref<16x1024xf32, #tpu.memory_space<hbm>>) dst(%dma_wait3A_1298 : memref<16x1024xf32, #tpu.memory_space<vmem>>)
    %dma_wait3A_1302 = arith.constant 2 : i32
    %dma_wait3A_1303 = arith.constant 3 : i32
    %dma_wait3A_1304 = arith.constant 2 : i32
    %dma_wait3A_1305 = arith.constant 0 : i32
    %dma_wait3A_1306 = arith.constant 0 : i32
    %dma_wait3A_1307 = tpu.memref_slice %arg7[%dma_wait3A_1302, %dma_wait3A_1305, %dma_wait3A_1306] : memref<3x16x1024xf32, #tpu.memory_space<vmem>> -> memref<1x16x1024xf32, #tpu.memory_space<vmem>>
    %dma_wait3A_1308 = tpu.memref_squeeze %dma_wait3A_1307 : memref<1x16x1024xf32, #tpu.memory_space<vmem>> -> memref<16x1024xf32, #tpu.memory_space<vmem>>
    %dma_wait3A_1309 = arith.constant 0 : i32
    %dma_wait3A_1310 = tpu.memref_slice %arg4[%dma_wait3A_1303, %add3A_1081, %dma_wait3A_1309] : memref<4x2048x1024xf32, #tpu.memory_space<hbm>> -> memref<1x16x1024xf32, #tpu.memory_space<hbm>>
    %dma_wait3A_1311 = tpu.memref_squeeze %dma_wait3A_1310 : memref<1x16x1024xf32, #tpu.memory_space<hbm>> -> memref<16x1024xf32, #tpu.memory_space<hbm>>
    %dma_wait3A_1312 = tpu.memref_slice %arg9[%dma_wait3A_1304] : memref<3x!tpu.dma_semaphore, #tpu.memory_space<semaphore_mem>> -> memref<1x!tpu.dma_semaphore, #tpu.memory_space<semaphore_mem>>
    %dma_wait3A_1313 = tpu.memref_squeeze %dma_wait3A_1312 : memref<1x!tpu.dma_semaphore, #tpu.memory_space<semaphore_mem>> -> memref<!tpu.dma_semaphore, #tpu.memory_space<semaphore_mem>>
    %dma_wait3A_1314 = arith.constant 0 : i32
    %dma_wait3A_1315 = tpu.memref_slice %arg4[%dma_wait3A_1303, %add3A_1081, %dma_wait3A_1314] : memref<4x2048x1024xf32, #tpu.memory_space<hbm>> -> memref<1x16x1024xf32, #tpu.memory_space<hbm>>
    %dma_wait3A_1316 = tpu.memref_squeeze %dma_wait3A_1315 : memref<1x16x1024xf32, #tpu.memory_space<hbm>> -> memref<16x1024xf32, #tpu.memory_space<hbm>>
    %dma_wait3A_1317 = arith.constant 0 : i32
    %dma_wait3A_1318 = arith.constant 0 : i32
    %dma_wait3A_1319 = tpu.memref_slice %arg7[%dma_wait3A_1302, %dma_wait3A_1317, %dma_wait3A_1318] : memref<3x16x1024xf32, #tpu.memory_space<vmem>> -> memref<1x16x1024xf32, #tpu.memory_space<vmem>>
    %dma_wait3A_1320 = tpu.memref_squeeze %dma_wait3A_1319 : memref<1x16x1024xf32, #tpu.memory_space<vmem>> -> memref<16x1024xf32, #tpu.memory_space<vmem>>
    tpu.wait_dma2 semaphore(%dma_wait3A_1313 : memref<!tpu.dma_semaphore, #tpu.memory_space<semaphore_mem>>) src(%dma_wait3A_1320 : memref<16x1024xf32, #tpu.memory_space<vmem>>) dst(%dma_wait3A_1316 : memref<16x1024xf32, #tpu.memory_space<hbm>>)
    %parallel_loop3A_1321 = arith.constant 0 : i32
    %parallel_loop3A_1322 = arith.constant 16 : i32
    %parallel_loop3A_1323 = arith.constant 1 : i32
    scf.for %parallel_loop3A_1464 = %parallel_loop3A_1321 to %parallel_loop3A_1322 step %parallel_loop3A_1323  : i32 {
      %parallel_loop3A_1465 = arith.constant 0 : i32
      %parallel_loop3A_1466 = arith.constant 64 : i32
      %parallel_loop3A_1467 = arith.constant 1 : i32
      scf.for %parallel_loop3A_1468 = %parallel_loop3A_1465 to %parallel_loop3A_1466 step %parallel_loop3A_1467  : i32 {
        %parallel_loop3A_1469 = arith.constant 16 : i32
        %parallel_loop3A_1470 = arith.muli %parallel_loop3A_1468, %parallel_loop3A_1469 : i32
        %parallel_loop3A_1471 = arith.constant 2 : i32
        %parallel_loop3A_1472 = arith.index_cast %parallel_loop3A_1471 : i32 to index
        %parallel_loop3A_1473 = arith.index_cast %parallel_loop3A_1464 : i32 to index
        %parallel_loop3A_1474 = arith.index_cast %parallel_loop3A_1470 : i32 to index
        %parallel_loop3A_1475 = tpu.vector_load %arg5[%parallel_loop3A_1472, %parallel_loop3A_1473, %parallel_loop3A_1474] {strides = array<i32>} : memref<3x16x1024xf32, #tpu.memory_space<vmem>>, vector<1x1x16xf32>,
        %parallel_loop3A_1476 = vector.shape_cast %parallel_loop3A_1475 : vector<1x1x16xf32> to vector<16xf32>
        %parallel_loop3A_1477 = arith.constant 1 : i32
        %parallel_loop3A_1478 = arith.index_cast %parallel_loop3A_1477 : i32 to index
        %parallel_loop3A_1479 = arith.index_cast %parallel_loop3A_1464 : i32 to index
        %parallel_loop3A_1480 = arith.index_cast %parallel_loop3A_1470 : i32 to index
        %parallel_loop3A_1481 = tpu.vector_load %arg6[%parallel_loop3A_1478, %parallel_loop3A_1479, %parallel_loop3A_1480] {strides = array<i32>} : memref<2x16x1024xf32, #tpu.memory_space<vmem>>, vector<1x1x16xf32>,
        %parallel_loop3A_1482 = vector.shape_cast %parallel_loop3A_1481 : vector<1x1x16xf32> to vector<16xf32>
        %parallel_loop3A_1483 = arith.addf %parallel_loop3A_1476, %parallel_loop3A_1482 : vector<16xf32>
        %parallel_loop3A_1484 = arith.constant 2 : i32
        %parallel_loop3A_1485 = arith.index_cast %parallel_loop3A_1484 : i32 to index
        %parallel_loop3A_1486 = arith.index_cast %parallel_loop3A_1464 : i32 to index
        %parallel_loop3A_1487 = arith.index_cast %parallel_loop3A_1470 : i32 to index
        %parallel_loop3A_1488 = tpu.vector_load %arg7[%parallel_loop3A_1485, %parallel_loop3A_1486, %parallel_loop3A_1487] {strides = array<i32>} : memref<3x16x1024xf32, #tpu.memory_space<vmem>>, vector<1x1x16xf32>,
        %parallel_loop3A_1489 = vector.shape_cast %parallel_loop3A_1488 : vector<1x1x16xf32> to vector<16xf32>
        %parallel_loop3A_1490 = vector.shape_cast %parallel_loop3A_1483 : vector<16xf32> to vector<1x1x16xf32>
        tpu.vector_store %arg7[%parallel_loop3A_1485, %parallel_loop3A_1486, %parallel_loop3A_1487], %parallel_loop3A_1490 {strides = array<i32>} : memref<3x16x1024xf32, #tpu.memory_space<vmem>>, vector<1x1x16xf32>,
      } {sc.loop_unroll_factor = 8 : i64, sc.parallel_access}
    } {sc.loop_unroll_factor = 1 : i64, sc.parallel_access}
    %add3A_1324 = arith.constant 48 : i32
    %add3A_1325 = arith.addi %mul3A_2, %add3A_1324 : i32
    %dma_start3A_1326 = arith.constant 2 : i32
    %dma_start3A_1327 = arith.constant 2 : i32
    %dma_start3A_1328 = arith.constant 2 : i32
    %dma_start3A_1329 = arith.constant 0 : i32
    %dma_start3A_1330 = arith.constant 0 : i32
    %dma_start3A_1331 = tpu.memref_slice %arg7[%dma_start3A_1326, %dma_start3A_1329, %dma_start3A_1330] : memref<3x16x1024xf32, #tpu.memory_space<vmem>> -> memref<1x16x1024xf32, #tpu.memory_space<vmem>>
    %dma_start3A_1332 = tpu.memref_squeeze %dma_start3A_1331 : memref<1x16x1024xf32, #tpu.memory_space<vmem>> -> memref<16x1024xf32, #tpu.memory_space<vmem>>
    %dma_start3A_1333 = arith.constant 0 : i32
    %dma_start3A_1334 = tpu.memref_slice %arg4[%dma_start3A_1327, %add3A_1325, %dma_start3A_1333] : memref<4x2048x1024xf32, #tpu.memory_space<hbm>> -> memref<1x16x1024xf32, #tpu.memory_space<hbm>>
    %dma_start3A_1335 = tpu.memref_squeeze %dma_start3A_1334 : memref<1x16x1024xf32, #tpu.memory_space<hbm>> -> memref<16x1024xf32, #tpu.memory_space<hbm>>
    %dma_start3A_1336 = tpu.memref_slice %arg9[%dma_start3A_1328] : memref<3x!tpu.dma_semaphore, #tpu.memory_space<semaphore_mem>> -> memref<1x!tpu.dma_semaphore, #tpu.memory_space<semaphore_mem>>
    %dma_start3A_1337 = tpu.memref_squeeze %dma_start3A_1336 : memref<1x!tpu.dma_semaphore, #tpu.memory_space<semaphore_mem>> -> memref<!tpu.dma_semaphore, #tpu.memory_space<semaphore_mem>>
    %dma_start3A_1338 = arith.constant 0 : i32
    %dma_start3A_1339 = tpu.memref_slice %arg4[%dma_start3A_1327, %add3A_1325, %dma_start3A_1338] : memref<4x2048x1024xf32, #tpu.memory_space<hbm>> -> memref<1x16x1024xf32, #tpu.memory_space<hbm>>
    %dma_start3A_1340 = tpu.memref_squeeze %dma_start3A_1339 : memref<1x16x1024xf32, #tpu.memory_space<hbm>> -> memref<16x1024xf32, #tpu.memory_space<hbm>>
    %dma_start3A_1341 = arith.constant 0 : i32
    %dma_start3A_1342 = arith.constant 0 : i32
    %dma_start3A_1343 = tpu.memref_slice %arg7[%dma_start3A_1326, %dma_start3A_1341, %dma_start3A_1342] : memref<3x16x1024xf32, #tpu.memory_space<vmem>> -> memref<1x16x1024xf32, #tpu.memory_space<vmem>>
    %dma_start3A_1344 = tpu.memref_squeeze %dma_start3A_1343 : memref<1x16x1024xf32, #tpu.memory_space<vmem>> -> memref<16x1024xf32, #tpu.memory_space<vmem>>
    tpu.enqueue_dma source(%dma_start3A_1344 : memref<16x1024xf32, #tpu.memory_space<vmem>>) target(%dma_start3A_1340 : memref<16x1024xf32, #tpu.memory_space<hbm>>) target_semaphore(%dma_start3A_1337 : memref<!tpu.dma_semaphore, #tpu.memory_space<semaphore_mem>>)
    %dma_wait3A_1345 = arith.constant 3 : i32
    %dma_wait3A_1346 = arith.constant 0 : i32
    %dma_wait3A_1347 = arith.constant 0 : i32
    %dma_wait3A_1348 = arith.constant 0 : i32
    %dma_wait3A_1349 = arith.constant 0 : i32
    %dma_wait3A_1350 = tpu.memref_slice %arg5[%dma_wait3A_1346, %dma_wait3A_1348, %dma_wait3A_1349] : memref<3x16x1024xf32, #tpu.memory_space<vmem>> -> memref<1x16x1024xf32, #tpu.memory_space<vmem>>
    %dma_wait3A_1351 = tpu.memref_squeeze %dma_wait3A_1350 : memref<1x16x1024xf32, #tpu.memory_space<vmem>> -> memref<16x1024xf32, #tpu.memory_space<vmem>>
    %dma_wait3A_1352 = arith.constant 0 : i32
    %dma_wait3A_1353 = tpu.memref_slice %arg2[%dma_wait3A_1345, %add3A_1201, %dma_wait3A_1352] : memref<4x2048x1024xf32, #tpu.memory_space<hbm>> -> memref<1x16x1024xf32, #tpu.memory_space<hbm>>
    %dma_wait3A_1354 = tpu.memref_squeeze %dma_wait3A_1353 : memref<1x16x1024xf32, #tpu.memory_space<hbm>> -> memref<16x1024xf32, #tpu.memory_space<hbm>>
    %dma_wait3A_1355 = tpu.memref_slice %arg8[%dma_wait3A_1347] : memref<3x!tpu.dma_semaphore, #tpu.memory_space<semaphore_mem>> -> memref<1x!tpu.dma_semaphore, #tpu.memory_space<semaphore_mem>>
    %dma_wait3A_1356 = tpu.memref_squeeze %dma_wait3A_1355 : memref<1x!tpu.dma_semaphore, #tpu.memory_space<semaphore_mem>> -> memref<!tpu.dma_semaphore, #tpu.memory_space<semaphore_mem>>
    %dma_wait3A_1357 = arith.constant 0 : i32
    %dma_wait3A_1358 = arith.constant 0 : i32
    %dma_wait3A_1359 = tpu.memref_slice %arg5[%dma_wait3A_1346, %dma_wait3A_1357, %dma_wait3A_1358] : memref<3x16x1024xf32, #tpu.memory_space<vmem>> -> memref<1x16x1024xf32, #tpu.memory_space<vmem>>
    %dma_wait3A_1360 = tpu.memref_squeeze %dma_wait3A_1359 : memref<1x16x1024xf32, #tpu.memory_space<vmem>> -> memref<16x1024xf32, #tpu.memory_space<vmem>>
    %dma_wait3A_1361 = arith.constant 0 : i32
    %dma_wait3A_1362 = tpu.memref_slice %arg2[%dma_wait3A_1345, %add3A_1201, %dma_wait3A_1361] : memref<4x2048x1024xf32, #tpu.memory_space<hbm>> -> memref<1x16x1024xf32, #tpu.memory_space<hbm>>
    %dma_wait3A_1363 = tpu.memref_squeeze %dma_wait3A_1362 : memref<1x16x1024xf32, #tpu.memory_space<hbm>> -> memref<16x1024xf32, #tpu.memory_space<hbm>>
    tpu.wait_dma2 semaphore(%dma_wait3A_1356 : memref<!tpu.dma_semaphore, #tpu.memory_space<semaphore_mem>>) src(%dma_wait3A_1363 : memref<16x1024xf32, #tpu.memory_space<hbm>>) dst(%dma_wait3A_1360 : memref<16x1024xf32, #tpu.memory_space<vmem>>)
    %dma_wait3A_1364 = arith.constant 0 : i32
    %dma_wait3A_1365 = arith.constant 0 : i32
    %dma_wait3A_1366 = arith.constant 0 : i32
    %dma_wait3A_1367 = arith.constant 0 : i32
    %dma_wait3A_1368 = arith.constant 0 : i32
    %dma_wait3A_1369 = tpu.memref_slice %arg7[%dma_wait3A_1364, %dma_wait3A_1367, %dma_wait3A_1368] : memref<3x16x1024xf32, #tpu.memory_space<vmem>> -> memref<1x16x1024xf32, #tpu.memory_space<vmem>>
    %dma_wait3A_1370 = tpu.memref_squeeze %dma_wait3A_1369 : memref<1x16x1024xf32, #tpu.memory_space<vmem>> -> memref<16x1024xf32, #tpu.memory_space<vmem>>
    %dma_wait3A_1371 = arith.constant 0 : i32
    %dma_wait3A_1372 = tpu.memref_slice %arg4[%dma_wait3A_1365, %add3A_1180, %dma_wait3A_1371] : memref<4x2048x1024xf32, #tpu.memory_space<hbm>> -> memref<1x16x1024xf32, #tpu.memory_space<hbm>>
    %dma_wait3A_1373 = tpu.memref_squeeze %dma_wait3A_1372 : memref<1x16x1024xf32, #tpu.memory_space<hbm>> -> memref<16x1024xf32, #tpu.memory_space<hbm>>
    %dma_wait3A_1374 = tpu.memref_slice %arg9[%dma_wait3A_1366] : memref<3x!tpu.dma_semaphore, #tpu.memory_space<semaphore_mem>> -> memref<1x!tpu.dma_semaphore, #tpu.memory_space<semaphore_mem>>
    %dma_wait3A_1375 = tpu.memref_squeeze %dma_wait3A_1374 : memref<1x!tpu.dma_semaphore, #tpu.memory_space<semaphore_mem>> -> memref<!tpu.dma_semaphore, #tpu.memory_space<semaphore_mem>>
    %dma_wait3A_1376 = arith.constant 0 : i32
    %dma_wait3A_1377 = tpu.memref_slice %arg4[%dma_wait3A_1365, %add3A_1180, %dma_wait3A_1376] : memref<4x2048x1024xf32, #tpu.memory_space<hbm>> -> memref<1x16x1024xf32, #tpu.memory_space<hbm>>
    %dma_wait3A_1378 = tpu.memref_squeeze %dma_wait3A_1377 : memref<1x16x1024xf32, #tpu.memory_space<hbm>> -> memref<16x1024xf32, #tpu.memory_space<hbm>>
    %dma_wait3A_1379 = arith.constant 0 : i32
    %dma_wait3A_1380 = arith.constant 0 : i32
    %dma_wait3A_1381 = tpu.memref_slice %arg7[%dma_wait3A_1364, %dma_wait3A_1379, %dma_wait3A_1380] : memref<3x16x1024xf32, #tpu.memory_space<vmem>> -> memref<1x16x1024xf32, #tpu.memory_space<vmem>>
    %dma_wait3A_1382 = tpu.memref_squeeze %dma_wait3A_1381 : memref<1x16x1024xf32, #tpu.memory_space<vmem>> -> memref<16x1024xf32, #tpu.memory_space<vmem>>
    tpu.wait_dma2 semaphore(%dma_wait3A_1375 : memref<!tpu.dma_semaphore, #tpu.memory_space<semaphore_mem>>) src(%dma_wait3A_1382 : memref<16x1024xf32, #tpu.memory_space<vmem>>) dst(%dma_wait3A_1378 : memref<16x1024xf32, #tpu.memory_space<hbm>>)
    %parallel_loop3A_1383 = arith.constant 0 : i32
    %parallel_loop3A_1384 = arith.constant 16 : i32
    %parallel_loop3A_1385 = arith.constant 1 : i32
    scf.for %parallel_loop3A_1464 = %parallel_loop3A_1383 to %parallel_loop3A_1384 step %parallel_loop3A_1385  : i32 {
      %parallel_loop3A_1465 = arith.constant 0 : i32
      %parallel_loop3A_1466 = arith.constant 64 : i32
      %parallel_loop3A_1467 = arith.constant 1 : i32
      scf.for %parallel_loop3A_1468 = %parallel_loop3A_1465 to %parallel_loop3A_1466 step %parallel_loop3A_1467  : i32 {
        %parallel_loop3A_1469 = arith.constant 16 : i32
        %parallel_loop3A_1470 = arith.muli %parallel_loop3A_1468, %parallel_loop3A_1469 : i32
        %parallel_loop3A_1471 = arith.constant 0 : i32
        %parallel_loop3A_1472 = arith.index_cast %parallel_loop3A_1471 : i32 to index
        %parallel_loop3A_1473 = arith.index_cast %parallel_loop3A_1464 : i32 to index
        %parallel_loop3A_1474 = arith.index_cast %parallel_loop3A_1470 : i32 to index
        %parallel_loop3A_1475 = tpu.vector_load %arg5[%parallel_loop3A_1472, %parallel_loop3A_1473, %parallel_loop3A_1474] {strides = array<i32>} : memref<3x16x1024xf32, #tpu.memory_space<vmem>>, vector<1x1x16xf32>,
        %parallel_loop3A_1476 = vector.shape_cast %parallel_loop3A_1475 : vector<1x1x16xf32> to vector<16xf32>
        %parallel_loop3A_1477 = arith.constant 1 : i32
        %parallel_loop3A_1478 = arith.index_cast %parallel_loop3A_1477 : i32 to index
        %parallel_loop3A_1479 = arith.index_cast %parallel_loop3A_1464 : i32 to index
        %parallel_loop3A_1480 = arith.index_cast %parallel_loop3A_1470 : i32 to index
        %parallel_loop3A_1481 = tpu.vector_load %arg6[%parallel_loop3A_1478, %parallel_loop3A_1479, %parallel_loop3A_1480] {strides = array<i32>} : memref<2x16x1024xf32, #tpu.memory_space<vmem>>, vector<1x1x16xf32>,
        %parallel_loop3A_1482 = vector.shape_cast %parallel_loop3A_1481 : vector<1x1x16xf32> to vector<16xf32>
        %parallel_loop3A_1483 = arith.addf %parallel_loop3A_1476, %parallel_loop3A_1482 : vector<16xf32>
        %parallel_loop3A_1484 = arith.constant 0 : i32
        %parallel_loop3A_1485 = arith.index_cast %parallel_loop3A_1484 : i32 to index
        %parallel_loop3A_1486 = arith.index_cast %parallel_loop3A_1464 : i32 to index
        %parallel_loop3A_1487 = arith.index_cast %parallel_loop3A_1470 : i32 to index
        %parallel_loop3A_1488 = tpu.vector_load %arg7[%parallel_loop3A_1485, %parallel_loop3A_1486, %parallel_loop3A_1487] {strides = array<i32>} : memref<3x16x1024xf32, #tpu.memory_space<vmem>>, vector<1x1x16xf32>,
        %parallel_loop3A_1489 = vector.shape_cast %parallel_loop3A_1488 : vector<1x1x16xf32> to vector<16xf32>
        %parallel_loop3A_1490 = vector.shape_cast %parallel_loop3A_1483 : vector<16xf32> to vector<1x1x16xf32>
        tpu.vector_store %arg7[%parallel_loop3A_1485, %parallel_loop3A_1486, %parallel_loop3A_1487], %parallel_loop3A_1490 {strides = array<i32>} : memref<3x16x1024xf32, #tpu.memory_space<vmem>>, vector<1x1x16xf32>,
      } {sc.loop_unroll_factor = 8 : i64, sc.parallel_access}
    } {sc.loop_unroll_factor = 1 : i64, sc.parallel_access}
    %add3A_1386 = arith.constant 48 : i32
    %add3A_1387 = arith.addi %mul3A_2, %add3A_1386 : i32
    %dma_start3A_1388 = arith.constant 0 : i32
    %dma_start3A_1389 = arith.constant 3 : i32
    %dma_start3A_1390 = arith.constant 0 : i32
    %dma_start3A_1391 = arith.constant 0 : i32
    %dma_start3A_1392 = arith.constant 0 : i32
    %dma_start3A_1393 = tpu.memref_slice %arg7[%dma_start3A_1388, %dma_start3A_1391, %dma_start3A_1392] : memref<3x16x1024xf32, #tpu.memory_space<vmem>> -> memref<1x16x1024xf32, #tpu.memory_space<vmem>>
    %dma_start3A_1394 = tpu.memref_squeeze %dma_start3A_1393 : memref<1x16x1024xf32, #tpu.memory_space<vmem>> -> memref<16x1024xf32, #tpu.memory_space<vmem>>
    %dma_start3A_1395 = arith.constant 0 : i32
    %dma_start3A_1396 = tpu.memref_slice %arg4[%dma_start3A_1389, %add3A_1387, %dma_start3A_1395] : memref<4x2048x1024xf32, #tpu.memory_space<hbm>> -> memref<1x16x1024xf32, #tpu.memory_space<hbm>>
    %dma_start3A_1397 = tpu.memref_squeeze %dma_start3A_1396 : memref<1x16x1024xf32, #tpu.memory_space<hbm>> -> memref<16x1024xf32, #tpu.memory_space<hbm>>
    %dma_start3A_1398 = tpu.memref_slice %arg9[%dma_start3A_1390] : memref<3x!tpu.dma_semaphore, #tpu.memory_space<semaphore_mem>> -> memref<1x!tpu.dma_semaphore, #tpu.memory_space<semaphore_mem>>
    %dma_start3A_1399 = tpu.memref_squeeze %dma_start3A_1398 : memref<1x!tpu.dma_semaphore, #tpu.memory_space<semaphore_mem>> -> memref<!tpu.dma_semaphore, #tpu.memory_space<semaphore_mem>>
    %dma_start3A_1400 = arith.constant 0 : i32
    %dma_start3A_1401 = tpu.memref_slice %arg4[%dma_start3A_1389, %add3A_1387, %dma_start3A_1400] : memref<4x2048x1024xf32, #tpu.memory_space<hbm>> -> memref<1x16x1024xf32, #tpu.memory_space<hbm>>
    %dma_start3A_1402 = tpu.memref_squeeze %dma_start3A_1401 : memref<1x16x1024xf32, #tpu.memory_space<hbm>> -> memref<16x1024xf32, #tpu.memory_space<hbm>>
    %dma_start3A_1403 = arith.constant 0 : i32
    %dma_start3A_1404 = arith.constant 0 : i32
    %dma_start3A_1405 = tpu.memref_slice %arg7[%dma_start3A_1388, %dma_start3A_1403, %dma_start3A_1404] : memref<3x16x1024xf32, #tpu.memory_space<vmem>> -> memref<1x16x1024xf32, #tpu.memory_space<vmem>>
    %dma_start3A_1406 = tpu.memref_squeeze %dma_start3A_1405 : memref<1x16x1024xf32, #tpu.memory_space<vmem>> -> memref<16x1024xf32, #tpu.memory_space<vmem>>
    tpu.enqueue_dma source(%dma_start3A_1406 : memref<16x1024xf32, #tpu.memory_space<vmem>>) target(%dma_start3A_1402 : memref<16x1024xf32, #tpu.memory_space<hbm>>) target_semaphore(%dma_start3A_1399 : memref<!tpu.dma_semaphore, #tpu.memory_space<semaphore_mem>>)
    %dma_wait3A_1407 = arith.constant 1 : i32
    %dma_wait3A_1408 = arith.constant 1 : i32
    %dma_wait3A_1409 = arith.constant 1 : i32
    %dma_wait3A_1410 = arith.constant 0 : i32
    %dma_wait3A_1411 = arith.constant 0 : i32
    %dma_wait3A_1412 = tpu.memref_slice %arg7[%dma_wait3A_1407, %dma_wait3A_1410, %dma_wait3A_1411] : memref<3x16x1024xf32, #tpu.memory_space<vmem>> -> memref<1x16x1024xf32, #tpu.memory_space<vmem>>
    %dma_wait3A_1413 = tpu.memref_squeeze %dma_wait3A_1412 : memref<1x16x1024xf32, #tpu.memory_space<vmem>> -> memref<16x1024xf32, #tpu.memory_space<vmem>>
    %dma_wait3A_1414 = arith.constant 0 : i32
    %dma_wait3A_1415 = tpu.memref_slice %arg4[%dma_wait3A_1408, %add3A_1263, %dma_wait3A_1414] : memref<4x2048x1024xf32, #tpu.memory_space<hbm>> -> memref<1x16x1024xf32, #tpu.memory_space<hbm>>
    %dma_wait3A_1416 = tpu.memref_squeeze %dma_wait3A_1415 : memref<1x16x1024xf32, #tpu.memory_space<hbm>> -> memref<16x1024xf32, #tpu.memory_space<hbm>>
    %dma_wait3A_1417 = tpu.memref_slice %arg9[%dma_wait3A_1409] : memref<3x!tpu.dma_semaphore, #tpu.memory_space<semaphore_mem>> -> memref<1x!tpu.dma_semaphore, #tpu.memory_space<semaphore_mem>>
    %dma_wait3A_1418 = tpu.memref_squeeze %dma_wait3A_1417 : memref<1x!tpu.dma_semaphore, #tpu.memory_space<semaphore_mem>> -> memref<!tpu.dma_semaphore, #tpu.memory_space<semaphore_mem>>
    %dma_wait3A_1419 = arith.constant 0 : i32
    %dma_wait3A_1420 = tpu.memref_slice %arg4[%dma_wait3A_1408, %add3A_1263, %dma_wait3A_1419] : memref<4x2048x1024xf32, #tpu.memory_space<hbm>> -> memref<1x16x1024xf32, #tpu.memory_space<hbm>>
    %dma_wait3A_1421 = tpu.memref_squeeze %dma_wait3A_1420 : memref<1x16x1024xf32, #tpu.memory_space<hbm>> -> memref<16x1024xf32, #tpu.memory_space<hbm>>
    %dma_wait3A_1422 = arith.constant 0 : i32
    %dma_wait3A_1423 = arith.constant 0 : i32
    %dma_wait3A_1424 = tpu.memref_slice %arg7[%dma_wait3A_1407, %dma_wait3A_1422, %dma_wait3A_1423] : memref<3x16x1024xf32, #tpu.memory_space<vmem>> -> memref<1x16x1024xf32, #tpu.memory_space<vmem>>
    %dma_wait3A_1425 = tpu.memref_squeeze %dma_wait3A_1424 : memref<1x16x1024xf32, #tpu.memory_space<vmem>> -> memref<16x1024xf32, #tpu.memory_space<vmem>>
    tpu.wait_dma2 semaphore(%dma_wait3A_1418 : memref<!tpu.dma_semaphore, #tpu.memory_space<semaphore_mem>>) src(%dma_wait3A_1425 : memref<16x1024xf32, #tpu.memory_space<vmem>>) dst(%dma_wait3A_1421 : memref<16x1024xf32, #tpu.memory_space<hbm>>)
    %dma_wait3A_1426 = arith.constant 2 : i32
    %dma_wait3A_1427 = arith.constant 2 : i32
    %dma_wait3A_1428 = arith.constant 2 : i32
    %dma_wait3A_1429 = arith.constant 0 : i32
    %dma_wait3A_1430 = arith.constant 0 : i32
    %dma_wait3A_1431 = tpu.memref_slice %arg7[%dma_wait3A_1426, %dma_wait3A_1429, %dma_wait3A_1430] : memref<3x16x1024xf32, #tpu.memory_space<vmem>> -> memref<1x16x1024xf32, #tpu.memory_space<vmem>>
    %dma_wait3A_1432 = tpu.memref_squeeze %dma_wait3A_1431 : memref<1x16x1024xf32, #tpu.memory_space<vmem>> -> memref<16x1024xf32, #tpu.memory_space<vmem>>
    %dma_wait3A_1433 = arith.constant 0 : i32
    %dma_wait3A_1434 = tpu.memref_slice %arg4[%dma_wait3A_1427, %add3A_1325, %dma_wait3A_1433] : memref<4x2048x1024xf32, #tpu.memory_space<hbm>> -> memref<1x16x1024xf32, #tpu.memory_space<hbm>>
    %dma_wait3A_1435 = tpu.memref_squeeze %dma_wait3A_1434 : memref<1x16x1024xf32, #tpu.memory_space<hbm>> -> memref<16x1024xf32, #tpu.memory_space<hbm>>
    %dma_wait3A_1436 = tpu.memref_slice %arg9[%dma_wait3A_1428] : memref<3x!tpu.dma_semaphore, #tpu.memory_space<semaphore_mem>> -> memref<1x!tpu.dma_semaphore, #tpu.memory_space<semaphore_mem>>
    %dma_wait3A_1437 = tpu.memref_squeeze %dma_wait3A_1436 : memref<1x!tpu.dma_semaphore, #tpu.memory_space<semaphore_mem>> -> memref<!tpu.dma_semaphore, #tpu.memory_space<semaphore_mem>>
    %dma_wait3A_1438 = arith.constant 0 : i32
    %dma_wait3A_1439 = tpu.memref_slice %arg4[%dma_wait3A_1427, %add3A_1325, %dma_wait3A_1438] : memref<4x2048x1024xf32, #tpu.memory_space<hbm>> -> memref<1x16x1024xf32, #tpu.memory_space<hbm>>
    %dma_wait3A_1440 = tpu.memref_squeeze %dma_wait3A_1439 : memref<1x16x1024xf32, #tpu.memory_space<hbm>> -> memref<16x1024xf32, #tpu.memory_space<hbm>>
    %dma_wait3A_1441 = arith.constant 0 : i32
    %dma_wait3A_1442 = arith.constant 0 : i32
    %dma_wait3A_1443 = tpu.memref_slice %arg7[%dma_wait3A_1426, %dma_wait3A_1441, %dma_wait3A_1442] : memref<3x16x1024xf32, #tpu.memory_space<vmem>> -> memref<1x16x1024xf32, #tpu.memory_space<vmem>>
    %dma_wait3A_1444 = tpu.memref_squeeze %dma_wait3A_1443 : memref<1x16x1024xf32, #tpu.memory_space<vmem>> -> memref<16x1024xf32, #tpu.memory_space<vmem>>
    tpu.wait_dma2 semaphore(%dma_wait3A_1437 : memref<!tpu.dma_semaphore, #tpu.memory_space<semaphore_mem>>) src(%dma_wait3A_1444 : memref<16x1024xf32, #tpu.memory_space<vmem>>) dst(%dma_wait3A_1440 : memref<16x1024xf32, #tpu.memory_space<hbm>>)
    %dma_wait3A_1445 = arith.constant 0 : i32
    %dma_wait3A_1446 = arith.constant 3 : i32
    %dma_wait3A_1447 = arith.constant 0 : i32
    %dma_wait3A_1448 = arith.constant 0 : i32
    %dma_wait3A_1449 = arith.constant 0 : i32
    %dma_wait3A_1450 = tpu.memref_slice %arg7[%dma_wait3A_1445, %dma_wait3A_1448, %dma_wait3A_1449] : memref<3x16x1024xf32, #tpu.memory_space<vmem>> -> memref<1x16x1024xf32, #tpu.memory_space<vmem>>
    %dma_wait3A_1451 = tpu.memref_squeeze %dma_wait3A_1450 : memref<1x16x1024xf32, #tpu.memory_space<vmem>> -> memref<16x1024xf32, #tpu.memory_space<vmem>>
    %dma_wait3A_1452 = arith.constant 0 : i32
    %dma_wait3A_1453 = tpu.memref_slice %arg4[%dma_wait3A_1446, %add3A_1387, %dma_wait3A_1452] : memref<4x2048x1024xf32, #tpu.memory_space<hbm>> -> memref<1x16x1024xf32, #tpu.memory_space<hbm>>
    %dma_wait3A_1454 = tpu.memref_squeeze %dma_wait3A_1453 : memref<1x16x1024xf32, #tpu.memory_space<hbm>> -> memref<16x1024xf32, #tpu.memory_space<hbm>>
    %dma_wait3A_1455 = tpu.memref_slice %arg9[%dma_wait3A_1447] : memref<3x!tpu.dma_semaphore, #tpu.memory_space<semaphore_mem>> -> memref<1x!tpu.dma_semaphore, #tpu.memory_space<semaphore_mem>>
    %dma_wait3A_1456 = tpu.memref_squeeze %dma_wait3A_1455 : memref<1x!tpu.dma_semaphore, #tpu.memory_space<semaphore_mem>> -> memref<!tpu.dma_semaphore, #tpu.memory_space<semaphore_mem>>
    %dma_wait3A_1457 = arith.constant 0 : i32
    %dma_wait3A_1458 = tpu.memref_slice %arg4[%dma_wait3A_1446, %add3A_1387, %dma_wait3A_1457] : memref<4x2048x1024xf32, #tpu.memory_space<hbm>> -> memref<1x16x1024xf32, #tpu.memory_space<hbm>>
    %dma_wait3A_1459 = tpu.memref_squeeze %dma_wait3A_1458 : memref<1x16x1024xf32, #tpu.memory_space<hbm>> -> memref<16x1024xf32, #tpu.memory_space<hbm>>
    %dma_wait3A_1460 = arith.constant 0 : i32
    %dma_wait3A_1461 = arith.constant 0 : i32
    %dma_wait3A_1462 = tpu.memref_slice %arg7[%dma_wait3A_1445, %dma_wait3A_1460, %dma_wait3A_1461] : memref<3x16x1024xf32, #tpu.memory_space<vmem>> -> memref<1x16x1024xf32, #tpu.memory_space<vmem>>
    %dma_wait3A_1463 = tpu.memref_squeeze %dma_wait3A_1462 : memref<1x16x1024xf32, #tpu.memory_space<vmem>> -> memref<16x1024xf32, #tpu.memory_space<vmem>>
    tpu.wait_dma2 semaphore(%dma_wait3A_1456 : memref<!tpu.dma_semaphore, #tpu.memory_space<semaphore_mem>>) src(%dma_wait3A_1463 : memref<16x1024xf32, #tpu.memory_space<vmem>>) dst(%dma_wait3A_1459 : memref<16x1024xf32, #tpu.memory_space<hbm>>)
    return
  }
}

</mosaic_0001>

<sc_bundles>
// kernel: kernel.3.cloned.1.call-start
scs
__scs_entry_jumppad:
0x0: {  	(pc) =	sbr.rel $0x88, $3  }
0x1: {  	(tag) =	ssettag $0x0;
	lr =	simm.s32 $0x1  }
0x2: {  	[smem:$0x3F9F] =	sst lr;
	_ =	strace $0xD0000000  }
0x3: {  	_ = 	snop  }
0x4: {  	_ = 	snop  }
0x5: {  	_ = 	snop  }
0x6: {  	_ = 	snop  }
0x7: {  	_ = 	snop  }
__scs_overlays_trampoline_lowered:
0x8: {  	[smem:$0x3FAE] =	sst s0  }
0x9: {  	[smem:$0x3FAF] =	sst s1  }
0xa: {  	[smem:$0x3FB0] =	sst s2  }
0xb: {  	[smem:$0x3FB1] =	sst s3  }
0xc: {  	[smem:$0x3FB2] =	sst s4  }
0xd: {  	[smem:$0x3FB3] =	sst s5  }
0xe: {  	[smem:$0x3FB4] =	sst s6  }
0xf: {  	[smem:$0x3FB5] =	sst s7  }
0x10: {  	[smem:$0x3FB6] =	sst s8  }
0x11: {  	[smem:$0x3FB7] =	sst s9;
	s0 =	simm.s32 @!p0 $0x0  }
0x12: {  	s1 =	sld [smem:$0x3F9D];
	s0 =	simm.s32 @p0 $0x1  }
0x13: {  	[smem:$0x3FB8] =	sst s0;
	s0 =	simm.s32 @!p1 $0x0  }
0x14: {  	s2 =	sld [smem:$0x3F9C];
	s0 =	simm.s32 @p1 $0x1  }
0x15: {  	[smem:$0x3FB9] =	sst s0;
	s0 =	simm.s32 @!p2 $0x0  }
0x16: {  	s3 =	sld [smem:$0x3FDB];
	s0 =	simm.s32 @p2 $0x1  }
0x17: {  	s4 =	simm.s32 $0x1BF5;
	[smem:$0x3FBB] =	sst s0  }
0x18: {  	s0 =	sld [smem:$0x3F9E];
	_ =	swait.ge [sflag:s4], $0x0  }
0x19: {  	s7 =	sld [smem:$0x3F9F]  }
0x1a: {  	s8 =	sadd.s32 $0xFFFFE003, lr  }
0x1b: {  	s9 =	sadd.s32 $0xFFFFFEF7, lr;
	s5 =	simm.s32 $0xFFFFFFFF;
	p2 =	slt.u32 s8, $0xFFFFF086  }
0x1c: {  	p1 =	slt.u32 s9, $0xF7A;
	s5 =	simm.s32 @!p2 $0x0  }
0x1d: {  	s5 =	simm.s32 @p1 $0x1;
	p0 =	seq.s32 s7, s2  }
0x1e: {  	s7 =	smul.u32 @!p0 $0xF7A, s2;
	p2 =	seq.s32 @!p0 s5, $0x0  }
0x1f: {  	s9 =	smul.u32 $0xF7A, s1;
	s8 =	simm.s32 @!p0 $0x1BF5;
	p2 =	por !p2, p0  }
0x20: {  	[sflag:s8] =	ssyncset.s32 @!p0 $0xFFFFF086;
	s6 =	sadd.s32 @!p0 s3, s7;
	s7 =	simm.s32 @!p0 $0x108  }
0x21: {  	s3 =	sadd.s32 s3, s9;
	s6 =	sadd.s32 @!p0 $0x88, s6;
	s7 =	simm.s32 @p2 $0x1082  }
0x22: {  	[simem:s7], [sflag:s8] =	dma.local @!p0 [hbm:s6], $0xF7A  }
0x23: {  	s9 =	sor.u32 $0xD0000000, s2;
	s6 =	simm.s32 $0x108;
	_ =	swait.ge @!p0 [sflag:s8], $0x0  }
0x24: {  	s3 =	sadd.s32 $0x88, s3;
	s6 =	simm.s32 @!p1 $0x1082;
	[sflag:s4] =	ssyncset.s32 $0xFFFFF086  }
0x25: {  	[simem:s6], [sflag:s4] =	dma.local [hbm:s3], $0xF7A  }
0x26: {  	[smem:$0x3F9F] =	sst s1;
	(tag) =	ssettag s2;
	_ =	strace s9  }
0x27: {  	s1 =	sld [smem:$0x3FAF]  }
0x28: {  	s2 =	sld [smem:$0x3FB0]  }
0x29: {  	s4 =	sld [smem:$0x3FB2]  }
0x2a: {  	p0 =	seq.s32 s5, $0x0;
	s5 =	sld [smem:$0x3FB3]  }
0x2b: {  	s6 =	sld [smem:$0x3FB4]  }
0x2c: {  	s7 =	sld [smem:$0x3FB5]  }
0x2d: {  	s3 =	simm.s32 $0x108;
	s8 =	sld [smem:$0x3FB6]  }
0x2e: {  	s3 =	simm.s32 @!p0 $0x1082;
	s9 =	sld [smem:$0x3FB7]  }
0x2f: {  	lr =	sadd.s32 s0, s3;
	s0 =	sld [smem:$0x3FAE]  }
0x30: {  	s3 =	sld [smem:$0x3FB1]  }
0x31: {  	[smem:$0x3FBA] =	sst s10  }
0x32: {  	s10 =	sld [smem:$0x3FB8];
	_ =	sdelay $0x3  }
0x33: {  	p0 =	seq.s32 s10, $0x1;
	s10 =	sld [smem:$0x3FBA];
	_ =	sdelay $0x3  }
0x34: {  	[smem:$0x3FBA] =	sst s10  }
0x35: {  	s10 =	sld [smem:$0x3FB9];
	_ =	sdelay $0x3  }
0x36: {  	p1 =	seq.s32 s10, $0x1;
	s10 =	sld [smem:$0x3FBA];
	_ =	sdelay $0x3  }
0x37: {  	[smem:$0x3FBA] =	sst s10  }
0x38: {  	s10 =	sld [smem:$0x3FBB]  }
0x39: {  	_ = 	snop;
	(pc) =	sbr.ind lr, $3  }
0x3a: {  	_ = 	snop  }
0x3b: {  	_ = 	snop  }
0x3c: {  	p2 =	seq.s32 s10, $0x1;
	s10 =	sld [smem:$0x3FBA]  }
0x3d: {  	_ =	shalt  }
0x3e: {  	_ =	shalt  }
0x3f: {  	_ =	shalt  }
0x40: {  	_ =	shalt  }
0x41: {  	_ =	shalt  }
0x42: {  	_ =	shalt  }
0x43: {  	_ =	shalt  }
0x44: {  	_ =	shalt  }
0x45: {  	_ =	shalt  }
0x46: {  	_ =	shalt  }
0x47: {  	_ =	shalt  }
0x48: {  	_ =	shalt  }
0x49: {  	_ =	shalt  }
0x4a: {  	_ =	shalt  }
0x4b: {  	_ =	shalt  }
0x4c: {  	_ =	shalt  }
0x4d: {  	_ =	shalt  }
0x4e: {  	_ =	shalt  }
0x4f: {  	_ =	shalt  }
0x50: {  	_ =	shalt  }
0x51: {  	_ =	shalt  }
0x52: {  	_ =	shalt  }
0x53: {  	_ =	shalt  }
0x54: {  	_ =	shalt  }
0x55: {  	_ =	shalt  }
0x56: {  	_ =	shalt  }
0x57: {  	_ =	shalt  }
0x58: {  	_ =	shalt  }
0x59: {  	_ =	shalt  }
0x5a: {  	_ =	shalt  }
0x5b: {  	_ =	shalt  }
0x5c: {  	_ =	shalt  }
0x5d: {  	_ =	shalt  }
0x5e: {  	_ =	shalt  }
0x5f: {  	_ =	shalt  }
0x60: {  	_ =	shalt  }
0x61: {  	_ =	shalt  }
0x62: {  	_ =	shalt  }
0x63: {  	_ =	shalt  }
0x64: {  	_ =	shalt  }
0x65: {  	_ =	shalt  }
0x66: {  	_ =	shalt  }
0x67: {  	_ =	shalt  }
0x68: {  	_ =	shalt  }
0x69: {  	_ =	shalt  }
0x6a: {  	_ =	shalt  }
0x6b: {  	_ =	shalt  }
0x6c: {  	_ =	shalt  }
0x6d: {  	_ =	shalt  }
0x6e: {  	_ =	shalt  }
0x6f: {  	_ =	shalt  }
0x70: {  	_ =	shalt  }
0x71: {  	_ =	shalt  }
0x72: {  	_ =	shalt  }
0x73: {  	_ =	shalt  }
0x74: {  	_ =	shalt  }
0x75: {  	_ =	shalt  }
0x76: {  	_ =	shalt  }
0x77: {  	_ =	shalt  }
0x78: {  	_ =	shalt  }
0x79: {  	_ =	shalt  }
0x7a: {  	_ =	shalt  }
0x7b: {  	_ =	shalt  }
0x7c: {  	_ =	shalt  }
0x7d: {  	_ =	shalt  }
0x7e: {  	_ =	shalt  }
0x7f: {  	_ =	shalt  }
0x80: {  	_ =	shalt  }
0x81: {  	_ =	shalt  }
0x82: {  	_ =	shalt  }
0x83: {  	_ =	shalt  }
0x84: {  	_ =	shalt  }
0x85: {  	_ =	shalt  }
0x86: {  	_ =	shalt  }
0x87: {  	_ =	shalt  }
.Lfunc_end0:
.L_simem_size_0:
called_computation_lowered:
.L_overlay_start_0:
0x88: {  	s2 =	sld [smem:$0x3FD9]  }
0x89: {  	s3 =	sld [smem:$0x3FFE];
	_ =	sdelay $0x1  }
0x8a: {  	s1 =	srdreg.scid  }
0x8b: {  	s0 =	sand.u32 $0x1, s1  }
0x8c: {  	s18 =	sshll.u32 s0, $0xA;
	s2 =	sadd.s32 s3, s2  }
0x8d: {  	s2 =	sadd.s32 s2, s18  }
0x8e: {  	[smem:$0x3FC6] =	sst s2  }
0x8f: {  	_ = 	snop  }
0x90: {  	s2 =	sld [smem:$0x3FC9]  }
0x91: {  	s19 =	sld [smem:$0x3FC8]  }
0x92: {  	s4 =	sld [smem:$0x3FD0];
	(tm) =	ssettm $0x1  }
0x93: {  	s5 =	sld [smem:$0x3FFB];
	_ =	sdelay $0x3  }
0x94: {  	_ =	strace s5  }
0x95: {  	s5 =	sld [smem:$0x3FFC];
	_ =	sdelay $0x3  }
0x96: {  	_ =	strace s5  }
0x97: {  	s5 =	sld [smem:$0x3FFD];
	_ =	sdelay $0x3  }
0x98: {  	_ =	strace s5  }
0x99: {  	_ =	strace $0x8FFFFFFF  }
0x9a: {  	s20 =	sld [smem:$0x3FDB];
	_ =	sdelay $0x1  }
0x9b: {  	s6 =	simm.s32 $_scs_section_size  }
0x9c: {  	s7 =	simm.s32 $_size__tile_overlayer_lowered;
	s8 =	simm.s32 $_tile_overlayer_lowered  }
0x9d: {  	s23 =	simm.s32 $0x1BFF;
	s22 =	sshll.u32 s8, $0x1;
	s5 =	sadd.s32 s6, s20  }
0x9e: {  	s9 =	simm.s32 $0x0;
	s21 =	sshll.u32 s7, $0x1;
	s7 =	sadd.s32 s22, s5  }
0x9f: {  	[timem:s9], [sflag:s23] =	dma.local [hbm:s7], s21  }
0xa0: {  	_ =	swait.ge [sflag:s23], s21  }
0xa1: {  	s6 =	ssub.s32 $0x0, s21;
	[sflag:s23] =	ssyncset.done $0x0  }
0xa2: {  	[sflag:s23] =	ssyncadd.s32 s6;
	_ =	sdelay $0x1  }
0xa3: {  	s24 =	simm.s32 $0x1B8B  }
0xa4: {  	_ =	swait.ge [sflag:s24], $0x1  }
0xa5: {  	[sflag:s24] =	ssyncset.done $0x0  }
0xa6: {  	s25 =	simm.s32 $0x1B8E;
	[sflag:s24] =	ssyncadd.s32 $0xFFFFFFFF  }
0xa7: {  	s26 =	simm.s32 $execute0_lowered;
	[smem:$0x3FD2] =	sst s25  }
0xa8: {  	s6 =	sshll.u32 s26, $0x1;
	_ =	strace $0x80000046;
	[dreg:$0x1] =	wrdreg $0xFFFFFFFF  }
0xa9: {  	s28 =	simm.s32 $_size_execute0_lowered;
	s5 =	sadd.s32 s5, s6;
	[dreg:$0x0] =	wrdreg $0x0  }
0xaa: {  	s6 =	sshll.u32 s28, $0x1;
	[dreg:$0x2] =	wrdreg s5  }
0xab: {  	[dreg:$0x3] =	wrdreg s6  }
0xac: {  	[dreg:$0x4] =	wrdreg $0xC0  }
0xad: {  	_ =	task [dreg:s9], $0x5FFFF  }
0xae: {  	[dreg:$0x1] =	wrdreg $0xFFFFFFFF  }
0xaf: {  	[dreg:$0x0] =	wrdreg $0x60  }
0xb0: {  	[dreg:$0x2] =	wrdreg s2  }
0xb1: {  	[dreg:$0x3] =	wrdreg s19  }
0xb2: {  	[dreg:$0x4] =	wrdreg s4  }
0xb3: {  	[dreg:$0x5] =	wrdreg $0x9  }
0xb4: {  	_ =	task.clear_ibuf [dreg:s9], $0x6FFFF;
	_ =	strace $0x90000046  }
0xb5: {  	s29 =	simm.s32 $0x9;
	_ =	strace $0x80000048  }
0xb6: {  	_ =	swait.ge [sflag:s29], $0x1  }
0xb7: {  	[sflag:s29] =	ssyncadd.s32 $0xFFFFFFFF  }
0xb8: {  	_ =	strace $0x90000048  }
0xb9: {  	_ =	sfence  }
0xba: {  	s30 =	sld [smem:$0x0];
	_ =	sdelay $0x2  }
0xbb: {  	s31 =	sshll.u32 s1, $0xD;
	s1 =	sshrl.u32 s1, $0x2  }
0xbc: {  	s3 =	sand.u32 $0x4000, s31;
	s1 =	sadd.s32 s1, s30  }
0xbd: {  	s0 =	sor.u32 s3, s0;
	s1 =	sshll.u32 s1, $0x11  }
0xbe: {  	s0 =	sor.u32 s1, s0  }
0xbf: {  	s0 =	sadd.s32 $0x8F2B, s0  }
0xc0: {  	[sflag:s0] =	ssyncadd.remote.s32 $0x1  }
0xc1: {  	_ =	sfence.sel $0xFFFF  }
0xc2: {  	[dreg:$0x0] =	wrdreg $0xFFFFFFFF;
	(pc) =	sbr.abs _section_cstart, $3  }
0xc3: {  	[dreg:$0x1] =	wrdreg $0xFFFFFFFF  }
0xc4: {  	_ =	task.clear_ibuf [dreg:s9], $0x2FFFF;
	_ =	strace $0x9FFFFFFF  }
0xc5: {  	(tm) =	ssettm $0x7FFFFFFF  }
tec
execute0_lowered:
.L_overlay_start_1:
0x0: {  	(tag) =	ssettag $0x1  }
0x1: {  	s4 =	rddreg [dreg:$0x0];
	s1 =	srdreg.scid  }
0x2: {  	s0 =	rddreg [dreg:$0x1];
	s3 =	stileid.u32;
	s1 =	sand.u32 $0x1, s1  }
0x3: {  	s7 =	rddreg [dreg:$0x2];
	s3 =	sshll.u32 s3, $0xE;
	s5 =	sshll.u32 s1, $0xD  }
0x4: {  	s2 =	ssub.s32 $0x2, s1;
	s1 =	simm.s32 $0x0;
	s3 =	sor.u32 s5, s3  }
0x5: {  	[smem:$0x7FF] =	sst s1;
	s15 =	sor.u32 $0x800, s3;
	s5 =	sadd.s32 s0, s3  }
0x6: {  	s17 =	sor.u32 $0x40000, s3;
	[dreg:$0x4] =	wrdreg s5;
	s16 =	sadd.s32 s0, s15  }
0x7: {  	s19 =	sor.u32 $0x80000, s3;
	s18 =	sadd.s32 s4, s17;
	[dreg:$0x5] =	wrdreg s16  }
0x8: {  	s9 =	sor.u32 $0xC0000, s3;
	s10 =	sadd.s32 s4, s19;
	[dreg:$0x6] =	wrdreg s18  }
0x9: {  	s20 =	sadd.s32 s4, s9;
	[dreg:$0x7] =	wrdreg s10  }
0xa: {  	s6 =	sshrl.u32 s2, $0x1;
	s5 =	sadd.s32 s7, s17;
	[dreg:$0x8] =	wrdreg s20  }
0xb: {  	s8 =	ssub.s32 s2, s6;
	s21 =	sadd.s32 s4, s15;
	[dreg:$0x9] =	wrdreg s5  }
0xc: {  	s23 =	sor.u32 $0x40800, s3;
	s22 =	sadd.s32 s7, s19;
	[dreg:$0xa] =	wrdreg s21  }
0xd: {  	s26 =	sor.u32 $0x80800, s3;
	s24 =	sadd.s32 s4, s23;
	[dreg:$0xb] =	wrdreg s22  }
0xe: {  	s29 =	sor.u32 $0x1000, s3;
	s25 =	sadd.s32 s7, s9;
	[dreg:$0xc] =	wrdreg s24  }
0xf: {  	s30 =	sor.u32 $0xC0800, s3;
	s28 =	sadd.s32 s4, s26;
	[dreg:$0xd] =	wrdreg s25  }
0x10: {  	s14 =	sor.u32 $0x1800, s3;
	s11 =	sadd.s32 s0, s29;
	[dreg:$0xe] =	wrdreg s28  }
0x11: {  	s31 =	sadd.s32 s4, s3;
	s2 =	sadd.s32 s7, s15;
	[dreg:$0xf] =	wrdreg s11  }
0x12: {  	s12 =	sadd.s32 s7, s23;
	s13 =	sadd.s32 s7, s26;
	[dreg:$0x10] =	wrdreg s2  }
0x13: {  	s15 =	sadd.s32 s7, s30;
	s0 =	sadd.s32 s0, s14;
	[dreg:$0x12] =	wrdreg s12  }
0x14: {  	s17 =	sadd.s32 s4, s29;
	s26 =	sadd.s32 s7, s14;
	[dreg:$0x13] =	wrdreg s13  }
0x15: {  	s8 =	smax.u32 s8, $0x1;
	s9 =	simm.s32 $0x3;
	[dreg:$0x14] =	wrdreg s15  }
0x16: {  	s11 =	sadd.s32 s4, s30;
	[dreg:$0x15] =	wrdreg s0;
	s16 =	sor.u32 $0x41000, s3  }
0x17: {  	[dreg:$0x16] =	wrdreg s17;
	s18 =	sadd.s32 s7, s29;
	s20 =	sor.u32 $0x81000, s3  }
0x18: {  	s21 =	sor.u32 $0xC1000, s3;
	s25 =	sadd.s32 s4, s14;
	[dreg:$0x1f] =	wrdreg s26  }
0x19: {  	s28 =	sor.u32 $0x41800, s3;
	s29 =	sor.u32 $0x81800, s3;
	s30 =	sor.u32 $0xC1800, s3  }
0x1a: {  	s12 =	simm.s32 $0x8000;
	s13 =	simm.s32 $0x1;
	s14 =	simm.s32 $0x7  }
0x1b: {  	s15 =	simm.s32 $0x14000;
	s17 =	simm.s32 $0x18000;
	[dreg:$0x11] =	wrdreg s11  }
0x1c: {  	s10 =	simm.s32 $0x1C000;
	[dreg:$0x17] =	wrdreg s18;
	s19 =	sadd.s32 s4, s16  }
0x1d: {  	s0 =	sadd.s32 s7, s16;
	s22 =	sadd.s32 s4, s20;
	[dreg:$0x1e] =	wrdreg s25  }
0x1e: {  	s23 =	sadd.s32 s4, s21;
	s24 =	sadd.s32 s7, s21;
	[dreg:$0x18] =	wrdreg s19  }
0x1f: {  	s2 =	sadd.s32 s4, s28;
	s5 =	sadd.s32 s7, s28;
	[dreg:$0x19] =	wrdreg s0  }
0x20: {  	s6 =	sadd.s32 s7, s29;
	s11 =	simm.s32 $0x4000;
	[dreg:$0x1a] =	wrdreg s22  }
0x21: {  	s16 =	simm.s32 $0x2;
	s18 =	simm.s32 $0x4;
	[dreg:$0x1c] =	wrdreg s23  }
0x22: {  	s21 =	simm.s32 $0x6;
	s0 =	sadd.s32 s7, s20;
	[dreg:$0x1d] =	wrdreg s24  }
0x23: {  	s19 =	simm.s32 $0x8;
	s20 =	simm.s32 $0x5;
	s22 =	simm.s32 $0x0  }
0x24: {  	[dreg:$0x1b] =	wrdreg s0;
	s0 =	sadd.s32 s7, s3;
	s3 =	sadd.s32 s4, s29  }
0x25: {  	s4 =	sadd.s32 s4, s30;
	s7 =	sadd.s32 s7, s30;
	_ =	strace $0x80000047  }
.LBB2_1:
0x26: {  	s23 =	rddreg [dreg:$0x4];
	s24 =	simm.s32 $0xC000  }
0x27: {  	[tilespmem:s24], [sflag:$0x7] =	stream.linear.gather [hbm4b:s23+s1], $0x4000, $0x38;
	v63 =	vld [tilespmem:$0x0]  }
0x28: {  	s26 =	rddreg [dreg:$0x5];
	s28 =	simm.s32 $0x10000  }
0x29: {  	[tilespmem:s28], [sflag:$0x8] =	stream.linear.gather [hbm4b:s26+s1], $0x4000, $0x38;
	v63 =	vld [tilespmem:$0x0]  }
0x2a: {  	_ = 	snop  }
0x2b: {  	[tilespmem:s1], [sflag:$0x1] =	stream.linear.gather [hbm4b:s31+s1], $0x4000, $0x38;
	v63 =	vld [tilespmem:$0x0]  }
0x2c: {  	s29 =	rddreg [dreg:$0x6]  }
0x2d: {  	[tilespmem:s11], [sflag:$0x2] =	stream.linear.gather [hbm4b:s29+s1], $0x4000, $0x38;
	v63 =	vld [tilespmem:$0x0]  }
0x2e: {  	s30 =	rddreg [dreg:$0x7]  }
0x2f: {  	[tilespmem:s12], [sflag:$0x3] =	stream.linear.gather [hbm4b:s30+s1], $0x4000, $0x38;
	v63 =	vld [tilespmem:$0x0]  }
0x30: {  	_ =	swait.ge [sflag:s13], $0x4000  }
0x31: {  	[sflag:s13] =	ssyncset.done $0x0  }
0x32: {  	[sflag:s13] =	ssyncadd.s32 $0xFFFFC000  }
0x33: {  	_ =	swait.ge [sflag:s14], $0x4000  }
0x34: {  	s25 =	simm.s32 $0x0;
	[sflag:s14] =	ssyncset.done $0x0  }
0x35: {  	s23 =	simm.s32 $0x0;
	s24 =	simm.s32 $0x0;
	[sflag:s14] =	ssyncadd.s32 $0xFFFFC000  }
.LBB2_2:
0x36: {  	s26 =	sshll.u32 s24, $0x2;
	s28 =	sand.u32 $0x7, s23  }
0x37: {  	s26 =	sand.u32 $0xFFFF8000, s26;
	s28 =	sshll.u32 s28, $0x9  }
0x38: {  	s26 =	sor.u32 s28, s26  }
0x39: {  	s28 =	sshrl.u32 s26, $0x2  }
0x3a: {  	s30 =	sor.u32 $0x40, s28  }
0x3b: {  	s26 =	sadd.s32 $0xC040, s28;
	v1 =	vld [tilespmem:s30+$0x30]  }
0x3c: {  	v2 =	vld [tilespmem:s26+$0x30]  }
0x3d: {  	v0 =	vld [tilespmem:s26+$0xFFFFFFC0]  }
0x3e: {  	v3 =	vld [tilespmem:s30+$0xFFFFFFD0]  }
0x3f: {  	v4 =	vld [tilespmem:s26+$0xFFFFFFD0]  }
0x40: {  	v5 =	vld [tilespmem:s30+$0xFFFFFFE0]  }
0x41: {  	v6 =	vld [tilespmem:s26+$0xFFFFFFE0]  }
0x42: {  	v7 =	vld [tilespmem:s30+$0xFFFFFFF0]  }
0x43: {  	v8 =	vld [tilespmem:s26+$0xFFFFFFF0]  }
0x44: {  	v9 =	vld [tilespmem:s30+$0x0]  }
0x45: {  	v10 =	vld [tilespmem:s26+$0x0];
	v2 =	vadd.f32 v2, v1  }
0x46: {  	s28 =	sadd.s32 $0x14040, s28;
	v4 =	vadd.f32 v4, v3;
	v1 =	vld [tilespmem:s30+$0x10]  }
0x47: {  	v5 =	vadd.f32 v6, v5;
	v3 =	vld [tilespmem:s26+$0x10];
	[tilespmem:s28+$0x30] =	vst v2  }
0x48: {  	v6 =	vadd.f32 v8, v7;
	[tilespmem:s28+$0xFFFFFFD0] =	vst v4;
	v2 =	vld [tilespmem:s30+$0x20]  }
0x49: {  	[tilespmem:s28+$0xFFFFFFE0] =	vst v5;
	v5 =	vld [tilespmem:s26+$0x20]  }
0x4a: {  	s29 =	simm.s32 $0x0;
	v4 =	vld [tilespmem:s30+$0xFFFFFFC0];
	[tilespmem:s28+$0xFFFFFFF0] =	vst v6;
	v6 =	vadd.f32 v10, v9;
	s30 =	sadd.s32 $0x400, s30  }
.LBB2_3:
0x4b: {  	v7 =	vld [tilespmem:s30+$0x30];
	s26 =	sadd.s32 $0x400, s26  }
0x4c: {  	s29 =	sadd.s32 $0x8, s29;
	v8 =	vld [tilespmem:s26+$0x30];
	[tilespmem:s28+$0x0] =	vst v6;
	v1 =	vadd.f32 v3, v1  }
0x4d: {  	p0 =	slt.u32 s29, $0x38;
	v3 =	vld [tilespmem:s26+$0xFFFFFFC0]  }
0x4e: {  	v6 =	vld [tilespmem:s30+$0xFFFFFFD0];
	[tilespmem:s28+$0x10] =	vst v1;
	v1 =	vadd.f32 v5, v2  }
0x4f: {  	v2 =	vld [tilespmem:s26+$0xFFFFFFD0];
	v9 =	vadd.f32 v0, v4  }
0x50: {  	v4 =	vld [tilespmem:s30+$0xFFFFFFE0];
	[tilespmem:s28+$0x20] =	vst v1  }
0x51: {  	v1 =	vld [tilespmem:s26+$0xFFFFFFE0];
	v5 =	vadd.f32 v8, v7;
	[tilespmem:s28+$0xFFFFFFC0] =	vst v9  }
0x52: {  	s28 =	sadd.s32 $0x400, s28;
	v7 =	vld [tilespmem:s30+$0xFFFFFFF0];
	v0 =	vmov v3  }
0x53: {  	v8 =	vld [tilespmem:s26+$0xFFFFFFF0];
	[tilespmem:s28+$0x30] =	vst v5  }
0x54: {  	v2 =	vadd.f32 v2, v6;
	v6 =	vld [tilespmem:s30+$0x0]  }
0x55: {  	v9 =	vld [tilespmem:s26+$0x0]  }
.Ltmp0:
0x56: {  	[tilespmem:s28+$0xFFFFFFD0] =	vst v2;
	v2 =	vadd.f32 v1, v4;
	v1 =	vld [tilespmem:s30+$0x10];
	(pc) =	sbr.rel @p0 .LBB2_3-.Ltmp0, $4  }
0x57: {  	v3 =	vld [tilespmem:s26+$0x10]  }
0x58: {  	[tilespmem:s28+$0xFFFFFFE0] =	vst v2;
	v7 =	vadd.f32 v8, v7;
	v2 =	vld [tilespmem:s30+$0x20]  }
0x59: {  	v5 =	vld [tilespmem:s26+$0x20]  }
0x5a: {  	v4 =	vld [tilespmem:s30+$0xFFFFFFC0];
	[tilespmem:s28+$0xFFFFFFF0] =	vst v7;
	v6 =	vadd.f32 v9, v6;
	s30 =	sadd.s32 $0x400, s30  }
0x5b: {  	s25 =	sadd.s32 $0x1, s25  }
0x5c: {  	p0 =	sne.s32 s25, $0x10  }
.Ltmp1:
0x5d: {  	v1 =	vadd.f32 v3, v1;
	(pc) =	sbr.rel @p0 .LBB2_2-.Ltmp1, $4  }
0x5e: {  	[tilespmem:s28+$0x0] =	vst v6;
	v2 =	vadd.f32 v5, v2  }
0x5f: {  	[tilespmem:s28+$0x10] =	vst v1;
	v0 =	vadd.f32 v0, v4  }
0x60: {  	[tilespmem:s28+$0x20] =	vst v2  }
0x61: {  	s24 =	sadd.s32 $0x400, s24;
	s23 =	sadd.s32 $0x1, s23;
	[tilespmem:s28+$0xFFFFFFC0] =	vst v0  }
0x62: {  	s23 =	simm.s32 $0x0  }
0x63: {  	[hbm4b:s0+s23] =	stream.linear.scatter [tilespmem:s15], [sflag:$0x4], $0x4000, $0x38;
	v63 =	vld [tilespmem:$0x0]  }
0x64: {  	s24 =	rddreg [dreg:$0x8]  }
0x65: {  	[tilespmem:s23], [sflag:$0x1] =	stream.linear.gather [hbm4b:s24+s23], $0x4000, $0x38;
	v63 =	vld [tilespmem:$0x0]  }
0x66: {  	_ =	swait.ge [sflag:s16], $0x4000  }
0x67: {  	[sflag:s16] =	ssyncset.done $0x0  }
0x68: {  	s25 =	simm.s32 $0x0;
	s24 =	simm.s32 $0x0;
	[sflag:s16] =	ssyncadd.s32 $0xFFFFC000  }
.LBB2_6:
0x69: {  	s26 =	sand.u32 $0x7, s24  }
0x6a: {  	s26 =	sshll.u32 s26, $0x9  }
0x6b: {  	s26 =	sshrl.u32 s26, $0x2  }
0x6c: {  	v0 =	vmov s26;
	_ =	sdelay $0x3  }
0x6d: {  	s30 =	sand.u32 $0x3FFFE000, s23  }
0x6e: {  	s26 =	sadd.s32 $0xC070, s30;
	v2 =	vld.idx.msk [tilespmem:v0+s30+$0x4070 ss:$0x1], $0xffff  }
0x6f: {  	v4 =	vld.idx.msk [tilespmem:v0+s26+$0x0 ss:$0x1], $0xffff  }
0x70: {  	v1 =	vld.idx.msk [tilespmem:v0+s26+$0xFFFFFF90 ss:$0x1], $0xffff  }
0x71: {  	v6 =	vld.idx.msk [tilespmem:v0+s30+$0x4010 ss:$0x1], $0xffff  }
0x72: {  	v7 =	vld.idx.msk [tilespmem:v0+s26+$0xFFFFFFA0 ss:$0x1], $0xffff  }
0x73: {  	v8 =	vld.idx.msk [tilespmem:v0+s30+$0x4020 ss:$0x1], $0xffff  }
0x74: {  	v9 =	vld.idx.msk [tilespmem:v0+s26+$0xFFFFFFB0 ss:$0x1], $0xffff  }
0x75: {  	v10 =	vld.idx.msk [tilespmem:v0+s30+$0x4030 ss:$0x1], $0xffff  }
0x76: {  	v11 =	vld.idx.msk [tilespmem:v0+s26+$0xFFFFFFC0 ss:$0x1], $0xffff  }
0x77: {  	v3 =	vld.idx.msk [tilespmem:v0+s30+$0x4040 ss:$0x1], $0xffff  }
0x78: {  	v5 =	vld.idx.msk [tilespmem:v0+s26+$0xFFFFFFD0 ss:$0x1], $0xffff  }
0x79: {  	v4 =	vadd.f32 v4, v2;
	v2 =	vld.idx.msk [tilespmem:v0+s30+$0x4050 ss:$0x1], $0xffff  }
0x7a: {  	s28 =	sadd.s32 $0x14000, s30;
	v7 =	vadd.f32 v7, v6;
	v6 =	vld.idx.msk [tilespmem:v0+s26+$0xFFFFFFE0 ss:$0x1], $0xffff  }
0x7b: {  	v8 =	vadd.f32 v9, v8;
	[tilespmem:v0+s28+$0x4070 ss:$0x1] =	vst.idx.msk $0xffff, v4;
	v4 =	vld.idx.msk [tilespmem:v0+s30+$0x4060 ss:$0x1], $0xffff  }
0x7c: {  	v9 =	vadd.f32 v11, v10;
	[tilespmem:v0+s28+$0x4010 ss:$0x1] =	vst.idx.msk $0xffff, v7;
	v7 =	vld.idx.msk [tilespmem:v0+s26+$0xFFFFFFF0 ss:$0x1], $0xffff  }
0x7d: {  	s29 =	simm.s32 $0x0;
	[tilespmem:v0+s28+$0x4020 ss:$0x1] =	vst.idx.msk $0xffff, v8;
	v8 =	vld.idx.msk [tilespmem:v0+s30+$0x4000 ss:$0x1], $0xffff;
	s30 =	sadd.s32 $0x400, s30  }
.LBB2_7:
0x7e: {  	v10 =	vld.idx.msk [tilespmem:v0+s30+$0x4070 ss:$0x1], $0xffff;
	[tilespmem:v0+s28+$0x4030 ss:$0x1] =	vst.idx.msk $0xffff, v9;
	v3 =	vadd.f32 v5, v3;
	s26 =	sadd.s32 $0x400, s26  }
0x7f: {  	s29 =	sadd.s32 $0x8, s29;
	v5 =	vld.idx.msk [tilespmem:v0+s26+$0x0 ss:$0x1], $0xffff  }
0x80: {  	p0 =	slt.u32 s29, $0x38;
	v2 =	vadd.f32 v6, v2;
	v9 =	vld.idx.msk [tilespmem:v0+s26+$0xFFFFFF90 ss:$0x1], $0xffff;
	[tilespmem:v0+s28+$0x4040 ss:$0x1] =	vst.idx.msk $0xffff, v3  }
0x81: {  	v6 =	vld.idx.msk [tilespmem:v0+s30+$0x4010 ss:$0x1], $0xffff  }
0x82: {  	v11 =	vld.idx.msk [tilespmem:v0+s26+$0xFFFFFFA0 ss:$0x1], $0xffff;
	[tilespmem:v0+s28+$0x4050 ss:$0x1] =	vst.idx.msk $0xffff, v2;
	v2 =	vadd.f32 v7, v4  }
0x83: {  	v3 =	vadd.f32 v1, v8;
	v4 =	vld.idx.msk [tilespmem:v0+s30+$0x4020 ss:$0x1], $0xffff  }
0x84: {  	v7 =	vld.idx.msk [tilespmem:v0+s26+$0xFFFFFFB0 ss:$0x1], $0xffff;
	[tilespmem:v0+s28+$0x4060 ss:$0x1] =	vst.idx.msk $0xffff, v2  }
0x85: {  	v2 =	vadd.f32 v5, v10;
	v8 =	vld.idx.msk [tilespmem:v0+s30+$0x4030 ss:$0x1], $0xffff;
	[tilespmem:v0+s28+$0x4000 ss:$0x1] =	vst.idx.msk $0xffff, v3  }
0x86: {  	s28 =	sadd.s32 $0x400, s28;
	v1 =	vmov v9;
	v10 =	vld.idx.msk [tilespmem:v0+s26+$0xFFFFFFC0 ss:$0x1], $0xffff  }
0x87: {  	v3 =	vld.idx.msk [tilespmem:v0+s30+$0x4040 ss:$0x1], $0xffff;
	[tilespmem:v0+s28+$0x4070 ss:$0x1] =	vst.idx.msk $0xffff, v2  }
0x88: {  	v6 =	vadd.f32 v11, v6;
	v5 =	vld.idx.msk [tilespmem:v0+s26+$0xFFFFFFD0 ss:$0x1], $0xffff  }
.Ltmp2:
0x89: {  	v2 =	vld.idx.msk [tilespmem:v0+s30+$0x4050 ss:$0x1], $0xffff;
	(pc) =	sbr.rel @p0 .LBB2_7-.Ltmp2, $4  }
0x8a: {  	v7 =	vadd.f32 v7, v4;
	[tilespmem:v0+s28+$0x4010 ss:$0x1] =	vst.idx.msk $0xffff, v6;
	v6 =	vld.idx.msk [tilespmem:v0+s26+$0xFFFFFFE0 ss:$0x1], $0xffff  }
0x8b: {  	v4 =	vld.idx.msk [tilespmem:v0+s30+$0x4060 ss:$0x1], $0xffff  }
0x8c: {  	v9 =	vadd.f32 v10, v8;
	[tilespmem:v0+s28+$0x4020 ss:$0x1] =	vst.idx.msk $0xffff, v7;
	v7 =	vld.idx.msk [tilespmem:v0+s26+$0xFFFFFFF0 ss:$0x1], $0xffff  }
0x8d: {  	v8 =	vld.idx.msk [tilespmem:v0+s30+$0x4000 ss:$0x1], $0xffff;
	s30 =	sadd.s32 $0x400, s30  }
0x8e: {  	_ =	sdelay $0x1  }
0x8f: {  	s25 =	sadd.s32 $0x1, s25  }
0x90: {  	v3 =	vadd.f32 v5, v3;
	p0 =	sne.s32 s25, $0x10  }
.Ltmp3:
0x91: {  	[tilespmem:v0+s28+$0x4030 ss:$0x1] =	vst.idx.msk $0xffff, v9;
	v2 =	vadd.f32 v6, v2;
	(pc) =	sbr.rel @p0 .LBB2_6-.Ltmp3, $4  }
0x92: {  	[tilespmem:v0+s28+$0x4040 ss:$0x1] =	vst.idx.msk $0xffff, v3;
	v62 =	vadd.f32 v7, v4  }
0x93: {  	[tilespmem:v0+s28+$0x4050 ss:$0x1] =	vst.idx.msk $0xffff, v2;
	v1 =	vadd.f32 v1, v8  }
0x94: {  	[tilespmem:v0+s28+$0x4060 ss:$0x1] =	vst.idx.msk $0xffff, v62  }
0x95: {  	s24 =	sadd.s32 $0x1, s24;
	s23 =	sadd.s32 $0x400, s23;
	[tilespmem:v0+s28+$0x4000 ss:$0x1] =	vst.idx.msk $0xffff, v1  }
0x96: {  	s23 =	simm.s32 $0x0;
	s24 =	rddreg [dreg:$0x9]  }
0x97: {  	[hbm4b:s24+s23] =	stream.linear.scatter [tilespmem:s17], [sflag:$0x5], $0x4000, $0x38;
	v63 =	vld [tilespmem:$0x0]  }
0x98: {  	s30 =	rddreg [dreg:$0xa]  }
0x99: {  	[tilespmem:s11], [sflag:$0x2] =	stream.linear.gather [hbm4b:s30+s23], $0x4000, $0x38;
	v63 =	vld [tilespmem:$0x0]  }
0x9a: {  	_ =	swait.ge [sflag:s9], $0x4000  }
0x9b: {  	[sflag:s9] =	ssyncset.done $0x0  }
0x9c: {  	s25 =	simm.s32 $0x0;
	s24 =	simm.s32 $0x0;
	[sflag:s9] =	ssyncadd.s32 $0xFFFFC000  }
.LBB2_10:
0x9d: {  	s26 =	sand.u32 $0x7, s24  }
0x9e: {  	s26 =	sshll.u32 s26, $0x9  }
0x9f: {  	s26 =	sshrl.u32 s26, $0x2  }
0xa0: {  	v0 =	vmov s26;
	_ =	sdelay $0x3  }
0xa1: {  	s30 =	sand.u32 $0x3FFFE000, s23  }
0xa2: {  	s26 =	sadd.s32 $0xC070, s30;
	v2 =	vld.idx.msk [tilespmem:v0+s30+$0x8070 ss:$0x1], $0xffff  }
0xa3: {  	v4 =	vld.idx.msk [tilespmem:v0+s26+$0x0 ss:$0x1], $0xffff  }
0xa4: {  	v1 =	vld.idx.msk [tilespmem:v0+s26+$0xFFFFFF90 ss:$0x1], $0xffff  }
0xa5: {  	v6 =	vld.idx.msk [tilespmem:v0+s30+$0x8010 ss:$0x1], $0xffff  }
0xa6: {  	v7 =	vld.idx.msk [tilespmem:v0+s26+$0xFFFFFFA0 ss:$0x1], $0xffff  }
0xa7: {  	v8 =	vld.idx.msk [tilespmem:v0+s30+$0x8020 ss:$0x1], $0xffff  }
0xa8: {  	v9 =	vld.idx.msk [tilespmem:v0+s26+$0xFFFFFFB0 ss:$0x1], $0xffff  }
0xa9: {  	v10 =	vld.idx.msk [tilespmem:v0+s30+$0x8030 ss:$0x1], $0xffff  }
0xaa: {  	v11 =	vld.idx.msk [tilespmem:v0+s26+$0xFFFFFFC0 ss:$0x1], $0xffff  }
0xab: {  	v3 =	vld.idx.msk [tilespmem:v0+s30+$0x8040 ss:$0x1], $0xffff  }
0xac: {  	v5 =	vld.idx.msk [tilespmem:v0+s26+$0xFFFFFFD0 ss:$0x1], $0xffff  }
0xad: {  	v4 =	vadd.f32 v4, v2;
	v2 =	vld.idx.msk [tilespmem:v0+s30+$0x8050 ss:$0x1], $0xffff  }
0xae: {  	s28 =	sadd.s32 $0x14000, s30;
	v7 =	vadd.f32 v7, v6;
	v6 =	vld.idx.msk [tilespmem:v0+s26+$0xFFFFFFE0 ss:$0x1], $0xffff  }
0xaf: {  	v8 =	vadd.f32 v9, v8;
	[tilespmem:v0+s28+$0x8070 ss:$0x1] =	vst.idx.msk $0xffff, v4;
	v4 =	vld.idx.msk [tilespmem:v0+s30+$0x8060 ss:$0x1], $0xffff  }
0xb0: {  	v9 =	vadd.f32 v11, v10;
	[tilespmem:v0+s28+$0x8010 ss:$0x1] =	vst.idx.msk $0xffff, v7;
	v7 =	vld.idx.msk [tilespmem:v0+s26+$0xFFFFFFF0 ss:$0x1], $0xffff  }
0xb1: {  	s29 =	simm.s32 $0x0;
	[tilespmem:v0+s28+$0x8020 ss:$0x1] =	vst.idx.msk $0xffff, v8;
	v8 =	vld.idx.msk [tilespmem:v0+s30+$0x8000 ss:$0x1], $0xffff;
	s30 =	sadd.s32 $0x400, s30  }
.LBB2_11:
0xb2: {  	v10 =	vld.idx.msk [tilespmem:v0+s30+$0x8070 ss:$0x1], $0xffff;
	[tilespmem:v0+s28+$0x8030 ss:$0x1] =	vst.idx.msk $0xffff, v9;
	v3 =	vadd.f32 v5, v3;
	s26 =	sadd.s32 $0x400, s26  }
0xb3: {  	s29 =	sadd.s32 $0x8, s29;
	v5 =	vld.idx.msk [tilespmem:v0+s26+$0x0 ss:$0x1], $0xffff  }
0xb4: {  	p0 =	slt.u32 s29, $0x38;
	v2 =	vadd.f32 v6, v2;
	v9 =	vld.idx.msk [tilespmem:v0+s26+$0xFFFFFF90 ss:$0x1], $0xffff;
	[tilespmem:v0+s28+$0x8040 ss:$0x1] =	vst.idx.msk $0xffff, v3  }
0xb5: {  	v6 =	vld.idx.msk [tilespmem:v0+s30+$0x8010 ss:$0x1], $0xffff  }
0xb6: {  	v11 =	vld.idx.msk [tilespmem:v0+s26+$0xFFFFFFA0 ss:$0x1], $0xffff;
	[tilespmem:v0+s28+$0x8050 ss:$0x1] =	vst.idx.msk $0xffff, v2;
	v2 =	vadd.f32 v7, v4  }
0xb7: {  	v3 =	vadd.f32 v1, v8;
	v4 =	vld.idx.msk [tilespmem:v0+s30+$0x8020 ss:$0x1], $0xffff  }
0xb8: {  	v7 =	vld.idx.msk [tilespmem:v0+s26+$0xFFFFFFB0 ss:$0x1], $0xffff;
	[tilespmem:v0+s28+$0x8060 ss:$0x1] =	vst.idx.msk $0xffff, v2  }
0xb9: {  	v2 =	vadd.f32 v5, v10;
	v8 =	vld.idx.msk [tilespmem:v0+s30+$0x8030 ss:$0x1], $0xffff;
	[tilespmem:v0+s28+$0x8000 ss:$0x1] =	vst.idx.msk $0xffff, v3  }
0xba: {  	s28 =	sadd.s32 $0x400, s28;
	v1 =	vmov v9;
	v10 =	vld.idx.msk [tilespmem:v0+s26+$0xFFFFFFC0 ss:$0x1], $0xffff  }
0xbb: {  	v3 =	vld.idx.msk [tilespmem:v0+s30+$0x8040 ss:$0x1], $0xffff;
	[tilespmem:v0+s28+$0x8070 ss:$0x1] =	vst.idx.msk $0xffff, v2  }
0xbc: {  	v6 =	vadd.f32 v11, v6;
	v5 =	vld.idx.msk [tilespmem:v0+s26+$0xFFFFFFD0 ss:$0x1], $0xffff  }
.Ltmp4:
0xbd: {  	v2 =	vld.idx.msk [tilespmem:v0+s30+$0x8050 ss:$0x1], $0xffff;
	(pc) =	sbr.rel @p0 .LBB2_11-.Ltmp4, $4  }
0xbe: {  	v7 =	vadd.f32 v7, v4;
	[tilespmem:v0+s28+$0x8010 ss:$0x1] =	vst.idx.msk $0xffff, v6;
	v6 =	vld.idx.msk [tilespmem:v0+s26+$0xFFFFFFE0 ss:$0x1], $0xffff  }
0xbf: {  	v4 =	vld.idx.msk [tilespmem:v0+s30+$0x8060 ss:$0x1], $0xffff  }
0xc0: {  	v9 =	vadd.f32 v10, v8;
	[tilespmem:v0+s28+$0x8020 ss:$0x1] =	vst.idx.msk $0xffff, v7;
	v7 =	vld.idx.msk [tilespmem:v0+s26+$0xFFFFFFF0 ss:$0x1], $0xffff  }
0xc1: {  	v8 =	vld.idx.msk [tilespmem:v0+s30+$0x8000 ss:$0x1], $0xffff;
	s30 =	sadd.s32 $0x400, s30  }
0xc2: {  	_ =	sdelay $0x1  }
0xc3: {  	s25 =	sadd.s32 $0x1, s25  }
0xc4: {  	v3 =	vadd.f32 v5, v3;
	p0 =	sne.s32 s25, $0x10  }
.Ltmp5:
0xc5: {  	[tilespmem:v0+s28+$0x8030 ss:$0x1] =	vst.idx.msk $0xffff, v9;
	v2 =	vadd.f32 v6, v2;
	(pc) =	sbr.rel @p0 .LBB2_10-.Ltmp5, $4  }
0xc6: {  	[tilespmem:v0+s28+$0x8040 ss:$0x1] =	vst.idx.msk $0xffff, v3;
	v62 =	vadd.f32 v7, v4  }
0xc7: {  	[tilespmem:v0+s28+$0x8050 ss:$0x1] =	vst.idx.msk $0xffff, v2;
	v1 =	vadd.f32 v1, v8  }
0xc8: {  	[tilespmem:v0+s28+$0x8060 ss:$0x1] =	vst.idx.msk $0xffff, v62  }
0xc9: {  	s24 =	sadd.s32 $0x1, s24;
	s23 =	sadd.s32 $0x400, s23;
	[tilespmem:v0+s28+$0x8000 ss:$0x1] =	vst.idx.msk $0xffff, v1  }
0xca: {  	s23 =	simm.s32 $0x0;
	s24 =	rddreg [dreg:$0xb]  }
0xcb: {  	[hbm4b:s24+s23] =	stream.linear.scatter [tilespmem:s10], [sflag:$0x6], $0x4000, $0x38;
	v63 =	vld [tilespmem:$0x0]  }
0xcc: {  	s30 =	rddreg [dreg:$0xc]  }
0xcd: {  	[tilespmem:s12], [sflag:$0x3] =	stream.linear.gather [hbm4b:s30+s23], $0x4000, $0x38;
	v63 =	vld [tilespmem:$0x0]  }
0xce: {  	_ =	swait.ge [sflag:s13], $0x4000  }
0xcf: {  	[sflag:s13] =	ssyncset.done $0x0  }
0xd0: {  	[sflag:s13] =	ssyncadd.s32 $0xFFFFC000  }
0xd1: {  	_ =	swait.ge [sflag:s18], $0x4000  }
0xd2: {  	[sflag:s18] =	ssyncset.done $0x0  }
0xd3: {  	s25 =	simm.s32 $0x0;
	s24 =	simm.s32 $0x0;
	[sflag:s18] =	ssyncadd.s32 $0xFFFFC000  }
.LBB2_14:
0xd4: {  	s26 =	sshll.u32 s24, $0x2;
	s28 =	sand.u32 $0x7, s23  }
0xd5: {  	s26 =	sand.u32 $0xFFFF8000, s26;
	s28 =	sshll.u32 s28, $0x9  }
0xd6: {  	s26 =	sor.u32 s28, s26  }
0xd7: {  	s28 =	sshrl.u32 s26, $0x2  }
0xd8: {  	s30 =	sor.u32 $0x40, s28  }
0xd9: {  	s26 =	sadd.s32 $0xC040, s28;
	v1 =	vld [tilespmem:s30+$0x30]  }
0xda: {  	v2 =	vld [tilespmem:s26+$0x30]  }
0xdb: {  	v0 =	vld [tilespmem:s26+$0xFFFFFFC0]  }
0xdc: {  	v3 =	vld [tilespmem:s30+$0xFFFFFFD0]  }
0xdd: {  	v4 =	vld [tilespmem:s26+$0xFFFFFFD0]  }
0xde: {  	v5 =	vld [tilespmem:s30+$0xFFFFFFE0]  }
0xdf: {  	v6 =	vld [tilespmem:s26+$0xFFFFFFE0]  }
0xe0: {  	v7 =	vld [tilespmem:s30+$0xFFFFFFF0]  }
0xe1: {  	v8 =	vld [tilespmem:s26+$0xFFFFFFF0]  }
0xe2: {  	v9 =	vld [tilespmem:s30+$0x0]  }
0xe3: {  	v10 =	vld [tilespmem:s26+$0x0];
	v2 =	vadd.f32 v2, v1  }
0xe4: {  	s28 =	sadd.s32 $0x14040, s28;
	v4 =	vadd.f32 v4, v3;
	v1 =	vld [tilespmem:s30+$0x10]  }
0xe5: {  	v5 =	vadd.f32 v6, v5;
	v3 =	vld [tilespmem:s26+$0x10];
	[tilespmem:s28+$0x30] =	vst v2  }
0xe6: {  	v6 =	vadd.f32 v8, v7;
	[tilespmem:s28+$0xFFFFFFD0] =	vst v4;
	v2 =	vld [tilespmem:s30+$0x20]  }
0xe7: {  	[tilespmem:s28+$0xFFFFFFE0] =	vst v5;
	v5 =	vld [tilespmem:s26+$0x20]  }
0xe8: {  	s29 =	simm.s32 $0x0;
	v4 =	vld [tilespmem:s30+$0xFFFFFFC0];
	[tilespmem:s28+$0xFFFFFFF0] =	vst v6;
	v6 =	vadd.f32 v10, v9;
	s30 =	sadd.s32 $0x400, s30  }
.LBB2_15:
0xe9: {  	v7 =	vld [tilespmem:s30+$0x30];
	s26 =	sadd.s32 $0x400, s26  }
0xea: {  	s29 =	sadd.s32 $0x8, s29;
	v8 =	vld [tilespmem:s26+$0x30];
	[tilespmem:s28+$0x0] =	vst v6;
	v1 =	vadd.f32 v3, v1  }
0xeb: {  	p0 =	slt.u32 s29, $0x38;
	v3 =	vld [tilespmem:s26+$0xFFFFFFC0]  }
0xec: {  	v6 =	vld [tilespmem:s30+$0xFFFFFFD0];
	[tilespmem:s28+$0x10] =	vst v1;
	v1 =	vadd.f32 v5, v2  }
0xed: {  	v2 =	vld [tilespmem:s26+$0xFFFFFFD0];
	v9 =	vadd.f32 v0, v4  }
0xee: {  	v4 =	vld [tilespmem:s30+$0xFFFFFFE0];
	[tilespmem:s28+$0x20] =	vst v1  }
0xef: {  	v1 =	vld [tilespmem:s26+$0xFFFFFFE0];
	v5 =	vadd.f32 v8, v7;
	[tilespmem:s28+$0xFFFFFFC0] =	vst v9  }
0xf0: {  	s28 =	sadd.s32 $0x400, s28;
	v7 =	vld [tilespmem:s30+$0xFFFFFFF0];
	v0 =	vmov v3  }
0xf1: {  	v8 =	vld [tilespmem:s26+$0xFFFFFFF0];
	[tilespmem:s28+$0x30] =	vst v5  }
0xf2: {  	v2 =	vadd.f32 v2, v6;
	v6 =	vld [tilespmem:s30+$0x0]  }
0xf3: {  	v9 =	vld [tilespmem:s26+$0x0]  }
.Ltmp6:
0xf4: {  	[tilespmem:s28+$0xFFFFFFD0] =	vst v2;
	v2 =	vadd.f32 v1, v4;
	v1 =	vld [tilespmem:s30+$0x10];
	(pc) =	sbr.rel @p0 .LBB2_15-.Ltmp6, $4  }
0xf5: {  	v3 =	vld [tilespmem:s26+$0x10]  }
0xf6: {  	[tilespmem:s28+$0xFFFFFFE0] =	vst v2;
	v7 =	vadd.f32 v8, v7;
	v2 =	vld [tilespmem:s30+$0x20]  }
0xf7: {  	v5 =	vld [tilespmem:s26+$0x20]  }
0xf8: {  	v4 =	vld [tilespmem:s30+$0xFFFFFFC0];
	[tilespmem:s28+$0xFFFFFFF0] =	vst v7;
	v6 =	vadd.f32 v9, v6;
	s30 =	sadd.s32 $0x400, s30  }
0xf9: {  	s25 =	sadd.s32 $0x1, s25  }
0xfa: {  	p0 =	sne.s32 s25, $0x10  }
.Ltmp7:
0xfb: {  	v1 =	vadd.f32 v3, v1;
	(pc) =	sbr.rel @p0 .LBB2_14-.Ltmp7, $4  }
0xfc: {  	[tilespmem:s28+$0x0] =	vst v6;
	v2 =	vadd.f32 v5, v2  }
0xfd: {  	[tilespmem:s28+$0x10] =	vst v1;
	v0 =	vadd.f32 v0, v4  }
0xfe: {  	[tilespmem:s28+$0x20] =	vst v2  }
0xff: {  	s24 =	sadd.s32 $0x400, s24;
	s23 =	sadd.s32 $0x1, s23;
	[tilespmem:s28+$0xFFFFFFC0] =	vst v0  }
0x100: {  	s23 =	simm.s32 $0x0;
	s24 =	rddreg [dreg:$0xd]  }
0x101: {  	[hbm4b:s24+s23] =	stream.linear.scatter [tilespmem:s15], [sflag:$0x4], $0x4000, $0x38;
	v63 =	vld [tilespmem:$0x0]  }
0x102: {  	s29 =	rddreg [dreg:$0xe]  }
0x103: {  	[tilespmem:s23], [sflag:$0x1] =	stream.linear.gather [hbm4b:s29+s23], $0x4000, $0x38;
	v63 =	vld [tilespmem:$0x0]  }
0x104: {  	s30 =	rddreg [dreg:$0xf];
	s25 =	simm.s32 $0xC000  }
0x105: {  	[tilespmem:s25], [sflag:$0x7] =	stream.linear.gather [hbm4b:s30+s23], $0x4000, $0x38;
	v63 =	vld [tilespmem:$0x0]  }
0x106: {  	_ =	swait.ge [sflag:s16], $0x4000  }
0x107: {  	[sflag:s16] =	ssyncset.done $0x0  }
0x108: {  	[sflag:s16] =	ssyncadd.s32 $0xFFFFC000  }
0x109: {  	_ =	swait.ge [sflag:s19], $0x4000  }
0x10a: {  	[sflag:s19] =	ssyncset.done $0x0  }
0x10b: {  	[sflag:s19] =	ssyncadd.s32 $0xFFFFC000  }
0x10c: {  	_ =	swait.ge [sflag:s20], $0x4000  }
0x10d: {  	[sflag:s20] =	ssyncset.done $0x0  }
0x10e: {  	s24 =	simm.s32 $0x0;
	s25 =	simm.s32 $0x0;
	[sflag:s20] =	ssyncadd.s32 $0xFFFFC000  }
.LBB2_18:
0x10f: {  	s26 =	sand.u32 $0x7, s24  }
0x110: {  	s26 =	sshll.u32 s26, $0x9  }
0x111: {  	s26 =	sshrl.u32 s26, $0x2  }
0x112: {  	v0 =	vmov s26;
	_ =	sdelay $0x3  }
0x113: {  	s30 =	sand.u32 $0x3FFFE000, s23  }
0x114: {  	s26 =	sadd.s32 $0xC000, s30;
	v2 =	vld.idx.msk [tilespmem:v0+s30+$0x4070 ss:$0x1], $0xffff  }
0x115: {  	v4 =	vld.idx.msk [tilespmem:v0+s26+$0x4070 ss:$0x1], $0xffff  }
0x116: {  	v1 =	vld.idx.msk [tilespmem:v0+s26+$0x4000 ss:$0x1], $0xffff  }
0x117: {  	v6 =	vld.idx.msk [tilespmem:v0+s30+$0x4010 ss:$0x1], $0xffff  }
0x118: {  	v7 =	vld.idx.msk [tilespmem:v0+s26+$0x4010 ss:$0x1], $0xffff  }
0x119: {  	v8 =	vld.idx.msk [tilespmem:v0+s30+$0x4020 ss:$0x1], $0xffff  }
0x11a: {  	v9 =	vld.idx.msk [tilespmem:v0+s26+$0x4020 ss:$0x1], $0xffff  }
0x11b: {  	v10 =	vld.idx.msk [tilespmem:v0+s30+$0x4030 ss:$0x1], $0xffff  }
0x11c: {  	v11 =	vld.idx.msk [tilespmem:v0+s26+$0x4030 ss:$0x1], $0xffff  }
0x11d: {  	v3 =	vld.idx.msk [tilespmem:v0+s30+$0x4040 ss:$0x1], $0xffff  }
0x11e: {  	v5 =	vld.idx.msk [tilespmem:v0+s26+$0x4040 ss:$0x1], $0xffff  }
0x11f: {  	v4 =	vadd.f32 v4, v2;
	v2 =	vld.idx.msk [tilespmem:v0+s30+$0x4050 ss:$0x1], $0xffff  }
0x120: {  	s28 =	sadd.s32 $0x14000, s30;
	v7 =	vadd.f32 v7, v6;
	v6 =	vld.idx.msk [tilespmem:v0+s26+$0x4050 ss:$0x1], $0xffff  }
0x121: {  	v8 =	vadd.f32 v9, v8;
	[tilespmem:v0+s28+$0x4070 ss:$0x1] =	vst.idx.msk $0xffff, v4;
	v4 =	vld.idx.msk [tilespmem:v0+s30+$0x4060 ss:$0x1], $0xffff  }
0x122: {  	v9 =	vadd.f32 v11, v10;
	[tilespmem:v0+s28+$0x4010 ss:$0x1] =	vst.idx.msk $0xffff, v7;
	v7 =	vld.idx.msk [tilespmem:v0+s26+$0x4060 ss:$0x1], $0xffff  }
0x123: {  	s29 =	simm.s32 $0x0;
	[tilespmem:v0+s28+$0x4020 ss:$0x1] =	vst.idx.msk $0xffff, v8;
	v8 =	vld.idx.msk [tilespmem:v0+s30+$0x4000 ss:$0x1], $0xffff;
	s30 =	sadd.s32 $0x400, s30  }
.LBB2_19:
0x124: {  	v10 =	vld.idx.msk [tilespmem:v0+s30+$0x4070 ss:$0x1], $0xffff;
	[tilespmem:v0+s28+$0x4030 ss:$0x1] =	vst.idx.msk $0xffff, v9;
	v3 =	vadd.f32 v5, v3;
	s26 =	sadd.s32 $0x400, s26  }
0x125: {  	s29 =	sadd.s32 $0x8, s29;
	v5 =	vld.idx.msk [tilespmem:v0+s26+$0x4070 ss:$0x1], $0xffff  }
0x126: {  	p0 =	slt.u32 s29, $0x38;
	v2 =	vadd.f32 v6, v2;
	v9 =	vld.idx.msk [tilespmem:v0+s26+$0x4000 ss:$0x1], $0xffff;
	[tilespmem:v0+s28+$0x4040 ss:$0x1] =	vst.idx.msk $0xffff, v3  }
0x127: {  	v6 =	vld.idx.msk [tilespmem:v0+s30+$0x4010 ss:$0x1], $0xffff  }
0x128: {  	v11 =	vld.idx.msk [tilespmem:v0+s26+$0x4010 ss:$0x1], $0xffff;
	[tilespmem:v0+s28+$0x4050 ss:$0x1] =	vst.idx.msk $0xffff, v2;
	v2 =	vadd.f32 v7, v4  }
0x129: {  	v3 =	vadd.f32 v1, v8;
	v4 =	vld.idx.msk [tilespmem:v0+s30+$0x4020 ss:$0x1], $0xffff  }
0x12a: {  	v7 =	vld.idx.msk [tilespmem:v0+s26+$0x4020 ss:$0x1], $0xffff;
	[tilespmem:v0+s28+$0x4060 ss:$0x1] =	vst.idx.msk $0xffff, v2  }
0x12b: {  	v2 =	vadd.f32 v5, v10;
	v8 =	vld.idx.msk [tilespmem:v0+s30+$0x4030 ss:$0x1], $0xffff;
	[tilespmem:v0+s28+$0x4000 ss:$0x1] =	vst.idx.msk $0xffff, v3  }
0x12c: {  	s28 =	sadd.s32 $0x400, s28;
	v1 =	vmov v9;
	v10 =	vld.idx.msk [tilespmem:v0+s26+$0x4030 ss:$0x1], $0xffff  }
0x12d: {  	v3 =	vld.idx.msk [tilespmem:v0+s30+$0x4040 ss:$0x1], $0xffff;
	[tilespmem:v0+s28+$0x4070 ss:$0x1] =	vst.idx.msk $0xffff, v2  }
0x12e: {  	v6 =	vadd.f32 v11, v6;
	v5 =	vld.idx.msk [tilespmem:v0+s26+$0x4040 ss:$0x1], $0xffff  }
.Ltmp8:
0x12f: {  	v2 =	vld.idx.msk [tilespmem:v0+s30+$0x4050 ss:$0x1], $0xffff;
	(pc) =	sbr.rel @p0 .LBB2_19-.Ltmp8, $4  }
0x130: {  	v7 =	vadd.f32 v7, v4;
	[tilespmem:v0+s28+$0x4010 ss:$0x1] =	vst.idx.msk $0xffff, v6;
	v6 =	vld.idx.msk [tilespmem:v0+s26+$0x4050 ss:$0x1], $0xffff  }
0x131: {  	v4 =	vld.idx.msk [tilespmem:v0+s30+$0x4060 ss:$0x1], $0xffff  }
0x132: {  	v9 =	vadd.f32 v10, v8;
	[tilespmem:v0+s28+$0x4020 ss:$0x1] =	vst.idx.msk $0xffff, v7;
	v7 =	vld.idx.msk [tilespmem:v0+s26+$0x4060 ss:$0x1], $0xffff  }
0x133: {  	v8 =	vld.idx.msk [tilespmem:v0+s30+$0x4000 ss:$0x1], $0xffff;
	s30 =	sadd.s32 $0x400, s30  }
0x134: {  	_ =	sdelay $0x1  }
0x135: {  	s25 =	sadd.s32 $0x1, s25  }
0x136: {  	v3 =	vadd.f32 v5, v3;
	p0 =	sne.s32 s25, $0x10  }
.Ltmp9:
0x137: {  	[tilespmem:v0+s28+$0x4030 ss:$0x1] =	vst.idx.msk $0xffff, v9;
	v2 =	vadd.f32 v6, v2;
	(pc) =	sbr.rel @p0 .LBB2_18-.Ltmp9, $4  }
0x138: {  	[tilespmem:v0+s28+$0x4040 ss:$0x1] =	vst.idx.msk $0xffff, v3;
	v62 =	vadd.f32 v7, v4  }
0x139: {  	[tilespmem:v0+s28+$0x4050 ss:$0x1] =	vst.idx.msk $0xffff, v2;
	v1 =	vadd.f32 v1, v8  }
0x13a: {  	[tilespmem:v0+s28+$0x4060 ss:$0x1] =	vst.idx.msk $0xffff, v62  }
0x13b: {  	s24 =	sadd.s32 $0x1, s24;
	s23 =	sadd.s32 $0x400, s23;
	[tilespmem:v0+s28+$0x4000 ss:$0x1] =	vst.idx.msk $0xffff, v1  }
0x13c: {  	s23 =	simm.s32 $0x0;
	s24 =	rddreg [dreg:$0x10]  }
0x13d: {  	[hbm4b:s24+s23] =	stream.linear.scatter [tilespmem:s17], [sflag:$0x5], $0x4000, $0x38;
	v63 =	vld [tilespmem:$0x0]  }
0x13e: {  	s30 =	rddreg [dreg:$0x11]  }
0x13f: {  	[tilespmem:s11], [sflag:$0x2] =	stream.linear.gather [hbm4b:s30+s23], $0x4000, $0x38;
	v63 =	vld [tilespmem:$0x0]  }
0x140: {  	_ =	swait.ge [sflag:s9], $0x4000  }
0x141: {  	[sflag:s9] =	ssyncset.done $0x0  }
0x142: {  	[sflag:s9] =	ssyncadd.s32 $0xFFFFC000  }
0x143: {  	_ =	swait.ge [sflag:s21], $0x4000  }
0x144: {  	[sflag:s21] =	ssyncset.done $0x0  }
0x145: {  	s25 =	simm.s32 $0x0;
	s24 =	simm.s32 $0x0;
	[sflag:s21] =	ssyncadd.s32 $0xFFFFC000  }
.LBB2_22:
0x146: {  	s26 =	sand.u32 $0x7, s24  }
0x147: {  	s26 =	sshll.u32 s26, $0x9  }
0x148: {  	s26 =	sshrl.u32 s26, $0x2  }
0x149: {  	v0 =	vmov s26;
	_ =	sdelay $0x3  }
0x14a: {  	s30 =	sand.u32 $0x3FFFE000, s23  }
0x14b: {  	s26 =	sadd.s32 $0x10040, s30;
	v2 =	vld.idx.msk [tilespmem:v0+s30+$0x8070 ss:$0x1], $0xffff  }
0x14c: {  	v4 =	vld.idx.msk [tilespmem:v0+s26+$0x30 ss:$0x1], $0xffff  }
0x14d: {  	v1 =	vld.idx.msk [tilespmem:v0+s26+$0xFFFFFFC0 ss:$0x1], $0xffff  }
0x14e: {  	v6 =	vld.idx.msk [tilespmem:v0+s30+$0x8010 ss:$0x1], $0xffff  }
0x14f: {  	v7 =	vld.idx.msk [tilespmem:v0+s26+$0xFFFFFFD0 ss:$0x1], $0xffff  }
0x150: {  	v8 =	vld.idx.msk [tilespmem:v0+s30+$0x8020 ss:$0x1], $0xffff  }
0x151: {  	v9 =	vld.idx.msk [tilespmem:v0+s26+$0xFFFFFFE0 ss:$0x1], $0xffff  }
0x152: {  	v10 =	vld.idx.msk [tilespmem:v0+s30+$0x8030 ss:$0x1], $0xffff  }
0x153: {  	v11 =	vld.idx.msk [tilespmem:v0+s26+$0xFFFFFFF0 ss:$0x1], $0xffff  }
0x154: {  	v3 =	vld.idx.msk [tilespmem:v0+s30+$0x8040 ss:$0x1], $0xffff  }
0x155: {  	v5 =	vld.idx.msk [tilespmem:v0+s26+$0x0 ss:$0x1], $0xffff  }
0x156: {  	v4 =	vadd.f32 v4, v2;
	v2 =	vld.idx.msk [tilespmem:v0+s30+$0x8050 ss:$0x1], $0xffff  }
0x157: {  	s28 =	sadd.s32 $0x14000, s30;
	v7 =	vadd.f32 v7, v6;
	v6 =	vld.idx.msk [tilespmem:v0+s26+$0x10 ss:$0x1], $0xffff  }
0x158: {  	v8 =	vadd.f32 v9, v8;
	[tilespmem:v0+s28+$0x8070 ss:$0x1] =	vst.idx.msk $0xffff, v4;
	v4 =	vld.idx.msk [tilespmem:v0+s30+$0x8060 ss:$0x1], $0xffff  }
0x159: {  	v9 =	vadd.f32 v11, v10;
	[tilespmem:v0+s28+$0x8010 ss:$0x1] =	vst.idx.msk $0xffff, v7;
	v7 =	vld.idx.msk [tilespmem:v0+s26+$0x20 ss:$0x1], $0xffff  }
0x15a: {  	s29 =	simm.s32 $0x0;
	[tilespmem:v0+s28+$0x8020 ss:$0x1] =	vst.idx.msk $0xffff, v8;
	v8 =	vld.idx.msk [tilespmem:v0+s30+$0x8000 ss:$0x1], $0xffff;
	s30 =	sadd.s32 $0x400, s30  }
.LBB2_23:
0x15b: {  	v10 =	vld.idx.msk [tilespmem:v0+s30+$0x8070 ss:$0x1], $0xffff;
	[tilespmem:v0+s28+$0x8030 ss:$0x1] =	vst.idx.msk $0xffff, v9;
	v3 =	vadd.f32 v5, v3;
	s26 =	sadd.s32 $0x400, s26  }
0x15c: {  	s29 =	sadd.s32 $0x8, s29;
	v5 =	vld.idx.msk [tilespmem:v0+s26+$0x30 ss:$0x1], $0xffff  }
0x15d: {  	p0 =	slt.u32 s29, $0x38;
	v2 =	vadd.f32 v6, v2;
	v9 =	vld.idx.msk [tilespmem:v0+s26+$0xFFFFFFC0 ss:$0x1], $0xffff;
	[tilespmem:v0+s28+$0x8040 ss:$0x1] =	vst.idx.msk $0xffff, v3  }
0x15e: {  	v6 =	vld.idx.msk [tilespmem:v0+s30+$0x8010 ss:$0x1], $0xffff  }
0x15f: {  	v11 =	vld.idx.msk [tilespmem:v0+s26+$0xFFFFFFD0 ss:$0x1], $0xffff;
	[tilespmem:v0+s28+$0x8050 ss:$0x1] =	vst.idx.msk $0xffff, v2;
	v2 =	vadd.f32 v7, v4  }
0x160: {  	v3 =	vadd.f32 v1, v8;
	v4 =	vld.idx.msk [tilespmem:v0+s30+$0x8020 ss:$0x1], $0xffff  }
0x161: {  	v7 =	vld.idx.msk [tilespmem:v0+s26+$0xFFFFFFE0 ss:$0x1], $0xffff;
	[tilespmem:v0+s28+$0x8060 ss:$0x1] =	vst.idx.msk $0xffff, v2  }
0x162: {  	v2 =	vadd.f32 v5, v10;
	v8 =	vld.idx.msk [tilespmem:v0+s30+$0x8030 ss:$0x1], $0xffff;
	[tilespmem:v0+s28+$0x8000 ss:$0x1] =	vst.idx.msk $0xffff, v3  }
0x163: {  	s28 =	sadd.s32 $0x400, s28;
	v1 =	vmov v9;
	v10 =	vld.idx.msk [tilespmem:v0+s26+$0xFFFFFFF0 ss:$0x1], $0xffff  }
0x164: {  	v3 =	vld.idx.msk [tilespmem:v0+s30+$0x8040 ss:$0x1], $0xffff;
	[tilespmem:v0+s28+$0x8070 ss:$0x1] =	vst.idx.msk $0xffff, v2  }
0x165: {  	v6 =	vadd.f32 v11, v6;
	v5 =	vld.idx.msk [tilespmem:v0+s26+$0x0 ss:$0x1], $0xffff  }
.Ltmp10:
0x166: {  	v2 =	vld.idx.msk [tilespmem:v0+s30+$0x8050 ss:$0x1], $0xffff;
	(pc) =	sbr.rel @p0 .LBB2_23-.Ltmp10, $4  }
0x167: {  	v7 =	vadd.f32 v7, v4;
	[tilespmem:v0+s28+$0x8010 ss:$0x1] =	vst.idx.msk $0xffff, v6;
	v6 =	vld.idx.msk [tilespmem:v0+s26+$0x10 ss:$0x1], $0xffff  }
0x168: {  	v4 =	vld.idx.msk [tilespmem:v0+s30+$0x8060 ss:$0x1], $0xffff  }
0x169: {  	v9 =	vadd.f32 v10, v8;
	[tilespmem:v0+s28+$0x8020 ss:$0x1] =	vst.idx.msk $0xffff, v7;
	v7 =	vld.idx.msk [tilespmem:v0+s26+$0x20 ss:$0x1], $0xffff  }
0x16a: {  	v8 =	vld.idx.msk [tilespmem:v0+s30+$0x8000 ss:$0x1], $0xffff;
	s30 =	sadd.s32 $0x400, s30  }
0x16b: {  	_ =	sdelay $0x1  }
0x16c: {  	s25 =	sadd.s32 $0x1, s25  }
0x16d: {  	v3 =	vadd.f32 v5, v3;
	p0 =	sne.s32 s25, $0x10  }
.Ltmp11:
0x16e: {  	[tilespmem:v0+s28+$0x8030 ss:$0x1] =	vst.idx.msk $0xffff, v9;
	v2 =	vadd.f32 v6, v2;
	(pc) =	sbr.rel @p0 .LBB2_22-.Ltmp11, $4  }
0x16f: {  	[tilespmem:v0+s28+$0x8040 ss:$0x1] =	vst.idx.msk $0xffff, v3;
	v62 =	vadd.f32 v7, v4  }
0x170: {  	[tilespmem:v0+s28+$0x8050 ss:$0x1] =	vst.idx.msk $0xffff, v2;
	v1 =	vadd.f32 v1, v8  }
0x171: {  	[tilespmem:v0+s28+$0x8060 ss:$0x1] =	vst.idx.msk $0xffff, v62  }
0x172: {  	s24 =	sadd.s32 $0x1, s24;
	s23 =	sadd.s32 $0x400, s23;
	[tilespmem:v0+s28+$0x8000 ss:$0x1] =	vst.idx.msk $0xffff, v1  }
0x173: {  	s23 =	simm.s32 $0x0;
	s24 =	rddreg [dreg:$0x12]  }
0x174: {  	[hbm4b:s24+s23] =	stream.linear.scatter [tilespmem:s10], [sflag:$0x6], $0x4000, $0x38;
	v63 =	vld [tilespmem:$0x0]  }
0x175: {  	s30 =	rddreg [dreg:$0x16]  }
0x176: {  	[tilespmem:s12], [sflag:$0x3] =	stream.linear.gather [hbm4b:s30+s23], $0x4000, $0x38;
	v63 =	vld [tilespmem:$0x0]  }
0x177: {  	_ =	swait.ge [sflag:s13], $0x4000  }
0x178: {  	[sflag:s13] =	ssyncset.done $0x0  }
0x179: {  	[sflag:s13] =	ssyncadd.s32 $0xFFFFC000  }
0x17a: {  	_ =	swait.ge [sflag:s18], $0x4000  }
0x17b: {  	[sflag:s18] =	ssyncset.done $0x0  }
0x17c: {  	s25 =	simm.s32 $0x0;
	s24 =	simm.s32 $0x0;
	[sflag:s18] =	ssyncadd.s32 $0xFFFFC000  }
.LBB2_26:
0x17d: {  	s26 =	sand.u32 $0x7, s24  }
0x17e: {  	s26 =	sshll.u32 s26, $0x9  }
0x17f: {  	s26 =	sshrl.u32 s26, $0x2  }
0x180: {  	v0 =	vmov s26;
	_ =	sdelay $0x2  }
0x181: {  	s28 =	sand.u32 $0x3FFFE000, s23  }
0x182: {  	s30 =	sor.u32 $0x40, s28  }
0x183: {  	s26 =	sadd.s32 $0xC000, s28;
	v2 =	vld.idx.msk [tilespmem:v0+s30+$0x30 ss:$0x1], $0xffff  }
0x184: {  	v4 =	vld.idx.msk [tilespmem:v0+s26+$0x4070 ss:$0x1], $0xffff  }
0x185: {  	v1 =	vld.idx.msk [tilespmem:v0+s26+$0x4000 ss:$0x1], $0xffff  }
0x186: {  	v6 =	vld.idx.msk [tilespmem:v0+s30+$0xFFFFFFD0 ss:$0x1], $0xffff  }
0x187: {  	v7 =	vld.idx.msk [tilespmem:v0+s26+$0x4010 ss:$0x1], $0xffff  }
0x188: {  	v8 =	vld.idx.msk [tilespmem:v0+s30+$0xFFFFFFE0 ss:$0x1], $0xffff  }
0x189: {  	v9 =	vld.idx.msk [tilespmem:v0+s26+$0x4020 ss:$0x1], $0xffff  }
0x18a: {  	v10 =	vld.idx.msk [tilespmem:v0+s30+$0xFFFFFFF0 ss:$0x1], $0xffff  }
0x18b: {  	v11 =	vld.idx.msk [tilespmem:v0+s26+$0x4030 ss:$0x1], $0xffff  }
0x18c: {  	v3 =	vld.idx.msk [tilespmem:v0+s30+$0x0 ss:$0x1], $0xffff  }
0x18d: {  	v5 =	vld.idx.msk [tilespmem:v0+s26+$0x4040 ss:$0x1], $0xffff  }
0x18e: {  	v4 =	vadd.f32 v4, v2;
	v2 =	vld.idx.msk [tilespmem:v0+s30+$0x10 ss:$0x1], $0xffff  }
0x18f: {  	s28 =	sadd.s32 $0x14070, s28;
	v7 =	vadd.f32 v7, v6;
	v6 =	vld.idx.msk [tilespmem:v0+s26+$0x4050 ss:$0x1], $0xffff  }
0x190: {  	v8 =	vadd.f32 v9, v8;
	[tilespmem:v0+s28+$0x0 ss:$0x1] =	vst.idx.msk $0xffff, v4;
	v4 =	vld.idx.msk [tilespmem:v0+s30+$0x20 ss:$0x1], $0xffff  }
0x191: {  	v9 =	vadd.f32 v11, v10;
	[tilespmem:v0+s28+$0xFFFFFFA0 ss:$0x1] =	vst.idx.msk $0xffff, v7;
	v7 =	vld.idx.msk [tilespmem:v0+s26+$0x4060 ss:$0x1], $0xffff  }
0x192: {  	s29 =	simm.s32 $0x0;
	[tilespmem:v0+s28+$0xFFFFFFB0 ss:$0x1] =	vst.idx.msk $0xffff, v8;
	v8 =	vld.idx.msk [tilespmem:v0+s30+$0xFFFFFFC0 ss:$0x1], $0xffff;
	s30 =	sadd.s32 $0x400, s30  }
.LBB2_27:
0x193: {  	v10 =	vld.idx.msk [tilespmem:v0+s30+$0x30 ss:$0x1], $0xffff;
	[tilespmem:v0+s28+$0xFFFFFFC0 ss:$0x1] =	vst.idx.msk $0xffff, v9;
	v3 =	vadd.f32 v5, v3;
	s26 =	sadd.s32 $0x400, s26  }
0x194: {  	s29 =	sadd.s32 $0x8, s29;
	v5 =	vld.idx.msk [tilespmem:v0+s26+$0x4070 ss:$0x1], $0xffff  }
0x195: {  	p0 =	slt.u32 s29, $0x38;
	v2 =	vadd.f32 v6, v2;
	v9 =	vld.idx.msk [tilespmem:v0+s26+$0x4000 ss:$0x1], $0xffff;
	[tilespmem:v0+s28+$0xFFFFFFD0 ss:$0x1] =	vst.idx.msk $0xffff, v3  }
0x196: {  	v6 =	vld.idx.msk [tilespmem:v0+s30+$0xFFFFFFD0 ss:$0x1], $0xffff  }
0x197: {  	v11 =	vld.idx.msk [tilespmem:v0+s26+$0x4010 ss:$0x1], $0xffff;
	[tilespmem:v0+s28+$0xFFFFFFE0 ss:$0x1] =	vst.idx.msk $0xffff, v2;
	v2 =	vadd.f32 v7, v4  }
0x198: {  	v3 =	vadd.f32 v1, v8;
	v4 =	vld.idx.msk [tilespmem:v0+s30+$0xFFFFFFE0 ss:$0x1], $0xffff  }
0x199: {  	v7 =	vld.idx.msk [tilespmem:v0+s26+$0x4020 ss:$0x1], $0xffff;
	[tilespmem:v0+s28+$0xFFFFFFF0 ss:$0x1] =	vst.idx.msk $0xffff, v2  }
0x19a: {  	v2 =	vadd.f32 v5, v10;
	v8 =	vld.idx.msk [tilespmem:v0+s30+$0xFFFFFFF0 ss:$0x1], $0xffff;
	[tilespmem:v0+s28+$0xFFFFFF90 ss:$0x1] =	vst.idx.msk $0xffff, v3  }
0x19b: {  	s28 =	sadd.s32 $0x400, s28;
	v1 =	vmov v9;
	v10 =	vld.idx.msk [tilespmem:v0+s26+$0x4030 ss:$0x1], $0xffff  }
0x19c: {  	v3 =	vld.idx.msk [tilespmem:v0+s30+$0x0 ss:$0x1], $0xffff;
	[tilespmem:v0+s28+$0x0 ss:$0x1] =	vst.idx.msk $0xffff, v2  }
0x19d: {  	v6 =	vadd.f32 v11, v6;
	v5 =	vld.idx.msk [tilespmem:v0+s26+$0x4040 ss:$0x1], $0xffff  }
.Ltmp12:
0x19e: {  	v2 =	vld.idx.msk [tilespmem:v0+s30+$0x10 ss:$0x1], $0xffff;
	(pc) =	sbr.rel @p0 .LBB2_27-.Ltmp12, $4  }
0x19f: {  	v7 =	vadd.f32 v7, v4;
	[tilespmem:v0+s28+$0xFFFFFFA0 ss:$0x1] =	vst.idx.msk $0xffff, v6;
	v6 =	vld.idx.msk [tilespmem:v0+s26+$0x4050 ss:$0x1], $0xffff  }
0x1a0: {  	v4 =	vld.idx.msk [tilespmem:v0+s30+$0x20 ss:$0x1], $0xffff  }
0x1a1: {  	v9 =	vadd.f32 v10, v8;
	[tilespmem:v0+s28+$0xFFFFFFB0 ss:$0x1] =	vst.idx.msk $0xffff, v7;
	v7 =	vld.idx.msk [tilespmem:v0+s26+$0x4060 ss:$0x1], $0xffff  }
0x1a2: {  	v8 =	vld.idx.msk [tilespmem:v0+s30+$0xFFFFFFC0 ss:$0x1], $0xffff;
	s30 =	sadd.s32 $0x400, s30  }
0x1a3: {  	_ =	sdelay $0x1  }
0x1a4: {  	s25 =	sadd.s32 $0x1, s25  }
0x1a5: {  	v3 =	vadd.f32 v5, v3;
	p0 =	sne.s32 s25, $0x10  }
.Ltmp13:
0x1a6: {  	[tilespmem:v0+s28+$0xFFFFFFC0 ss:$0x1] =	vst.idx.msk $0xffff, v9;
	v2 =	vadd.f32 v6, v2;
	(pc) =	sbr.rel @p0 .LBB2_26-.Ltmp13, $4  }
0x1a7: {  	[tilespmem:v0+s28+$0xFFFFFFD0 ss:$0x1] =	vst.idx.msk $0xffff, v3;
	v62 =	vadd.f32 v7, v4  }
0x1a8: {  	[tilespmem:v0+s28+$0xFFFFFFE0 ss:$0x1] =	vst.idx.msk $0xffff, v2;
	v1 =	vadd.f32 v1, v8  }
0x1a9: {  	[tilespmem:v0+s28+$0xFFFFFFF0 ss:$0x1] =	vst.idx.msk $0xffff, v62  }
0x1aa: {  	s24 =	sadd.s32 $0x1, s24;
	s23 =	sadd.s32 $0x400, s23;
	[tilespmem:v0+s28+$0xFFFFFF90 ss:$0x1] =	vst.idx.msk $0xffff, v1  }
0x1ab: {  	s23 =	simm.s32 $0x0;
	s24 =	rddreg [dreg:$0x13]  }
0x1ac: {  	[hbm4b:s24+s23] =	stream.linear.scatter [tilespmem:s15], [sflag:$0x4], $0x4000, $0x38;
	v63 =	vld [tilespmem:$0x0]  }
0x1ad: {  	s30 =	rddreg [dreg:$0x18]  }
0x1ae: {  	[tilespmem:s23], [sflag:$0x1] =	stream.linear.gather [hbm4b:s30+s23], $0x4000, $0x38;
	v63 =	vld [tilespmem:$0x0]  }
0x1af: {  	_ =	swait.ge [sflag:s16], $0x4000  }
0x1b0: {  	[sflag:s16] =	ssyncset.done $0x0  }
0x1b1: {  	[sflag:s16] =	ssyncadd.s32 $0xFFFFC000  }
0x1b2: {  	_ =	swait.ge [sflag:s20], $0x4000  }
0x1b3: {  	[sflag:s20] =	ssyncset.done $0x0  }
0x1b4: {  	s25 =	simm.s32 $0x0;
	s24 =	simm.s32 $0x0;
	[sflag:s20] =	ssyncadd.s32 $0xFFFFC000  }
.LBB2_30:
0x1b5: {  	s26 =	sand.u32 $0x7, s24  }
0x1b6: {  	s26 =	sshll.u32 s26, $0x9  }
0x1b7: {  	s26 =	sshrl.u32 s26, $0x2  }
0x1b8: {  	v0 =	vmov s26;
	_ =	sdelay $0x3  }
0x1b9: {  	s30 =	sand.u32 $0x3FFFE000, s23  }
0x1ba: {  	s26 =	sadd.s32 $0xC000, s30;
	v2 =	vld.idx.msk [tilespmem:v0+s30+$0x4070 ss:$0x1], $0xffff  }
0x1bb: {  	v4 =	vld.idx.msk [tilespmem:v0+s26+$0x4070 ss:$0x1], $0xffff  }
0x1bc: {  	v1 =	vld.idx.msk [tilespmem:v0+s26+$0x4000 ss:$0x1], $0xffff  }
0x1bd: {  	v6 =	vld.idx.msk [tilespmem:v0+s30+$0x4010 ss:$0x1], $0xffff  }
0x1be: {  	v7 =	vld.idx.msk [tilespmem:v0+s26+$0x4010 ss:$0x1], $0xffff  }
0x1bf: {  	v8 =	vld.idx.msk [tilespmem:v0+s30+$0x4020 ss:$0x1], $0xffff  }
0x1c0: {  	v9 =	vld.idx.msk [tilespmem:v0+s26+$0x4020 ss:$0x1], $0xffff  }
0x1c1: {  	v10 =	vld.idx.msk [tilespmem:v0+s30+$0x4030 ss:$0x1], $0xffff  }
0x1c2: {  	v11 =	vld.idx.msk [tilespmem:v0+s26+$0x4030 ss:$0x1], $0xffff  }
0x1c3: {  	v3 =	vld.idx.msk [tilespmem:v0+s30+$0x4040 ss:$0x1], $0xffff  }
0x1c4: {  	v5 =	vld.idx.msk [tilespmem:v0+s26+$0x4040 ss:$0x1], $0xffff  }
0x1c5: {  	v4 =	vadd.f32 v4, v2;
	v2 =	vld.idx.msk [tilespmem:v0+s30+$0x4050 ss:$0x1], $0xffff  }
0x1c6: {  	s28 =	sadd.s32 $0x14000, s30;
	v7 =	vadd.f32 v7, v6;
	v6 =	vld.idx.msk [tilespmem:v0+s26+$0x4050 ss:$0x1], $0xffff  }
0x1c7: {  	v8 =	vadd.f32 v9, v8;
	[tilespmem:v0+s28+$0x4070 ss:$0x1] =	vst.idx.msk $0xffff, v4;
	v4 =	vld.idx.msk [tilespmem:v0+s30+$0x4060 ss:$0x1], $0xffff  }
0x1c8: {  	v9 =	vadd.f32 v11, v10;
	[tilespmem:v0+s28+$0x4010 ss:$0x1] =	vst.idx.msk $0xffff, v7;
	v7 =	vld.idx.msk [tilespmem:v0+s26+$0x4060 ss:$0x1], $0xffff  }
0x1c9: {  	s29 =	simm.s32 $0x0;
	[tilespmem:v0+s28+$0x4020 ss:$0x1] =	vst.idx.msk $0xffff, v8;
	v8 =	vld.idx.msk [tilespmem:v0+s30+$0x4000 ss:$0x1], $0xffff;
	s30 =	sadd.s32 $0x400, s30  }
.LBB2_31:
0x1ca: {  	v10 =	vld.idx.msk [tilespmem:v0+s30+$0x4070 ss:$0x1], $0xffff;
	[tilespmem:v0+s28+$0x4030 ss:$0x1] =	vst.idx.msk $0xffff, v9;
	v3 =	vadd.f32 v5, v3;
	s26 =	sadd.s32 $0x400, s26  }
0x1cb: {  	s29 =	sadd.s32 $0x8, s29;
	v5 =	vld.idx.msk [tilespmem:v0+s26+$0x4070 ss:$0x1], $0xffff  }
0x1cc: {  	p0 =	slt.u32 s29, $0x38;
	v2 =	vadd.f32 v6, v2;
	v9 =	vld.idx.msk [tilespmem:v0+s26+$0x4000 ss:$0x1], $0xffff;
	[tilespmem:v0+s28+$0x4040 ss:$0x1] =	vst.idx.msk $0xffff, v3  }
0x1cd: {  	v6 =	vld.idx.msk [tilespmem:v0+s30+$0x4010 ss:$0x1], $0xffff  }
0x1ce: {  	v11 =	vld.idx.msk [tilespmem:v0+s26+$0x4010 ss:$0x1], $0xffff;
	[tilespmem:v0+s28+$0x4050 ss:$0x1] =	vst.idx.msk $0xffff, v2;
	v2 =	vadd.f32 v7, v4  }
0x1cf: {  	v3 =	vadd.f32 v1, v8;
	v4 =	vld.idx.msk [tilespmem:v0+s30+$0x4020 ss:$0x1], $0xffff  }
0x1d0: {  	v7 =	vld.idx.msk [tilespmem:v0+s26+$0x4020 ss:$0x1], $0xffff;
	[tilespmem:v0+s28+$0x4060 ss:$0x1] =	vst.idx.msk $0xffff, v2  }
0x1d1: {  	v2 =	vadd.f32 v5, v10;
	v8 =	vld.idx.msk [tilespmem:v0+s30+$0x4030 ss:$0x1], $0xffff;
	[tilespmem:v0+s28+$0x4000 ss:$0x1] =	vst.idx.msk $0xffff, v3  }
0x1d2: {  	s28 =	sadd.s32 $0x400, s28;
	v1 =	vmov v9;
	v10 =	vld.idx.msk [tilespmem:v0+s26+$0x4030 ss:$0x1], $0xffff  }
0x1d3: {  	v3 =	vld.idx.msk [tilespmem:v0+s30+$0x4040 ss:$0x1], $0xffff;
	[tilespmem:v0+s28+$0x4070 ss:$0x1] =	vst.idx.msk $0xffff, v2  }
0x1d4: {  	v6 =	vadd.f32 v11, v6;
	v5 =	vld.idx.msk [tilespmem:v0+s26+$0x4040 ss:$0x1], $0xffff  }
.Ltmp14:
0x1d5: {  	v2 =	vld.idx.msk [tilespmem:v0+s30+$0x4050 ss:$0x1], $0xffff;
	(pc) =	sbr.rel @p0 .LBB2_31-.Ltmp14, $4  }
0x1d6: {  	v7 =	vadd.f32 v7, v4;
	[tilespmem:v0+s28+$0x4010 ss:$0x1] =	vst.idx.msk $0xffff, v6;
	v6 =	vld.idx.msk [tilespmem:v0+s26+$0x4050 ss:$0x1], $0xffff  }
0x1d7: {  	v4 =	vld.idx.msk [tilespmem:v0+s30+$0x4060 ss:$0x1], $0xffff  }
0x1d8: {  	v9 =	vadd.f32 v10, v8;
	[tilespmem:v0+s28+$0x4020 ss:$0x1] =	vst.idx.msk $0xffff, v7;
	v7 =	vld.idx.msk [tilespmem:v0+s26+$0x4060 ss:$0x1], $0xffff  }
0x1d9: {  	v8 =	vld.idx.msk [tilespmem:v0+s30+$0x4000 ss:$0x1], $0xffff;
	s30 =	sadd.s32 $0x400, s30  }
0x1da: {  	_ =	sdelay $0x1  }
0x1db: {  	s25 =	sadd.s32 $0x1, s25  }
0x1dc: {  	v3 =	vadd.f32 v5, v3;
	p0 =	sne.s32 s25, $0x10  }
.Ltmp15:
0x1dd: {  	[tilespmem:v0+s28+$0x4030 ss:$0x1] =	vst.idx.msk $0xffff, v9;
	v2 =	vadd.f32 v6, v2;
	(pc) =	sbr.rel @p0 .LBB2_30-.Ltmp15, $4  }
0x1de: {  	[tilespmem:v0+s28+$0x4040 ss:$0x1] =	vst.idx.msk $0xffff, v3;
	v62 =	vadd.f32 v7, v4  }
0x1df: {  	[tilespmem:v0+s28+$0x4050 ss:$0x1] =	vst.idx.msk $0xffff, v2;
	v1 =	vadd.f32 v1, v8  }
0x1e0: {  	[tilespmem:v0+s28+$0x4060 ss:$0x1] =	vst.idx.msk $0xffff, v62  }
0x1e1: {  	s24 =	sadd.s32 $0x1, s24;
	s23 =	sadd.s32 $0x400, s23;
	[tilespmem:v0+s28+$0x4000 ss:$0x1] =	vst.idx.msk $0xffff, v1  }
0x1e2: {  	s23 =	simm.s32 $0x0;
	s24 =	rddreg [dreg:$0x14]  }
0x1e3: {  	[hbm4b:s24+s23] =	stream.linear.scatter [tilespmem:s17], [sflag:$0x5], $0x4000, $0x38;
	v63 =	vld [tilespmem:$0x0]  }
0x1e4: {  	s29 =	rddreg [dreg:$0x1a]  }
0x1e5: {  	[tilespmem:s11], [sflag:$0x2] =	stream.linear.gather [hbm4b:s29+s23], $0x4000, $0x38;
	v63 =	vld [tilespmem:$0x0]  }
0x1e6: {  	s30 =	rddreg [dreg:$0x15];
	s25 =	simm.s32 $0x10000  }
0x1e7: {  	[tilespmem:s25], [sflag:$0x8] =	stream.linear.gather [hbm4b:s30+s23], $0x4000, $0x38;
	v63 =	vld [tilespmem:$0x0]  }
0x1e8: {  	_ =	swait.ge [sflag:s9], $0x4000  }
0x1e9: {  	[sflag:s9] =	ssyncset.done $0x0  }
0x1ea: {  	[sflag:s9] =	ssyncadd.s32 $0xFFFFC000  }
0x1eb: {  	_ =	swait.ge [sflag:s14], $0x4000  }
0x1ec: {  	[sflag:s14] =	ssyncset.done $0x0  }
0x1ed: {  	[sflag:s14] =	ssyncadd.s32 $0xFFFFC000  }
0x1ee: {  	_ =	swait.ge [sflag:s21], $0x4000  }
0x1ef: {  	[sflag:s21] =	ssyncset.done $0x0  }
0x1f0: {  	s24 =	simm.s32 $0x0;
	s25 =	simm.s32 $0x0;
	[sflag:s21] =	ssyncadd.s32 $0xFFFFC000  }
.LBB2_34:
0x1f1: {  	s26 =	sand.u32 $0x7, s24  }
0x1f2: {  	s26 =	sshll.u32 s26, $0x9  }
0x1f3: {  	s26 =	sshrl.u32 s26, $0x2  }
0x1f4: {  	v0 =	vmov s26;
	_ =	sdelay $0x3  }
0x1f5: {  	s30 =	sand.u32 $0x3FFFE000, s23  }
0x1f6: {  	s26 =	sadd.s32 $0xC070, s30;
	v2 =	vld.idx.msk [tilespmem:v0+s30+$0x8070 ss:$0x1], $0xffff  }
0x1f7: {  	v4 =	vld.idx.msk [tilespmem:v0+s26+$0x0 ss:$0x1], $0xffff  }
0x1f8: {  	v1 =	vld.idx.msk [tilespmem:v0+s26+$0xFFFFFF90 ss:$0x1], $0xffff  }
0x1f9: {  	v6 =	vld.idx.msk [tilespmem:v0+s30+$0x8010 ss:$0x1], $0xffff  }
0x1fa: {  	v7 =	vld.idx.msk [tilespmem:v0+s26+$0xFFFFFFA0 ss:$0x1], $0xffff  }
0x1fb: {  	v8 =	vld.idx.msk [tilespmem:v0+s30+$0x8020 ss:$0x1], $0xffff  }
0x1fc: {  	v9 =	vld.idx.msk [tilespmem:v0+s26+$0xFFFFFFB0 ss:$0x1], $0xffff  }
0x1fd: {  	v10 =	vld.idx.msk [tilespmem:v0+s30+$0x8030 ss:$0x1], $0xffff  }
0x1fe: {  	v11 =	vld.idx.msk [tilespmem:v0+s26+$0xFFFFFFC0 ss:$0x1], $0xffff  }
0x1ff: {  	v3 =	vld.idx.msk [tilespmem:v0+s30+$0x8040 ss:$0x1], $0xffff  }
0x200: {  	v5 =	vld.idx.msk [tilespmem:v0+s26+$0xFFFFFFD0 ss:$0x1], $0xffff  }
0x201: {  	v4 =	vadd.f32 v4, v2;
	v2 =	vld.idx.msk [tilespmem:v0+s30+$0x8050 ss:$0x1], $0xffff  }
0x202: {  	s28 =	sadd.s32 $0x14000, s30;
	v7 =	vadd.f32 v7, v6;
	v6 =	vld.idx.msk [tilespmem:v0+s26+$0xFFFFFFE0 ss:$0x1], $0xffff  }
0x203: {  	v8 =	vadd.f32 v9, v8;
	[tilespmem:v0+s28+$0x8070 ss:$0x1] =	vst.idx.msk $0xffff, v4;
	v4 =	vld.idx.msk [tilespmem:v0+s30+$0x8060 ss:$0x1], $0xffff  }
0x204: {  	v9 =	vadd.f32 v11, v10;
	[tilespmem:v0+s28+$0x8010 ss:$0x1] =	vst.idx.msk $0xffff, v7;
	v7 =	vld.idx.msk [tilespmem:v0+s26+$0xFFFFFFF0 ss:$0x1], $0xffff  }
0x205: {  	s29 =	simm.s32 $0x0;
	[tilespmem:v0+s28+$0x8020 ss:$0x1] =	vst.idx.msk $0xffff, v8;
	v8 =	vld.idx.msk [tilespmem:v0+s30+$0x8000 ss:$0x1], $0xffff;
	s30 =	sadd.s32 $0x400, s30  }
.LBB2_35:
0x206: {  	v10 =	vld.idx.msk [tilespmem:v0+s30+$0x8070 ss:$0x1], $0xffff;
	[tilespmem:v0+s28+$0x8030 ss:$0x1] =	vst.idx.msk $0xffff, v9;
	v3 =	vadd.f32 v5, v3;
	s26 =	sadd.s32 $0x400, s26  }
0x207: {  	s29 =	sadd.s32 $0x8, s29;
	v5 =	vld.idx.msk [tilespmem:v0+s26+$0x0 ss:$0x1], $0xffff  }
0x208: {  	p0 =	slt.u32 s29, $0x38;
	v2 =	vadd.f32 v6, v2;
	v9 =	vld.idx.msk [tilespmem:v0+s26+$0xFFFFFF90 ss:$0x1], $0xffff;
	[tilespmem:v0+s28+$0x8040 ss:$0x1] =	vst.idx.msk $0xffff, v3  }
0x209: {  	v6 =	vld.idx.msk [tilespmem:v0+s30+$0x8010 ss:$0x1], $0xffff  }
0x20a: {  	v11 =	vld.idx.msk [tilespmem:v0+s26+$0xFFFFFFA0 ss:$0x1], $0xffff;
	[tilespmem:v0+s28+$0x8050 ss:$0x1] =	vst.idx.msk $0xffff, v2;
	v2 =	vadd.f32 v7, v4  }
0x20b: {  	v3 =	vadd.f32 v1, v8;
	v4 =	vld.idx.msk [tilespmem:v0+s30+$0x8020 ss:$0x1], $0xffff  }
0x20c: {  	v7 =	vld.idx.msk [tilespmem:v0+s26+$0xFFFFFFB0 ss:$0x1], $0xffff;
	[tilespmem:v0+s28+$0x8060 ss:$0x1] =	vst.idx.msk $0xffff, v2  }
0x20d: {  	v2 =	vadd.f32 v5, v10;
	v8 =	vld.idx.msk [tilespmem:v0+s30+$0x8030 ss:$0x1], $0xffff;
	[tilespmem:v0+s28+$0x8000 ss:$0x1] =	vst.idx.msk $0xffff, v3  }
0x20e: {  	s28 =	sadd.s32 $0x400, s28;
	v1 =	vmov v9;
	v10 =	vld.idx.msk [tilespmem:v0+s26+$0xFFFFFFC0 ss:$0x1], $0xffff  }
0x20f: {  	v3 =	vld.idx.msk [tilespmem:v0+s30+$0x8040 ss:$0x1], $0xffff;
	[tilespmem:v0+s28+$0x8070 ss:$0x1] =	vst.idx.msk $0xffff, v2  }
0x210: {  	v6 =	vadd.f32 v11, v6;
	v5 =	vld.idx.msk [tilespmem:v0+s26+$0xFFFFFFD0 ss:$0x1], $0xffff  }
.Ltmp16:
0x211: {  	v2 =	vld.idx.msk [tilespmem:v0+s30+$0x8050 ss:$0x1], $0xffff;
	(pc) =	sbr.rel @p0 .LBB2_35-.Ltmp16, $4  }
0x212: {  	v7 =	vadd.f32 v7, v4;
	[tilespmem:v0+s28+$0x8010 ss:$0x1] =	vst.idx.msk $0xffff, v6;
	v6 =	vld.idx.msk [tilespmem:v0+s26+$0xFFFFFFE0 ss:$0x1], $0xffff  }
0x213: {  	v4 =	vld.idx.msk [tilespmem:v0+s30+$0x8060 ss:$0x1], $0xffff  }
0x214: {  	v9 =	vadd.f32 v10, v8;
	[tilespmem:v0+s28+$0x8020 ss:$0x1] =	vst.idx.msk $0xffff, v7;
	v7 =	vld.idx.msk [tilespmem:v0+s26+$0xFFFFFFF0 ss:$0x1], $0xffff  }
0x215: {  	v8 =	vld.idx.msk [tilespmem:v0+s30+$0x8000 ss:$0x1], $0xffff;
	s30 =	sadd.s32 $0x400, s30  }
0x216: {  	_ =	sdelay $0x1  }
0x217: {  	s25 =	sadd.s32 $0x1, s25  }
0x218: {  	v3 =	vadd.f32 v5, v3;
	p0 =	sne.s32 s25, $0x10  }
.Ltmp17:
0x219: {  	[tilespmem:v0+s28+$0x8030 ss:$0x1] =	vst.idx.msk $0xffff, v9;
	v2 =	vadd.f32 v6, v2;
	(pc) =	sbr.rel @p0 .LBB2_34-.Ltmp17, $4  }
0x21a: {  	[tilespmem:v0+s28+$0x8040 ss:$0x1] =	vst.idx.msk $0xffff, v3;
	v62 =	vadd.f32 v7, v4  }
0x21b: {  	[tilespmem:v0+s28+$0x8050 ss:$0x1] =	vst.idx.msk $0xffff, v2;
	v1 =	vadd.f32 v1, v8  }
0x21c: {  	[tilespmem:v0+s28+$0x8060 ss:$0x1] =	vst.idx.msk $0xffff, v62  }
0x21d: {  	s24 =	sadd.s32 $0x1, s24;
	s23 =	sadd.s32 $0x400, s23;
	[tilespmem:v0+s28+$0x8000 ss:$0x1] =	vst.idx.msk $0xffff, v1  }
0x21e: {  	s23 =	simm.s32 $0x0;
	s24 =	rddreg [dreg:$0x17]  }
0x21f: {  	[hbm4b:s24+s23] =	stream.linear.scatter [tilespmem:s10], [sflag:$0x6], $0x4000, $0x38;
	v63 =	vld [tilespmem:$0x0]  }
0x220: {  	s30 =	rddreg [dreg:$0x1c]  }
0x221: {  	[tilespmem:s12], [sflag:$0x3] =	stream.linear.gather [hbm4b:s30+s23], $0x4000, $0x38;
	v63 =	vld [tilespmem:$0x0]  }
0x222: {  	_ =	swait.ge [sflag:s13], $0x4000  }
0x223: {  	[sflag:s13] =	ssyncset.done $0x0  }
0x224: {  	[sflag:s13] =	ssyncadd.s32 $0xFFFFC000  }
0x225: {  	_ =	swait.ge [sflag:s18], $0x4000  }
0x226: {  	[sflag:s18] =	ssyncset.done $0x0  }
0x227: {  	s25 =	simm.s32 $0x0;
	s24 =	simm.s32 $0x0;
	[sflag:s18] =	ssyncadd.s32 $0xFFFFC000  }
.LBB2_38:
0x228: {  	s26 =	sshll.u32 s24, $0x2;
	s28 =	sand.u32 $0x7, s23  }
0x229: {  	s26 =	sand.u32 $0xFFFF8000, s26;
	s28 =	sshll.u32 s28, $0x9  }
0x22a: {  	s26 =	sor.u32 s28, s26  }
0x22b: {  	s28 =	sshrl.u32 s26, $0x2  }
0x22c: {  	s30 =	sor.u32 $0x40, s28  }
0x22d: {  	s26 =	sadd.s32 $0xC040, s28;
	v1 =	vld [tilespmem:s30+$0x30]  }
0x22e: {  	v2 =	vld [tilespmem:s26+$0x30]  }
0x22f: {  	v0 =	vld [tilespmem:s26+$0xFFFFFFC0]  }
0x230: {  	v3 =	vld [tilespmem:s30+$0xFFFFFFD0]  }
0x231: {  	v4 =	vld [tilespmem:s26+$0xFFFFFFD0]  }
0x232: {  	v5 =	vld [tilespmem:s30+$0xFFFFFFE0]  }
0x233: {  	v6 =	vld [tilespmem:s26+$0xFFFFFFE0]  }
0x234: {  	v7 =	vld [tilespmem:s30+$0xFFFFFFF0]  }
0x235: {  	v8 =	vld [tilespmem:s26+$0xFFFFFFF0]  }
0x236: {  	v9 =	vld [tilespmem:s30+$0x0]  }
0x237: {  	v10 =	vld [tilespmem:s26+$0x0];
	v2 =	vadd.f32 v2, v1  }
0x238: {  	s28 =	sadd.s32 $0x14040, s28;
	v4 =	vadd.f32 v4, v3;
	v1 =	vld [tilespmem:s30+$0x10]  }
0x239: {  	v5 =	vadd.f32 v6, v5;
	v3 =	vld [tilespmem:s26+$0x10];
	[tilespmem:s28+$0x30] =	vst v2  }
0x23a: {  	v6 =	vadd.f32 v8, v7;
	[tilespmem:s28+$0xFFFFFFD0] =	vst v4;
	v2 =	vld [tilespmem:s30+$0x20]  }
0x23b: {  	[tilespmem:s28+$0xFFFFFFE0] =	vst v5;
	v5 =	vld [tilespmem:s26+$0x20]  }
0x23c: {  	s29 =	simm.s32 $0x0;
	v4 =	vld [tilespmem:s30+$0xFFFFFFC0];
	[tilespmem:s28+$0xFFFFFFF0] =	vst v6;
	v6 =	vadd.f32 v10, v9;
	s30 =	sadd.s32 $0x400, s30  }
.LBB2_39:
0x23d: {  	v7 =	vld [tilespmem:s30+$0x30];
	s26 =	sadd.s32 $0x400, s26  }
0x23e: {  	s29 =	sadd.s32 $0x8, s29;
	v8 =	vld [tilespmem:s26+$0x30];
	[tilespmem:s28+$0x0] =	vst v6;
	v1 =	vadd.f32 v3, v1  }
0x23f: {  	p0 =	slt.u32 s29, $0x38;
	v3 =	vld [tilespmem:s26+$0xFFFFFFC0]  }
0x240: {  	v6 =	vld [tilespmem:s30+$0xFFFFFFD0];
	[tilespmem:s28+$0x10] =	vst v1;
	v1 =	vadd.f32 v5, v2  }
0x241: {  	v2 =	vld [tilespmem:s26+$0xFFFFFFD0];
	v9 =	vadd.f32 v0, v4  }
0x242: {  	v4 =	vld [tilespmem:s30+$0xFFFFFFE0];
	[tilespmem:s28+$0x20] =	vst v1  }
0x243: {  	v1 =	vld [tilespmem:s26+$0xFFFFFFE0];
	v5 =	vadd.f32 v8, v7;
	[tilespmem:s28+$0xFFFFFFC0] =	vst v9  }
0x244: {  	s28 =	sadd.s32 $0x400, s28;
	v7 =	vld [tilespmem:s30+$0xFFFFFFF0];
	v0 =	vmov v3  }
0x245: {  	v8 =	vld [tilespmem:s26+$0xFFFFFFF0];
	[tilespmem:s28+$0x30] =	vst v5  }
0x246: {  	v2 =	vadd.f32 v2, v6;
	v6 =	vld [tilespmem:s30+$0x0]  }
0x247: {  	v9 =	vld [tilespmem:s26+$0x0]  }
.Ltmp18:
0x248: {  	[tilespmem:s28+$0xFFFFFFD0] =	vst v2;
	v2 =	vadd.f32 v1, v4;
	v1 =	vld [tilespmem:s30+$0x10];
	(pc) =	sbr.rel @p0 .LBB2_39-.Ltmp18, $4  }
0x249: {  	v3 =	vld [tilespmem:s26+$0x10]  }
0x24a: {  	[tilespmem:s28+$0xFFFFFFE0] =	vst v2;
	v7 =	vadd.f32 v8, v7;
	v2 =	vld [tilespmem:s30+$0x20]  }
0x24b: {  	v5 =	vld [tilespmem:s26+$0x20]  }
0x24c: {  	v4 =	vld [tilespmem:s30+$0xFFFFFFC0];
	[tilespmem:s28+$0xFFFFFFF0] =	vst v7;
	v6 =	vadd.f32 v9, v6;
	s30 =	sadd.s32 $0x400, s30  }
0x24d: {  	s25 =	sadd.s32 $0x1, s25  }
0x24e: {  	p0 =	sne.s32 s25, $0x10  }
.Ltmp19:
0x24f: {  	v1 =	vadd.f32 v3, v1;
	(pc) =	sbr.rel @p0 .LBB2_38-.Ltmp19, $4  }
0x250: {  	[tilespmem:s28+$0x0] =	vst v6;
	v2 =	vadd.f32 v5, v2  }
0x251: {  	[tilespmem:s28+$0x10] =	vst v1;
	v0 =	vadd.f32 v0, v4  }
0x252: {  	[tilespmem:s28+$0x20] =	vst v2  }
0x253: {  	s24 =	sadd.s32 $0x400, s24;
	s23 =	sadd.s32 $0x1, s23;
	[tilespmem:s28+$0xFFFFFFC0] =	vst v0  }
0x254: {  	s23 =	simm.s32 $0x0;
	s24 =	rddreg [dreg:$0x19]  }
0x255: {  	[hbm4b:s24+s23] =	stream.linear.scatter [tilespmem:s15], [sflag:$0x4], $0x4000, $0x38;
	v63 =	vld [tilespmem:$0x0]  }
0x256: {  	s30 =	rddreg [dreg:$0x1e]  }
0x257: {  	[tilespmem:s23], [sflag:$0x1] =	stream.linear.gather [hbm4b:s30+s23], $0x4000, $0x38;
	v63 =	vld [tilespmem:$0x0]  }
0x258: {  	_ =	swait.ge [sflag:s16], $0x4000  }
0x259: {  	[sflag:s16] =	ssyncset.done $0x0  }
0x25a: {  	[sflag:s16] =	ssyncadd.s32 $0xFFFFC000  }
0x25b: {  	_ =	swait.ge [sflag:s20], $0x4000  }
0x25c: {  	[sflag:s20] =	ssyncset.done $0x0  }
0x25d: {  	s25 =	simm.s32 $0x0;
	s24 =	simm.s32 $0x0;
	[sflag:s20] =	ssyncadd.s32 $0xFFFFC000  }
.LBB2_42:
0x25e: {  	s26 =	sand.u32 $0x7, s24  }
0x25f: {  	s26 =	sshll.u32 s26, $0x9  }
0x260: {  	s26 =	sshrl.u32 s26, $0x2  }
0x261: {  	v0 =	vmov s26;
	_ =	sdelay $0x3  }
0x262: {  	s30 =	sand.u32 $0x3FFFE000, s23  }
0x263: {  	s26 =	sadd.s32 $0xC070, s30;
	v2 =	vld.idx.msk [tilespmem:v0+s30+$0x4070 ss:$0x1], $0xffff  }
0x264: {  	v4 =	vld.idx.msk [tilespmem:v0+s26+$0x0 ss:$0x1], $0xffff  }
0x265: {  	v1 =	vld.idx.msk [tilespmem:v0+s26+$0xFFFFFF90 ss:$0x1], $0xffff  }
0x266: {  	v6 =	vld.idx.msk [tilespmem:v0+s30+$0x4010 ss:$0x1], $0xffff  }
0x267: {  	v7 =	vld.idx.msk [tilespmem:v0+s26+$0xFFFFFFA0 ss:$0x1], $0xffff  }
0x268: {  	v8 =	vld.idx.msk [tilespmem:v0+s30+$0x4020 ss:$0x1], $0xffff  }
0x269: {  	v9 =	vld.idx.msk [tilespmem:v0+s26+$0xFFFFFFB0 ss:$0x1], $0xffff  }
0x26a: {  	v10 =	vld.idx.msk [tilespmem:v0+s30+$0x4030 ss:$0x1], $0xffff  }
0x26b: {  	v11 =	vld.idx.msk [tilespmem:v0+s26+$0xFFFFFFC0 ss:$0x1], $0xffff  }
0x26c: {  	v3 =	vld.idx.msk [tilespmem:v0+s30+$0x4040 ss:$0x1], $0xffff  }
0x26d: {  	v5 =	vld.idx.msk [tilespmem:v0+s26+$0xFFFFFFD0 ss:$0x1], $0xffff  }
0x26e: {  	v4 =	vadd.f32 v4, v2;
	v2 =	vld.idx.msk [tilespmem:v0+s30+$0x4050 ss:$0x1], $0xffff  }
0x26f: {  	s28 =	sadd.s32 $0x14000, s30;
	v7 =	vadd.f32 v7, v6;
	v6 =	vld.idx.msk [tilespmem:v0+s26+$0xFFFFFFE0 ss:$0x1], $0xffff  }
0x270: {  	v8 =	vadd.f32 v9, v8;
	[tilespmem:v0+s28+$0x4070 ss:$0x1] =	vst.idx.msk $0xffff, v4;
	v4 =	vld.idx.msk [tilespmem:v0+s30+$0x4060 ss:$0x1], $0xffff  }
0x271: {  	v9 =	vadd.f32 v11, v10;
	[tilespmem:v0+s28+$0x4010 ss:$0x1] =	vst.idx.msk $0xffff, v7;
	v7 =	vld.idx.msk [tilespmem:v0+s26+$0xFFFFFFF0 ss:$0x1], $0xffff  }
0x272: {  	s29 =	simm.s32 $0x0;
	[tilespmem:v0+s28+$0x4020 ss:$0x1] =	vst.idx.msk $0xffff, v8;
	v8 =	vld.idx.msk [tilespmem:v0+s30+$0x4000 ss:$0x1], $0xffff;
	s30 =	sadd.s32 $0x400, s30  }
.LBB2_43:
0x273: {  	v10 =	vld.idx.msk [tilespmem:v0+s30+$0x4070 ss:$0x1], $0xffff;
	[tilespmem:v0+s28+$0x4030 ss:$0x1] =	vst.idx.msk $0xffff, v9;
	v3 =	vadd.f32 v5, v3;
	s26 =	sadd.s32 $0x400, s26  }
0x274: {  	s29 =	sadd.s32 $0x8, s29;
	v5 =	vld.idx.msk [tilespmem:v0+s26+$0x0 ss:$0x1], $0xffff  }
0x275: {  	p0 =	slt.u32 s29, $0x38;
	v2 =	vadd.f32 v6, v2;
	v9 =	vld.idx.msk [tilespmem:v0+s26+$0xFFFFFF90 ss:$0x1], $0xffff;
	[tilespmem:v0+s28+$0x4040 ss:$0x1] =	vst.idx.msk $0xffff, v3  }
0x276: {  	v6 =	vld.idx.msk [tilespmem:v0+s30+$0x4010 ss:$0x1], $0xffff  }
0x277: {  	v11 =	vld.idx.msk [tilespmem:v0+s26+$0xFFFFFFA0 ss:$0x1], $0xffff;
	[tilespmem:v0+s28+$0x4050 ss:$0x1] =	vst.idx.msk $0xffff, v2;
	v2 =	vadd.f32 v7, v4  }
0x278: {  	v3 =	vadd.f32 v1, v8;
	v4 =	vld.idx.msk [tilespmem:v0+s30+$0x4020 ss:$0x1], $0xffff  }
0x279: {  	v7 =	vld.idx.msk [tilespmem:v0+s26+$0xFFFFFFB0 ss:$0x1], $0xffff;
	[tilespmem:v0+s28+$0x4060 ss:$0x1] =	vst.idx.msk $0xffff, v2  }
0x27a: {  	v2 =	vadd.f32 v5, v10;
	v8 =	vld.idx.msk [tilespmem:v0+s30+$0x4030 ss:$0x1], $0xffff;
	[tilespmem:v0+s28+$0x4000 ss:$0x1] =	vst.idx.msk $0xffff, v3  }
0x27b: {  	s28 =	sadd.s32 $0x400, s28;
	v1 =	vmov v9;
	v10 =	vld.idx.msk [tilespmem:v0+s26+$0xFFFFFFC0 ss:$0x1], $0xffff  }
0x27c: {  	v3 =	vld.idx.msk [tilespmem:v0+s30+$0x4040 ss:$0x1], $0xffff;
	[tilespmem:v0+s28+$0x4070 ss:$0x1] =	vst.idx.msk $0xffff, v2  }
0x27d: {  	v6 =	vadd.f32 v11, v6;
	v5 =	vld.idx.msk [tilespmem:v0+s26+$0xFFFFFFD0 ss:$0x1], $0xffff  }
.Ltmp20:
0x27e: {  	v2 =	vld.idx.msk [tilespmem:v0+s30+$0x4050 ss:$0x1], $0xffff;
	(pc) =	sbr.rel @p0 .LBB2_43-.Ltmp20, $4  }
0x27f: {  	v7 =	vadd.f32 v7, v4;
	[tilespmem:v0+s28+$0x4010 ss:$0x1] =	vst.idx.msk $0xffff, v6;
	v6 =	vld.idx.msk [tilespmem:v0+s26+$0xFFFFFFE0 ss:$0x1], $0xffff  }
0x280: {  	v4 =	vld.idx.msk [tilespmem:v0+s30+$0x4060 ss:$0x1], $0xffff  }
0x281: {  	v9 =	vadd.f32 v10, v8;
	[tilespmem:v0+s28+$0x4020 ss:$0x1] =	vst.idx.msk $0xffff, v7;
	v7 =	vld.idx.msk [tilespmem:v0+s26+$0xFFFFFFF0 ss:$0x1], $0xffff  }
0x282: {  	v8 =	vld.idx.msk [tilespmem:v0+s30+$0x4000 ss:$0x1], $0xffff;
	s30 =	sadd.s32 $0x400, s30  }
0x283: {  	_ =	sdelay $0x1  }
0x284: {  	s25 =	sadd.s32 $0x1, s25  }
0x285: {  	v3 =	vadd.f32 v5, v3;
	p0 =	sne.s32 s25, $0x10  }
.Ltmp21:
0x286: {  	[tilespmem:v0+s28+$0x4030 ss:$0x1] =	vst.idx.msk $0xffff, v9;
	v2 =	vadd.f32 v6, v2;
	(pc) =	sbr.rel @p0 .LBB2_42-.Ltmp21, $4  }
0x287: {  	[tilespmem:v0+s28+$0x4040 ss:$0x1] =	vst.idx.msk $0xffff, v3;
	v62 =	vadd.f32 v7, v4  }
0x288: {  	[tilespmem:v0+s28+$0x4050 ss:$0x1] =	vst.idx.msk $0xffff, v2;
	v1 =	vadd.f32 v1, v8  }
0x289: {  	[tilespmem:v0+s28+$0x4060 ss:$0x1] =	vst.idx.msk $0xffff, v62  }
0x28a: {  	s24 =	sadd.s32 $0x1, s24;
	s23 =	sadd.s32 $0x400, s23;
	[tilespmem:v0+s28+$0x4000 ss:$0x1] =	vst.idx.msk $0xffff, v1  }
0x28b: {  	s23 =	simm.s32 $0x0;
	s24 =	rddreg [dreg:$0x1b]  }
0x28c: {  	[hbm4b:s24+s23] =	stream.linear.scatter [tilespmem:s17], [sflag:$0x5], $0x4000, $0x38;
	v63 =	vld [tilespmem:$0x0]  }
0x28d: {  	_ = 	snop  }
0x28e: {  	[tilespmem:s11], [sflag:$0x2] =	stream.linear.gather [hbm4b:s2+s23], $0x4000, $0x38;
	v63 =	vld [tilespmem:$0x0]  }
0x28f: {  	_ =	swait.ge [sflag:s9], $0x4000  }
0x290: {  	[sflag:s9] =	ssyncset.done $0x0  }
0x291: {  	[sflag:s9] =	ssyncadd.s32 $0xFFFFC000  }
0x292: {  	_ =	swait.ge [sflag:s21], $0x4000  }
0x293: {  	[sflag:s21] =	ssyncset.done $0x0  }
0x294: {  	s25 =	simm.s32 $0x0;
	s24 =	simm.s32 $0x0;
	[sflag:s21] =	ssyncadd.s32 $0xFFFFC000  }
.LBB2_46:
0x295: {  	s26 =	sand.u32 $0x7, s24  }
0x296: {  	s26 =	sshll.u32 s26, $0x9  }
0x297: {  	s26 =	sshrl.u32 s26, $0x2  }
0x298: {  	v0 =	vmov s26;
	_ =	sdelay $0x3  }
0x299: {  	s30 =	sand.u32 $0x3FFFE000, s23  }
0x29a: {  	s26 =	sadd.s32 $0xC070, s30;
	v2 =	vld.idx.msk [tilespmem:v0+s30+$0x8070 ss:$0x1], $0xffff  }
0x29b: {  	v4 =	vld.idx.msk [tilespmem:v0+s26+$0x0 ss:$0x1], $0xffff  }
0x29c: {  	v1 =	vld.idx.msk [tilespmem:v0+s26+$0xFFFFFF90 ss:$0x1], $0xffff  }
0x29d: {  	v6 =	vld.idx.msk [tilespmem:v0+s30+$0x8010 ss:$0x1], $0xffff  }
0x29e: {  	v7 =	vld.idx.msk [tilespmem:v0+s26+$0xFFFFFFA0 ss:$0x1], $0xffff  }
0x29f: {  	v8 =	vld.idx.msk [tilespmem:v0+s30+$0x8020 ss:$0x1], $0xffff  }
0x2a0: {  	v9 =	vld.idx.msk [tilespmem:v0+s26+$0xFFFFFFB0 ss:$0x1], $0xffff  }
0x2a1: {  	v10 =	vld.idx.msk [tilespmem:v0+s30+$0x8030 ss:$0x1], $0xffff  }
0x2a2: {  	v11 =	vld.idx.msk [tilespmem:v0+s26+$0xFFFFFFC0 ss:$0x1], $0xffff  }
0x2a3: {  	v3 =	vld.idx.msk [tilespmem:v0+s30+$0x8040 ss:$0x1], $0xffff  }
0x2a4: {  	v5 =	vld.idx.msk [tilespmem:v0+s26+$0xFFFFFFD0 ss:$0x1], $0xffff  }
0x2a5: {  	v4 =	vadd.f32 v4, v2;
	v2 =	vld.idx.msk [tilespmem:v0+s30+$0x8050 ss:$0x1], $0xffff  }
0x2a6: {  	s28 =	sadd.s32 $0x14000, s30;
	v7 =	vadd.f32 v7, v6;
	v6 =	vld.idx.msk [tilespmem:v0+s26+$0xFFFFFFE0 ss:$0x1], $0xffff  }
0x2a7: {  	v8 =	vadd.f32 v9, v8;
	[tilespmem:v0+s28+$0x8070 ss:$0x1] =	vst.idx.msk $0xffff, v4;
	v4 =	vld.idx.msk [tilespmem:v0+s30+$0x8060 ss:$0x1], $0xffff  }
0x2a8: {  	v9 =	vadd.f32 v11, v10;
	[tilespmem:v0+s28+$0x8010 ss:$0x1] =	vst.idx.msk $0xffff, v7;
	v7 =	vld.idx.msk [tilespmem:v0+s26+$0xFFFFFFF0 ss:$0x1], $0xffff  }
0x2a9: {  	s29 =	simm.s32 $0x0;
	[tilespmem:v0+s28+$0x8020 ss:$0x1] =	vst.idx.msk $0xffff, v8;
	v8 =	vld.idx.msk [tilespmem:v0+s30+$0x8000 ss:$0x1], $0xffff;
	s30 =	sadd.s32 $0x400, s30  }
.LBB2_47:
0x2aa: {  	v10 =	vld.idx.msk [tilespmem:v0+s30+$0x8070 ss:$0x1], $0xffff;
	[tilespmem:v0+s28+$0x8030 ss:$0x1] =	vst.idx.msk $0xffff, v9;
	v3 =	vadd.f32 v5, v3;
	s26 =	sadd.s32 $0x400, s26  }
0x2ab: {  	s29 =	sadd.s32 $0x8, s29;
	v5 =	vld.idx.msk [tilespmem:v0+s26+$0x0 ss:$0x1], $0xffff  }
0x2ac: {  	p0 =	slt.u32 s29, $0x38;
	v2 =	vadd.f32 v6, v2;
	v9 =	vld.idx.msk [tilespmem:v0+s26+$0xFFFFFF90 ss:$0x1], $0xffff;
	[tilespmem:v0+s28+$0x8040 ss:$0x1] =	vst.idx.msk $0xffff, v3  }
0x2ad: {  	v6 =	vld.idx.msk [tilespmem:v0+s30+$0x8010 ss:$0x1], $0xffff  }
0x2ae: {  	v11 =	vld.idx.msk [tilespmem:v0+s26+$0xFFFFFFA0 ss:$0x1], $0xffff;
	[tilespmem:v0+s28+$0x8050 ss:$0x1] =	vst.idx.msk $0xffff, v2;
	v2 =	vadd.f32 v7, v4  }
0x2af: {  	v3 =	vadd.f32 v1, v8;
	v4 =	vld.idx.msk [tilespmem:v0+s30+$0x8020 ss:$0x1], $0xffff  }
0x2b0: {  	v7 =	vld.idx.msk [tilespmem:v0+s26+$0xFFFFFFB0 ss:$0x1], $0xffff;
	[tilespmem:v0+s28+$0x8060 ss:$0x1] =	vst.idx.msk $0xffff, v2  }
0x2b1: {  	v2 =	vadd.f32 v5, v10;
	v8 =	vld.idx.msk [tilespmem:v0+s30+$0x8030 ss:$0x1], $0xffff;
	[tilespmem:v0+s28+$0x8000 ss:$0x1] =	vst.idx.msk $0xffff, v3  }
0x2b2: {  	s28 =	sadd.s32 $0x400, s28;
	v1 =	vmov v9;
	v10 =	vld.idx.msk [tilespmem:v0+s26+$0xFFFFFFC0 ss:$0x1], $0xffff  }
0x2b3: {  	v3 =	vld.idx.msk [tilespmem:v0+s30+$0x8040 ss:$0x1], $0xffff;
	[tilespmem:v0+s28+$0x8070 ss:$0x1] =	vst.idx.msk $0xffff, v2  }
0x2b4: {  	v6 =	vadd.f32 v11, v6;
	v5 =	vld.idx.msk [tilespmem:v0+s26+$0xFFFFFFD0 ss:$0x1], $0xffff  }
.Ltmp22:
0x2b5: {  	v2 =	vld.idx.msk [tilespmem:v0+s30+$0x8050 ss:$0x1], $0xffff;
	(pc) =	sbr.rel @p0 .LBB2_47-.Ltmp22, $4  }
0x2b6: {  	v7 =	vadd.f32 v7, v4;
	[tilespmem:v0+s28+$0x8010 ss:$0x1] =	vst.idx.msk $0xffff, v6;
	v6 =	vld.idx.msk [tilespmem:v0+s26+$0xFFFFFFE0 ss:$0x1], $0xffff  }
0x2b7: {  	v4 =	vld.idx.msk [tilespmem:v0+s30+$0x8060 ss:$0x1], $0xffff  }
0x2b8: {  	v9 =	vadd.f32 v10, v8;
	[tilespmem:v0+s28+$0x8020 ss:$0x1] =	vst.idx.msk $0xffff, v7;
	v7 =	vld.idx.msk [tilespmem:v0+s26+$0xFFFFFFF0 ss:$0x1], $0xffff  }
0x2b9: {  	v8 =	vld.idx.msk [tilespmem:v0+s30+$0x8000 ss:$0x1], $0xffff;
	s30 =	sadd.s32 $0x400, s30  }
0x2ba: {  	_ =	sdelay $0x1  }
0x2bb: {  	s25 =	sadd.s32 $0x1, s25  }
0x2bc: {  	v3 =	vadd.f32 v5, v3;
	p0 =	sne.s32 s25, $0x10  }
.Ltmp23:
0x2bd: {  	[tilespmem:v0+s28+$0x8030 ss:$0x1] =	vst.idx.msk $0xffff, v9;
	v2 =	vadd.f32 v6, v2;
	(pc) =	sbr.rel @p0 .LBB2_46-.Ltmp23, $4  }
0x2be: {  	[tilespmem:v0+s28+$0x8040 ss:$0x1] =	vst.idx.msk $0xffff, v3;
	v62 =	vadd.f32 v7, v4  }
0x2bf: {  	[tilespmem:v0+s28+$0x8050 ss:$0x1] =	vst.idx.msk $0xffff, v2;
	v1 =	vadd.f32 v1, v8  }
0x2c0: {  	[tilespmem:v0+s28+$0x8060 ss:$0x1] =	vst.idx.msk $0xffff, v62  }
0x2c1: {  	s24 =	sadd.s32 $0x1, s24;
	s23 =	sadd.s32 $0x400, s23;
	[tilespmem:v0+s28+$0x8000 ss:$0x1] =	vst.idx.msk $0xffff, v1  }
0x2c2: {  	s23 =	simm.s32 $0x0;
	s24 =	rddreg [dreg:$0x1d]  }
0x2c3: {  	[hbm4b:s24+s23] =	stream.linear.scatter [tilespmem:s10], [sflag:$0x6], $0x4000, $0x38;
	v63 =	vld [tilespmem:$0x0]  }
0x2c4: {  	_ = 	snop  }
0x2c5: {  	[tilespmem:s12], [sflag:$0x3] =	stream.linear.gather [hbm4b:s3+s23], $0x4000, $0x38;
	v63 =	vld [tilespmem:$0x0]  }
0x2c6: {  	_ =	swait.ge [sflag:s13], $0x4000  }
0x2c7: {  	[sflag:s13] =	ssyncset.done $0x0  }
0x2c8: {  	[sflag:s13] =	ssyncadd.s32 $0xFFFFC000  }
0x2c9: {  	_ =	swait.ge [sflag:s19], $0x4000  }
0x2ca: {  	[sflag:s19] =	ssyncset.done $0x0  }
0x2cb: {  	[sflag:s19] =	ssyncadd.s32 $0xFFFFC000  }
0x2cc: {  	_ =	swait.ge [sflag:s18], $0x4000  }
0x2cd: {  	[sflag:s18] =	ssyncset.done $0x0  }
0x2ce: {  	s25 =	simm.s32 $0x0;
	s24 =	simm.s32 $0x0;
	[sflag:s18] =	ssyncadd.s32 $0xFFFFC000  }
.LBB2_50:
0x2cf: {  	s26 =	sand.u32 $0x7, s24  }
0x2d0: {  	s26 =	sshll.u32 s26, $0x9  }
0x2d1: {  	s26 =	sshrl.u32 s26, $0x2  }
0x2d2: {  	v0 =	vmov s26;
	_ =	sdelay $0x2  }
0x2d3: {  	s28 =	sand.u32 $0x3FFFE000, s23  }
0x2d4: {  	s30 =	sor.u32 $0x40, s28  }
0x2d5: {  	s26 =	sadd.s32 $0xC000, s28;
	v2 =	vld.idx.msk [tilespmem:v0+s30+$0x30 ss:$0x1], $0xffff  }
0x2d6: {  	v4 =	vld.idx.msk [tilespmem:v0+s26+$0x4070 ss:$0x1], $0xffff  }
0x2d7: {  	v1 =	vld.idx.msk [tilespmem:v0+s26+$0x4000 ss:$0x1], $0xffff  }
0x2d8: {  	v6 =	vld.idx.msk [tilespmem:v0+s30+$0xFFFFFFD0 ss:$0x1], $0xffff  }
0x2d9: {  	v7 =	vld.idx.msk [tilespmem:v0+s26+$0x4010 ss:$0x1], $0xffff  }
0x2da: {  	v8 =	vld.idx.msk [tilespmem:v0+s30+$0xFFFFFFE0 ss:$0x1], $0xffff  }
0x2db: {  	v9 =	vld.idx.msk [tilespmem:v0+s26+$0x4020 ss:$0x1], $0xffff  }
0x2dc: {  	v10 =	vld.idx.msk [tilespmem:v0+s30+$0xFFFFFFF0 ss:$0x1], $0xffff  }
0x2dd: {  	v11 =	vld.idx.msk [tilespmem:v0+s26+$0x4030 ss:$0x1], $0xffff  }
0x2de: {  	v3 =	vld.idx.msk [tilespmem:v0+s30+$0x0 ss:$0x1], $0xffff  }
0x2df: {  	v5 =	vld.idx.msk [tilespmem:v0+s26+$0x4040 ss:$0x1], $0xffff  }
0x2e0: {  	v4 =	vadd.f32 v4, v2;
	v2 =	vld.idx.msk [tilespmem:v0+s30+$0x10 ss:$0x1], $0xffff  }
0x2e1: {  	s28 =	sadd.s32 $0x14070, s28;
	v7 =	vadd.f32 v7, v6;
	v6 =	vld.idx.msk [tilespmem:v0+s26+$0x4050 ss:$0x1], $0xffff  }
0x2e2: {  	v8 =	vadd.f32 v9, v8;
	[tilespmem:v0+s28+$0x0 ss:$0x1] =	vst.idx.msk $0xffff, v4;
	v4 =	vld.idx.msk [tilespmem:v0+s30+$0x20 ss:$0x1], $0xffff  }
0x2e3: {  	v9 =	vadd.f32 v11, v10;
	[tilespmem:v0+s28+$0xFFFFFFA0 ss:$0x1] =	vst.idx.msk $0xffff, v7;
	v7 =	vld.idx.msk [tilespmem:v0+s26+$0x4060 ss:$0x1], $0xffff  }
0x2e4: {  	s29 =	simm.s32 $0x0;
	[tilespmem:v0+s28+$0xFFFFFFB0 ss:$0x1] =	vst.idx.msk $0xffff, v8;
	v8 =	vld.idx.msk [tilespmem:v0+s30+$0xFFFFFFC0 ss:$0x1], $0xffff;
	s30 =	sadd.s32 $0x400, s30  }
.LBB2_51:
0x2e5: {  	v10 =	vld.idx.msk [tilespmem:v0+s30+$0x30 ss:$0x1], $0xffff;
	[tilespmem:v0+s28+$0xFFFFFFC0 ss:$0x1] =	vst.idx.msk $0xffff, v9;
	v3 =	vadd.f32 v5, v3;
	s26 =	sadd.s32 $0x400, s26  }
0x2e6: {  	s29 =	sadd.s32 $0x8, s29;
	v5 =	vld.idx.msk [tilespmem:v0+s26+$0x4070 ss:$0x1], $0xffff  }
0x2e7: {  	p0 =	slt.u32 s29, $0x38;
	v2 =	vadd.f32 v6, v2;
	v9 =	vld.idx.msk [tilespmem:v0+s26+$0x4000 ss:$0x1], $0xffff;
	[tilespmem:v0+s28+$0xFFFFFFD0 ss:$0x1] =	vst.idx.msk $0xffff, v3  }
0x2e8: {  	v6 =	vld.idx.msk [tilespmem:v0+s30+$0xFFFFFFD0 ss:$0x1], $0xffff  }
0x2e9: {  	v11 =	vld.idx.msk [tilespmem:v0+s26+$0x4010 ss:$0x1], $0xffff;
	[tilespmem:v0+s28+$0xFFFFFFE0 ss:$0x1] =	vst.idx.msk $0xffff, v2;
	v2 =	vadd.f32 v7, v4  }
0x2ea: {  	v3 =	vadd.f32 v1, v8;
	v4 =	vld.idx.msk [tilespmem:v0+s30+$0xFFFFFFE0 ss:$0x1], $0xffff  }
0x2eb: {  	v7 =	vld.idx.msk [tilespmem:v0+s26+$0x4020 ss:$0x1], $0xffff;
	[tilespmem:v0+s28+$0xFFFFFFF0 ss:$0x1] =	vst.idx.msk $0xffff, v2  }
0x2ec: {  	v2 =	vadd.f32 v5, v10;
	v8 =	vld.idx.msk [tilespmem:v0+s30+$0xFFFFFFF0 ss:$0x1], $0xffff;
	[tilespmem:v0+s28+$0xFFFFFF90 ss:$0x1] =	vst.idx.msk $0xffff, v3  }
0x2ed: {  	s28 =	sadd.s32 $0x400, s28;
	v1 =	vmov v9;
	v10 =	vld.idx.msk [tilespmem:v0+s26+$0x4030 ss:$0x1], $0xffff  }
0x2ee: {  	v3 =	vld.idx.msk [tilespmem:v0+s30+$0x0 ss:$0x1], $0xffff;
	[tilespmem:v0+s28+$0x0 ss:$0x1] =	vst.idx.msk $0xffff, v2  }
0x2ef: {  	v6 =	vadd.f32 v11, v6;
	v5 =	vld.idx.msk [tilespmem:v0+s26+$0x4040 ss:$0x1], $0xffff  }
.Ltmp24:
0x2f0: {  	v2 =	vld.idx.msk [tilespmem:v0+s30+$0x10 ss:$0x1], $0xffff;
	(pc) =	sbr.rel @p0 .LBB2_51-.Ltmp24, $4  }
0x2f1: {  	v7 =	vadd.f32 v7, v4;
	[tilespmem:v0+s28+$0xFFFFFFA0 ss:$0x1] =	vst.idx.msk $0xffff, v6;
	v6 =	vld.idx.msk [tilespmem:v0+s26+$0x4050 ss:$0x1], $0xffff  }
0x2f2: {  	v4 =	vld.idx.msk [tilespmem:v0+s30+$0x20 ss:$0x1], $0xffff  }
0x2f3: {  	v9 =	vadd.f32 v10, v8;
	[tilespmem:v0+s28+$0xFFFFFFB0 ss:$0x1] =	vst.idx.msk $0xffff, v7;
	v7 =	vld.idx.msk [tilespmem:v0+s26+$0x4060 ss:$0x1], $0xffff  }
0x2f4: {  	v8 =	vld.idx.msk [tilespmem:v0+s30+$0xFFFFFFC0 ss:$0x1], $0xffff;
	s30 =	sadd.s32 $0x400, s30  }
0x2f5: {  	_ =	sdelay $0x1  }
0x2f6: {  	s25 =	sadd.s32 $0x1, s25  }
0x2f7: {  	v3 =	vadd.f32 v5, v3;
	p0 =	sne.s32 s25, $0x10  }
.Ltmp25:
0x2f8: {  	[tilespmem:v0+s28+$0xFFFFFFC0 ss:$0x1] =	vst.idx.msk $0xffff, v9;
	v2 =	vadd.f32 v6, v2;
	(pc) =	sbr.rel @p0 .LBB2_50-.Ltmp25, $4  }
0x2f9: {  	[tilespmem:v0+s28+$0xFFFFFFD0 ss:$0x1] =	vst.idx.msk $0xffff, v3;
	v62 =	vadd.f32 v7, v4  }
0x2fa: {  	[tilespmem:v0+s28+$0xFFFFFFE0 ss:$0x1] =	vst.idx.msk $0xffff, v2;
	v1 =	vadd.f32 v1, v8  }
0x2fb: {  	[tilespmem:v0+s28+$0xFFFFFFF0 ss:$0x1] =	vst.idx.msk $0xffff, v62  }
0x2fc: {  	s24 =	sadd.s32 $0x1, s24;
	s23 =	sadd.s32 $0x400, s23;
	[tilespmem:v0+s28+$0xFFFFFF90 ss:$0x1] =	vst.idx.msk $0xffff, v1  }
0x2fd: {  	s23 =	simm.s32 $0x0;
	s24 =	rddreg [dreg:$0x1f]  }
0x2fe: {  	[hbm4b:s24+s23] =	stream.linear.scatter [tilespmem:s15], [sflag:$0x4], $0x4000, $0x38;
	v63 =	vld [tilespmem:$0x0]  }
0x2ff: {  	_ = 	snop  }
0x300: {  	[tilespmem:s23], [sflag:$0x1] =	stream.linear.gather [hbm4b:s4+s23], $0x4000, $0x38;
	v63 =	vld [tilespmem:$0x0]  }
0x301: {  	_ =	swait.ge [sflag:s16], $0x4000  }
0x302: {  	[sflag:s16] =	ssyncset.done $0x0  }
0x303: {  	[sflag:s16] =	ssyncadd.s32 $0xFFFFC000  }
0x304: {  	_ =	swait.ge [sflag:s20], $0x4000  }
0x305: {  	[sflag:s20] =	ssyncset.done $0x0  }
0x306: {  	s25 =	simm.s32 $0x0;
	s24 =	simm.s32 $0x0;
	[sflag:s20] =	ssyncadd.s32 $0xFFFFC000  }
.LBB2_54:
0x307: {  	s26 =	sand.u32 $0x7, s24  }
0x308: {  	s26 =	sshll.u32 s26, $0x9  }
0x309: {  	s26 =	sshrl.u32 s26, $0x2  }
0x30a: {  	v0 =	vmov s26;
	_ =	sdelay $0x3  }
0x30b: {  	s30 =	sand.u32 $0x3FFFE000, s23  }
0x30c: {  	s26 =	sadd.s32 $0xC000, s30;
	v2 =	vld.idx.msk [tilespmem:v0+s30+$0x4070 ss:$0x1], $0xffff  }
0x30d: {  	v4 =	vld.idx.msk [tilespmem:v0+s26+$0x4070 ss:$0x1], $0xffff  }
0x30e: {  	v1 =	vld.idx.msk [tilespmem:v0+s26+$0x4000 ss:$0x1], $0xffff  }
0x30f: {  	v6 =	vld.idx.msk [tilespmem:v0+s30+$0x4010 ss:$0x1], $0xffff  }
0x310: {  	v7 =	vld.idx.msk [tilespmem:v0+s26+$0x4010 ss:$0x1], $0xffff  }
0x311: {  	v8 =	vld.idx.msk [tilespmem:v0+s30+$0x4020 ss:$0x1], $0xffff  }
0x312: {  	v9 =	vld.idx.msk [tilespmem:v0+s26+$0x4020 ss:$0x1], $0xffff  }
0x313: {  	v10 =	vld.idx.msk [tilespmem:v0+s30+$0x4030 ss:$0x1], $0xffff  }
0x314: {  	v11 =	vld.idx.msk [tilespmem:v0+s26+$0x4030 ss:$0x1], $0xffff  }
0x315: {  	v3 =	vld.idx.msk [tilespmem:v0+s30+$0x4040 ss:$0x1], $0xffff  }
0x316: {  	v5 =	vld.idx.msk [tilespmem:v0+s26+$0x4040 ss:$0x1], $0xffff  }
0x317: {  	v4 =	vadd.f32 v4, v2;
	v2 =	vld.idx.msk [tilespmem:v0+s30+$0x4050 ss:$0x1], $0xffff  }
0x318: {  	s28 =	sadd.s32 $0x14000, s30;
	v7 =	vadd.f32 v7, v6;
	v6 =	vld.idx.msk [tilespmem:v0+s26+$0x4050 ss:$0x1], $0xffff  }
0x319: {  	v8 =	vadd.f32 v9, v8;
	[tilespmem:v0+s28+$0x4070 ss:$0x1] =	vst.idx.msk $0xffff, v4;
	v4 =	vld.idx.msk [tilespmem:v0+s30+$0x4060 ss:$0x1], $0xffff  }
0x31a: {  	v9 =	vadd.f32 v11, v10;
	[tilespmem:v0+s28+$0x4010 ss:$0x1] =	vst.idx.msk $0xffff, v7;
	v7 =	vld.idx.msk [tilespmem:v0+s26+$0x4060 ss:$0x1], $0xffff  }
0x31b: {  	s29 =	simm.s32 $0x0;
	[tilespmem:v0+s28+$0x4020 ss:$0x1] =	vst.idx.msk $0xffff, v8;
	v8 =	vld.idx.msk [tilespmem:v0+s30+$0x4000 ss:$0x1], $0xffff;
	s30 =	sadd.s32 $0x400, s30  }
.LBB2_55:
0x31c: {  	v10 =	vld.idx.msk [tilespmem:v0+s30+$0x4070 ss:$0x1], $0xffff;
	[tilespmem:v0+s28+$0x4030 ss:$0x1] =	vst.idx.msk $0xffff, v9;
	v3 =	vadd.f32 v5, v3;
	s26 =	sadd.s32 $0x400, s26  }
0x31d: {  	s29 =	sadd.s32 $0x8, s29;
	v5 =	vld.idx.msk [tilespmem:v0+s26+$0x4070 ss:$0x1], $0xffff  }
0x31e: {  	p0 =	slt.u32 s29, $0x38;
	v2 =	vadd.f32 v6, v2;
	v9 =	vld.idx.msk [tilespmem:v0+s26+$0x4000 ss:$0x1], $0xffff;
	[tilespmem:v0+s28+$0x4040 ss:$0x1] =	vst.idx.msk $0xffff, v3  }
0x31f: {  	v6 =	vld.idx.msk [tilespmem:v0+s30+$0x4010 ss:$0x1], $0xffff  }
0x320: {  	v11 =	vld.idx.msk [tilespmem:v0+s26+$0x4010 ss:$0x1], $0xffff;
	[tilespmem:v0+s28+$0x4050 ss:$0x1] =	vst.idx.msk $0xffff, v2;
	v2 =	vadd.f32 v7, v4  }
0x321: {  	v3 =	vadd.f32 v1, v8;
	v4 =	vld.idx.msk [tilespmem:v0+s30+$0x4020 ss:$0x1], $0xffff  }
0x322: {  	v7 =	vld.idx.msk [tilespmem:v0+s26+$0x4020 ss:$0x1], $0xffff;
	[tilespmem:v0+s28+$0x4060 ss:$0x1] =	vst.idx.msk $0xffff, v2  }
0x323: {  	v2 =	vadd.f32 v5, v10;
	v8 =	vld.idx.msk [tilespmem:v0+s30+$0x4030 ss:$0x1], $0xffff;
	[tilespmem:v0+s28+$0x4000 ss:$0x1] =	vst.idx.msk $0xffff, v3  }
0x324: {  	s28 =	sadd.s32 $0x400, s28;
	v1 =	vmov v9;
	v10 =	vld.idx.msk [tilespmem:v0+s26+$0x4030 ss:$0x1], $0xffff  }
0x325: {  	v3 =	vld.idx.msk [tilespmem:v0+s30+$0x4040 ss:$0x1], $0xffff;
	[tilespmem:v0+s28+$0x4070 ss:$0x1] =	vst.idx.msk $0xffff, v2  }
0x326: {  	v6 =	vadd.f32 v11, v6;
	v5 =	vld.idx.msk [tilespmem:v0+s26+$0x4040 ss:$0x1], $0xffff  }
.Ltmp26:
0x327: {  	v2 =	vld.idx.msk [tilespmem:v0+s30+$0x4050 ss:$0x1], $0xffff;
	(pc) =	sbr.rel @p0 .LBB2_55-.Ltmp26, $4  }
0x328: {  	v7 =	vadd.f32 v7, v4;
	[tilespmem:v0+s28+$0x4010 ss:$0x1] =	vst.idx.msk $0xffff, v6;
	v6 =	vld.idx.msk [tilespmem:v0+s26+$0x4050 ss:$0x1], $0xffff  }
0x329: {  	v4 =	vld.idx.msk [tilespmem:v0+s30+$0x4060 ss:$0x1], $0xffff  }
0x32a: {  	v9 =	vadd.f32 v10, v8;
	[tilespmem:v0+s28+$0x4020 ss:$0x1] =	vst.idx.msk $0xffff, v7;
	v7 =	vld.idx.msk [tilespmem:v0+s26+$0x4060 ss:$0x1], $0xffff  }
0x32b: {  	v8 =	vld.idx.msk [tilespmem:v0+s30+$0x4000 ss:$0x1], $0xffff;
	s30 =	sadd.s32 $0x400, s30  }
0x32c: {  	_ =	sdelay $0x1  }
0x32d: {  	s25 =	sadd.s32 $0x1, s25  }
0x32e: {  	v3 =	vadd.f32 v5, v3;
	p0 =	sne.s32 s25, $0x10  }
.Ltmp27:
0x32f: {  	[tilespmem:v0+s28+$0x4030 ss:$0x1] =	vst.idx.msk $0xffff, v9;
	v2 =	vadd.f32 v6, v2;
	(pc) =	sbr.rel @p0 .LBB2_54-.Ltmp27, $4  }
0x330: {  	[tilespmem:v0+s28+$0x4040 ss:$0x1] =	vst.idx.msk $0xffff, v3;
	v62 =	vadd.f32 v7, v4  }
0x331: {  	[tilespmem:v0+s28+$0x4050 ss:$0x1] =	vst.idx.msk $0xffff, v2;
	v1 =	vadd.f32 v1, v8  }
0x332: {  	[tilespmem:v0+s28+$0x4060 ss:$0x1] =	vst.idx.msk $0xffff, v62  }
0x333: {  	s24 =	sadd.s32 $0x1, s24;
	s23 =	sadd.s32 $0x400, s23;
	[tilespmem:v0+s28+$0x4000 ss:$0x1] =	vst.idx.msk $0xffff, v1  }
0x334: {  	s23 =	simm.s32 $0x0  }
0x335: {  	[hbm4b:s5+s23] =	stream.linear.scatter [tilespmem:s17], [sflag:$0x5], $0x4000, $0x38;
	v63 =	vld [tilespmem:$0x0]  }
0x336: {  	_ =	swait.ge [sflag:s9], $0x4000  }
0x337: {  	[sflag:s9] =	ssyncset.done $0x0  }
0x338: {  	[sflag:s9] =	ssyncadd.s32 $0xFFFFC000  }
0x339: {  	_ =	swait.ge [sflag:s21], $0x4000  }
0x33a: {  	[sflag:s21] =	ssyncset.done $0x0  }
0x33b: {  	s24 =	simm.s32 $0x0;
	s25 =	simm.s32 $0x0;
	[sflag:s21] =	ssyncadd.s32 $0xFFFFC000  }
.LBB2_58:
0x33c: {  	s26 =	sand.u32 $0x7, s24  }
0x33d: {  	s26 =	sshll.u32 s26, $0x9  }
0x33e: {  	s26 =	sshrl.u32 s26, $0x2  }
0x33f: {  	v0 =	vmov s26;
	_ =	sdelay $0x3  }
0x340: {  	s30 =	sand.u32 $0x3FFFE000, s23  }
0x341: {  	s26 =	sadd.s32 $0x10040, s30;
	v2 =	vld.idx.msk [tilespmem:v0+s30+$0x8070 ss:$0x1], $0xffff  }
0x342: {  	v4 =	vld.idx.msk [tilespmem:v0+s26+$0x30 ss:$0x1], $0xffff  }
0x343: {  	v1 =	vld.idx.msk [tilespmem:v0+s26+$0xFFFFFFC0 ss:$0x1], $0xffff  }
0x344: {  	v6 =	vld.idx.msk [tilespmem:v0+s30+$0x8010 ss:$0x1], $0xffff  }
0x345: {  	v7 =	vld.idx.msk [tilespmem:v0+s26+$0xFFFFFFD0 ss:$0x1], $0xffff  }
0x346: {  	v8 =	vld.idx.msk [tilespmem:v0+s30+$0x8020 ss:$0x1], $0xffff  }
0x347: {  	v9 =	vld.idx.msk [tilespmem:v0+s26+$0xFFFFFFE0 ss:$0x1], $0xffff  }
0x348: {  	v10 =	vld.idx.msk [tilespmem:v0+s30+$0x8030 ss:$0x1], $0xffff  }
0x349: {  	v11 =	vld.idx.msk [tilespmem:v0+s26+$0xFFFFFFF0 ss:$0x1], $0xffff  }
0x34a: {  	v3 =	vld.idx.msk [tilespmem:v0+s30+$0x8040 ss:$0x1], $0xffff  }
0x34b: {  	v5 =	vld.idx.msk [tilespmem:v0+s26+$0x0 ss:$0x1], $0xffff  }
0x34c: {  	v4 =	vadd.f32 v4, v2;
	v2 =	vld.idx.msk [tilespmem:v0+s30+$0x8050 ss:$0x1], $0xffff  }
0x34d: {  	s28 =	sadd.s32 $0x14000, s30;
	v7 =	vadd.f32 v7, v6;
	v6 =	vld.idx.msk [tilespmem:v0+s26+$0x10 ss:$0x1], $0xffff  }
0x34e: {  	v8 =	vadd.f32 v9, v8;
	[tilespmem:v0+s28+$0x8070 ss:$0x1] =	vst.idx.msk $0xffff, v4;
	v4 =	vld.idx.msk [tilespmem:v0+s30+$0x8060 ss:$0x1], $0xffff  }
0x34f: {  	v9 =	vadd.f32 v11, v10;
	[tilespmem:v0+s28+$0x8010 ss:$0x1] =	vst.idx.msk $0xffff, v7;
	v7 =	vld.idx.msk [tilespmem:v0+s26+$0x20 ss:$0x1], $0xffff  }
0x350: {  	s29 =	simm.s32 $0x0;
	[tilespmem:v0+s28+$0x8020 ss:$0x1] =	vst.idx.msk $0xffff, v8;
	v8 =	vld.idx.msk [tilespmem:v0+s30+$0x8000 ss:$0x1], $0xffff;
	s30 =	sadd.s32 $0x400, s30  }
.LBB2_59:
0x351: {  	v10 =	vld.idx.msk [tilespmem:v0+s30+$0x8070 ss:$0x1], $0xffff;
	[tilespmem:v0+s28+$0x8030 ss:$0x1] =	vst.idx.msk $0xffff, v9;
	v3 =	vadd.f32 v5, v3;
	s26 =	sadd.s32 $0x400, s26  }
0x352: {  	s29 =	sadd.s32 $0x8, s29;
	v5 =	vld.idx.msk [tilespmem:v0+s26+$0x30 ss:$0x1], $0xffff  }
0x353: {  	p0 =	slt.u32 s29, $0x38;
	v2 =	vadd.f32 v6, v2;
	v9 =	vld.idx.msk [tilespmem:v0+s26+$0xFFFFFFC0 ss:$0x1], $0xffff;
	[tilespmem:v0+s28+$0x8040 ss:$0x1] =	vst.idx.msk $0xffff, v3  }
0x354: {  	v6 =	vld.idx.msk [tilespmem:v0+s30+$0x8010 ss:$0x1], $0xffff  }
0x355: {  	v11 =	vld.idx.msk [tilespmem:v0+s26+$0xFFFFFFD0 ss:$0x1], $0xffff;
	[tilespmem:v0+s28+$0x8050 ss:$0x1] =	vst.idx.msk $0xffff, v2;
	v2 =	vadd.f32 v7, v4  }
0x356: {  	v3 =	vadd.f32 v1, v8;
	v4 =	vld.idx.msk [tilespmem:v0+s30+$0x8020 ss:$0x1], $0xffff  }
0x357: {  	v7 =	vld.idx.msk [tilespmem:v0+s26+$0xFFFFFFE0 ss:$0x1], $0xffff;
	[tilespmem:v0+s28+$0x8060 ss:$0x1] =	vst.idx.msk $0xffff, v2  }
0x358: {  	v2 =	vadd.f32 v5, v10;
	v8 =	vld.idx.msk [tilespmem:v0+s30+$0x8030 ss:$0x1], $0xffff;
	[tilespmem:v0+s28+$0x8000 ss:$0x1] =	vst.idx.msk $0xffff, v3  }
0x359: {  	s28 =	sadd.s32 $0x400, s28;
	v1 =	vmov v9;
	v10 =	vld.idx.msk [tilespmem:v0+s26+$0xFFFFFFF0 ss:$0x1], $0xffff  }
0x35a: {  	v3 =	vld.idx.msk [tilespmem:v0+s30+$0x8040 ss:$0x1], $0xffff;
	[tilespmem:v0+s28+$0x8070 ss:$0x1] =	vst.idx.msk $0xffff, v2  }
0x35b: {  	v6 =	vadd.f32 v11, v6;
	v5 =	vld.idx.msk [tilespmem:v0+s26+$0x0 ss:$0x1], $0xffff  }
.Ltmp28:
0x35c: {  	v2 =	vld.idx.msk [tilespmem:v0+s30+$0x8050 ss:$0x1], $0xffff;
	(pc) =	sbr.rel @p0 .LBB2_59-.Ltmp28, $4  }
0x35d: {  	v7 =	vadd.f32 v7, v4;
	[tilespmem:v0+s28+$0x8010 ss:$0x1] =	vst.idx.msk $0xffff, v6;
	v6 =	vld.idx.msk [tilespmem:v0+s26+$0x10 ss:$0x1], $0xffff  }
0x35e: {  	v4 =	vld.idx.msk [tilespmem:v0+s30+$0x8060 ss:$0x1], $0xffff  }
0x35f: {  	v9 =	vadd.f32 v10, v8;
	[tilespmem:v0+s28+$0x8020 ss:$0x1] =	vst.idx.msk $0xffff, v7;
	v7 =	vld.idx.msk [tilespmem:v0+s26+$0x20 ss:$0x1], $0xffff  }
0x360: {  	v8 =	vld.idx.msk [tilespmem:v0+s30+$0x8000 ss:$0x1], $0xffff;
	s30 =	sadd.s32 $0x400, s30  }
0x361: {  	_ =	sdelay $0x1  }
0x362: {  	s25 =	sadd.s32 $0x1, s25  }
0x363: {  	v3 =	vadd.f32 v5, v3;
	p0 =	sne.s32 s25, $0x10  }
.Ltmp29:
0x364: {  	[tilespmem:v0+s28+$0x8030 ss:$0x1] =	vst.idx.msk $0xffff, v9;
	v2 =	vadd.f32 v6, v2;
	(pc) =	sbr.rel @p0 .LBB2_58-.Ltmp29, $4  }
0x365: {  	[tilespmem:v0+s28+$0x8040 ss:$0x1] =	vst.idx.msk $0xffff, v3;
	v62 =	vadd.f32 v7, v4  }
0x366: {  	[tilespmem:v0+s28+$0x8050 ss:$0x1] =	vst.idx.msk $0xffff, v2;
	v1 =	vadd.f32 v1, v8  }
0x367: {  	[tilespmem:v0+s28+$0x8060 ss:$0x1] =	vst.idx.msk $0xffff, v62  }
0x368: {  	s24 =	sadd.s32 $0x1, s24;
	s23 =	sadd.s32 $0x400, s23;
	[tilespmem:v0+s28+$0x8000 ss:$0x1] =	vst.idx.msk $0xffff, v1  }
0x369: {  	s23 =	simm.s32 $0x0  }
0x36a: {  	[hbm4b:s6+s23] =	stream.linear.scatter [tilespmem:s10], [sflag:$0x6], $0x4000, $0x38;
	v63 =	vld [tilespmem:$0x0]  }
0x36b: {  	_ =	swait.ge [sflag:s13], $0x4000  }
0x36c: {  	[sflag:s13] =	ssyncset.done $0x0  }
0x36d: {  	[sflag:s13] =	ssyncadd.s32 $0xFFFFC000  }
0x36e: {  	_ =	swait.ge [sflag:s18], $0x4000  }
0x36f: {  	[sflag:s18] =	ssyncset.done $0x0  }
0x370: {  	s24 =	simm.s32 $0x0;
	s25 =	simm.s32 $0x0;
	[sflag:s18] =	ssyncadd.s32 $0xFFFFC000  }
.LBB2_62:
0x371: {  	s26 =	sand.u32 $0x7, s24  }
0x372: {  	s26 =	sshll.u32 s26, $0x9  }
0x373: {  	s26 =	sshrl.u32 s26, $0x2  }
0x374: {  	v0 =	vmov s26;
	_ =	sdelay $0x2  }
0x375: {  	s28 =	sand.u32 $0x3FFFE000, s23  }
0x376: {  	s30 =	sor.u32 $0x40, s28  }
0x377: {  	s26 =	sadd.s32 $0xC000, s28;
	v2 =	vld.idx.msk [tilespmem:v0+s30+$0x30 ss:$0x1], $0xffff  }
0x378: {  	v4 =	vld.idx.msk [tilespmem:v0+s26+$0x4070 ss:$0x1], $0xffff  }
0x379: {  	v1 =	vld.idx.msk [tilespmem:v0+s26+$0x4000 ss:$0x1], $0xffff  }
0x37a: {  	v6 =	vld.idx.msk [tilespmem:v0+s30+$0xFFFFFFD0 ss:$0x1], $0xffff  }
0x37b: {  	v7 =	vld.idx.msk [tilespmem:v0+s26+$0x4010 ss:$0x1], $0xffff  }
0x37c: {  	v8 =	vld.idx.msk [tilespmem:v0+s30+$0xFFFFFFE0 ss:$0x1], $0xffff  }
0x37d: {  	v9 =	vld.idx.msk [tilespmem:v0+s26+$0x4020 ss:$0x1], $0xffff  }
0x37e: {  	v10 =	vld.idx.msk [tilespmem:v0+s30+$0xFFFFFFF0 ss:$0x1], $0xffff  }
0x37f: {  	v11 =	vld.idx.msk [tilespmem:v0+s26+$0x4030 ss:$0x1], $0xffff  }
0x380: {  	v3 =	vld.idx.msk [tilespmem:v0+s30+$0x0 ss:$0x1], $0xffff  }
0x381: {  	v5 =	vld.idx.msk [tilespmem:v0+s26+$0x4040 ss:$0x1], $0xffff  }
0x382: {  	v4 =	vadd.f32 v4, v2;
	v2 =	vld.idx.msk [tilespmem:v0+s30+$0x10 ss:$0x1], $0xffff  }
0x383: {  	s28 =	sadd.s32 $0x14070, s28;
	v7 =	vadd.f32 v7, v6;
	v6 =	vld.idx.msk [tilespmem:v0+s26+$0x4050 ss:$0x1], $0xffff  }
0x384: {  	v8 =	vadd.f32 v9, v8;
	[tilespmem:v0+s28+$0x0 ss:$0x1] =	vst.idx.msk $0xffff, v4;
	v4 =	vld.idx.msk [tilespmem:v0+s30+$0x20 ss:$0x1], $0xffff  }
0x385: {  	v9 =	vadd.f32 v11, v10;
	[tilespmem:v0+s28+$0xFFFFFFA0 ss:$0x1] =	vst.idx.msk $0xffff, v7;
	v7 =	vld.idx.msk [tilespmem:v0+s26+$0x4060 ss:$0x1], $0xffff  }
0x386: {  	s29 =	simm.s32 $0x0;
	[tilespmem:v0+s28+$0xFFFFFFB0 ss:$0x1] =	vst.idx.msk $0xffff, v8;
	v8 =	vld.idx.msk [tilespmem:v0+s30+$0xFFFFFFC0 ss:$0x1], $0xffff;
	s30 =	sadd.s32 $0x400, s30  }
.LBB2_63:
0x387: {  	v10 =	vld.idx.msk [tilespmem:v0+s30+$0x30 ss:$0x1], $0xffff;
	[tilespmem:v0+s28+$0xFFFFFFC0 ss:$0x1] =	vst.idx.msk $0xffff, v9;
	v3 =	vadd.f32 v5, v3;
	s26 =	sadd.s32 $0x400, s26  }
0x388: {  	s29 =	sadd.s32 $0x8, s29;
	v5 =	vld.idx.msk [tilespmem:v0+s26+$0x4070 ss:$0x1], $0xffff  }
0x389: {  	p0 =	slt.u32 s29, $0x38;
	v2 =	vadd.f32 v6, v2;
	v9 =	vld.idx.msk [tilespmem:v0+s26+$0x4000 ss:$0x1], $0xffff;
	[tilespmem:v0+s28+$0xFFFFFFD0 ss:$0x1] =	vst.idx.msk $0xffff, v3  }
0x38a: {  	v6 =	vld.idx.msk [tilespmem:v0+s30+$0xFFFFFFD0 ss:$0x1], $0xffff  }
0x38b: {  	v11 =	vld.idx.msk [tilespmem:v0+s26+$0x4010 ss:$0x1], $0xffff;
	[tilespmem:v0+s28+$0xFFFFFFE0 ss:$0x1] =	vst.idx.msk $0xffff, v2;
	v2 =	vadd.f32 v7, v4  }
0x38c: {  	v3 =	vadd.f32 v1, v8;
	v4 =	vld.idx.msk [tilespmem:v0+s30+$0xFFFFFFE0 ss:$0x1], $0xffff  }
0x38d: {  	v7 =	vld.idx.msk [tilespmem:v0+s26+$0x4020 ss:$0x1], $0xffff;
	[tilespmem:v0+s28+$0xFFFFFFF0 ss:$0x1] =	vst.idx.msk $0xffff, v2  }
0x38e: {  	v2 =	vadd.f32 v5, v10;
	v8 =	vld.idx.msk [tilespmem:v0+s30+$0xFFFFFFF0 ss:$0x1], $0xffff;
	[tilespmem:v0+s28+$0xFFFFFF90 ss:$0x1] =	vst.idx.msk $0xffff, v3  }
0x38f: {  	s28 =	sadd.s32 $0x400, s28;
	v1 =	vmov v9;
	v10 =	vld.idx.msk [tilespmem:v0+s26+$0x4030 ss:$0x1], $0xffff  }
0x390: {  	v3 =	vld.idx.msk [tilespmem:v0+s30+$0x0 ss:$0x1], $0xffff;
	[tilespmem:v0+s28+$0x0 ss:$0x1] =	vst.idx.msk $0xffff, v2  }
0x391: {  	v6 =	vadd.f32 v11, v6;
	v5 =	vld.idx.msk [tilespmem:v0+s26+$0x4040 ss:$0x1], $0xffff  }
.Ltmp30:
0x392: {  	v2 =	vld.idx.msk [tilespmem:v0+s30+$0x10 ss:$0x1], $0xffff;
	(pc) =	sbr.rel @p0 .LBB2_63-.Ltmp30, $4  }
0x393: {  	v7 =	vadd.f32 v7, v4;
	[tilespmem:v0+s28+$0xFFFFFFA0 ss:$0x1] =	vst.idx.msk $0xffff, v6;
	v6 =	vld.idx.msk [tilespmem:v0+s26+$0x4050 ss:$0x1], $0xffff  }
0x394: {  	v4 =	vld.idx.msk [tilespmem:v0+s30+$0x20 ss:$0x1], $0xffff  }
0x395: {  	v9 =	vadd.f32 v10, v8;
	[tilespmem:v0+s28+$0xFFFFFFB0 ss:$0x1] =	vst.idx.msk $0xffff, v7;
	v7 =	vld.idx.msk [tilespmem:v0+s26+$0x4060 ss:$0x1], $0xffff  }
0x396: {  	v8 =	vld.idx.msk [tilespmem:v0+s30+$0xFFFFFFC0 ss:$0x1], $0xffff;
	s30 =	sadd.s32 $0x400, s30  }
0x397: {  	_ =	sdelay $0x1  }
0x398: {  	s25 =	sadd.s32 $0x1, s25  }
0x399: {  	v3 =	vadd.f32 v5, v3;
	p0 =	sne.s32 s25, $0x10  }
.Ltmp31:
0x39a: {  	[tilespmem:v0+s28+$0xFFFFFFC0 ss:$0x1] =	vst.idx.msk $0xffff, v9;
	v2 =	vadd.f32 v6, v2;
	(pc) =	sbr.rel @p0 .LBB2_62-.Ltmp31, $4  }
0x39b: {  	[tilespmem:v0+s28+$0xFFFFFFD0 ss:$0x1] =	vst.idx.msk $0xffff, v3;
	v62 =	vadd.f32 v7, v4  }
0x39c: {  	[tilespmem:v0+s28+$0xFFFFFFE0 ss:$0x1] =	vst.idx.msk $0xffff, v2;
	v1 =	vadd.f32 v1, v8  }
0x39d: {  	[tilespmem:v0+s28+$0xFFFFFFF0 ss:$0x1] =	vst.idx.msk $0xffff, v62  }
0x39e: {  	s24 =	sadd.s32 $0x1, s24;
	s23 =	sadd.s32 $0x400, s23;
	[tilespmem:v0+s28+$0xFFFFFF90 ss:$0x1] =	vst.idx.msk $0xffff, v1  }
0x39f: {  	[hbm4b:s7+s1] =	stream.linear.scatter [tilespmem:s15], [sflag:$0x4], $0x4000, $0x38;
	v63 =	vld [tilespmem:$0x0]  }
0x3a0: {  	_ =	swait.ge [sflag:s20], $0x4000  }
0x3a1: {  	[sflag:s20] =	ssyncset.done $0x0  }
0x3a2: {  	s22 =	sadd.s32 $0x1, s22;
	[sflag:s20] =	ssyncadd.s32 $0xFFFFC000  }
0x3a3: {  	p0 =	sne.s32 s22, s8;
	_ =	swait.ge [sflag:s21], $0x4000  }
.Ltmp32:
0x3a4: {  	[sflag:s21] =	ssyncset.done $0x0;
	(pc) =	sbr.rel @p0 .LBB2_1-.Ltmp32, $4  }
0x3a5: {  	[sflag:s21] =	ssyncadd.s32 $0xFFFFC000  }
0x3a6: {  	_ =	swait.ge [sflag:s18], $0x4000  }
0x3a7: {  	[sflag:s18] =	ssyncset.done $0x0  }
0x3a8: {  	[sflag:s18] =	ssyncadd.s32 $0xFFFFC000  }
0x3a9: {  	_ =	sfence.sel $0x180000  }
0x3aa: {  	[bflag:$0x0] =	sbarrier.arrive $0xFFFF  }
0x3ab: {  	_ =	strace $0x90000047  }
0x3ac: {  	s0 =	stileid.u32;
	[bflag:$0x2] =	sbarrier.arrive $0xFFFF  }
0x3ad: {  	p0 =	sne.s32 s0, $0x0;
	s0 =	rddreg [dreg:$0x3]  }
0x3ae: {  	s0 =	sadd.s32 @!p0 $0x100000, s0  }
0x3af: {  	[sflag:s0] =	ssyncadd.tile.s32 @!p0 $0x1;
	_ =	shalt  }
.Lfunc_end2:
_tile_overlayer_lowered:
.L_overlay_start_2:
0x3b0: {  	(tag) =	ssettag $0x2  }
0x3b1: {  	s0 =	rddreg [dreg:$0x0];
	s2 =	stileid.u32  }
0x3b2: {  	s1 =	rddreg [dreg:$0x1];
	p0 =	sne.s32 s2, $0x0  }
0x3b3: {  	s3 =	rddreg [dreg:$0x2];
	[bflag:$0x3] =	sbarrier.arrive $0xFFFF;
	s2 =	simm.s32 @!p0 $0x1C09  }
0x3b4: {  	[timem:s3], [sflag:s2] =	dma.local @!p0 [hbm:s0], s1  }
0x3b5: {  	s0 =	simm.s32 @!p0 $0x9  }
0x3b6: {  	_ =	swait.ge @!p0 [sflag:s0], s1  }
0x3b7: {  	s1 =	ssub.s32 @!p0 $0x0, s1;
	[sflag:s0] =	ssyncset.done @!p0 $0x0  }
0x3b8: {  	[sflag:s0] =	ssyncadd.s32 @!p0 s1  }
0x3b9: {  	[bflag:$0x3] =	sbarrier.arrive $0xFFFF  }
0x3ba: {  	_ =	shalt  }

</sc_bundles>
